<compile_context>
chip_gen: v7x
topology: tpu7x:2x2x1
jax: 0.10.2.dev20260603
libtpu: 0.0.44.dev20260713+nightly
codegen_flags: <defaults>
</compile_context>

<pallas_src>
import jax
import jax.numpy as jnp
from jax import lax
from jax.experimental import pallas as pl
from jax.experimental.pallas import tpu as pltpu
from jax.experimental.pallas import tpu_sc as plsc

N_NODES = 10000
N_EDGES = 320000
D_NODE = 128
D_EDGE = 16
D_OUT = 128

LANES = 16
CW = 16
NC = 2
NS = 16
NW = NC * NS
EPW = N_EDGES // NW
CHUNK = 40
NCHUNKS = EPW // CHUNK
NPAIRS = NCHUNKS // 2
N_PAD = 10240
ROWS_PER_TILE = N_PAD // NS

_DOT = (((1,), (0,)), ((), ()))



def _pq_body(x_ref, ws_ref, wd_ref, p_ref, q_ref):
    x = x_ref[...]
    p_ref[...] = lax.dot_general(x, ws_ref[...], _DOT,
                                 preferred_element_type=jnp.float32)
    q_ref[...] = lax.dot_general(x, wd_ref[...], _DOT,
                                 preferred_element_type=jnp.float32)


_BN = 2000
_pq_call = pl.pallas_call(
    _pq_body,
    grid=(N_NODES // _BN,),
    in_specs=[
        pl.BlockSpec((_BN, D_NODE), lambda i: (i, 0)),
        pl.BlockSpec((D_NODE, D_OUT), lambda i: (0, 0)),
        pl.BlockSpec((D_NODE, D_OUT), lambda i: (0, 0)),
    ],
    out_specs=[
        pl.BlockSpec((_BN, D_OUT), lambda i: (i, 0)),
        pl.BlockSpec((_BN, D_OUT), lambda i: (i, 0)),
    ],
    out_shape=[
        jax.ShapeDtypeStruct((N_NODES, D_OUT), jnp.float32),
        jax.ShapeDtypeStruct((N_NODES, D_OUT), jnp.float32),
    ],
)



def _pack16(y):
    return lax.convert_element_type(
        lax.bitcast_convert_type(y.astype(jnp.bfloat16), jnp.uint16),
        jnp.uint32)


def _e1_body(ef_ref, we_ref, b1_ref, e1_ref):
    ef = ef_ref[...]
    b1 = b1_ref[...]
    ea = lax.dot_general(ef[:, :D_EDGE], we_ref[...], _DOT,
                         preferred_element_type=jnp.float32) + b1
    eb = lax.dot_general(ef[:, D_EDGE:], we_ref[...], _DOT,
                         preferred_element_type=jnp.float32) + b1
    word = _pack16(ea) | (_pack16(eb) << 16)
    e1_ref[...] = lax.bitcast_convert_type(word, jnp.int32)


_BE = 8000
_e1_call = pl.pallas_call(
    _e1_body,
    grid=(N_EDGES // 2 // _BE,),
    in_specs=[
        pl.BlockSpec((_BE, 2 * D_EDGE), lambda i: (i, 0)),
        pl.BlockSpec((D_EDGE, D_OUT), lambda i: (0, 0)),
        pl.BlockSpec((1, D_OUT), lambda i: (0, 0)),
    ],
    out_specs=pl.BlockSpec((_BE, D_OUT), lambda i: (i, 0)),
    out_shape=jax.ShapeDtypeStruct((N_EDGES // 2, D_OUT), jnp.int32),
)



def _sc_edge_body(p_hbm, q_hbm, e1_hbm, src_hbm, dst_hbm,
                  agg_out, cnt_out,
                  idx_s_a, idx_d_a, bp_a, bq_a, be_a, out_a,
                  idx_s_b, idx_d_b, bp_b, bq_b, be_b, out_b,
                  scd_a, scd_b, ones_v, zc_v,
                  agg_sh, cnt_sh,
                  sem_g_a, sem_i_a, sem_g_b, sem_i_b,
                  sem_sc_a, sem_scd_a, sem_sc_b, sem_scd_b):
    cid = lax.axis_index("c")
    sid = lax.axis_index("s")
    wid = sid * NC + cid
    ebase = wid * EPW
    ebase2 = wid * (EPW // 2)

    set_a = (idx_s_a, idx_d_a, bp_a, bq_a, be_a, sem_g_a, sem_i_a,
             scd_a, sem_sc_a, sem_scd_a, out_a)
    set_b = (idx_s_b, idx_d_b, bp_b, bq_b, be_b, sem_g_b, sem_i_b,
             scd_b, sem_sc_b, sem_scd_b, out_b)

    zf = jnp.zeros((LANES,), jnp.float32)
    onef = jnp.ones((LANES,), jnp.float32)

    def _zfill(r, carry):
        for c in range(D_OUT // LANES):
            out_a[r, pl.ds(c * LANES, LANES)] = zf
        zc_v[r, pl.ds(0, LANES)] = zf
        ones_v[r, pl.ds(0, LANES)] = onef
        return carry

    lax.fori_loop(0, CHUNK, _zfill, 0)

    base_row = pl.multiple_of(sid * ROWS_PER_TILE, 8)
    for k in range(ROWS_PER_TILE // CHUNK):
        pltpu.async_copy(out_a, agg_sh.at[pl.ds(base_row + k * CHUNK, CHUNK)],
                         sem_g_a)
        pltpu.async_copy(zc_v, cnt_sh.at[pl.ds(base_row + k * CHUNK, CHUNK)],
                         sem_i_a)
    for k in range(ROWS_PER_TILE // CHUNK):
        pltpu.make_async_copy(
            out_a, agg_sh.at[pl.ds(base_row + k * CHUNK, CHUNK)],
            sem_g_a).wait()
        pltpu.make_async_copy(
            zc_v, cnt_sh.at[pl.ds(base_row + k * CHUNK, CHUNK)],
            sem_i_a).wait()
    plsc.subcore_barrier()

    def _off(c):
        return pl.multiple_of(ebase + c * CHUNK, CHUNK)

    def issue_idx(c, s):
        idx_s, idx_d, sem_i = s[0], s[1], s[6]
        off = _off(c)
        pltpu.async_copy(src_hbm.at[pl.ds(off, CHUNK)], idx_s, sem_i)
        pltpu.async_copy(dst_hbm.at[pl.ds(off, CHUNK)], idx_d, sem_i)

    def wait_idx(s):
        idx_s, idx_d, sem_i = s[0], s[1], s[6]
        pltpu.make_async_copy(src_hbm.at[pl.ds(0, CHUNK)], idx_s, sem_i).wait()
        pltpu.make_async_copy(dst_hbm.at[pl.ds(0, CHUNK)], idx_d, sem_i).wait()

    def issue_gathers(c, s):
        idx_s, idx_d, bp, bq, be, sem_g = s[0], s[1], s[2], s[3], s[4], s[5]
        off = _off(c)
        off2 = pl.multiple_of(ebase2 + c * (CHUNK // 2), CHUNK // 2)
        pltpu.async_copy(e1_hbm.at[pl.ds(off2, CHUNK // 2)], be, sem_g)
        pltpu.async_copy(p_hbm.at[idx_s], bp, sem_g)
        pltpu.async_copy(q_hbm.at[idx_d], bq, sem_g)

    def wait_gathers(s):
        idx_s, idx_d, bp, bq, be, sem_g = s[0], s[1], s[2], s[3], s[4], s[5]
        pltpu.make_async_copy(e1_hbm.at[pl.ds(0, CHUNK // 2)], be, sem_g).wait()
        pltpu.make_async_copy(p_hbm.at[idx_s], bp, sem_g).wait()
        pltpu.make_async_copy(q_hbm.at[idx_d], bq, sem_g).wait()

    def issue_scd(c, s):
        scd, sem_scd = s[7], s[9]
        pltpu.async_copy(dst_hbm.at[pl.ds(_off(c), CHUNK)], scd, sem_scd)

    def wait_scd(s):
        scd, sem_scd = s[7], s[9]
        pltpu.make_async_copy(dst_hbm.at[pl.ds(0, CHUNK)], scd, sem_scd).wait()

    def compute(s):
        bp, bq, be, out = s[2], s[3], s[4], s[10]

        @plsc.parallel_loop(0, CHUNK // 2, 1, unroll=2)
        def _pairrow(pr):
            r0 = 2 * pr
            r1 = r0 + 1
            for c in range(D_OUT // LANES):
                sl = pl.ds(c * LANES, LANES)
                ea, eb = plsc.unpack(plsc.bitcast(be[pr, sl], jnp.bfloat16),
                                     format=plsc.PackFormat.INTERLEAVED)
                out[r0, sl] = jnp.maximum(bp[r0, sl] + bq[r0, sl] + ea, 0.0)
                out[r1, sl] = jnp.maximum(bp[r1, sl] + bq[r1, sl] + eb, 0.0)

    def issue_scatter(s):
        scd, sem_sc, out = s[7], s[8], s[10]
        pltpu.async_copy(out, agg_sh.at[scd], sem_sc, add=True)
        pltpu.async_copy(ones_v, cnt_sh.at[scd], sem_sc, add=True)

    def wait_scatter(s):
        scd, sem_sc, out = s[7], s[8], s[10]
        pltpu.make_async_copy(out, agg_sh.at[scd], sem_sc).wait()
        pltpu.make_async_copy(ones_v, cnt_sh.at[scd], sem_sc).wait()

    issue_idx(0, set_a)
    wait_idx(set_a)
    issue_gathers(0, set_a)
    issue_idx(1, set_b)

    def _pair(ci, carry):
        for k, (s, t) in ((0, (set_a, set_b)), (1, (set_b, set_a))):
            c = 2 * ci + k
            issue_scd(c, s)

            @pl.when(c + 1 < NCHUNKS)
            def _():
                wait_idx(t)
                issue_gathers(c + 1, t)

            wait_gathers(s)

            @pl.when(c >= 1)
            def _():
                wait_scatter(t)

            compute(s)
            wait_scd(s)
            issue_scatter(s)

            @pl.when(c + 2 < NCHUNKS)
            def _():
                issue_idx(c + 2, s)

        return carry

    lax.fori_loop(0, NPAIRS, _pair, 0)

    wait_scatter(set_b)
    plsc.subcore_barrier()

    pltpu.async_copy(agg_sh.at[pl.ds(base_row, ROWS_PER_TILE)],
                     agg_out.at[cid, pl.ds(base_row, ROWS_PER_TILE)], sem_g_a)
    pltpu.async_copy(cnt_sh.at[pl.ds(base_row, ROWS_PER_TILE)],
                     cnt_out.at[cid, pl.ds(base_row, ROWS_PER_TILE)], sem_i_a)
    pltpu.make_async_copy(agg_sh.at[pl.ds(base_row, ROWS_PER_TILE)],
                          agg_out.at[cid, pl.ds(base_row, ROWS_PER_TILE)],
                          sem_g_a).wait()
    pltpu.make_async_copy(cnt_sh.at[pl.ds(base_row, ROWS_PER_TILE)],
                          cnt_out.at[cid, pl.ds(base_row, ROWS_PER_TILE)],
                          sem_i_a).wait()


_sc_edge = pl.kernel(
    _sc_edge_body,
    mesh=plsc.VectorSubcoreMesh(core_axis_name="c", subcore_axis_name="s"),
    compiler_params=pltpu.CompilerParams(use_tc_tiling_on_sc=False,
                                         needs_layout_passes=False),
    out_type=[
        jax.ShapeDtypeStruct((NC, N_PAD, D_OUT), jnp.float32),
        jax.ShapeDtypeStruct((NC, N_PAD, CW), jnp.float32),
    ],
    scratch_types=[
        pltpu.VMEM((CHUNK,), jnp.int32),
        pltpu.VMEM((CHUNK,), jnp.int32),
        pltpu.VMEM((CHUNK, D_OUT), jnp.float32),
        pltpu.VMEM((CHUNK, D_OUT), jnp.float32),
        pltpu.VMEM((CHUNK // 2, D_OUT), jnp.int32),
        pltpu.VMEM((CHUNK, D_OUT), jnp.float32),
        pltpu.VMEM((CHUNK,), jnp.int32),
        pltpu.VMEM((CHUNK,), jnp.int32),
        pltpu.VMEM((CHUNK, D_OUT), jnp.float32),
        pltpu.VMEM((CHUNK, D_OUT), jnp.float32),
        pltpu.VMEM((CHUNK // 2, D_OUT), jnp.int32),
        pltpu.VMEM((CHUNK, D_OUT), jnp.float32),
        pltpu.VMEM((CHUNK,), jnp.int32),
        pltpu.VMEM((CHUNK,), jnp.int32),
        pltpu.VMEM((CHUNK, CW), jnp.float32),
        pltpu.VMEM((CHUNK, CW), jnp.float32),
        pltpu.VMEM_SHARED((N_PAD, D_OUT), jnp.float32),
        pltpu.VMEM_SHARED((N_PAD, CW), jnp.float32),
        pltpu.SemaphoreType.DMA,
        pltpu.SemaphoreType.DMA,
        pltpu.SemaphoreType.DMA,
        pltpu.SemaphoreType.DMA,
        pltpu.SemaphoreType.DMA,
        pltpu.SemaphoreType.DMA,
        pltpu.SemaphoreType.DMA,
        pltpu.SemaphoreType.DMA,
    ],
)



def _out_body(a0_ref, a1_ref, c0_ref, c1_ref, w2_ref, b2_ref, o_ref):
    agg = a0_ref[...] + a1_ref[...]
    deg = c0_ref[...][:, :1] + c1_ref[...][:, :1]
    o_ref[...] = lax.dot_general(agg, w2_ref[...], _DOT,
                                 preferred_element_type=jnp.float32,
                                 precision=lax.Precision.HIGHEST) + deg * b2_ref[...]


_BO = 1000
_out_call = pl.pallas_call(
    _out_body,
    grid=(N_NODES // _BO,),
    in_specs=[
        pl.BlockSpec((_BO, D_OUT), lambda i: (i, 0)),
        pl.BlockSpec((_BO, D_OUT), lambda i: (i, 0)),
        pl.BlockSpec((_BO, CW), lambda i: (i, 0)),
        pl.BlockSpec((_BO, CW), lambda i: (i, 0)),
        pl.BlockSpec((D_OUT, D_OUT), lambda i: (0, 0)),
        pl.BlockSpec((1, D_OUT), lambda i: (0, 0)),
    ],
    out_specs=pl.BlockSpec((_BO, D_OUT), lambda i: (i, 0)),
    out_shape=jax.ShapeDtypeStruct((N_NODES, D_OUT), jnp.float32),
)


def kernel(node_feats, edge_index, edge_feats, W1, b1, W2, b2):
    src = edge_index[0].astype(jnp.int32)
    dst = edge_index[1].astype(jnp.int32)
    p, q = _pq_call(node_feats, W1[:D_NODE], W1[D_NODE:2 * D_NODE])
    e1 = _e1_call(edge_feats.reshape(N_EDGES // 2, 2 * D_EDGE),
                  W1[2 * D_NODE:], b1.reshape(1, D_OUT))
    agg2, cnt2 = _sc_edge(p, q, e1, src, dst)
    out = _out_call(agg2[0], agg2[1], cnt2[0], cnt2[1],
                    W2, b2.reshape(1, D_OUT))
    return out

# --- scband reference (transcript-rebuilt; emitter-appended) ---
"""Pipeline reference for scband-egconv-74474732912710 (READ-ONLY COPY).

The authoritative reference and input builder live on the scoring server;
editing this copy changes nothing except your own understanding.
"""

import jax, jax.numpy as jnp
import numpy as np

N_NODES = 10000
N_EDGES = 320000
D_NODE = 128
D_EDGE = 16
D_OUT = 128


def setup_inputs(seed: int = 0) -> dict:
    key = jax.random.key(seed)
    ks = jax.random.split(key, 8)
    node_feats = jax.random.normal(ks[0], (N_NODES, D_NODE), dtype=jnp.float32)
    edge_index = jax.random.randint(ks[1], (2, N_EDGES), 0, N_NODES, dtype=jnp.int32)
    edge_feats = jax.random.normal(ks[2], (N_EDGES, D_EDGE), dtype=jnp.float32)
    d_in = 2 * D_NODE + D_EDGE
    W1 = jax.random.normal(ks[3], (d_in, D_OUT), dtype=jnp.float32) * (1.0 / np.sqrt(d_in))
    b1 = jnp.zeros((D_OUT,), dtype=jnp.float32)
    W2 = jax.random.normal(ks[4], (D_OUT, D_OUT), dtype=jnp.float32) * (1.0 / np.sqrt(D_OUT))
    b2 = jnp.zeros((D_OUT,), dtype=jnp.float32)
    return {"node_feats": node_feats, "edge_index": edge_index, "edge_feats": edge_feats,
            "W1": W1, "b1": b1, "W2": W2, "b2": b2}


def reference(node_feats, edge_index, edge_feats, W1, b1, W2, b2):
    src = edge_index[0]
    dst = edge_index[1]
    h_src = jnp.take(node_feats, src, axis=0)
    h_dst = jnp.take(node_feats, dst, axis=0)
    m_in = jnp.concatenate([h_src, h_dst, edge_feats], axis=1)
    h = jnp.maximum(m_in @ W1 + b1, 0.0)
    m = h @ W2 + b2
    out = jax.ops.segment_sum(m, dst, num_segments=node_feats.shape[0])
    return out

if __name__ == "__main__":
    import jax
    _d = setup_inputs()
    print(jax.jit(kernel)(*tuple(_d.values())))

</pallas_src>

<mosaic_0001>
#map = affine_map<(d0, d1) -> (0, 0)>
#map1 = affine_map<(d0, d1) -> (0)>
#map2 = affine_map<(d0, d1) -> (0, 0, 0)>
module attributes {stable_mosaic.version = 14 : i64} {
  func.func @_sc_edge_body(%arg0: i32, %arg1: i32, %arg2: memref<10000x128xf32, #tpu.memory_space<hbm>>, %arg3: memref<10000x128xf32, #tpu.memory_space<hbm>>, %arg4: memref<160000x128xi32, #tpu.memory_space<hbm>>, %arg5: memref<320000xi32, #tpu.memory_space<hbm>>, %arg6: memref<320000xi32, #tpu.memory_space<hbm>>, %arg7: memref<2x10240x128xf32, #tpu.memory_space<hbm>>, %arg8: memref<2x10240x16xf32, #tpu.memory_space<hbm>>, %arg9: memref<40xi32, #tpu.memory_space<vmem>>, %arg10: memref<40xi32, #tpu.memory_space<vmem>>, %arg11: memref<40x128xf32, #tpu.memory_space<vmem>>, %arg12: memref<40x128xf32, #tpu.memory_space<vmem>>, %arg13: memref<20x128xi32, #tpu.memory_space<vmem>>, %arg14: memref<40x128xf32, #tpu.memory_space<vmem>>, %arg15: memref<40xi32, #tpu.memory_space<vmem>>, %arg16: memref<40xi32, #tpu.memory_space<vmem>>, %arg17: memref<40x128xf32, #tpu.memory_space<vmem>>, %arg18: memref<40x128xf32, #tpu.memory_space<vmem>>, %arg19: memref<20x128xi32, #tpu.memory_space<vmem>>, %arg20: memref<40x128xf32, #tpu.memory_space<vmem>>, %arg21: memref<40xi32, #tpu.memory_space<vmem>>, %arg22: memref<40xi32, #tpu.memory_space<vmem>>, %arg23: memref<40x16xf32, #tpu.memory_space<vmem>>, %arg24: memref<40x16xf32, #tpu.memory_space<vmem>>, %arg25: memref<10240x128xf32, #tpu.memory_space<vmem_shared>>, %arg26: memref<10240x16xf32, #tpu.memory_space<vmem_shared>>, %arg27: memref<!tpu.dma_semaphore, #tpu.memory_space<semaphore_mem>>, %arg28: memref<!tpu.dma_semaphore, #tpu.memory_space<semaphore_mem>>, %arg29: memref<!tpu.dma_semaphore, #tpu.memory_space<semaphore_mem>>, %arg30: memref<!tpu.dma_semaphore, #tpu.memory_space<semaphore_mem>>, %arg31: memref<!tpu.dma_semaphore, #tpu.memory_space<semaphore_mem>>, %arg32: memref<!tpu.dma_semaphore, #tpu.memory_space<semaphore_mem>>, %arg33: memref<!tpu.dma_semaphore, #tpu.memory_space<semaphore_mem>>, %arg34: memref<!tpu.dma_semaphore, #tpu.memory_space<semaphore_mem>>) attributes {dimension_semantics = [#tpu.dimension_semantics<core_parallel>, #tpu.dimension_semantics<subcore_parallel>], iteration_bounds = array<i64: 2, 16>, scalar_prefetch = 0 : i64, scratch_operands = 26 : i64, tpu.core_type = #tpu.core_type<sc_vector_subcore>, window_params = [{transform_indices = #map}, {transform_indices = #map}, {transform_indices = #map}, {transform_indices = #map1}, {transform_indices = #map1}, {transform_indices = #map2}, {transform_indices = #map2}]} {
    %mul3A = arith.constant 2 : i32
    %mul3A_0 = arith.muli %arg1, %mul3A : i32
    %add3A = arith.addi %mul3A_0, %arg0 : i32
    %mul3A_1 = arith.constant 10000 : i32
    %mul3A_2 = arith.muli %add3A, %mul3A_1 : i32
    %mul3A_3 = arith.constant 5000 : i32
    %mul3A_4 = arith.muli %add3A, %mul3A_3 : i32
    %broadcast_in_dim3A = arith.constant 0.000000e+00 : f32
    %broadcast_in_dim3A_5 = vector.broadcast %broadcast_in_dim3A : f32 to vector<16xf32>
    %broadcast_in_dim3A_6 = arith.constant 1.000000e+00 : f32
    %broadcast_in_dim3A_7 = vector.broadcast %broadcast_in_dim3A_6 : f32 to vector<16xf32>
    %scan3A = arith.constant 0 : i32
    %scan3A_8 = arith.constant 0 : i32
    %scan3A_9 = arith.constant 40 : i32
    %scan3A_10 = arith.addi %scan3A_8, %scan3A_9 : i32
    %scan3A_11 = arith.constant 1 : i32
    scf.for %scan3A_468 = %scan3A_8 to %scan3A_10 step %scan3A_11  : i32 {
      %swap3A = arith.index_cast %scan3A_468 : i32 to index
      %swap3A_469 = arith.constant 0 : index
      %swap3A_470 = tpu.vector_load %arg14[%swap3A, %swap3A_469] {strides = array<i32>} : memref<40x128xf32, #tpu.memory_space<vmem>>, vector<16xf32>,
      tpu.vector_store %arg14[%swap3A, %swap3A_469], %broadcast_in_dim3A_5 {strides = array<i32>} : memref<40x128xf32, #tpu.memory_space<vmem>>, vector<16xf32>,
      %swap3A_471 = arith.index_cast %scan3A_468 : i32 to index
      %swap3A_472 = arith.constant 16 : index
      %swap3A_473 = tpu.vector_load %arg14[%swap3A_471, %swap3A_472] {strides = array<i32>} : memref<40x128xf32, #tpu.memory_space<vmem>>, vector<16xf32>,
      tpu.vector_store %arg14[%swap3A_471, %swap3A_472], %broadcast_in_dim3A_5 {strides = array<i32>} : memref<40x128xf32, #tpu.memory_space<vmem>>, vector<16xf32>,
      %swap3A_474 = arith.index_cast %scan3A_468 : i32 to index
      %swap3A_475 = arith.constant 32 : index
      %swap3A_476 = tpu.vector_load %arg14[%swap3A_474, %swap3A_475] {strides = array<i32>} : memref<40x128xf32, #tpu.memory_space<vmem>>, vector<16xf32>,
      tpu.vector_store %arg14[%swap3A_474, %swap3A_475], %broadcast_in_dim3A_5 {strides = array<i32>} : memref<40x128xf32, #tpu.memory_space<vmem>>, vector<16xf32>,
      %swap3A_477 = arith.index_cast %scan3A_468 : i32 to index
      %swap3A_478 = arith.constant 48 : index
      %swap3A_479 = tpu.vector_load %arg14[%swap3A_477, %swap3A_478] {strides = array<i32>} : memref<40x128xf32, #tpu.memory_space<vmem>>, vector<16xf32>,
      tpu.vector_store %arg14[%swap3A_477, %swap3A_478], %broadcast_in_dim3A_5 {strides = array<i32>} : memref<40x128xf32, #tpu.memory_space<vmem>>, vector<16xf32>,
      %swap3A_480 = arith.index_cast %scan3A_468 : i32 to index
      %swap3A_481 = arith.constant 64 : index
      %swap3A_482 = tpu.vector_load %arg14[%swap3A_480, %swap3A_481] {strides = array<i32>} : memref<40x128xf32, #tpu.memory_space<vmem>>, vector<16xf32>,
      tpu.vector_store %arg14[%swap3A_480, %swap3A_481], %broadcast_in_dim3A_5 {strides = array<i32>} : memref<40x128xf32, #tpu.memory_space<vmem>>, vector<16xf32>,
      %swap3A_483 = arith.index_cast %scan3A_468 : i32 to index
      %swap3A_484 = arith.constant 80 : index
      %swap3A_485 = tpu.vector_load %arg14[%swap3A_483, %swap3A_484] {strides = array<i32>} : memref<40x128xf32, #tpu.memory_space<vmem>>, vector<16xf32>,
      tpu.vector_store %arg14[%swap3A_483, %swap3A_484], %broadcast_in_dim3A_5 {strides = array<i32>} : memref<40x128xf32, #tpu.memory_space<vmem>>, vector<16xf32>,
      %swap3A_486 = arith.index_cast %scan3A_468 : i32 to index
      %swap3A_487 = arith.constant 96 : index
      %swap3A_488 = tpu.vector_load %arg14[%swap3A_486, %swap3A_487] {strides = array<i32>} : memref<40x128xf32, #tpu.memory_space<vmem>>, vector<16xf32>,
      tpu.vector_store %arg14[%swap3A_486, %swap3A_487], %broadcast_in_dim3A_5 {strides = array<i32>} : memref<40x128xf32, #tpu.memory_space<vmem>>, vector<16xf32>,
      %swap3A_489 = arith.index_cast %scan3A_468 : i32 to index
      %swap3A_490 = arith.constant 112 : index
      %swap3A_491 = tpu.vector_load %arg14[%swap3A_489, %swap3A_490] {strides = array<i32>} : memref<40x128xf32, #tpu.memory_space<vmem>>, vector<16xf32>,
      tpu.vector_store %arg14[%swap3A_489, %swap3A_490], %broadcast_in_dim3A_5 {strides = array<i32>} : memref<40x128xf32, #tpu.memory_space<vmem>>, vector<16xf32>,
      %swap3A_492 = arith.index_cast %scan3A_468 : i32 to index
      %swap3A_493 = arith.constant 0 : index
      %swap3A_494 = tpu.vector_load %arg24[%swap3A_492, %swap3A_493] {strides = array<i32>} : memref<40x16xf32, #tpu.memory_space<vmem>>, vector<16xf32>,
      tpu.vector_store %arg24[%swap3A_492, %swap3A_493], %broadcast_in_dim3A_5 {strides = array<i32>} : memref<40x16xf32, #tpu.memory_space<vmem>>, vector<16xf32>,
      %swap3A_495 = arith.index_cast %scan3A_468 : i32 to index
      %swap3A_496 = arith.constant 0 : index
      %swap3A_497 = tpu.vector_load %arg23[%swap3A_495, %swap3A_496] {strides = array<i32>} : memref<40x16xf32, #tpu.memory_space<vmem>>, vector<16xf32>,
      tpu.vector_store %arg23[%swap3A_495, %swap3A_496], %broadcast_in_dim3A_7 {strides = array<i32>} : memref<40x16xf32, #tpu.memory_space<vmem>>, vector<16xf32>,
    }
    %scan3A_12 = arith.constant 40 : i32
    %mul3A_13 = arith.constant 640 : i32
    %mul3A_14 = arith.muli %arg1, %mul3A_13 : i32
    %multiple_of3A = tpu.assume_multiple %mul3A_14, 8 : i32
    %add3A_15 = arith.constant 0 : i32
    %add3A_16 = arith.addi %multiple_of3A, %add3A_15 : i32
    %dma_start3A = arith.constant 0 : i32
    %dma_start3A_17 = tpu.memref_slice %arg25[%add3A_16, %dma_start3A] : memref<10240x128xf32, #tpu.memory_space<vmem_shared>> -> memref<40x128xf32, #tpu.memory_space<vmem_shared>>
    %dma_start3A_18 = arith.constant 0 : i32
    %dma_start3A_19 = tpu.memref_slice %arg25[%add3A_16, %dma_start3A_18] : memref<10240x128xf32, #tpu.memory_space<vmem_shared>> -> memref<40x128xf32, #tpu.memory_space<vmem_shared>>
    tpu.enqueue_dma source(%arg14 : memref<40x128xf32, #tpu.memory_space<vmem>>) target(%dma_start3A_19 : memref<40x128xf32, #tpu.memory_space<vmem_shared>>) target_semaphore(%arg27 : memref<!tpu.dma_semaphore, #tpu.memory_space<semaphore_mem>>)
    %add3A_20 = arith.constant 0 : i32
    %add3A_21 = arith.addi %multiple_of3A, %add3A_20 : i32
    %dma_start3A_22 = arith.constant 0 : i32
    %dma_start3A_23 = tpu.memref_slice %arg26[%add3A_21, %dma_start3A_22] : memref<10240x16xf32, #tpu.memory_space<vmem_shared>> -> memref<40x16xf32, #tpu.memory_space<vmem_shared>>
    %dma_start3A_24 = arith.constant 0 : i32
    %dma_start3A_25 = tpu.memref_slice %arg26[%add3A_21, %dma_start3A_24] : memref<10240x16xf32, #tpu.memory_space<vmem_shared>> -> memref<40x16xf32, #tpu.memory_space<vmem_shared>>
    tpu.enqueue_dma source(%arg24 : memref<40x16xf32, #tpu.memory_space<vmem>>) target(%dma_start3A_25 : memref<40x16xf32, #tpu.memory_space<vmem_shared>>) target_semaphore(%arg28 : memref<!tpu.dma_semaphore, #tpu.memory_space<semaphore_mem>>)
    %add3A_26 = arith.constant 40 : i32
    %add3A_27 = arith.addi %multiple_of3A, %add3A_26 : i32
    %dma_start3A_28 = arith.constant 0 : i32
    %dma_start3A_29 = tpu.memref_slice %arg25[%add3A_27, %dma_start3A_28] : memref<10240x128xf32, #tpu.memory_space<vmem_shared>> -> memref<40x128xf32, #tpu.memory_space<vmem_shared>>
    %dma_start3A_30 = arith.constant 0 : i32
    %dma_start3A_31 = tpu.memref_slice %arg25[%add3A_27, %dma_start3A_30] : memref<10240x128xf32, #tpu.memory_space<vmem_shared>> -> memref<40x128xf32, #tpu.memory_space<vmem_shared>>
    tpu.enqueue_dma source(%arg14 : memref<40x128xf32, #tpu.memory_space<vmem>>) target(%dma_start3A_31 : memref<40x128xf32, #tpu.memory_space<vmem_shared>>) target_semaphore(%arg27 : memref<!tpu.dma_semaphore, #tpu.memory_space<semaphore_mem>>)
    %add3A_32 = arith.constant 40 : i32
    %add3A_33 = arith.addi %multiple_of3A, %add3A_32 : i32
    %dma_start3A_34 = arith.constant 0 : i32
    %dma_start3A_35 = tpu.memref_slice %arg26[%add3A_33, %dma_start3A_34] : memref<10240x16xf32, #tpu.memory_space<vmem_shared>> -> memref<40x16xf32, #tpu.memory_space<vmem_shared>>
    %dma_start3A_36 = arith.constant 0 : i32
    %dma_start3A_37 = tpu.memref_slice %arg26[%add3A_33, %dma_start3A_36] : memref<10240x16xf32, #tpu.memory_space<vmem_shared>> -> memref<40x16xf32, #tpu.memory_space<vmem_shared>>
    tpu.enqueue_dma source(%arg24 : memref<40x16xf32, #tpu.memory_space<vmem>>) target(%dma_start3A_37 : memref<40x16xf32, #tpu.memory_space<vmem_shared>>) target_semaphore(%arg28 : memref<!tpu.dma_semaphore, #tpu.memory_space<semaphore_mem>>)
    %add3A_38 = arith.constant 80 : i32
    %add3A_39 = arith.addi %multiple_of3A, %add3A_38 : i32
    %dma_start3A_40 = arith.constant 0 : i32
    %dma_start3A_41 = tpu.memref_slice %arg25[%add3A_39, %dma_start3A_40] : memref<10240x128xf32, #tpu.memory_space<vmem_shared>> -> memref<40x128xf32, #tpu.memory_space<vmem_shared>>
    %dma_start3A_42 = arith.constant 0 : i32
    %dma_start3A_43 = tpu.memref_slice %arg25[%add3A_39, %dma_start3A_42] : memref<10240x128xf32, #tpu.memory_space<vmem_shared>> -> memref<40x128xf32, #tpu.memory_space<vmem_shared>>
    tpu.enqueue_dma source(%arg14 : memref<40x128xf32, #tpu.memory_space<vmem>>) target(%dma_start3A_43 : memref<40x128xf32, #tpu.memory_space<vmem_shared>>) target_semaphore(%arg27 : memref<!tpu.dma_semaphore, #tpu.memory_space<semaphore_mem>>)
    %add3A_44 = arith.constant 80 : i32
    %add3A_45 = arith.addi %multiple_of3A, %add3A_44 : i32
    %dma_start3A_46 = arith.constant 0 : i32
    %dma_start3A_47 = tpu.memref_slice %arg26[%add3A_45, %dma_start3A_46] : memref<10240x16xf32, #tpu.memory_space<vmem_shared>> -> memref<40x16xf32, #tpu.memory_space<vmem_shared>>
    %dma_start3A_48 = arith.constant 0 : i32
    %dma_start3A_49 = tpu.memref_slice %arg26[%add3A_45, %dma_start3A_48] : memref<10240x16xf32, #tpu.memory_space<vmem_shared>> -> memref<40x16xf32, #tpu.memory_space<vmem_shared>>
    tpu.enqueue_dma source(%arg24 : memref<40x16xf32, #tpu.memory_space<vmem>>) target(%dma_start3A_49 : memref<40x16xf32, #tpu.memory_space<vmem_shared>>) target_semaphore(%arg28 : memref<!tpu.dma_semaphore, #tpu.memory_space<semaphore_mem>>)
    %add3A_50 = arith.constant 120 : i32
    %add3A_51 = arith.addi %multiple_of3A, %add3A_50 : i32
    %dma_start3A_52 = arith.constant 0 : i32
    %dma_start3A_53 = tpu.memref_slice %arg25[%add3A_51, %dma_start3A_52] : memref<10240x128xf32, #tpu.memory_space<vmem_shared>> -> memref<40x128xf32, #tpu.memory_space<vmem_shared>>
    %dma_start3A_54 = arith.constant 0 : i32
    %dma_start3A_55 = tpu.memref_slice %arg25[%add3A_51, %dma_start3A_54] : memref<10240x128xf32, #tpu.memory_space<vmem_shared>> -> memref<40x128xf32, #tpu.memory_space<vmem_shared>>
    tpu.enqueue_dma source(%arg14 : memref<40x128xf32, #tpu.memory_space<vmem>>) target(%dma_start3A_55 : memref<40x128xf32, #tpu.memory_space<vmem_shared>>) target_semaphore(%arg27 : memref<!tpu.dma_semaphore, #tpu.memory_space<semaphore_mem>>)
    %add3A_56 = arith.constant 120 : i32
    %add3A_57 = arith.addi %multiple_of3A, %add3A_56 : i32
    %dma_start3A_58 = arith.constant 0 : i32
    %dma_start3A_59 = tpu.memref_slice %arg26[%add3A_57, %dma_start3A_58] : memref<10240x16xf32, #tpu.memory_space<vmem_shared>> -> memref<40x16xf32, #tpu.memory_space<vmem_shared>>
    %dma_start3A_60 = arith.constant 0 : i32
    %dma_start3A_61 = tpu.memref_slice %arg26[%add3A_57, %dma_start3A_60] : memref<10240x16xf32, #tpu.memory_space<vmem_shared>> -> memref<40x16xf32, #tpu.memory_space<vmem_shared>>
    tpu.enqueue_dma source(%arg24 : memref<40x16xf32, #tpu.memory_space<vmem>>) target(%dma_start3A_61 : memref<40x16xf32, #tpu.memory_space<vmem_shared>>) target_semaphore(%arg28 : memref<!tpu.dma_semaphore, #tpu.memory_space<semaphore_mem>>)
    %add3A_62 = arith.constant 160 : i32
    %add3A_63 = arith.addi %multiple_of3A, %add3A_62 : i32
    %dma_start3A_64 = arith.constant 0 : i32
    %dma_start3A_65 = tpu.memref_slice %arg25[%add3A_63, %dma_start3A_64] : memref<10240x128xf32, #tpu.memory_space<vmem_shared>> -> memref<40x128xf32, #tpu.memory_space<vmem_shared>>
    %dma_start3A_66 = arith.constant 0 : i32
    %dma_start3A_67 = tpu.memref_slice %arg25[%add3A_63, %dma_start3A_66] : memref<10240x128xf32, #tpu.memory_space<vmem_shared>> -> memref<40x128xf32, #tpu.memory_space<vmem_shared>>
    tpu.enqueue_dma source(%arg14 : memref<40x128xf32, #tpu.memory_space<vmem>>) target(%dma_start3A_67 : memref<40x128xf32, #tpu.memory_space<vmem_shared>>) target_semaphore(%arg27 : memref<!tpu.dma_semaphore, #tpu.memory_space<semaphore_mem>>)
    %add3A_68 = arith.constant 160 : i32
    %add3A_69 = arith.addi %multiple_of3A, %add3A_68 : i32
    %dma_start3A_70 = arith.constant 0 : i32
    %dma_start3A_71 = tpu.memref_slice %arg26[%add3A_69, %dma_start3A_70] : memref<10240x16xf32, #tpu.memory_space<vmem_shared>> -> memref<40x16xf32, #tpu.memory_space<vmem_shared>>
    %dma_start3A_72 = arith.constant 0 : i32
    %dma_start3A_73 = tpu.memref_slice %arg26[%add3A_69, %dma_start3A_72] : memref<10240x16xf32, #tpu.memory_space<vmem_shared>> -> memref<40x16xf32, #tpu.memory_space<vmem_shared>>
    tpu.enqueue_dma source(%arg24 : memref<40x16xf32, #tpu.memory_space<vmem>>) target(%dma_start3A_73 : memref<40x16xf32, #tpu.memory_space<vmem_shared>>) target_semaphore(%arg28 : memref<!tpu.dma_semaphore, #tpu.memory_space<semaphore_mem>>)
    %add3A_74 = arith.constant 200 : i32
    %add3A_75 = arith.addi %multiple_of3A, %add3A_74 : i32
    %dma_start3A_76 = arith.constant 0 : i32
    %dma_start3A_77 = tpu.memref_slice %arg25[%add3A_75, %dma_start3A_76] : memref<10240x128xf32, #tpu.memory_space<vmem_shared>> -> memref<40x128xf32, #tpu.memory_space<vmem_shared>>
    %dma_start3A_78 = arith.constant 0 : i32
    %dma_start3A_79 = tpu.memref_slice %arg25[%add3A_75, %dma_start3A_78] : memref<10240x128xf32, #tpu.memory_space<vmem_shared>> -> memref<40x128xf32, #tpu.memory_space<vmem_shared>>
    tpu.enqueue_dma source(%arg14 : memref<40x128xf32, #tpu.memory_space<vmem>>) target(%dma_start3A_79 : memref<40x128xf32, #tpu.memory_space<vmem_shared>>) target_semaphore(%arg27 : memref<!tpu.dma_semaphore, #tpu.memory_space<semaphore_mem>>)
    %add3A_80 = arith.constant 200 : i32
    %add3A_81 = arith.addi %multiple_of3A, %add3A_80 : i32
    %dma_start3A_82 = arith.constant 0 : i32
    %dma_start3A_83 = tpu.memref_slice %arg26[%add3A_81, %dma_start3A_82] : memref<10240x16xf32, #tpu.memory_space<vmem_shared>> -> memref<40x16xf32, #tpu.memory_space<vmem_shared>>
    %dma_start3A_84 = arith.constant 0 : i32
    %dma_start3A_85 = tpu.memref_slice %arg26[%add3A_81, %dma_start3A_84] : memref<10240x16xf32, #tpu.memory_space<vmem_shared>> -> memref<40x16xf32, #tpu.memory_space<vmem_shared>>
    tpu.enqueue_dma source(%arg24 : memref<40x16xf32, #tpu.memory_space<vmem>>) target(%dma_start3A_85 : memref<40x16xf32, #tpu.memory_space<vmem_shared>>) target_semaphore(%arg28 : memref<!tpu.dma_semaphore, #tpu.memory_space<semaphore_mem>>)
    %add3A_86 = arith.constant 240 : i32
    %add3A_87 = arith.addi %multiple_of3A, %add3A_86 : i32
    %dma_start3A_88 = arith.constant 0 : i32
    %dma_start3A_89 = tpu.memref_slice %arg25[%add3A_87, %dma_start3A_88] : memref<10240x128xf32, #tpu.memory_space<vmem_shared>> -> memref<40x128xf32, #tpu.memory_space<vmem_shared>>
    %dma_start3A_90 = arith.constant 0 : i32
    %dma_start3A_91 = tpu.memref_slice %arg25[%add3A_87, %dma_start3A_90] : memref<10240x128xf32, #tpu.memory_space<vmem_shared>> -> memref<40x128xf32, #tpu.memory_space<vmem_shared>>
    tpu.enqueue_dma source(%arg14 : memref<40x128xf32, #tpu.memory_space<vmem>>) target(%dma_start3A_91 : memref<40x128xf32, #tpu.memory_space<vmem_shared>>) target_semaphore(%arg27 : memref<!tpu.dma_semaphore, #tpu.memory_space<semaphore_mem>>)
    %add3A_92 = arith.constant 240 : i32
    %add3A_93 = arith.addi %multiple_of3A, %add3A_92 : i32
    %dma_start3A_94 = arith.constant 0 : i32
    %dma_start3A_95 = tpu.memref_slice %arg26[%add3A_93, %dma_start3A_94] : memref<10240x16xf32, #tpu.memory_space<vmem_shared>> -> memref<40x16xf32, #tpu.memory_space<vmem_shared>>
    %dma_start3A_96 = arith.constant 0 : i32
    %dma_start3A_97 = tpu.memref_slice %arg26[%add3A_93, %dma_start3A_96] : memref<10240x16xf32, #tpu.memory_space<vmem_shared>> -> memref<40x16xf32, #tpu.memory_space<vmem_shared>>
    tpu.enqueue_dma source(%arg24 : memref<40x16xf32, #tpu.memory_space<vmem>>) target(%dma_start3A_97 : memref<40x16xf32, #tpu.memory_space<vmem_shared>>) target_semaphore(%arg28 : memref<!tpu.dma_semaphore, #tpu.memory_space<semaphore_mem>>)
    %add3A_98 = arith.constant 280 : i32
    %add3A_99 = arith.addi %multiple_of3A, %add3A_98 : i32
    %dma_start3A_100 = arith.constant 0 : i32
    %dma_start3A_101 = tpu.memref_slice %arg25[%add3A_99, %dma_start3A_100] : memref<10240x128xf32, #tpu.memory_space<vmem_shared>> -> memref<40x128xf32, #tpu.memory_space<vmem_shared>>
    %dma_start3A_102 = arith.constant 0 : i32
    %dma_start3A_103 = tpu.memref_slice %arg25[%add3A_99, %dma_start3A_102] : memref<10240x128xf32, #tpu.memory_space<vmem_shared>> -> memref<40x128xf32, #tpu.memory_space<vmem_shared>>
    tpu.enqueue_dma source(%arg14 : memref<40x128xf32, #tpu.memory_space<vmem>>) target(%dma_start3A_103 : memref<40x128xf32, #tpu.memory_space<vmem_shared>>) target_semaphore(%arg27 : memref<!tpu.dma_semaphore, #tpu.memory_space<semaphore_mem>>)
    %add3A_104 = arith.constant 280 : i32
    %add3A_105 = arith.addi %multiple_of3A, %add3A_104 : i32
    %dma_start3A_106 = arith.constant 0 : i32
    %dma_start3A_107 = tpu.memref_slice %arg26[%add3A_105, %dma_start3A_106] : memref<10240x16xf32, #tpu.memory_space<vmem_shared>> -> memref<40x16xf32, #tpu.memory_space<vmem_shared>>
    %dma_start3A_108 = arith.constant 0 : i32
    %dma_start3A_109 = tpu.memref_slice %arg26[%add3A_105, %dma_start3A_108] : memref<10240x16xf32, #tpu.memory_space<vmem_shared>> -> memref<40x16xf32, #tpu.memory_space<vmem_shared>>
    tpu.enqueue_dma source(%arg24 : memref<40x16xf32, #tpu.memory_space<vmem>>) target(%dma_start3A_109 : memref<40x16xf32, #tpu.memory_space<vmem_shared>>) target_semaphore(%arg28 : memref<!tpu.dma_semaphore, #tpu.memory_space<semaphore_mem>>)
    %add3A_110 = arith.constant 320 : i32
    %add3A_111 = arith.addi %multiple_of3A, %add3A_110 : i32
    %dma_start3A_112 = arith.constant 0 : i32
    %dma_start3A_113 = tpu.memref_slice %arg25[%add3A_111, %dma_start3A_112] : memref<10240x128xf32, #tpu.memory_space<vmem_shared>> -> memref<40x128xf32, #tpu.memory_space<vmem_shared>>
    %dma_start3A_114 = arith.constant 0 : i32
    %dma_start3A_115 = tpu.memref_slice %arg25[%add3A_111, %dma_start3A_114] : memref<10240x128xf32, #tpu.memory_space<vmem_shared>> -> memref<40x128xf32, #tpu.memory_space<vmem_shared>>
    tpu.enqueue_dma source(%arg14 : memref<40x128xf32, #tpu.memory_space<vmem>>) target(%dma_start3A_115 : memref<40x128xf32, #tpu.memory_space<vmem_shared>>) target_semaphore(%arg27 : memref<!tpu.dma_semaphore, #tpu.memory_space<semaphore_mem>>)
    %add3A_116 = arith.constant 320 : i32
    %add3A_117 = arith.addi %multiple_of3A, %add3A_116 : i32
    %dma_start3A_118 = arith.constant 0 : i32
    %dma_start3A_119 = tpu.memref_slice %arg26[%add3A_117, %dma_start3A_118] : memref<10240x16xf32, #tpu.memory_space<vmem_shared>> -> memref<40x16xf32, #tpu.memory_space<vmem_shared>>
    %dma_start3A_120 = arith.constant 0 : i32
    %dma_start3A_121 = tpu.memref_slice %arg26[%add3A_117, %dma_start3A_120] : memref<10240x16xf32, #tpu.memory_space<vmem_shared>> -> memref<40x16xf32, #tpu.memory_space<vmem_shared>>
    tpu.enqueue_dma source(%arg24 : memref<40x16xf32, #tpu.memory_space<vmem>>) target(%dma_start3A_121 : memref<40x16xf32, #tpu.memory_space<vmem_shared>>) target_semaphore(%arg28 : memref<!tpu.dma_semaphore, #tpu.memory_space<semaphore_mem>>)
    %add3A_122 = arith.constant 360 : i32
    %add3A_123 = arith.addi %multiple_of3A, %add3A_122 : i32
    %dma_start3A_124 = arith.constant 0 : i32
    %dma_start3A_125 = tpu.memref_slice %arg25[%add3A_123, %dma_start3A_124] : memref<10240x128xf32, #tpu.memory_space<vmem_shared>> -> memref<40x128xf32, #tpu.memory_space<vmem_shared>>
    %dma_start3A_126 = arith.constant 0 : i32
    %dma_start3A_127 = tpu.memref_slice %arg25[%add3A_123, %dma_start3A_126] : memref<10240x128xf32, #tpu.memory_space<vmem_shared>> -> memref<40x128xf32, #tpu.memory_space<vmem_shared>>
    tpu.enqueue_dma source(%arg14 : memref<40x128xf32, #tpu.memory_space<vmem>>) target(%dma_start3A_127 : memref<40x128xf32, #tpu.memory_space<vmem_shared>>) target_semaphore(%arg27 : memref<!tpu.dma_semaphore, #tpu.memory_space<semaphore_mem>>)
    %add3A_128 = arith.constant 360 : i32
    %add3A_129 = arith.addi %multiple_of3A, %add3A_128 : i32
    %dma_start3A_130 = arith.constant 0 : i32
    %dma_start3A_131 = tpu.memref_slice %arg26[%add3A_129, %dma_start3A_130] : memref<10240x16xf32, #tpu.memory_space<vmem_shared>> -> memref<40x16xf32, #tpu.memory_space<vmem_shared>>
    %dma_start3A_132 = arith.constant 0 : i32
    %dma_start3A_133 = tpu.memref_slice %arg26[%add3A_129, %dma_start3A_132] : memref<10240x16xf32, #tpu.memory_space<vmem_shared>> -> memref<40x16xf32, #tpu.memory_space<vmem_shared>>
    tpu.enqueue_dma source(%arg24 : memref<40x16xf32, #tpu.memory_space<vmem>>) target(%dma_start3A_133 : memref<40x16xf32, #tpu.memory_space<vmem_shared>>) target_semaphore(%arg28 : memref<!tpu.dma_semaphore, #tpu.memory_space<semaphore_mem>>)
    %add3A_134 = arith.constant 400 : i32
    %add3A_135 = arith.addi %multiple_of3A, %add3A_134 : i32
    %dma_start3A_136 = arith.constant 0 : i32
    %dma_start3A_137 = tpu.memref_slice %arg25[%add3A_135, %dma_start3A_136] : memref<10240x128xf32, #tpu.memory_space<vmem_shared>> -> memref<40x128xf32, #tpu.memory_space<vmem_shared>>
    %dma_start3A_138 = arith.constant 0 : i32
    %dma_start3A_139 = tpu.memref_slice %arg25[%add3A_135, %dma_start3A_138] : memref<10240x128xf32, #tpu.memory_space<vmem_shared>> -> memref<40x128xf32, #tpu.memory_space<vmem_shared>>
    tpu.enqueue_dma source(%arg14 : memref<40x128xf32, #tpu.memory_space<vmem>>) target(%dma_start3A_139 : memref<40x128xf32, #tpu.memory_space<vmem_shared>>) target_semaphore(%arg27 : memref<!tpu.dma_semaphore, #tpu.memory_space<semaphore_mem>>)
    %add3A_140 = arith.constant 400 : i32
    %add3A_141 = arith.addi %multiple_of3A, %add3A_140 : i32
    %dma_start3A_142 = arith.constant 0 : i32
    %dma_start3A_143 = tpu.memref_slice %arg26[%add3A_141, %dma_start3A_142] : memref<10240x16xf32, #tpu.memory_space<vmem_shared>> -> memref<40x16xf32, #tpu.memory_space<vmem_shared>>
    %dma_start3A_144 = arith.constant 0 : i32
    %dma_start3A_145 = tpu.memref_slice %arg26[%add3A_141, %dma_start3A_144] : memref<10240x16xf32, #tpu.memory_space<vmem_shared>> -> memref<40x16xf32, #tpu.memory_space<vmem_shared>>
    tpu.enqueue_dma source(%arg24 : memref<40x16xf32, #tpu.memory_space<vmem>>) target(%dma_start3A_145 : memref<40x16xf32, #tpu.memory_space<vmem_shared>>) target_semaphore(%arg28 : memref<!tpu.dma_semaphore, #tpu.memory_space<semaphore_mem>>)
    %add3A_146 = arith.constant 440 : i32
    %add3A_147 = arith.addi %multiple_of3A, %add3A_146 : i32
    %dma_start3A_148 = arith.constant 0 : i32
    %dma_start3A_149 = tpu.memref_slice %arg25[%add3A_147, %dma_start3A_148] : memref<10240x128xf32, #tpu.memory_space<vmem_shared>> -> memref<40x128xf32, #tpu.memory_space<vmem_shared>>
    %dma_start3A_150 = arith.constant 0 : i32
    %dma_start3A_151 = tpu.memref_slice %arg25[%add3A_147, %dma_start3A_150] : memref<10240x128xf32, #tpu.memory_space<vmem_shared>> -> memref<40x128xf32, #tpu.memory_space<vmem_shared>>
    tpu.enqueue_dma source(%arg14 : memref<40x128xf32, #tpu.memory_space<vmem>>) target(%dma_start3A_151 : memref<40x128xf32, #tpu.memory_space<vmem_shared>>) target_semaphore(%arg27 : memref<!tpu.dma_semaphore, #tpu.memory_space<semaphore_mem>>)
    %add3A_152 = arith.constant 440 : i32
    %add3A_153 = arith.addi %multiple_of3A, %add3A_152 : i32
    %dma_start3A_154 = arith.constant 0 : i32
    %dma_start3A_155 = tpu.memref_slice %arg26[%add3A_153, %dma_start3A_154] : memref<10240x16xf32, #tpu.memory_space<vmem_shared>> -> memref<40x16xf32, #tpu.memory_space<vmem_shared>>
    %dma_start3A_156 = arith.constant 0 : i32
    %dma_start3A_157 = tpu.memref_slice %arg26[%add3A_153, %dma_start3A_156] : memref<10240x16xf32, #tpu.memory_space<vmem_shared>> -> memref<40x16xf32, #tpu.memory_space<vmem_shared>>
    tpu.enqueue_dma source(%arg24 : memref<40x16xf32, #tpu.memory_space<vmem>>) target(%dma_start3A_157 : memref<40x16xf32, #tpu.memory_space<vmem_shared>>) target_semaphore(%arg28 : memref<!tpu.dma_semaphore, #tpu.memory_space<semaphore_mem>>)
    %add3A_158 = arith.constant 480 : i32
    %add3A_159 = arith.addi %multiple_of3A, %add3A_158 : i32
    %dma_start3A_160 = arith.constant 0 : i32
    %dma_start3A_161 = tpu.memref_slice %arg25[%add3A_159, %dma_start3A_160] : memref<10240x128xf32, #tpu.memory_space<vmem_shared>> -> memref<40x128xf32, #tpu.memory_space<vmem_shared>>
    %dma_start3A_162 = arith.constant 0 : i32
    %dma_start3A_163 = tpu.memref_slice %arg25[%add3A_159, %dma_start3A_162] : memref<10240x128xf32, #tpu.memory_space<vmem_shared>> -> memref<40x128xf32, #tpu.memory_space<vmem_shared>>
    tpu.enqueue_dma source(%arg14 : memref<40x128xf32, #tpu.memory_space<vmem>>) target(%dma_start3A_163 : memref<40x128xf32, #tpu.memory_space<vmem_shared>>) target_semaphore(%arg27 : memref<!tpu.dma_semaphore, #tpu.memory_space<semaphore_mem>>)
    %add3A_164 = arith.constant 480 : i32
    %add3A_165 = arith.addi %multiple_of3A, %add3A_164 : i32
    %dma_start3A_166 = arith.constant 0 : i32
    %dma_start3A_167 = tpu.memref_slice %arg26[%add3A_165, %dma_start3A_166] : memref<10240x16xf32, #tpu.memory_space<vmem_shared>> -> memref<40x16xf32, #tpu.memory_space<vmem_shared>>
    %dma_start3A_168 = arith.constant 0 : i32
    %dma_start3A_169 = tpu.memref_slice %arg26[%add3A_165, %dma_start3A_168] : memref<10240x16xf32, #tpu.memory_space<vmem_shared>> -> memref<40x16xf32, #tpu.memory_space<vmem_shared>>
    tpu.enqueue_dma source(%arg24 : memref<40x16xf32, #tpu.memory_space<vmem>>) target(%dma_start3A_169 : memref<40x16xf32, #tpu.memory_space<vmem_shared>>) target_semaphore(%arg28 : memref<!tpu.dma_semaphore, #tpu.memory_space<semaphore_mem>>)
    %add3A_170 = arith.constant 520 : i32
    %add3A_171 = arith.addi %multiple_of3A, %add3A_170 : i32
    %dma_start3A_172 = arith.constant 0 : i32
    %dma_start3A_173 = tpu.memref_slice %arg25[%add3A_171, %dma_start3A_172] : memref<10240x128xf32, #tpu.memory_space<vmem_shared>> -> memref<40x128xf32, #tpu.memory_space<vmem_shared>>
    %dma_start3A_174 = arith.constant 0 : i32
    %dma_start3A_175 = tpu.memref_slice %arg25[%add3A_171, %dma_start3A_174] : memref<10240x128xf32, #tpu.memory_space<vmem_shared>> -> memref<40x128xf32, #tpu.memory_space<vmem_shared>>
    tpu.enqueue_dma source(%arg14 : memref<40x128xf32, #tpu.memory_space<vmem>>) target(%dma_start3A_175 : memref<40x128xf32, #tpu.memory_space<vmem_shared>>) target_semaphore(%arg27 : memref<!tpu.dma_semaphore, #tpu.memory_space<semaphore_mem>>)
    %add3A_176 = arith.constant 520 : i32
    %add3A_177 = arith.addi %multiple_of3A, %add3A_176 : i32
    %dma_start3A_178 = arith.constant 0 : i32
    %dma_start3A_179 = tpu.memref_slice %arg26[%add3A_177, %dma_start3A_178] : memref<10240x16xf32, #tpu.memory_space<vmem_shared>> -> memref<40x16xf32, #tpu.memory_space<vmem_shared>>
    %dma_start3A_180 = arith.constant 0 : i32
    %dma_start3A_181 = tpu.memref_slice %arg26[%add3A_177, %dma_start3A_180] : memref<10240x16xf32, #tpu.memory_space<vmem_shared>> -> memref<40x16xf32, #tpu.memory_space<vmem_shared>>
    tpu.enqueue_dma source(%arg24 : memref<40x16xf32, #tpu.memory_space<vmem>>) target(%dma_start3A_181 : memref<40x16xf32, #tpu.memory_space<vmem_shared>>) target_semaphore(%arg28 : memref<!tpu.dma_semaphore, #tpu.memory_space<semaphore_mem>>)
    %add3A_182 = arith.constant 560 : i32
    %add3A_183 = arith.addi %multiple_of3A, %add3A_182 : i32
    %dma_start3A_184 = arith.constant 0 : i32
    %dma_start3A_185 = tpu.memref_slice %arg25[%add3A_183, %dma_start3A_184] : memref<10240x128xf32, #tpu.memory_space<vmem_shared>> -> memref<40x128xf32, #tpu.memory_space<vmem_shared>>
    %dma_start3A_186 = arith.constant 0 : i32
    %dma_start3A_187 = tpu.memref_slice %arg25[%add3A_183, %dma_start3A_186] : memref<10240x128xf32, #tpu.memory_space<vmem_shared>> -> memref<40x128xf32, #tpu.memory_space<vmem_shared>>
    tpu.enqueue_dma source(%arg14 : memref<40x128xf32, #tpu.memory_space<vmem>>) target(%dma_start3A_187 : memref<40x128xf32, #tpu.memory_space<vmem_shared>>) target_semaphore(%arg27 : memref<!tpu.dma_semaphore, #tpu.memory_space<semaphore_mem>>)
    %add3A_188 = arith.constant 560 : i32
    %add3A_189 = arith.addi %multiple_of3A, %add3A_188 : i32
    %dma_start3A_190 = arith.constant 0 : i32
    %dma_start3A_191 = tpu.memref_slice %arg26[%add3A_189, %dma_start3A_190] : memref<10240x16xf32, #tpu.memory_space<vmem_shared>> -> memref<40x16xf32, #tpu.memory_space<vmem_shared>>
    %dma_start3A_192 = arith.constant 0 : i32
    %dma_start3A_193 = tpu.memref_slice %arg26[%add3A_189, %dma_start3A_192] : memref<10240x16xf32, #tpu.memory_space<vmem_shared>> -> memref<40x16xf32, #tpu.memory_space<vmem_shared>>
    tpu.enqueue_dma source(%arg24 : memref<40x16xf32, #tpu.memory_space<vmem>>) target(%dma_start3A_193 : memref<40x16xf32, #tpu.memory_space<vmem_shared>>) target_semaphore(%arg28 : memref<!tpu.dma_semaphore, #tpu.memory_space<semaphore_mem>>)
    %add3A_194 = arith.constant 600 : i32
    %add3A_195 = arith.addi %multiple_of3A, %add3A_194 : i32
    %dma_start3A_196 = arith.constant 0 : i32
    %dma_start3A_197 = tpu.memref_slice %arg25[%add3A_195, %dma_start3A_196] : memref<10240x128xf32, #tpu.memory_space<vmem_shared>> -> memref<40x128xf32, #tpu.memory_space<vmem_shared>>
    %dma_start3A_198 = arith.constant 0 : i32
    %dma_start3A_199 = tpu.memref_slice %arg25[%add3A_195, %dma_start3A_198] : memref<10240x128xf32, #tpu.memory_space<vmem_shared>> -> memref<40x128xf32, #tpu.memory_space<vmem_shared>>
    tpu.enqueue_dma source(%arg14 : memref<40x128xf32, #tpu.memory_space<vmem>>) target(%dma_start3A_199 : memref<40x128xf32, #tpu.memory_space<vmem_shared>>) target_semaphore(%arg27 : memref<!tpu.dma_semaphore, #tpu.memory_space<semaphore_mem>>)
    %add3A_200 = arith.constant 600 : i32
    %add3A_201 = arith.addi %multiple_of3A, %add3A_200 : i32
    %dma_start3A_202 = arith.constant 0 : i32
    %dma_start3A_203 = tpu.memref_slice %arg26[%add3A_201, %dma_start3A_202] : memref<10240x16xf32, #tpu.memory_space<vmem_shared>> -> memref<40x16xf32, #tpu.memory_space<vmem_shared>>
    %dma_start3A_204 = arith.constant 0 : i32
    %dma_start3A_205 = tpu.memref_slice %arg26[%add3A_201, %dma_start3A_204] : memref<10240x16xf32, #tpu.memory_space<vmem_shared>> -> memref<40x16xf32, #tpu.memory_space<vmem_shared>>
    tpu.enqueue_dma source(%arg24 : memref<40x16xf32, #tpu.memory_space<vmem>>) target(%dma_start3A_205 : memref<40x16xf32, #tpu.memory_space<vmem_shared>>) target_semaphore(%arg28 : memref<!tpu.dma_semaphore, #tpu.memory_space<semaphore_mem>>)
    %add3A_206 = arith.constant 0 : i32
    %add3A_207 = arith.addi %multiple_of3A, %add3A_206 : i32
    %dma_wait3A = arith.constant 0 : i32
    %dma_wait3A_208 = tpu.memref_slice %arg25[%add3A_207, %dma_wait3A] : memref<10240x128xf32, #tpu.memory_space<vmem_shared>> -> memref<40x128xf32, #tpu.memory_space<vmem_shared>>
    %dma_wait3A_209 = arith.constant 0 : i32
    %dma_wait3A_210 = tpu.memref_slice %arg25[%add3A_207, %dma_wait3A_209] : memref<10240x128xf32, #tpu.memory_space<vmem_shared>> -> memref<40x128xf32, #tpu.memory_space<vmem_shared>>
    tpu.wait_dma2 semaphore(%arg27 : memref<!tpu.dma_semaphore, #tpu.memory_space<semaphore_mem>>) src(%arg14 : memref<40x128xf32, #tpu.memory_space<vmem>>) dst(%dma_wait3A_210 : memref<40x128xf32, #tpu.memory_space<vmem_shared>>)
    %add3A_211 = arith.constant 0 : i32
    %add3A_212 = arith.addi %multiple_of3A, %add3A_211 : i32
    %dma_wait3A_213 = arith.constant 0 : i32
    %dma_wait3A_214 = tpu.memref_slice %arg26[%add3A_212, %dma_wait3A_213] : memref<10240x16xf32, #tpu.memory_space<vmem_shared>> -> memref<40x16xf32, #tpu.memory_space<vmem_shared>>
    %dma_wait3A_215 = arith.constant 0 : i32
    %dma_wait3A_216 = tpu.memref_slice %arg26[%add3A_212, %dma_wait3A_215] : memref<10240x16xf32, #tpu.memory_space<vmem_shared>> -> memref<40x16xf32, #tpu.memory_space<vmem_shared>>
    tpu.wait_dma2 semaphore(%arg28 : memref<!tpu.dma_semaphore, #tpu.memory_space<semaphore_mem>>) src(%arg24 : memref<40x16xf32, #tpu.memory_space<vmem>>) dst(%dma_wait3A_216 : memref<40x16xf32, #tpu.memory_space<vmem_shared>>)
    %add3A_217 = arith.constant 40 : i32
    %add3A_218 = arith.addi %multiple_of3A, %add3A_217 : i32
    %dma_wait3A_219 = arith.constant 0 : i32
    %dma_wait3A_220 = tpu.memref_slice %arg25[%add3A_218, %dma_wait3A_219] : memref<10240x128xf32, #tpu.memory_space<vmem_shared>> -> memref<40x128xf32, #tpu.memory_space<vmem_shared>>
    %dma_wait3A_221 = arith.constant 0 : i32
    %dma_wait3A_222 = tpu.memref_slice %arg25[%add3A_218, %dma_wait3A_221] : memref<10240x128xf32, #tpu.memory_space<vmem_shared>> -> memref<40x128xf32, #tpu.memory_space<vmem_shared>>
    tpu.wait_dma2 semaphore(%arg27 : memref<!tpu.dma_semaphore, #tpu.memory_space<semaphore_mem>>) src(%arg14 : memref<40x128xf32, #tpu.memory_space<vmem>>) dst(%dma_wait3A_222 : memref<40x128xf32, #tpu.memory_space<vmem_shared>>)
    %add3A_223 = arith.constant 40 : i32
    %add3A_224 = arith.addi %multiple_of3A, %add3A_223 : i32
    %dma_wait3A_225 = arith.constant 0 : i32
    %dma_wait3A_226 = tpu.memref_slice %arg26[%add3A_224, %dma_wait3A_225] : memref<10240x16xf32, #tpu.memory_space<vmem_shared>> -> memref<40x16xf32, #tpu.memory_space<vmem_shared>>
    %dma_wait3A_227 = arith.constant 0 : i32
    %dma_wait3A_228 = tpu.memref_slice %arg26[%add3A_224, %dma_wait3A_227] : memref<10240x16xf32, #tpu.memory_space<vmem_shared>> -> memref<40x16xf32, #tpu.memory_space<vmem_shared>>
    tpu.wait_dma2 semaphore(%arg28 : memref<!tpu.dma_semaphore, #tpu.memory_space<semaphore_mem>>) src(%arg24 : memref<40x16xf32, #tpu.memory_space<vmem>>) dst(%dma_wait3A_228 : memref<40x16xf32, #tpu.memory_space<vmem_shared>>)
    %add3A_229 = arith.constant 80 : i32
    %add3A_230 = arith.addi %multiple_of3A, %add3A_229 : i32
    %dma_wait3A_231 = arith.constant 0 : i32
    %dma_wait3A_232 = tpu.memref_slice %arg25[%add3A_230, %dma_wait3A_231] : memref<10240x128xf32, #tpu.memory_space<vmem_shared>> -> memref<40x128xf32, #tpu.memory_space<vmem_shared>>
    %dma_wait3A_233 = arith.constant 0 : i32
    %dma_wait3A_234 = tpu.memref_slice %arg25[%add3A_230, %dma_wait3A_233] : memref<10240x128xf32, #tpu.memory_space<vmem_shared>> -> memref<40x128xf32, #tpu.memory_space<vmem_shared>>
    tpu.wait_dma2 semaphore(%arg27 : memref<!tpu.dma_semaphore, #tpu.memory_space<semaphore_mem>>) src(%arg14 : memref<40x128xf32, #tpu.memory_space<vmem>>) dst(%dma_wait3A_234 : memref<40x128xf32, #tpu.memory_space<vmem_shared>>)
    %add3A_235 = arith.constant 80 : i32
    %add3A_236 = arith.addi %multiple_of3A, %add3A_235 : i32
    %dma_wait3A_237 = arith.constant 0 : i32
    %dma_wait3A_238 = tpu.memref_slice %arg26[%add3A_236, %dma_wait3A_237] : memref<10240x16xf32, #tpu.memory_space<vmem_shared>> -> memref<40x16xf32, #tpu.memory_space<vmem_shared>>
    %dma_wait3A_239 = arith.constant 0 : i32
    %dma_wait3A_240 = tpu.memref_slice %arg26[%add3A_236, %dma_wait3A_239] : memref<10240x16xf32, #tpu.memory_space<vmem_shared>> -> memref<40x16xf32, #tpu.memory_space<vmem_shared>>
    tpu.wait_dma2 semaphore(%arg28 : memref<!tpu.dma_semaphore, #tpu.memory_space<semaphore_mem>>) src(%arg24 : memref<40x16xf32, #tpu.memory_space<vmem>>) dst(%dma_wait3A_240 : memref<40x16xf32, #tpu.memory_space<vmem_shared>>)
    %add3A_241 = arith.constant 120 : i32
    %add3A_242 = arith.addi %multiple_of3A, %add3A_241 : i32
    %dma_wait3A_243 = arith.constant 0 : i32
    %dma_wait3A_244 = tpu.memref_slice %arg25[%add3A_242, %dma_wait3A_243] : memref<10240x128xf32, #tpu.memory_space<vmem_shared>> -> memref<40x128xf32, #tpu.memory_space<vmem_shared>>
    %dma_wait3A_245 = arith.constant 0 : i32
    %dma_wait3A_246 = tpu.memref_slice %arg25[%add3A_242, %dma_wait3A_245] : memref<10240x128xf32, #tpu.memory_space<vmem_shared>> -> memref<40x128xf32, #tpu.memory_space<vmem_shared>>
    tpu.wait_dma2 semaphore(%arg27 : memref<!tpu.dma_semaphore, #tpu.memory_space<semaphore_mem>>) src(%arg14 : memref<40x128xf32, #tpu.memory_space<vmem>>) dst(%dma_wait3A_246 : memref<40x128xf32, #tpu.memory_space<vmem_shared>>)
    %add3A_247 = arith.constant 120 : i32
    %add3A_248 = arith.addi %multiple_of3A, %add3A_247 : i32
    %dma_wait3A_249 = arith.constant 0 : i32
    %dma_wait3A_250 = tpu.memref_slice %arg26[%add3A_248, %dma_wait3A_249] : memref<10240x16xf32, #tpu.memory_space<vmem_shared>> -> memref<40x16xf32, #tpu.memory_space<vmem_shared>>
    %dma_wait3A_251 = arith.constant 0 : i32
    %dma_wait3A_252 = tpu.memref_slice %arg26[%add3A_248, %dma_wait3A_251] : memref<10240x16xf32, #tpu.memory_space<vmem_shared>> -> memref<40x16xf32, #tpu.memory_space<vmem_shared>>
    tpu.wait_dma2 semaphore(%arg28 : memref<!tpu.dma_semaphore, #tpu.memory_space<semaphore_mem>>) src(%arg24 : memref<40x16xf32, #tpu.memory_space<vmem>>) dst(%dma_wait3A_252 : memref<40x16xf32, #tpu.memory_space<vmem_shared>>)
    %add3A_253 = arith.constant 160 : i32
    %add3A_254 = arith.addi %multiple_of3A, %add3A_253 : i32
    %dma_wait3A_255 = arith.constant 0 : i32
    %dma_wait3A_256 = tpu.memref_slice %arg25[%add3A_254, %dma_wait3A_255] : memref<10240x128xf32, #tpu.memory_space<vmem_shared>> -> memref<40x128xf32, #tpu.memory_space<vmem_shared>>
    %dma_wait3A_257 = arith.constant 0 : i32
    %dma_wait3A_258 = tpu.memref_slice %arg25[%add3A_254, %dma_wait3A_257] : memref<10240x128xf32, #tpu.memory_space<vmem_shared>> -> memref<40x128xf32, #tpu.memory_space<vmem_shared>>
    tpu.wait_dma2 semaphore(%arg27 : memref<!tpu.dma_semaphore, #tpu.memory_space<semaphore_mem>>) src(%arg14 : memref<40x128xf32, #tpu.memory_space<vmem>>) dst(%dma_wait3A_258 : memref<40x128xf32, #tpu.memory_space<vmem_shared>>)
    %add3A_259 = arith.constant 160 : i32
    %add3A_260 = arith.addi %multiple_of3A, %add3A_259 : i32
    %dma_wait3A_261 = arith.constant 0 : i32
    %dma_wait3A_262 = tpu.memref_slice %arg26[%add3A_260, %dma_wait3A_261] : memref<10240x16xf32, #tpu.memory_space<vmem_shared>> -> memref<40x16xf32, #tpu.memory_space<vmem_shared>>
    %dma_wait3A_263 = arith.constant 0 : i32
    %dma_wait3A_264 = tpu.memref_slice %arg26[%add3A_260, %dma_wait3A_263] : memref<10240x16xf32, #tpu.memory_space<vmem_shared>> -> memref<40x16xf32, #tpu.memory_space<vmem_shared>>
    tpu.wait_dma2 semaphore(%arg28 : memref<!tpu.dma_semaphore, #tpu.memory_space<semaphore_mem>>) src(%arg24 : memref<40x16xf32, #tpu.memory_space<vmem>>) dst(%dma_wait3A_264 : memref<40x16xf32, #tpu.memory_space<vmem_shared>>)
    %add3A_265 = arith.constant 200 : i32
    %add3A_266 = arith.addi %multiple_of3A, %add3A_265 : i32
    %dma_wait3A_267 = arith.constant 0 : i32
    %dma_wait3A_268 = tpu.memref_slice %arg25[%add3A_266, %dma_wait3A_267] : memref<10240x128xf32, #tpu.memory_space<vmem_shared>> -> memref<40x128xf32, #tpu.memory_space<vmem_shared>>
    %dma_wait3A_269 = arith.constant 0 : i32
    %dma_wait3A_270 = tpu.memref_slice %arg25[%add3A_266, %dma_wait3A_269] : memref<10240x128xf32, #tpu.memory_space<vmem_shared>> -> memref<40x128xf32, #tpu.memory_space<vmem_shared>>
    tpu.wait_dma2 semaphore(%arg27 : memref<!tpu.dma_semaphore, #tpu.memory_space<semaphore_mem>>) src(%arg14 : memref<40x128xf32, #tpu.memory_space<vmem>>) dst(%dma_wait3A_270 : memref<40x128xf32, #tpu.memory_space<vmem_shared>>)
    %add3A_271 = arith.constant 200 : i32
    %add3A_272 = arith.addi %multiple_of3A, %add3A_271 : i32
    %dma_wait3A_273 = arith.constant 0 : i32
    %dma_wait3A_274 = tpu.memref_slice %arg26[%add3A_272, %dma_wait3A_273] : memref<10240x16xf32, #tpu.memory_space<vmem_shared>> -> memref<40x16xf32, #tpu.memory_space<vmem_shared>>
    %dma_wait3A_275 = arith.constant 0 : i32
    %dma_wait3A_276 = tpu.memref_slice %arg26[%add3A_272, %dma_wait3A_275] : memref<10240x16xf32, #tpu.memory_space<vmem_shared>> -> memref<40x16xf32, #tpu.memory_space<vmem_shared>>
    tpu.wait_dma2 semaphore(%arg28 : memref<!tpu.dma_semaphore, #tpu.memory_space<semaphore_mem>>) src(%arg24 : memref<40x16xf32, #tpu.memory_space<vmem>>) dst(%dma_wait3A_276 : memref<40x16xf32, #tpu.memory_space<vmem_shared>>)
    %add3A_277 = arith.constant 240 : i32
    %add3A_278 = arith.addi %multiple_of3A, %add3A_277 : i32
    %dma_wait3A_279 = arith.constant 0 : i32
    %dma_wait3A_280 = tpu.memref_slice %arg25[%add3A_278, %dma_wait3A_279] : memref<10240x128xf32, #tpu.memory_space<vmem_shared>> -> memref<40x128xf32, #tpu.memory_space<vmem_shared>>
    %dma_wait3A_281 = arith.constant 0 : i32
    %dma_wait3A_282 = tpu.memref_slice %arg25[%add3A_278, %dma_wait3A_281] : memref<10240x128xf32, #tpu.memory_space<vmem_shared>> -> memref<40x128xf32, #tpu.memory_space<vmem_shared>>
    tpu.wait_dma2 semaphore(%arg27 : memref<!tpu.dma_semaphore, #tpu.memory_space<semaphore_mem>>) src(%arg14 : memref<40x128xf32, #tpu.memory_space<vmem>>) dst(%dma_wait3A_282 : memref<40x128xf32, #tpu.memory_space<vmem_shared>>)
    %add3A_283 = arith.constant 240 : i32
    %add3A_284 = arith.addi %multiple_of3A, %add3A_283 : i32
    %dma_wait3A_285 = arith.constant 0 : i32
    %dma_wait3A_286 = tpu.memref_slice %arg26[%add3A_284, %dma_wait3A_285] : memref<10240x16xf32, #tpu.memory_space<vmem_shared>> -> memref<40x16xf32, #tpu.memory_space<vmem_shared>>
    %dma_wait3A_287 = arith.constant 0 : i32
    %dma_wait3A_288 = tpu.memref_slice %arg26[%add3A_284, %dma_wait3A_287] : memref<10240x16xf32, #tpu.memory_space<vmem_shared>> -> memref<40x16xf32, #tpu.memory_space<vmem_shared>>
    tpu.wait_dma2 semaphore(%arg28 : memref<!tpu.dma_semaphore, #tpu.memory_space<semaphore_mem>>) src(%arg24 : memref<40x16xf32, #tpu.memory_space<vmem>>) dst(%dma_wait3A_288 : memref<40x16xf32, #tpu.memory_space<vmem_shared>>)
    %add3A_289 = arith.constant 280 : i32
    %add3A_290 = arith.addi %multiple_of3A, %add3A_289 : i32
    %dma_wait3A_291 = arith.constant 0 : i32
    %dma_wait3A_292 = tpu.memref_slice %arg25[%add3A_290, %dma_wait3A_291] : memref<10240x128xf32, #tpu.memory_space<vmem_shared>> -> memref<40x128xf32, #tpu.memory_space<vmem_shared>>
    %dma_wait3A_293 = arith.constant 0 : i32
    %dma_wait3A_294 = tpu.memref_slice %arg25[%add3A_290, %dma_wait3A_293] : memref<10240x128xf32, #tpu.memory_space<vmem_shared>> -> memref<40x128xf32, #tpu.memory_space<vmem_shared>>
    tpu.wait_dma2 semaphore(%arg27 : memref<!tpu.dma_semaphore, #tpu.memory_space<semaphore_mem>>) src(%arg14 : memref<40x128xf32, #tpu.memory_space<vmem>>) dst(%dma_wait3A_294 : memref<40x128xf32, #tpu.memory_space<vmem_shared>>)
    %add3A_295 = arith.constant 280 : i32
    %add3A_296 = arith.addi %multiple_of3A, %add3A_295 : i32
    %dma_wait3A_297 = arith.constant 0 : i32
    %dma_wait3A_298 = tpu.memref_slice %arg26[%add3A_296, %dma_wait3A_297] : memref<10240x16xf32, #tpu.memory_space<vmem_shared>> -> memref<40x16xf32, #tpu.memory_space<vmem_shared>>
    %dma_wait3A_299 = arith.constant 0 : i32
    %dma_wait3A_300 = tpu.memref_slice %arg26[%add3A_296, %dma_wait3A_299] : memref<10240x16xf32, #tpu.memory_space<vmem_shared>> -> memref<40x16xf32, #tpu.memory_space<vmem_shared>>
    tpu.wait_dma2 semaphore(%arg28 : memref<!tpu.dma_semaphore, #tpu.memory_space<semaphore_mem>>) src(%arg24 : memref<40x16xf32, #tpu.memory_space<vmem>>) dst(%dma_wait3A_300 : memref<40x16xf32, #tpu.memory_space<vmem_shared>>)
    %add3A_301 = arith.constant 320 : i32
    %add3A_302 = arith.addi %multiple_of3A, %add3A_301 : i32
    %dma_wait3A_303 = arith.constant 0 : i32
    %dma_wait3A_304 = tpu.memref_slice %arg25[%add3A_302, %dma_wait3A_303] : memref<10240x128xf32, #tpu.memory_space<vmem_shared>> -> memref<40x128xf32, #tpu.memory_space<vmem_shared>>
    %dma_wait3A_305 = arith.constant 0 : i32
    %dma_wait3A_306 = tpu.memref_slice %arg25[%add3A_302, %dma_wait3A_305] : memref<10240x128xf32, #tpu.memory_space<vmem_shared>> -> memref<40x128xf32, #tpu.memory_space<vmem_shared>>
    tpu.wait_dma2 semaphore(%arg27 : memref<!tpu.dma_semaphore, #tpu.memory_space<semaphore_mem>>) src(%arg14 : memref<40x128xf32, #tpu.memory_space<vmem>>) dst(%dma_wait3A_306 : memref<40x128xf32, #tpu.memory_space<vmem_shared>>)
    %add3A_307 = arith.constant 320 : i32
    %add3A_308 = arith.addi %multiple_of3A, %add3A_307 : i32
    %dma_wait3A_309 = arith.constant 0 : i32
    %dma_wait3A_310 = tpu.memref_slice %arg26[%add3A_308, %dma_wait3A_309] : memref<10240x16xf32, #tpu.memory_space<vmem_shared>> -> memref<40x16xf32, #tpu.memory_space<vmem_shared>>
    %dma_wait3A_311 = arith.constant 0 : i32
    %dma_wait3A_312 = tpu.memref_slice %arg26[%add3A_308, %dma_wait3A_311] : memref<10240x16xf32, #tpu.memory_space<vmem_shared>> -> memref<40x16xf32, #tpu.memory_space<vmem_shared>>
    tpu.wait_dma2 semaphore(%arg28 : memref<!tpu.dma_semaphore, #tpu.memory_space<semaphore_mem>>) src(%arg24 : memref<40x16xf32, #tpu.memory_space<vmem>>) dst(%dma_wait3A_312 : memref<40x16xf32, #tpu.memory_space<vmem_shared>>)
    %add3A_313 = arith.constant 360 : i32
    %add3A_314 = arith.addi %multiple_of3A, %add3A_313 : i32
    %dma_wait3A_315 = arith.constant 0 : i32
    %dma_wait3A_316 = tpu.memref_slice %arg25[%add3A_314, %dma_wait3A_315] : memref<10240x128xf32, #tpu.memory_space<vmem_shared>> -> memref<40x128xf32, #tpu.memory_space<vmem_shared>>
    %dma_wait3A_317 = arith.constant 0 : i32
    %dma_wait3A_318 = tpu.memref_slice %arg25[%add3A_314, %dma_wait3A_317] : memref<10240x128xf32, #tpu.memory_space<vmem_shared>> -> memref<40x128xf32, #tpu.memory_space<vmem_shared>>
    tpu.wait_dma2 semaphore(%arg27 : memref<!tpu.dma_semaphore, #tpu.memory_space<semaphore_mem>>) src(%arg14 : memref<40x128xf32, #tpu.memory_space<vmem>>) dst(%dma_wait3A_318 : memref<40x128xf32, #tpu.memory_space<vmem_shared>>)
    %add3A_319 = arith.constant 360 : i32
    %add3A_320 = arith.addi %multiple_of3A, %add3A_319 : i32
    %dma_wait3A_321 = arith.constant 0 : i32
    %dma_wait3A_322 = tpu.memref_slice %arg26[%add3A_320, %dma_wait3A_321] : memref<10240x16xf32, #tpu.memory_space<vmem_shared>> -> memref<40x16xf32, #tpu.memory_space<vmem_shared>>
    %dma_wait3A_323 = arith.constant 0 : i32
    %dma_wait3A_324 = tpu.memref_slice %arg26[%add3A_320, %dma_wait3A_323] : memref<10240x16xf32, #tpu.memory_space<vmem_shared>> -> memref<40x16xf32, #tpu.memory_space<vmem_shared>>
    tpu.wait_dma2 semaphore(%arg28 : memref<!tpu.dma_semaphore, #tpu.memory_space<semaphore_mem>>) src(%arg24 : memref<40x16xf32, #tpu.memory_space<vmem>>) dst(%dma_wait3A_324 : memref<40x16xf32, #tpu.memory_space<vmem_shared>>)
    %add3A_325 = arith.constant 400 : i32
    %add3A_326 = arith.addi %multiple_of3A, %add3A_325 : i32
    %dma_wait3A_327 = arith.constant 0 : i32
    %dma_wait3A_328 = tpu.memref_slice %arg25[%add3A_326, %dma_wait3A_327] : memref<10240x128xf32, #tpu.memory_space<vmem_shared>> -> memref<40x128xf32, #tpu.memory_space<vmem_shared>>
    %dma_wait3A_329 = arith.constant 0 : i32
    %dma_wait3A_330 = tpu.memref_slice %arg25[%add3A_326, %dma_wait3A_329] : memref<10240x128xf32, #tpu.memory_space<vmem_shared>> -> memref<40x128xf32, #tpu.memory_space<vmem_shared>>
    tpu.wait_dma2 semaphore(%arg27 : memref<!tpu.dma_semaphore, #tpu.memory_space<semaphore_mem>>) src(%arg14 : memref<40x128xf32, #tpu.memory_space<vmem>>) dst(%dma_wait3A_330 : memref<40x128xf32, #tpu.memory_space<vmem_shared>>)
    %add3A_331 = arith.constant 400 : i32
    %add3A_332 = arith.addi %multiple_of3A, %add3A_331 : i32
    %dma_wait3A_333 = arith.constant 0 : i32
    %dma_wait3A_334 = tpu.memref_slice %arg26[%add3A_332, %dma_wait3A_333] : memref<10240x16xf32, #tpu.memory_space<vmem_shared>> -> memref<40x16xf32, #tpu.memory_space<vmem_shared>>
    %dma_wait3A_335 = arith.constant 0 : i32
    %dma_wait3A_336 = tpu.memref_slice %arg26[%add3A_332, %dma_wait3A_335] : memref<10240x16xf32, #tpu.memory_space<vmem_shared>> -> memref<40x16xf32, #tpu.memory_space<vmem_shared>>
    tpu.wait_dma2 semaphore(%arg28 : memref<!tpu.dma_semaphore, #tpu.memory_space<semaphore_mem>>) src(%arg24 : memref<40x16xf32, #tpu.memory_space<vmem>>) dst(%dma_wait3A_336 : memref<40x16xf32, #tpu.memory_space<vmem_shared>>)
    %add3A_337 = arith.constant 440 : i32
    %add3A_338 = arith.addi %multiple_of3A, %add3A_337 : i32
    %dma_wait3A_339 = arith.constant 0 : i32
    %dma_wait3A_340 = tpu.memref_slice %arg25[%add3A_338, %dma_wait3A_339] : memref<10240x128xf32, #tpu.memory_space<vmem_shared>> -> memref<40x128xf32, #tpu.memory_space<vmem_shared>>
    %dma_wait3A_341 = arith.constant 0 : i32
    %dma_wait3A_342 = tpu.memref_slice %arg25[%add3A_338, %dma_wait3A_341] : memref<10240x128xf32, #tpu.memory_space<vmem_shared>> -> memref<40x128xf32, #tpu.memory_space<vmem_shared>>
    tpu.wait_dma2 semaphore(%arg27 : memref<!tpu.dma_semaphore, #tpu.memory_space<semaphore_mem>>) src(%arg14 : memref<40x128xf32, #tpu.memory_space<vmem>>) dst(%dma_wait3A_342 : memref<40x128xf32, #tpu.memory_space<vmem_shared>>)
    %add3A_343 = arith.constant 440 : i32
    %add3A_344 = arith.addi %multiple_of3A, %add3A_343 : i32
    %dma_wait3A_345 = arith.constant 0 : i32
    %dma_wait3A_346 = tpu.memref_slice %arg26[%add3A_344, %dma_wait3A_345] : memref<10240x16xf32, #tpu.memory_space<vmem_shared>> -> memref<40x16xf32, #tpu.memory_space<vmem_shared>>
    %dma_wait3A_347 = arith.constant 0 : i32
    %dma_wait3A_348 = tpu.memref_slice %arg26[%add3A_344, %dma_wait3A_347] : memref<10240x16xf32, #tpu.memory_space<vmem_shared>> -> memref<40x16xf32, #tpu.memory_space<vmem_shared>>
    tpu.wait_dma2 semaphore(%arg28 : memref<!tpu.dma_semaphore, #tpu.memory_space<semaphore_mem>>) src(%arg24 : memref<40x16xf32, #tpu.memory_space<vmem>>) dst(%dma_wait3A_348 : memref<40x16xf32, #tpu.memory_space<vmem_shared>>)
    %add3A_349 = arith.constant 480 : i32
    %add3A_350 = arith.addi %multiple_of3A, %add3A_349 : i32
    %dma_wait3A_351 = arith.constant 0 : i32
    %dma_wait3A_352 = tpu.memref_slice %arg25[%add3A_350, %dma_wait3A_351] : memref<10240x128xf32, #tpu.memory_space<vmem_shared>> -> memref<40x128xf32, #tpu.memory_space<vmem_shared>>
    %dma_wait3A_353 = arith.constant 0 : i32
    %dma_wait3A_354 = tpu.memref_slice %arg25[%add3A_350, %dma_wait3A_353] : memref<10240x128xf32, #tpu.memory_space<vmem_shared>> -> memref<40x128xf32, #tpu.memory_space<vmem_shared>>
    tpu.wait_dma2 semaphore(%arg27 : memref<!tpu.dma_semaphore, #tpu.memory_space<semaphore_mem>>) src(%arg14 : memref<40x128xf32, #tpu.memory_space<vmem>>) dst(%dma_wait3A_354 : memref<40x128xf32, #tpu.memory_space<vmem_shared>>)
    %add3A_355 = arith.constant 480 : i32
    %add3A_356 = arith.addi %multiple_of3A, %add3A_355 : i32
    %dma_wait3A_357 = arith.constant 0 : i32
    %dma_wait3A_358 = tpu.memref_slice %arg26[%add3A_356, %dma_wait3A_357] : memref<10240x16xf32, #tpu.memory_space<vmem_shared>> -> memref<40x16xf32, #tpu.memory_space<vmem_shared>>
    %dma_wait3A_359 = arith.constant 0 : i32
    %dma_wait3A_360 = tpu.memref_slice %arg26[%add3A_356, %dma_wait3A_359] : memref<10240x16xf32, #tpu.memory_space<vmem_shared>> -> memref<40x16xf32, #tpu.memory_space<vmem_shared>>
    tpu.wait_dma2 semaphore(%arg28 : memref<!tpu.dma_semaphore, #tpu.memory_space<semaphore_mem>>) src(%arg24 : memref<40x16xf32, #tpu.memory_space<vmem>>) dst(%dma_wait3A_360 : memref<40x16xf32, #tpu.memory_space<vmem_shared>>)
    %add3A_361 = arith.constant 520 : i32
    %add3A_362 = arith.addi %multiple_of3A, %add3A_361 : i32
    %dma_wait3A_363 = arith.constant 0 : i32
    %dma_wait3A_364 = tpu.memref_slice %arg25[%add3A_362, %dma_wait3A_363] : memref<10240x128xf32, #tpu.memory_space<vmem_shared>> -> memref<40x128xf32, #tpu.memory_space<vmem_shared>>
    %dma_wait3A_365 = arith.constant 0 : i32
    %dma_wait3A_366 = tpu.memref_slice %arg25[%add3A_362, %dma_wait3A_365] : memref<10240x128xf32, #tpu.memory_space<vmem_shared>> -> memref<40x128xf32, #tpu.memory_space<vmem_shared>>
    tpu.wait_dma2 semaphore(%arg27 : memref<!tpu.dma_semaphore, #tpu.memory_space<semaphore_mem>>) src(%arg14 : memref<40x128xf32, #tpu.memory_space<vmem>>) dst(%dma_wait3A_366 : memref<40x128xf32, #tpu.memory_space<vmem_shared>>)
    %add3A_367 = arith.constant 520 : i32
    %add3A_368 = arith.addi %multiple_of3A, %add3A_367 : i32
    %dma_wait3A_369 = arith.constant 0 : i32
    %dma_wait3A_370 = tpu.memref_slice %arg26[%add3A_368, %dma_wait3A_369] : memref<10240x16xf32, #tpu.memory_space<vmem_shared>> -> memref<40x16xf32, #tpu.memory_space<vmem_shared>>
    %dma_wait3A_371 = arith.constant 0 : i32
    %dma_wait3A_372 = tpu.memref_slice %arg26[%add3A_368, %dma_wait3A_371] : memref<10240x16xf32, #tpu.memory_space<vmem_shared>> -> memref<40x16xf32, #tpu.memory_space<vmem_shared>>
    tpu.wait_dma2 semaphore(%arg28 : memref<!tpu.dma_semaphore, #tpu.memory_space<semaphore_mem>>) src(%arg24 : memref<40x16xf32, #tpu.memory_space<vmem>>) dst(%dma_wait3A_372 : memref<40x16xf32, #tpu.memory_space<vmem_shared>>)
    %add3A_373 = arith.constant 560 : i32
    %add3A_374 = arith.addi %multiple_of3A, %add3A_373 : i32
    %dma_wait3A_375 = arith.constant 0 : i32
    %dma_wait3A_376 = tpu.memref_slice %arg25[%add3A_374, %dma_wait3A_375] : memref<10240x128xf32, #tpu.memory_space<vmem_shared>> -> memref<40x128xf32, #tpu.memory_space<vmem_shared>>
    %dma_wait3A_377 = arith.constant 0 : i32
    %dma_wait3A_378 = tpu.memref_slice %arg25[%add3A_374, %dma_wait3A_377] : memref<10240x128xf32, #tpu.memory_space<vmem_shared>> -> memref<40x128xf32, #tpu.memory_space<vmem_shared>>
    tpu.wait_dma2 semaphore(%arg27 : memref<!tpu.dma_semaphore, #tpu.memory_space<semaphore_mem>>) src(%arg14 : memref<40x128xf32, #tpu.memory_space<vmem>>) dst(%dma_wait3A_378 : memref<40x128xf32, #tpu.memory_space<vmem_shared>>)
    %add3A_379 = arith.constant 560 : i32
    %add3A_380 = arith.addi %multiple_of3A, %add3A_379 : i32
    %dma_wait3A_381 = arith.constant 0 : i32
    %dma_wait3A_382 = tpu.memref_slice %arg26[%add3A_380, %dma_wait3A_381] : memref<10240x16xf32, #tpu.memory_space<vmem_shared>> -> memref<40x16xf32, #tpu.memory_space<vmem_shared>>
    %dma_wait3A_383 = arith.constant 0 : i32
    %dma_wait3A_384 = tpu.memref_slice %arg26[%add3A_380, %dma_wait3A_383] : memref<10240x16xf32, #tpu.memory_space<vmem_shared>> -> memref<40x16xf32, #tpu.memory_space<vmem_shared>>
    tpu.wait_dma2 semaphore(%arg28 : memref<!tpu.dma_semaphore, #tpu.memory_space<semaphore_mem>>) src(%arg24 : memref<40x16xf32, #tpu.memory_space<vmem>>) dst(%dma_wait3A_384 : memref<40x16xf32, #tpu.memory_space<vmem_shared>>)
    %add3A_385 = arith.constant 600 : i32
    %add3A_386 = arith.addi %multiple_of3A, %add3A_385 : i32
    %dma_wait3A_387 = arith.constant 0 : i32
    %dma_wait3A_388 = tpu.memref_slice %arg25[%add3A_386, %dma_wait3A_387] : memref<10240x128xf32, #tpu.memory_space<vmem_shared>> -> memref<40x128xf32, #tpu.memory_space<vmem_shared>>
    %dma_wait3A_389 = arith.constant 0 : i32
    %dma_wait3A_390 = tpu.memref_slice %arg25[%add3A_386, %dma_wait3A_389] : memref<10240x128xf32, #tpu.memory_space<vmem_shared>> -> memref<40x128xf32, #tpu.memory_space<vmem_shared>>
    tpu.wait_dma2 semaphore(%arg27 : memref<!tpu.dma_semaphore, #tpu.memory_space<semaphore_mem>>) src(%arg14 : memref<40x128xf32, #tpu.memory_space<vmem>>) dst(%dma_wait3A_390 : memref<40x128xf32, #tpu.memory_space<vmem_shared>>)
    %add3A_391 = arith.constant 600 : i32
    %add3A_392 = arith.addi %multiple_of3A, %add3A_391 : i32
    %dma_wait3A_393 = arith.constant 0 : i32
    %dma_wait3A_394 = tpu.memref_slice %arg26[%add3A_392, %dma_wait3A_393] : memref<10240x16xf32, #tpu.memory_space<vmem_shared>> -> memref<40x16xf32, #tpu.memory_space<vmem_shared>>
    %dma_wait3A_395 = arith.constant 0 : i32
    %dma_wait3A_396 = tpu.memref_slice %arg26[%add3A_392, %dma_wait3A_395] : memref<10240x16xf32, #tpu.memory_space<vmem_shared>> -> memref<40x16xf32, #tpu.memory_space<vmem_shared>>
    tpu.wait_dma2 semaphore(%arg28 : memref<!tpu.dma_semaphore, #tpu.memory_space<semaphore_mem>>) src(%arg24 : memref<40x16xf32, #tpu.memory_space<vmem>>) dst(%dma_wait3A_396 : memref<40x16xf32, #tpu.memory_space<vmem_shared>>)
    %barrier3A = arith.constant 0 : index
    tpu.barrier barrier_id(%barrier3A)
    %add3A_397 = arith.constant 0 : i32
    %add3A_398 = arith.addi %mul3A_2, %add3A_397 : i32
    %multiple_of3A_399 = tpu.assume_multiple %add3A_398, 40 : i32
    %dma_start3A_400 = tpu.memref_slice %arg5[%multiple_of3A_399] : memref<320000xi32, #tpu.memory_space<hbm>> -> memref<40xi32, #tpu.memory_space<hbm>>
    %dma_start3A_401 = tpu.memref_slice %arg5[%multiple_of3A_399] : memref<320000xi32, #tpu.memory_space<hbm>> -> memref<40xi32, #tpu.memory_space<hbm>>
    tpu.enqueue_dma source(%dma_start3A_401 : memref<40xi32, #tpu.memory_space<hbm>>) target(%arg9 : memref<40xi32, #tpu.memory_space<vmem>>) target_semaphore(%arg28 : memref<!tpu.dma_semaphore, #tpu.memory_space<semaphore_mem>>)
    %dma_start3A_402 = tpu.memref_slice %arg6[%multiple_of3A_399] : memref<320000xi32, #tpu.memory_space<hbm>> -> memref<40xi32, #tpu.memory_space<hbm>>
    %dma_start3A_403 = tpu.memref_slice %arg6[%multiple_of3A_399] : memref<320000xi32, #tpu.memory_space<hbm>> -> memref<40xi32, #tpu.memory_space<hbm>>
    tpu.enqueue_dma source(%dma_start3A_403 : memref<40xi32, #tpu.memory_space<hbm>>) target(%arg10 : memref<40xi32, #tpu.memory_space<vmem>>) target_semaphore(%arg28 : memref<!tpu.dma_semaphore, #tpu.memory_space<semaphore_mem>>)
    %dma_wait3A_404 = arith.constant 0 : i32
    %dma_wait3A_405 = tpu.memref_slice %arg5[%dma_wait3A_404] : memref<320000xi32, #tpu.memory_space<hbm>> -> memref<40xi32, #tpu.memory_space<hbm>>
    %dma_wait3A_406 = arith.constant 0 : i32
    %dma_wait3A_407 = tpu.memref_slice %arg5[%dma_wait3A_406] : memref<320000xi32, #tpu.memory_space<hbm>> -> memref<40xi32, #tpu.memory_space<hbm>>
    tpu.wait_dma2 semaphore(%arg28 : memref<!tpu.dma_semaphore, #tpu.memory_space<semaphore_mem>>) src(%dma_wait3A_407 : memref<40xi32, #tpu.memory_space<hbm>>) dst(%arg9 : memref<40xi32, #tpu.memory_space<vmem>>)
    %dma_wait3A_408 = arith.constant 0 : i32
    %dma_wait3A_409 = tpu.memref_slice %arg6[%dma_wait3A_408] : memref<320000xi32, #tpu.memory_space<hbm>> -> memref<40xi32, #tpu.memory_space<hbm>>
    %dma_wait3A_410 = arith.constant 0 : i32
    %dma_wait3A_411 = tpu.memref_slice %arg6[%dma_wait3A_410] : memref<320000xi32, #tpu.memory_space<hbm>> -> memref<40xi32, #tpu.memory_space<hbm>>
    tpu.wait_dma2 semaphore(%arg28 : memref<!tpu.dma_semaphore, #tpu.memory_space<semaphore_mem>>) src(%dma_wait3A_411 : memref<40xi32, #tpu.memory_space<hbm>>) dst(%arg10 : memref<40xi32, #tpu.memory_space<vmem>>)
    %add3A_412 = arith.constant 0 : i32
    %add3A_413 = arith.addi %mul3A_2, %add3A_412 : i32
    %multiple_of3A_414 = tpu.assume_multiple %add3A_413, 40 : i32
    %add3A_415 = arith.constant 0 : i32
    %add3A_416 = arith.addi %mul3A_4, %add3A_415 : i32
    %multiple_of3A_417 = tpu.assume_multiple %add3A_416, 20 : i32
    %dma_start3A_418 = arith.constant 0 : i32
    %dma_start3A_419 = tpu.memref_slice %arg4[%multiple_of3A_417, %dma_start3A_418] : memref<160000x128xi32, #tpu.memory_space<hbm>> -> memref<20x128xi32, #tpu.memory_space<hbm>>
    %dma_start3A_420 = arith.constant 0 : i32
    %dma_start3A_421 = tpu.memref_slice %arg4[%multiple_of3A_417, %dma_start3A_420] : memref<160000x128xi32, #tpu.memory_space<hbm>> -> memref<20x128xi32, #tpu.memory_space<hbm>>
    tpu.enqueue_dma source(%dma_start3A_421 : memref<20x128xi32, #tpu.memory_space<hbm>>) target(%arg13 : memref<20x128xi32, #tpu.memory_space<vmem>>) target_semaphore(%arg27 : memref<!tpu.dma_semaphore, #tpu.memory_space<semaphore_mem>>)
    %dma_start3A_422 = arith.constant 0 : i32
    %dma_start3A_423 = arith.constant 0 : i32
    %dma_start3A_424 = tpu.memref_slice %arg2[%dma_start3A_422, %dma_start3A_423] : memref<10000x128xf32, #tpu.memory_space<hbm>> -> memref<10000x128xf32, #tpu.memory_space<hbm>>
    tpu.enqueue_indirect_dma source(%dma_start3A_424 : memref<10000x128xf32, #tpu.memory_space<hbm>>) target(%arg11 : memref<40x128xf32, #tpu.memory_space<vmem>>) offsets(%arg9 : memref<40xi32, #tpu.memory_space<vmem>>) semaphore(%arg27 : memref<!tpu.dma_semaphore, #tpu.memory_space<semaphore_mem>>)
    %dma_start3A_425 = arith.constant 0 : i32
    %dma_start3A_426 = arith.constant 0 : i32
    %dma_start3A_427 = tpu.memref_slice %arg3[%dma_start3A_425, %dma_start3A_426] : memref<10000x128xf32, #tpu.memory_space<hbm>> -> memref<10000x128xf32, #tpu.memory_space<hbm>>
    tpu.enqueue_indirect_dma source(%dma_start3A_427 : memref<10000x128xf32, #tpu.memory_space<hbm>>) target(%arg12 : memref<40x128xf32, #tpu.memory_space<vmem>>) offsets(%arg10 : memref<40xi32, #tpu.memory_space<vmem>>) semaphore(%arg27 : memref<!tpu.dma_semaphore, #tpu.memory_space<semaphore_mem>>)
    %add3A_428 = arith.constant 40 : i32
    %add3A_429 = arith.addi %mul3A_2, %add3A_428 : i32
    %multiple_of3A_430 = tpu.assume_multiple %add3A_429, 40 : i32
    %dma_start3A_431 = tpu.memref_slice %arg5[%multiple_of3A_430] : memref<320000xi32, #tpu.memory_space<hbm>> -> memref<40xi32, #tpu.memory_space<hbm>>
    %dma_start3A_432 = tpu.memref_slice %arg5[%multiple_of3A_430] : memref<320000xi32, #tpu.memory_space<hbm>> -> memref<40xi32, #tpu.memory_space<hbm>>
    tpu.enqueue_dma source(%dma_start3A_432 : memref<40xi32, #tpu.memory_space<hbm>>) target(%arg15 : memref<40xi32, #tpu.memory_space<vmem>>) target_semaphore(%arg30 : memref<!tpu.dma_semaphore, #tpu.memory_space<semaphore_mem>>)
    %dma_start3A_433 = tpu.memref_slice %arg6[%multiple_of3A_430] : memref<320000xi32, #tpu.memory_space<hbm>> -> memref<40xi32, #tpu.memory_space<hbm>>
    %dma_start3A_434 = tpu.memref_slice %arg6[%multiple_of3A_430] : memref<320000xi32, #tpu.memory_space<hbm>> -> memref<40xi32, #tpu.memory_space<hbm>>
    tpu.enqueue_dma source(%dma_start3A_434 : memref<40xi32, #tpu.memory_space<hbm>>) target(%arg16 : memref<40xi32, #tpu.memory_space<vmem>>) target_semaphore(%arg30 : memref<!tpu.dma_semaphore, #tpu.memory_space<semaphore_mem>>)
    %scan3A_435 = arith.constant 0 : i32
    %scan3A_436 = arith.constant 0 : i32
    %scan3A_437 = arith.constant 125 : i32
    %scan3A_438 = arith.addi %scan3A_436, %scan3A_437 : i32
    %scan3A_439 = arith.constant 1 : i32
    scf.for %scan3A_468 = %scan3A_436 to %scan3A_438 step %scan3A_439  : i32 {
      %mul3A_469 = arith.constant 2 : i32
      %mul3A_470 = arith.muli %mul3A_469, %scan3A_468 : i32
      %add3A_471 = arith.constant 0 : i32
      %add3A_472 = arith.addi %mul3A_470, %add3A_471 : i32
      %mul3A_473 = arith.constant 40 : i32
      %mul3A_474 = arith.muli %add3A_472, %mul3A_473 : i32
      %add3A_475 = arith.addi %mul3A_2, %mul3A_474 : i32
      %multiple_of3A_476 = tpu.assume_multiple %add3A_475, 40 : i32
      %dma_start3A_477 = tpu.memref_slice %arg6[%multiple_of3A_476] : memref<320000xi32, #tpu.memory_space<hbm>> -> memref<40xi32, #tpu.memory_space<hbm>>
      %dma_start3A_478 = tpu.memref_slice %arg6[%multiple_of3A_476] : memref<320000xi32, #tpu.memory_space<hbm>> -> memref<40xi32, #tpu.memory_space<hbm>>
      tpu.enqueue_dma source(%dma_start3A_478 : memref<40xi32, #tpu.memory_space<hbm>>) target(%arg21 : memref<40xi32, #tpu.memory_space<vmem>>) target_semaphore(%arg32 : memref<!tpu.dma_semaphore, #tpu.memory_space<semaphore_mem>>)
      %add3A_479 = arith.constant 1 : i32
      %add3A_480 = arith.addi %add3A_472, %add3A_479 : i32
      %lt3A = arith.constant 250 : i32
      %lt3A_481 = arith.cmpi slt, %add3A_480, %lt3A : i32
      %convert_element_type3A = arith.extui %lt3A_481 : i1 to i32
      %cond3A = arith.constant 0 : i32
      %cond3A_482 = arith.cmpi ne, %convert_element_type3A, %cond3A : i32
      scf.if %cond3A_482 {
        %dma_wait3A_572 = arith.constant 0 : i32
        %dma_wait3A_573 = tpu.memref_slice %arg5[%dma_wait3A_572] : memref<320000xi32, #tpu.memory_space<hbm>> -> memref<40xi32, #tpu.memory_space<hbm>>
        %dma_wait3A_574 = arith.constant 0 : i32
        %dma_wait3A_575 = tpu.memref_slice %arg5[%dma_wait3A_574] : memref<320000xi32, #tpu.memory_space<hbm>> -> memref<40xi32, #tpu.memory_space<hbm>>
        tpu.wait_dma2 semaphore(%arg30 : memref<!tpu.dma_semaphore, #tpu.memory_space<semaphore_mem>>) src(%dma_wait3A_575 : memref<40xi32, #tpu.memory_space<hbm>>) dst(%arg15 : memref<40xi32, #tpu.memory_space<vmem>>)
        %dma_wait3A_576 = arith.constant 0 : i32
        %dma_wait3A_577 = tpu.memref_slice %arg6[%dma_wait3A_576] : memref<320000xi32, #tpu.memory_space<hbm>> -> memref<40xi32, #tpu.memory_space<hbm>>
        %dma_wait3A_578 = arith.constant 0 : i32
        %dma_wait3A_579 = tpu.memref_slice %arg6[%dma_wait3A_578] : memref<320000xi32, #tpu.memory_space<hbm>> -> memref<40xi32, #tpu.memory_space<hbm>>
        tpu.wait_dma2 semaphore(%arg30 : memref<!tpu.dma_semaphore, #tpu.memory_space<semaphore_mem>>) src(%dma_wait3A_579 : memref<40xi32, #tpu.memory_space<hbm>>) dst(%arg16 : memref<40xi32, #tpu.memory_space<vmem>>)
        %add3A_580 = arith.constant 1 : i32
        %add3A_581 = arith.addi %add3A_472, %add3A_580 : i32
        %mul3A_582 = arith.constant 40 : i32
        %mul3A_583 = arith.muli %add3A_581, %mul3A_582 : i32
        %add3A_584 = arith.addi %mul3A_2, %mul3A_583 : i32
        %multiple_of3A_585 = tpu.assume_multiple %add3A_584, 40 : i32
        %mul3A_586 = arith.constant 20 : i32
        %mul3A_587 = arith.muli %add3A_581, %mul3A_586 : i32
        %add3A_588 = arith.addi %mul3A_4, %mul3A_587 : i32
        %multiple_of3A_589 = tpu.assume_multiple %add3A_588, 20 : i32
        %dma_start3A_590 = arith.constant 0 : i32
        %dma_start3A_591 = tpu.memref_slice %arg4[%multiple_of3A_589, %dma_start3A_590] : memref<160000x128xi32, #tpu.memory_space<hbm>> -> memref<20x128xi32, #tpu.memory_space<hbm>>
        %dma_start3A_592 = arith.constant 0 : i32
        %dma_start3A_593 = tpu.memref_slice %arg4[%multiple_of3A_589, %dma_start3A_592] : memref<160000x128xi32, #tpu.memory_space<hbm>> -> memref<20x128xi32, #tpu.memory_space<hbm>>
        tpu.enqueue_dma source(%dma_start3A_593 : memref<20x128xi32, #tpu.memory_space<hbm>>) target(%arg19 : memref<20x128xi32, #tpu.memory_space<vmem>>) target_semaphore(%arg29 : memref<!tpu.dma_semaphore, #tpu.memory_space<semaphore_mem>>)
        %dma_start3A_594 = arith.constant 0 : i32
        %dma_start3A_595 = arith.constant 0 : i32
        %dma_start3A_596 = tpu.memref_slice %arg2[%dma_start3A_594, %dma_start3A_595] : memref<10000x128xf32, #tpu.memory_space<hbm>> -> memref<10000x128xf32, #tpu.memory_space<hbm>>
        tpu.enqueue_indirect_dma source(%dma_start3A_596 : memref<10000x128xf32, #tpu.memory_space<hbm>>) target(%arg17 : memref<40x128xf32, #tpu.memory_space<vmem>>) offsets(%arg15 : memref<40xi32, #tpu.memory_space<vmem>>) semaphore(%arg29 : memref<!tpu.dma_semaphore, #tpu.memory_space<semaphore_mem>>)
        %dma_start3A_597 = arith.constant 0 : i32
        %dma_start3A_598 = arith.constant 0 : i32
        %dma_start3A_599 = tpu.memref_slice %arg3[%dma_start3A_597, %dma_start3A_598] : memref<10000x128xf32, #tpu.memory_space<hbm>> -> memref<10000x128xf32, #tpu.memory_space<hbm>>
        tpu.enqueue_indirect_dma source(%dma_start3A_599 : memref<10000x128xf32, #tpu.memory_space<hbm>>) target(%arg18 : memref<40x128xf32, #tpu.memory_space<vmem>>) offsets(%arg16 : memref<40xi32, #tpu.memory_space<vmem>>) semaphore(%arg29 : memref<!tpu.dma_semaphore, #tpu.memory_space<semaphore_mem>>)
      } else {
      }
      %dma_wait3A_483 = arith.constant 0 : i32
      %dma_wait3A_484 = arith.constant 0 : i32
      %dma_wait3A_485 = tpu.memref_slice %arg4[%dma_wait3A_483, %dma_wait3A_484] : memref<160000x128xi32, #tpu.memory_space<hbm>> -> memref<20x128xi32, #tpu.memory_space<hbm>>
      %dma_wait3A_486 = arith.constant 0 : i32
      %dma_wait3A_487 = arith.constant 0 : i32
      %dma_wait3A_488 = tpu.memref_slice %arg4[%dma_wait3A_486, %dma_wait3A_487] : memref<160000x128xi32, #tpu.memory_space<hbm>> -> memref<20x128xi32, #tpu.memory_space<hbm>>
      tpu.wait_dma2 semaphore(%arg27 : memref<!tpu.dma_semaphore, #tpu.memory_space<semaphore_mem>>) src(%dma_wait3A_488 : memref<20x128xi32, #tpu.memory_space<hbm>>) dst(%arg13 : memref<20x128xi32, #tpu.memory_space<vmem>>)
      %dma_wait3A_489 = arith.constant 0 : i32
      %dma_wait3A_490 = arith.constant 0 : i32
      %dma_wait3A_491 = tpu.memref_slice %arg2[%dma_wait3A_489, %dma_wait3A_490] : memref<10000x128xf32, #tpu.memory_space<hbm>> -> memref<10000x128xf32, #tpu.memory_space<hbm>>
      tpu.wait_indirect_dma semaphore(%arg27 : memref<!tpu.dma_semaphore, #tpu.memory_space<semaphore_mem>>) src(%dma_wait3A_491 : memref<10000x128xf32, #tpu.memory_space<hbm>>) dst(%arg11 : memref<40x128xf32, #tpu.memory_space<vmem>>)
      %dma_wait3A_492 = arith.constant 0 : i32
      %dma_wait3A_493 = arith.constant 0 : i32
      %dma_wait3A_494 = tpu.memref_slice %arg3[%dma_wait3A_492, %dma_wait3A_493] : memref<10000x128xf32, #tpu.memory_space<hbm>> -> memref<10000x128xf32, #tpu.memory_space<hbm>>
      tpu.wait_indirect_dma semaphore(%arg27 : memref<!tpu.dma_semaphore, #tpu.memory_space<semaphore_mem>>) src(%dma_wait3A_494 : memref<10000x128xf32, #tpu.memory_space<hbm>>) dst(%arg12 : memref<40x128xf32, #tpu.memory_space<vmem>>)
      %ge3A = arith.constant 1 : i32
      %ge3A_495 = arith.cmpi sge, %add3A_472, %ge3A : i32
      %convert_element_type3A_496 = arith.extui %ge3A_495 : i1 to i32
      %cond3A_497 = arith.constant 0 : i32
      %cond3A_498 = arith.cmpi ne, %convert_element_type3A_496, %cond3A_497 : i32
      scf.if %cond3A_498 {
        %dma_wait3A_572 = arith.constant 0 : i32
        %dma_wait3A_573 = arith.constant 0 : i32
        %dma_wait3A_574 = tpu.memref_slice %arg25[%dma_wait3A_572, %dma_wait3A_573] : memref<10240x128xf32, #tpu.memory_space<vmem_shared>> -> memref<10240x128xf32, #tpu.memory_space<vmem_shared>>
        tpu.wait_indirect_dma semaphore(%arg33 : memref<!tpu.dma_semaphore, #tpu.memory_space<semaphore_mem>>) src(%arg20 : memref<40x128xf32, #tpu.memory_space<vmem>>) dst(%dma_wait3A_574 : memref<10240x128xf32, #tpu.memory_space<vmem_shared>>)
        %dma_wait3A_575 = arith.constant 0 : i32
        %dma_wait3A_576 = arith.constant 0 : i32
        %dma_wait3A_577 = tpu.memref_slice %arg26[%dma_wait3A_575, %dma_wait3A_576] : memref<10240x16xf32, #tpu.memory_space<vmem_shared>> -> memref<10240x16xf32, #tpu.memory_space<vmem_shared>>
        tpu.wait_indirect_dma semaphore(%arg33 : memref<!tpu.dma_semaphore, #tpu.memory_space<semaphore_mem>>) src(%arg23 : memref<40x16xf32, #tpu.memory_space<vmem>>) dst(%dma_wait3A_577 : memref<10240x16xf32, #tpu.memory_space<vmem_shared>>)
      } else {
      }
      %parallel_loop3A = arith.constant 0 : i32
      %parallel_loop3A_499 = arith.constant 20 : i32
      %parallel_loop3A_500 = arith.constant 1 : i32
      scf.for %parallel_loop3A_572 = %parallel_loop3A to %parallel_loop3A_499 step %parallel_loop3A_500  : i32 {
        %parallel_loop3A_573 = arith.constant 2 : i32
        %parallel_loop3A_574 = arith.muli %parallel_loop3A_573, %parallel_loop3A_572 : i32
        %parallel_loop3A_575 = arith.constant 1 : i32
        %parallel_loop3A_576 = arith.addi %parallel_loop3A_574, %parallel_loop3A_575 : i32
        %parallel_loop3A_577 = arith.index_cast %parallel_loop3A_572 : i32 to index
        %parallel_loop3A_578 = arith.constant 0 : index
        %parallel_loop3A_579 = tpu.vector_load %arg13[%parallel_loop3A_577, %parallel_loop3A_578] {strides = array<i32>} : memref<20x128xi32, #tpu.memory_space<vmem>>, vector<16xi32>,
        %parallel_loop3A_580 = vector.bitcast %parallel_loop3A_579 : vector<16xi32> to vector<32xbf16>
        %parallel_loop3A_581 = tpu.unpack_subelements %parallel_loop3A_580, 0 {pack_format = #tpu.pack_format<interleaved>} : vector<32xbf16> -> vector<16xf32>
        %parallel_loop3A_582 = tpu.unpack_subelements %parallel_loop3A_580, 1 {pack_format = #tpu.pack_format<interleaved>} : vector<32xbf16> -> vector<16xf32>
        %parallel_loop3A_583 = arith.index_cast %parallel_loop3A_574 : i32 to index
        %parallel_loop3A_584 = arith.constant 0 : index
        %parallel_loop3A_585 = tpu.vector_load %arg11[%parallel_loop3A_583, %parallel_loop3A_584] {strides = array<i32>} : memref<40x128xf32, #tpu.memory_space<vmem>>, vector<16xf32>,
        %parallel_loop3A_586 = arith.index_cast %parallel_loop3A_574 : i32 to index
        %parallel_loop3A_587 = arith.constant 0 : index
        %parallel_loop3A_588 = tpu.vector_load %arg12[%parallel_loop3A_586, %parallel_loop3A_587] {strides = array<i32>} : memref<40x128xf32, #tpu.memory_space<vmem>>, vector<16xf32>,
        %parallel_loop3A_589 = arith.addf %parallel_loop3A_585, %parallel_loop3A_588 : vector<16xf32>
        %parallel_loop3A_590 = arith.addf %parallel_loop3A_589, %parallel_loop3A_581 : vector<16xf32>
        %parallel_loop3A_591 = arith.constant 0.000000e+00 : f32
        %parallel_loop3A_592 = vector.broadcast %parallel_loop3A_591 : f32 to vector<16xf32>
        %parallel_loop3A_593 = arith.maximumf %parallel_loop3A_590, %parallel_loop3A_592 : vector<16xf32>
        %parallel_loop3A_594 = arith.index_cast %parallel_loop3A_574 : i32 to index
        %parallel_loop3A_595 = arith.constant 0 : index
        %parallel_loop3A_596 = tpu.vector_load %arg14[%parallel_loop3A_594, %parallel_loop3A_595] {strides = array<i32>} : memref<40x128xf32, #tpu.memory_space<vmem>>, vector<16xf32>,
        tpu.vector_store %arg14[%parallel_loop3A_594, %parallel_loop3A_595], %parallel_loop3A_593 {strides = array<i32>} : memref<40x128xf32, #tpu.memory_space<vmem>>, vector<16xf32>,
        %parallel_loop3A_597 = arith.index_cast %parallel_loop3A_576 : i32 to index
        %parallel_loop3A_598 = arith.constant 0 : index
        %parallel_loop3A_599 = tpu.vector_load %arg11[%parallel_loop3A_597, %parallel_loop3A_598] {strides = array<i32>} : memref<40x128xf32, #tpu.memory_space<vmem>>, vector<16xf32>,
        %parallel_loop3A_600 = arith.index_cast %parallel_loop3A_576 : i32 to index
        %parallel_loop3A_601 = arith.constant 0 : index
        %parallel_loop3A_602 = tpu.vector_load %arg12[%parallel_loop3A_600, %parallel_loop3A_601] {strides = array<i32>} : memref<40x128xf32, #tpu.memory_space<vmem>>, vector<16xf32>,
        %parallel_loop3A_603 = arith.addf %parallel_loop3A_599, %parallel_loop3A_602 : vector<16xf32>
        %parallel_loop3A_604 = arith.addf %parallel_loop3A_603, %parallel_loop3A_582 : vector<16xf32>
        %parallel_loop3A_605 = arith.constant 0.000000e+00 : f32
        %parallel_loop3A_606 = vector.broadcast %parallel_loop3A_605 : f32 to vector<16xf32>
        %parallel_loop3A_607 = arith.maximumf %parallel_loop3A_604, %parallel_loop3A_606 : vector<16xf32>
        %parallel_loop3A_608 = arith.index_cast %parallel_loop3A_576 : i32 to index
        %parallel_loop3A_609 = arith.constant 0 : index
        %parallel_loop3A_610 = tpu.vector_load %arg14[%parallel_loop3A_608, %parallel_loop3A_609] {strides = array<i32>} : memref<40x128xf32, #tpu.memory_space<vmem>>, vector<16xf32>,
        tpu.vector_store %arg14[%parallel_loop3A_608, %parallel_loop3A_609], %parallel_loop3A_607 {strides = array<i32>} : memref<40x128xf32, #tpu.memory_space<vmem>>, vector<16xf32>,
        %parallel_loop3A_611 = arith.index_cast %parallel_loop3A_572 : i32 to index
        %parallel_loop3A_612 = arith.constant 16 : index
        %parallel_loop3A_613 = tpu.vector_load %arg13[%parallel_loop3A_611, %parallel_loop3A_612] {strides = array<i32>} : memref<20x128xi32, #tpu.memory_space<vmem>>, vector<16xi32>,
        %parallel_loop3A_614 = vector.bitcast %parallel_loop3A_613 : vector<16xi32> to vector<32xbf16>
        %parallel_loop3A_615 = tpu.unpack_subelements %parallel_loop3A_614, 0 {pack_format = #tpu.pack_format<interleaved>} : vector<32xbf16> -> vector<16xf32>
        %parallel_loop3A_616 = tpu.unpack_subelements %parallel_loop3A_614, 1 {pack_format = #tpu.pack_format<interleaved>} : vector<32xbf16> -> vector<16xf32>
        %parallel_loop3A_617 = arith.index_cast %parallel_loop3A_574 : i32 to index
        %parallel_loop3A_618 = arith.constant 16 : index
        %parallel_loop3A_619 = tpu.vector_load %arg11[%parallel_loop3A_617, %parallel_loop3A_618] {strides = array<i32>} : memref<40x128xf32, #tpu.memory_space<vmem>>, vector<16xf32>,
        %parallel_loop3A_620 = arith.index_cast %parallel_loop3A_574 : i32 to index
        %parallel_loop3A_621 = arith.constant 16 : index
        %parallel_loop3A_622 = tpu.vector_load %arg12[%parallel_loop3A_620, %parallel_loop3A_621] {strides = array<i32>} : memref<40x128xf32, #tpu.memory_space<vmem>>, vector<16xf32>,
        %parallel_loop3A_623 = arith.addf %parallel_loop3A_619, %parallel_loop3A_622 : vector<16xf32>
        %parallel_loop3A_624 = arith.addf %parallel_loop3A_623, %parallel_loop3A_615 : vector<16xf32>
        %parallel_loop3A_625 = arith.constant 0.000000e+00 : f32
        %parallel_loop3A_626 = vector.broadcast %parallel_loop3A_625 : f32 to vector<16xf32>
        %parallel_loop3A_627 = arith.maximumf %parallel_loop3A_624, %parallel_loop3A_626 : vector<16xf32>
        %parallel_loop3A_628 = arith.index_cast %parallel_loop3A_574 : i32 to index
        %parallel_loop3A_629 = arith.constant 16 : index
        %parallel_loop3A_630 = tpu.vector_load %arg14[%parallel_loop3A_628, %parallel_loop3A_629] {strides = array<i32>} : memref<40x128xf32, #tpu.memory_space<vmem>>, vector<16xf32>,
        tpu.vector_store %arg14[%parallel_loop3A_628, %parallel_loop3A_629], %parallel_loop3A_627 {strides = array<i32>} : memref<40x128xf32, #tpu.memory_space<vmem>>, vector<16xf32>,
        %parallel_loop3A_631 = arith.index_cast %parallel_loop3A_576 : i32 to index
        %parallel_loop3A_632 = arith.constant 16 : index
        %parallel_loop3A_633 = tpu.vector_load %arg11[%parallel_loop3A_631, %parallel_loop3A_632] {strides = array<i32>} : memref<40x128xf32, #tpu.memory_space<vmem>>, vector<16xf32>,
        %parallel_loop3A_634 = arith.index_cast %parallel_loop3A_576 : i32 to index
        %parallel_loop3A_635 = arith.constant 16 : index
        %parallel_loop3A_636 = tpu.vector_load %arg12[%parallel_loop3A_634, %parallel_loop3A_635] {strides = array<i32>} : memref<40x128xf32, #tpu.memory_space<vmem>>, vector<16xf32>,
        %parallel_loop3A_637 = arith.addf %parallel_loop3A_633, %parallel_loop3A_636 : vector<16xf32>
        %parallel_loop3A_638 = arith.addf %parallel_loop3A_637, %parallel_loop3A_616 : vector<16xf32>
        %parallel_loop3A_639 = arith.constant 0.000000e+00 : f32
        %parallel_loop3A_640 = vector.broadcast %parallel_loop3A_639 : f32 to vector<16xf32>
        %parallel_loop3A_641 = arith.maximumf %parallel_loop3A_638, %parallel_loop3A_640 : vector<16xf32>
        %parallel_loop3A_642 = arith.index_cast %parallel_loop3A_576 : i32 to index
        %parallel_loop3A_643 = arith.constant 16 : index
        %parallel_loop3A_644 = tpu.vector_load %arg14[%parallel_loop3A_642, %parallel_loop3A_643] {strides = array<i32>} : memref<40x128xf32, #tpu.memory_space<vmem>>, vector<16xf32>,
        tpu.vector_store %arg14[%parallel_loop3A_642, %parallel_loop3A_643], %parallel_loop3A_641 {strides = array<i32>} : memref<40x128xf32, #tpu.memory_space<vmem>>, vector<16xf32>,
        %parallel_loop3A_645 = arith.index_cast %parallel_loop3A_572 : i32 to index
        %parallel_loop3A_646 = arith.constant 32 : index
        %parallel_loop3A_647 = tpu.vector_load %arg13[%parallel_loop3A_645, %parallel_loop3A_646] {strides = array<i32>} : memref<20x128xi32, #tpu.memory_space<vmem>>, vector<16xi32>,
        %parallel_loop3A_648 = vector.bitcast %parallel_loop3A_647 : vector<16xi32> to vector<32xbf16>
        %parallel_loop3A_649 = tpu.unpack_subelements %parallel_loop3A_648, 0 {pack_format = #tpu.pack_format<interleaved>} : vector<32xbf16> -> vector<16xf32>
        %parallel_loop3A_650 = tpu.unpack_subelements %parallel_loop3A_648, 1 {pack_format = #tpu.pack_format<interleaved>} : vector<32xbf16> -> vector<16xf32>
        %parallel_loop3A_651 = arith.index_cast %parallel_loop3A_574 : i32 to index
        %parallel_loop3A_652 = arith.constant 32 : index
        %parallel_loop3A_653 = tpu.vector_load %arg11[%parallel_loop3A_651, %parallel_loop3A_652] {strides = array<i32>} : memref<40x128xf32, #tpu.memory_space<vmem>>, vector<16xf32>,
        %parallel_loop3A_654 = arith.index_cast %parallel_loop3A_574 : i32 to index
        %parallel_loop3A_655 = arith.constant 32 : index
        %parallel_loop3A_656 = tpu.vector_load %arg12[%parallel_loop3A_654, %parallel_loop3A_655] {strides = array<i32>} : memref<40x128xf32, #tpu.memory_space<vmem>>, vector<16xf32>,
        %parallel_loop3A_657 = arith.addf %parallel_loop3A_653, %parallel_loop3A_656 : vector<16xf32>
        %parallel_loop3A_658 = arith.addf %parallel_loop3A_657, %parallel_loop3A_649 : vector<16xf32>
        %parallel_loop3A_659 = arith.constant 0.000000e+00 : f32
        %parallel_loop3A_660 = vector.broadcast %parallel_loop3A_659 : f32 to vector<16xf32>
        %parallel_loop3A_661 = arith.maximumf %parallel_loop3A_658, %parallel_loop3A_660 : vector<16xf32>
        %parallel_loop3A_662 = arith.index_cast %parallel_loop3A_574 : i32 to index
        %parallel_loop3A_663 = arith.constant 32 : index
        %parallel_loop3A_664 = tpu.vector_load %arg14[%parallel_loop3A_662, %parallel_loop3A_663] {strides = array<i32>} : memref<40x128xf32, #tpu.memory_space<vmem>>, vector<16xf32>,
        tpu.vector_store %arg14[%parallel_loop3A_662, %parallel_loop3A_663], %parallel_loop3A_661 {strides = array<i32>} : memref<40x128xf32, #tpu.memory_space<vmem>>, vector<16xf32>,
        %parallel_loop3A_665 = arith.index_cast %parallel_loop3A_576 : i32 to index
        %parallel_loop3A_666 = arith.constant 32 : index
        %parallel_loop3A_667 = tpu.vector_load %arg11[%parallel_loop3A_665, %parallel_loop3A_666] {strides = array<i32>} : memref<40x128xf32, #tpu.memory_space<vmem>>, vector<16xf32>,
        %parallel_loop3A_668 = arith.index_cast %parallel_loop3A_576 : i32 to index
        %parallel_loop3A_669 = arith.constant 32 : index
        %parallel_loop3A_670 = tpu.vector_load %arg12[%parallel_loop3A_668, %parallel_loop3A_669] {strides = array<i32>} : memref<40x128xf32, #tpu.memory_space<vmem>>, vector<16xf32>,
        %parallel_loop3A_671 = arith.addf %parallel_loop3A_667, %parallel_loop3A_670 : vector<16xf32>
        %parallel_loop3A_672 = arith.addf %parallel_loop3A_671, %parallel_loop3A_650 : vector<16xf32>
        %parallel_loop3A_673 = arith.constant 0.000000e+00 : f32
        %parallel_loop3A_674 = vector.broadcast %parallel_loop3A_673 : f32 to vector<16xf32>
        %parallel_loop3A_675 = arith.maximumf %parallel_loop3A_672, %parallel_loop3A_674 : vector<16xf32>
        %parallel_loop3A_676 = arith.index_cast %parallel_loop3A_576 : i32 to index
        %parallel_loop3A_677 = arith.constant 32 : index
        %parallel_loop3A_678 = tpu.vector_load %arg14[%parallel_loop3A_676, %parallel_loop3A_677] {strides = array<i32>} : memref<40x128xf32, #tpu.memory_space<vmem>>, vector<16xf32>,
        tpu.vector_store %arg14[%parallel_loop3A_676, %parallel_loop3A_677], %parallel_loop3A_675 {strides = array<i32>} : memref<40x128xf32, #tpu.memory_space<vmem>>, vector<16xf32>,
        %parallel_loop3A_679 = arith.index_cast %parallel_loop3A_572 : i32 to index
        %parallel_loop3A_680 = arith.constant 48 : index
        %parallel_loop3A_681 = tpu.vector_load %arg13[%parallel_loop3A_679, %parallel_loop3A_680] {strides = array<i32>} : memref<20x128xi32, #tpu.memory_space<vmem>>, vector<16xi32>,
        %parallel_loop3A_682 = vector.bitcast %parallel_loop3A_681 : vector<16xi32> to vector<32xbf16>
        %parallel_loop3A_683 = tpu.unpack_subelements %parallel_loop3A_682, 0 {pack_format = #tpu.pack_format<interleaved>} : vector<32xbf16> -> vector<16xf32>
        %parallel_loop3A_684 = tpu.unpack_subelements %parallel_loop3A_682, 1 {pack_format = #tpu.pack_format<interleaved>} : vector<32xbf16> -> vector<16xf32>
        %parallel_loop3A_685 = arith.index_cast %parallel_loop3A_574 : i32 to index
        %parallel_loop3A_686 = arith.constant 48 : index
        %parallel_loop3A_687 = tpu.vector_load %arg11[%parallel_loop3A_685, %parallel_loop3A_686] {strides = array<i32>} : memref<40x128xf32, #tpu.memory_space<vmem>>, vector<16xf32>,
        %parallel_loop3A_688 = arith.index_cast %parallel_loop3A_574 : i32 to index
        %parallel_loop3A_689 = arith.constant 48 : index
        %parallel_loop3A_690 = tpu.vector_load %arg12[%parallel_loop3A_688, %parallel_loop3A_689] {strides = array<i32>} : memref<40x128xf32, #tpu.memory_space<vmem>>, vector<16xf32>,
        %parallel_loop3A_691 = arith.addf %parallel_loop3A_687, %parallel_loop3A_690 : vector<16xf32>
        %parallel_loop3A_692 = arith.addf %parallel_loop3A_691, %parallel_loop3A_683 : vector<16xf32>
        %parallel_loop3A_693 = arith.constant 0.000000e+00 : f32
        %parallel_loop3A_694 = vector.broadcast %parallel_loop3A_693 : f32 to vector<16xf32>
        %parallel_loop3A_695 = arith.maximumf %parallel_loop3A_692, %parallel_loop3A_694 : vector<16xf32>
        %parallel_loop3A_696 = arith.index_cast %parallel_loop3A_574 : i32 to index
        %parallel_loop3A_697 = arith.constant 48 : index
        %parallel_loop3A_698 = tpu.vector_load %arg14[%parallel_loop3A_696, %parallel_loop3A_697] {strides = array<i32>} : memref<40x128xf32, #tpu.memory_space<vmem>>, vector<16xf32>,
        tpu.vector_store %arg14[%parallel_loop3A_696, %parallel_loop3A_697], %parallel_loop3A_695 {strides = array<i32>} : memref<40x128xf32, #tpu.memory_space<vmem>>, vector<16xf32>,
        %parallel_loop3A_699 = arith.index_cast %parallel_loop3A_576 : i32 to index
        %parallel_loop3A_700 = arith.constant 48 : index
        %parallel_loop3A_701 = tpu.vector_load %arg11[%parallel_loop3A_699, %parallel_loop3A_700] {strides = array<i32>} : memref<40x128xf32, #tpu.memory_space<vmem>>, vector<16xf32>,
        %parallel_loop3A_702 = arith.index_cast %parallel_loop3A_576 : i32 to index
        %parallel_loop3A_703 = arith.constant 48 : index
        %parallel_loop3A_704 = tpu.vector_load %arg12[%parallel_loop3A_702, %parallel_loop3A_703] {strides = array<i32>} : memref<40x128xf32, #tpu.memory_space<vmem>>, vector<16xf32>,
        %parallel_loop3A_705 = arith.addf %parallel_loop3A_701, %parallel_loop3A_704 : vector<16xf32>
        %parallel_loop3A_706 = arith.addf %parallel_loop3A_705, %parallel_loop3A_684 : vector<16xf32>
        %parallel_loop3A_707 = arith.constant 0.000000e+00 : f32
        %parallel_loop3A_708 = vector.broadcast %parallel_loop3A_707 : f32 to vector<16xf32>
        %parallel_loop3A_709 = arith.maximumf %parallel_loop3A_706, %parallel_loop3A_708 : vector<16xf32>
        %parallel_loop3A_710 = arith.index_cast %parallel_loop3A_576 : i32 to index
        %parallel_loop3A_711 = arith.constant 48 : index
        %parallel_loop3A_712 = tpu.vector_load %arg14[%parallel_loop3A_710, %parallel_loop3A_711] {strides = array<i32>} : memref<40x128xf32, #tpu.memory_space<vmem>>, vector<16xf32>,
        tpu.vector_store %arg14[%parallel_loop3A_710, %parallel_loop3A_711], %parallel_loop3A_709 {strides = array<i32>} : memref<40x128xf32, #tpu.memory_space<vmem>>, vector<16xf32>,
        %parallel_loop3A_713 = arith.index_cast %parallel_loop3A_572 : i32 to index
        %parallel_loop3A_714 = arith.constant 64 : index
        %parallel_loop3A_715 = tpu.vector_load %arg13[%parallel_loop3A_713, %parallel_loop3A_714] {strides = array<i32>} : memref<20x128xi32, #tpu.memory_space<vmem>>, vector<16xi32>,
        %parallel_loop3A_716 = vector.bitcast %parallel_loop3A_715 : vector<16xi32> to vector<32xbf16>
        %parallel_loop3A_717 = tpu.unpack_subelements %parallel_loop3A_716, 0 {pack_format = #tpu.pack_format<interleaved>} : vector<32xbf16> -> vector<16xf32>
        %parallel_loop3A_718 = tpu.unpack_subelements %parallel_loop3A_716, 1 {pack_format = #tpu.pack_format<interleaved>} : vector<32xbf16> -> vector<16xf32>
        %parallel_loop3A_719 = arith.index_cast %parallel_loop3A_574 : i32 to index
        %parallel_loop3A_720 = arith.constant 64 : index
        %parallel_loop3A_721 = tpu.vector_load %arg11[%parallel_loop3A_719, %parallel_loop3A_720] {strides = array<i32>} : memref<40x128xf32, #tpu.memory_space<vmem>>, vector<16xf32>,
        %parallel_loop3A_722 = arith.index_cast %parallel_loop3A_574 : i32 to index
        %parallel_loop3A_723 = arith.constant 64 : index
        %parallel_loop3A_724 = tpu.vector_load %arg12[%parallel_loop3A_722, %parallel_loop3A_723] {strides = array<i32>} : memref<40x128xf32, #tpu.memory_space<vmem>>, vector<16xf32>,
        %parallel_loop3A_725 = arith.addf %parallel_loop3A_721, %parallel_loop3A_724 : vector<16xf32>
        %parallel_loop3A_726 = arith.addf %parallel_loop3A_725, %parallel_loop3A_717 : vector<16xf32>
        %parallel_loop3A_727 = arith.constant 0.000000e+00 : f32
        %parallel_loop3A_728 = vector.broadcast %parallel_loop3A_727 : f32 to vector<16xf32>
        %parallel_loop3A_729 = arith.maximumf %parallel_loop3A_726, %parallel_loop3A_728 : vector<16xf32>
        %parallel_loop3A_730 = arith.index_cast %parallel_loop3A_574 : i32 to index
        %parallel_loop3A_731 = arith.constant 64 : index
        %parallel_loop3A_732 = tpu.vector_load %arg14[%parallel_loop3A_730, %parallel_loop3A_731] {strides = array<i32>} : memref<40x128xf32, #tpu.memory_space<vmem>>, vector<16xf32>,
        tpu.vector_store %arg14[%parallel_loop3A_730, %parallel_loop3A_731], %parallel_loop3A_729 {strides = array<i32>} : memref<40x128xf32, #tpu.memory_space<vmem>>, vector<16xf32>,
        %parallel_loop3A_733 = arith.index_cast %parallel_loop3A_576 : i32 to index
        %parallel_loop3A_734 = arith.constant 64 : index
        %parallel_loop3A_735 = tpu.vector_load %arg11[%parallel_loop3A_733, %parallel_loop3A_734] {strides = array<i32>} : memref<40x128xf32, #tpu.memory_space<vmem>>, vector<16xf32>,
        %parallel_loop3A_736 = arith.index_cast %parallel_loop3A_576 : i32 to index
        %parallel_loop3A_737 = arith.constant 64 : index
        %parallel_loop3A_738 = tpu.vector_load %arg12[%parallel_loop3A_736, %parallel_loop3A_737] {strides = array<i32>} : memref<40x128xf32, #tpu.memory_space<vmem>>, vector<16xf32>,
        %parallel_loop3A_739 = arith.addf %parallel_loop3A_735, %parallel_loop3A_738 : vector<16xf32>
        %parallel_loop3A_740 = arith.addf %parallel_loop3A_739, %parallel_loop3A_718 : vector<16xf32>
        %parallel_loop3A_741 = arith.constant 0.000000e+00 : f32
        %parallel_loop3A_742 = vector.broadcast %parallel_loop3A_741 : f32 to vector<16xf32>
        %parallel_loop3A_743 = arith.maximumf %parallel_loop3A_740, %parallel_loop3A_742 : vector<16xf32>
        %parallel_loop3A_744 = arith.index_cast %parallel_loop3A_576 : i32 to index
        %parallel_loop3A_745 = arith.constant 64 : index
        %parallel_loop3A_746 = tpu.vector_load %arg14[%parallel_loop3A_744, %parallel_loop3A_745] {strides = array<i32>} : memref<40x128xf32, #tpu.memory_space<vmem>>, vector<16xf32>,
        tpu.vector_store %arg14[%parallel_loop3A_744, %parallel_loop3A_745], %parallel_loop3A_743 {strides = array<i32>} : memref<40x128xf32, #tpu.memory_space<vmem>>, vector<16xf32>,
        %parallel_loop3A_747 = arith.index_cast %parallel_loop3A_572 : i32 to index
        %parallel_loop3A_748 = arith.constant 80 : index
        %parallel_loop3A_749 = tpu.vector_load %arg13[%parallel_loop3A_747, %parallel_loop3A_748] {strides = array<i32>} : memref<20x128xi32, #tpu.memory_space<vmem>>, vector<16xi32>,
        %parallel_loop3A_750 = vector.bitcast %parallel_loop3A_749 : vector<16xi32> to vector<32xbf16>
        %parallel_loop3A_751 = tpu.unpack_subelements %parallel_loop3A_750, 0 {pack_format = #tpu.pack_format<interleaved>} : vector<32xbf16> -> vector<16xf32>
        %parallel_loop3A_752 = tpu.unpack_subelements %parallel_loop3A_750, 1 {pack_format = #tpu.pack_format<interleaved>} : vector<32xbf16> -> vector<16xf32>
        %parallel_loop3A_753 = arith.index_cast %parallel_loop3A_574 : i32 to index
        %parallel_loop3A_754 = arith.constant 80 : index
        %parallel_loop3A_755 = tpu.vector_load %arg11[%parallel_loop3A_753, %parallel_loop3A_754] {strides = array<i32>} : memref<40x128xf32, #tpu.memory_space<vmem>>, vector<16xf32>,
        %parallel_loop3A_756 = arith.index_cast %parallel_loop3A_574 : i32 to index
        %parallel_loop3A_757 = arith.constant 80 : index
        %parallel_loop3A_758 = tpu.vector_load %arg12[%parallel_loop3A_756, %parallel_loop3A_757] {strides = array<i32>} : memref<40x128xf32, #tpu.memory_space<vmem>>, vector<16xf32>,
        %parallel_loop3A_759 = arith.addf %parallel_loop3A_755, %parallel_loop3A_758 : vector<16xf32>
        %parallel_loop3A_760 = arith.addf %parallel_loop3A_759, %parallel_loop3A_751 : vector<16xf32>
        %parallel_loop3A_761 = arith.constant 0.000000e+00 : f32
        %parallel_loop3A_762 = vector.broadcast %parallel_loop3A_761 : f32 to vector<16xf32>
        %parallel_loop3A_763 = arith.maximumf %parallel_loop3A_760, %parallel_loop3A_762 : vector<16xf32>
        %parallel_loop3A_764 = arith.index_cast %parallel_loop3A_574 : i32 to index
        %parallel_loop3A_765 = arith.constant 80 : index
        %parallel_loop3A_766 = tpu.vector_load %arg14[%parallel_loop3A_764, %parallel_loop3A_765] {strides = array<i32>} : memref<40x128xf32, #tpu.memory_space<vmem>>, vector<16xf32>,
        tpu.vector_store %arg14[%parallel_loop3A_764, %parallel_loop3A_765], %parallel_loop3A_763 {strides = array<i32>} : memref<40x128xf32, #tpu.memory_space<vmem>>, vector<16xf32>,
        %parallel_loop3A_767 = arith.index_cast %parallel_loop3A_576 : i32 to index
        %parallel_loop3A_768 = arith.constant 80 : index
        %parallel_loop3A_769 = tpu.vector_load %arg11[%parallel_loop3A_767, %parallel_loop3A_768] {strides = array<i32>} : memref<40x128xf32, #tpu.memory_space<vmem>>, vector<16xf32>,
        %parallel_loop3A_770 = arith.index_cast %parallel_loop3A_576 : i32 to index
        %parallel_loop3A_771 = arith.constant 80 : index
        %parallel_loop3A_772 = tpu.vector_load %arg12[%parallel_loop3A_770, %parallel_loop3A_771] {strides = array<i32>} : memref<40x128xf32, #tpu.memory_space<vmem>>, vector<16xf32>,
        %parallel_loop3A_773 = arith.addf %parallel_loop3A_769, %parallel_loop3A_772 : vector<16xf32>
        %parallel_loop3A_774 = arith.addf %parallel_loop3A_773, %parallel_loop3A_752 : vector<16xf32>
        %parallel_loop3A_775 = arith.constant 0.000000e+00 : f32
        %parallel_loop3A_776 = vector.broadcast %parallel_loop3A_775 : f32 to vector<16xf32>
        %parallel_loop3A_777 = arith.maximumf %parallel_loop3A_774, %parallel_loop3A_776 : vector<16xf32>
        %parallel_loop3A_778 = arith.index_cast %parallel_loop3A_576 : i32 to index
        %parallel_loop3A_779 = arith.constant 80 : index
        %parallel_loop3A_780 = tpu.vector_load %arg14[%parallel_loop3A_778, %parallel_loop3A_779] {strides = array<i32>} : memref<40x128xf32, #tpu.memory_space<vmem>>, vector<16xf32>,
        tpu.vector_store %arg14[%parallel_loop3A_778, %parallel_loop3A_779], %parallel_loop3A_777 {strides = array<i32>} : memref<40x128xf32, #tpu.memory_space<vmem>>, vector<16xf32>,
        %parallel_loop3A_781 = arith.index_cast %parallel_loop3A_572 : i32 to index
        %parallel_loop3A_782 = arith.constant 96 : index
        %parallel_loop3A_783 = tpu.vector_load %arg13[%parallel_loop3A_781, %parallel_loop3A_782] {strides = array<i32>} : memref<20x128xi32, #tpu.memory_space<vmem>>, vector<16xi32>,
        %parallel_loop3A_784 = vector.bitcast %parallel_loop3A_783 : vector<16xi32> to vector<32xbf16>
        %parallel_loop3A_785 = tpu.unpack_subelements %parallel_loop3A_784, 0 {pack_format = #tpu.pack_format<interleaved>} : vector<32xbf16> -> vector<16xf32>
        %parallel_loop3A_786 = tpu.unpack_subelements %parallel_loop3A_784, 1 {pack_format = #tpu.pack_format<interleaved>} : vector<32xbf16> -> vector<16xf32>
        %parallel_loop3A_787 = arith.index_cast %parallel_loop3A_574 : i32 to index
        %parallel_loop3A_788 = arith.constant 96 : index
        %parallel_loop3A_789 = tpu.vector_load %arg11[%parallel_loop3A_787, %parallel_loop3A_788] {strides = array<i32>} : memref<40x128xf32, #tpu.memory_space<vmem>>, vector<16xf32>,
        %parallel_loop3A_790 = arith.index_cast %parallel_loop3A_574 : i32 to index
        %parallel_loop3A_791 = arith.constant 96 : index
        %parallel_loop3A_792 = tpu.vector_load %arg12[%parallel_loop3A_790, %parallel_loop3A_791] {strides = array<i32>} : memref<40x128xf32, #tpu.memory_space<vmem>>, vector<16xf32>,
        %parallel_loop3A_793 = arith.addf %parallel_loop3A_789, %parallel_loop3A_792 : vector<16xf32>
        %parallel_loop3A_794 = arith.addf %parallel_loop3A_793, %parallel_loop3A_785 : vector<16xf32>
        %parallel_loop3A_795 = arith.constant 0.000000e+00 : f32
        %parallel_loop3A_796 = vector.broadcast %parallel_loop3A_795 : f32 to vector<16xf32>
        %parallel_loop3A_797 = arith.maximumf %parallel_loop3A_794, %parallel_loop3A_796 : vector<16xf32>
        %parallel_loop3A_798 = arith.index_cast %parallel_loop3A_574 : i32 to index
        %parallel_loop3A_799 = arith.constant 96 : index
        %parallel_loop3A_800 = tpu.vector_load %arg14[%parallel_loop3A_798, %parallel_loop3A_799] {strides = array<i32>} : memref<40x128xf32, #tpu.memory_space<vmem>>, vector<16xf32>,
        tpu.vector_store %arg14[%parallel_loop3A_798, %parallel_loop3A_799], %parallel_loop3A_797 {strides = array<i32>} : memref<40x128xf32, #tpu.memory_space<vmem>>, vector<16xf32>,
        %parallel_loop3A_801 = arith.index_cast %parallel_loop3A_576 : i32 to index
        %parallel_loop3A_802 = arith.constant 96 : index
        %parallel_loop3A_803 = tpu.vector_load %arg11[%parallel_loop3A_801, %parallel_loop3A_802] {strides = array<i32>} : memref<40x128xf32, #tpu.memory_space<vmem>>, vector<16xf32>,
        %parallel_loop3A_804 = arith.index_cast %parallel_loop3A_576 : i32 to index
        %parallel_loop3A_805 = arith.constant 96 : index
        %parallel_loop3A_806 = tpu.vector_load %arg12[%parallel_loop3A_804, %parallel_loop3A_805] {strides = array<i32>} : memref<40x128xf32, #tpu.memory_space<vmem>>, vector<16xf32>,
        %parallel_loop3A_807 = arith.addf %parallel_loop3A_803, %parallel_loop3A_806 : vector<16xf32>
        %parallel_loop3A_808 = arith.addf %parallel_loop3A_807, %parallel_loop3A_786 : vector<16xf32>
        %parallel_loop3A_809 = arith.constant 0.000000e+00 : f32
        %parallel_loop3A_810 = vector.broadcast %parallel_loop3A_809 : f32 to vector<16xf32>
        %parallel_loop3A_811 = arith.maximumf %parallel_loop3A_808, %parallel_loop3A_810 : vector<16xf32>
        %parallel_loop3A_812 = arith.index_cast %parallel_loop3A_576 : i32 to index
        %parallel_loop3A_813 = arith.constant 96 : index
        %parallel_loop3A_814 = tpu.vector_load %arg14[%parallel_loop3A_812, %parallel_loop3A_813] {strides = array<i32>} : memref<40x128xf32, #tpu.memory_space<vmem>>, vector<16xf32>,
        tpu.vector_store %arg14[%parallel_loop3A_812, %parallel_loop3A_813], %parallel_loop3A_811 {strides = array<i32>} : memref<40x128xf32, #tpu.memory_space<vmem>>, vector<16xf32>,
        %parallel_loop3A_815 = arith.index_cast %parallel_loop3A_572 : i32 to index
        %parallel_loop3A_816 = arith.constant 112 : index
        %parallel_loop3A_817 = tpu.vector_load %arg13[%parallel_loop3A_815, %parallel_loop3A_816] {strides = array<i32>} : memref<20x128xi32, #tpu.memory_space<vmem>>, vector<16xi32>,
        %parallel_loop3A_818 = vector.bitcast %parallel_loop3A_817 : vector<16xi32> to vector<32xbf16>
        %parallel_loop3A_819 = tpu.unpack_subelements %parallel_loop3A_818, 0 {pack_format = #tpu.pack_format<interleaved>} : vector<32xbf16> -> vector<16xf32>
        %parallel_loop3A_820 = tpu.unpack_subelements %parallel_loop3A_818, 1 {pack_format = #tpu.pack_format<interleaved>} : vector<32xbf16> -> vector<16xf32>
        %parallel_loop3A_821 = arith.index_cast %parallel_loop3A_574 : i32 to index
        %parallel_loop3A_822 = arith.constant 112 : index
        %parallel_loop3A_823 = tpu.vector_load %arg11[%parallel_loop3A_821, %parallel_loop3A_822] {strides = array<i32>} : memref<40x128xf32, #tpu.memory_space<vmem>>, vector<16xf32>,
        %parallel_loop3A_824 = arith.index_cast %parallel_loop3A_574 : i32 to index
        %parallel_loop3A_825 = arith.constant 112 : index
        %parallel_loop3A_826 = tpu.vector_load %arg12[%parallel_loop3A_824, %parallel_loop3A_825] {strides = array<i32>} : memref<40x128xf32, #tpu.memory_space<vmem>>, vector<16xf32>,
        %parallel_loop3A_827 = arith.addf %parallel_loop3A_823, %parallel_loop3A_826 : vector<16xf32>
        %parallel_loop3A_828 = arith.addf %parallel_loop3A_827, %parallel_loop3A_819 : vector<16xf32>
        %parallel_loop3A_829 = arith.constant 0.000000e+00 : f32
        %parallel_loop3A_830 = vector.broadcast %parallel_loop3A_829 : f32 to vector<16xf32>
        %parallel_loop3A_831 = arith.maximumf %parallel_loop3A_828, %parallel_loop3A_830 : vector<16xf32>
        %parallel_loop3A_832 = arith.index_cast %parallel_loop3A_574 : i32 to index
        %parallel_loop3A_833 = arith.constant 112 : index
        %parallel_loop3A_834 = tpu.vector_load %arg14[%parallel_loop3A_832, %parallel_loop3A_833] {strides = array<i32>} : memref<40x128xf32, #tpu.memory_space<vmem>>, vector<16xf32>,
        tpu.vector_store %arg14[%parallel_loop3A_832, %parallel_loop3A_833], %parallel_loop3A_831 {strides = array<i32>} : memref<40x128xf32, #tpu.memory_space<vmem>>, vector<16xf32>,
        %parallel_loop3A_835 = arith.index_cast %parallel_loop3A_576 : i32 to index
        %parallel_loop3A_836 = arith.constant 112 : index
        %parallel_loop3A_837 = tpu.vector_load %arg11[%parallel_loop3A_835, %parallel_loop3A_836] {strides = array<i32>} : memref<40x128xf32, #tpu.memory_space<vmem>>, vector<16xf32>,
        %parallel_loop3A_838 = arith.index_cast %parallel_loop3A_576 : i32 to index
        %parallel_loop3A_839 = arith.constant 112 : index
        %parallel_loop3A_840 = tpu.vector_load %arg12[%parallel_loop3A_838, %parallel_loop3A_839] {strides = array<i32>} : memref<40x128xf32, #tpu.memory_space<vmem>>, vector<16xf32>,
        %parallel_loop3A_841 = arith.addf %parallel_loop3A_837, %parallel_loop3A_840 : vector<16xf32>
        %parallel_loop3A_842 = arith.addf %parallel_loop3A_841, %parallel_loop3A_820 : vector<16xf32>
        %parallel_loop3A_843 = arith.constant 0.000000e+00 : f32
        %parallel_loop3A_844 = vector.broadcast %parallel_loop3A_843 : f32 to vector<16xf32>
        %parallel_loop3A_845 = arith.maximumf %parallel_loop3A_842, %parallel_loop3A_844 : vector<16xf32>
        %parallel_loop3A_846 = arith.index_cast %parallel_loop3A_576 : i32 to index
        %parallel_loop3A_847 = arith.constant 112 : index
        %parallel_loop3A_848 = tpu.vector_load %arg14[%parallel_loop3A_846, %parallel_loop3A_847] {strides = array<i32>} : memref<40x128xf32, #tpu.memory_space<vmem>>, vector<16xf32>,
        tpu.vector_store %arg14[%parallel_loop3A_846, %parallel_loop3A_847], %parallel_loop3A_845 {strides = array<i32>} : memref<40x128xf32, #tpu.memory_space<vmem>>, vector<16xf32>,
      } {sc.loop_unroll_factor = 2 : i64, sc.parallel_access}
      %dma_wait3A_501 = arith.constant 0 : i32
      %dma_wait3A_502 = tpu.memref_slice %arg6[%dma_wait3A_501] : memref<320000xi32, #tpu.memory_space<hbm>> -> memref<40xi32, #tpu.memory_space<hbm>>
      %dma_wait3A_503 = arith.constant 0 : i32
      %dma_wait3A_504 = tpu.memref_slice %arg6[%dma_wait3A_503] : memref<320000xi32, #tpu.memory_space<hbm>> -> memref<40xi32, #tpu.memory_space<hbm>>
      tpu.wait_dma2 semaphore(%arg32 : memref<!tpu.dma_semaphore, #tpu.memory_space<semaphore_mem>>) src(%dma_wait3A_504 : memref<40xi32, #tpu.memory_space<hbm>>) dst(%arg21 : memref<40xi32, #tpu.memory_space<vmem>>)
      %dma_start3A_505 = arith.constant 0 : i32
      %dma_start3A_506 = arith.constant 0 : i32
      %dma_start3A_507 = tpu.memref_slice %arg25[%dma_start3A_505, %dma_start3A_506] : memref<10240x128xf32, #tpu.memory_space<vmem_shared>> -> memref<10240x128xf32, #tpu.memory_space<vmem_shared>>
      tpu.enqueue_indirect_dma source(%arg14 : memref<40x128xf32, #tpu.memory_space<vmem>>) target(%dma_start3A_507 : memref<10240x128xf32, #tpu.memory_space<vmem_shared>>) offsets(%arg21 : memref<40xi32, #tpu.memory_space<vmem>>) semaphore(%arg31 : memref<!tpu.dma_semaphore, #tpu.memory_space<semaphore_mem>>) {add = true}
      %dma_start3A_508 = arith.constant 0 : i32
      %dma_start3A_509 = arith.constant 0 : i32
      %dma_start3A_510 = tpu.memref_slice %arg26[%dma_start3A_508, %dma_start3A_509] : memref<10240x16xf32, #tpu.memory_space<vmem_shared>> -> memref<10240x16xf32, #tpu.memory_space<vmem_shared>>
      tpu.enqueue_indirect_dma source(%arg23 : memref<40x16xf32, #tpu.memory_space<vmem>>) target(%dma_start3A_510 : memref<10240x16xf32, #tpu.memory_space<vmem_shared>>) offsets(%arg21 : memref<40xi32, #tpu.memory_space<vmem>>) semaphore(%arg31 : memref<!tpu.dma_semaphore, #tpu.memory_space<semaphore_mem>>) {add = true}
      %add3A_511 = arith.constant 2 : i32
      %add3A_512 = arith.addi %add3A_472, %add3A_511 : i32
      %lt3A_513 = arith.constant 250 : i32
      %lt3A_514 = arith.cmpi slt, %add3A_512, %lt3A_513 : i32
      %convert_element_type3A_515 = arith.extui %lt3A_514 : i1 to i32
      %cond3A_516 = arith.constant 0 : i32
      %cond3A_517 = arith.cmpi ne, %convert_element_type3A_515, %cond3A_516 : i32
      scf.if %cond3A_517 {
        %add3A_572 = arith.constant 2 : i32
        %add3A_573 = arith.addi %add3A_472, %add3A_572 : i32
        %mul3A_574 = arith.constant 40 : i32
        %mul3A_575 = arith.muli %add3A_573, %mul3A_574 : i32
        %add3A_576 = arith.addi %mul3A_2, %mul3A_575 : i32
        %multiple_of3A_577 = tpu.assume_multiple %add3A_576, 40 : i32
        %dma_start3A_578 = tpu.memref_slice %arg5[%multiple_of3A_577] : memref<320000xi32, #tpu.memory_space<hbm>> -> memref<40xi32, #tpu.memory_space<hbm>>
        %dma_start3A_579 = tpu.memref_slice %arg5[%multiple_of3A_577] : memref<320000xi32, #tpu.memory_space<hbm>> -> memref<40xi32, #tpu.memory_space<hbm>>
        tpu.enqueue_dma source(%dma_start3A_579 : memref<40xi32, #tpu.memory_space<hbm>>) target(%arg9 : memref<40xi32, #tpu.memory_space<vmem>>) target_semaphore(%arg28 : memref<!tpu.dma_semaphore, #tpu.memory_space<semaphore_mem>>)
        %dma_start3A_580 = tpu.memref_slice %arg6[%multiple_of3A_577] : memref<320000xi32, #tpu.memory_space<hbm>> -> memref<40xi32, #tpu.memory_space<hbm>>
        %dma_start3A_581 = tpu.memref_slice %arg6[%multiple_of3A_577] : memref<320000xi32, #tpu.memory_space<hbm>> -> memref<40xi32, #tpu.memory_space<hbm>>
        tpu.enqueue_dma source(%dma_start3A_581 : memref<40xi32, #tpu.memory_space<hbm>>) target(%arg10 : memref<40xi32, #tpu.memory_space<vmem>>) target_semaphore(%arg28 : memref<!tpu.dma_semaphore, #tpu.memory_space<semaphore_mem>>)
      } else {
      }
      %mul3A_518 = arith.constant 2 : i32
      %mul3A_519 = arith.muli %mul3A_518, %scan3A_468 : i32
      %add3A_520 = arith.constant 1 : i32
      %add3A_521 = arith.addi %mul3A_519, %add3A_520 : i32
      %mul3A_522 = arith.constant 40 : i32
      %mul3A_523 = arith.muli %add3A_521, %mul3A_522 : i32
      %add3A_524 = arith.addi %mul3A_2, %mul3A_523 : i32
      %multiple_of3A_525 = tpu.assume_multiple %add3A_524, 40 : i32
      %dma_start3A_526 = tpu.memref_slice %arg6[%multiple_of3A_525] : memref<320000xi32, #tpu.memory_space<hbm>> -> memref<40xi32, #tpu.memory_space<hbm>>
      %dma_start3A_527 = tpu.memref_slice %arg6[%multiple_of3A_525] : memref<320000xi32, #tpu.memory_space<hbm>> -> memref<40xi32, #tpu.memory_space<hbm>>
      tpu.enqueue_dma source(%dma_start3A_527 : memref<40xi32, #tpu.memory_space<hbm>>) target(%arg22 : memref<40xi32, #tpu.memory_space<vmem>>) target_semaphore(%arg34 : memref<!tpu.dma_semaphore, #tpu.memory_space<semaphore_mem>>)
      %add3A_528 = arith.constant 1 : i32
      %add3A_529 = arith.addi %add3A_521, %add3A_528 : i32
      %lt3A_530 = arith.constant 250 : i32
      %lt3A_531 = arith.cmpi slt, %add3A_529, %lt3A_530 : i32
      %convert_element_type3A_532 = arith.extui %lt3A_531 : i1 to i32
      %cond3A_533 = arith.constant 0 : i32
      %cond3A_534 = arith.cmpi ne, %convert_element_type3A_532, %cond3A_533 : i32
      scf.if %cond3A_534 {
        %dma_wait3A_572 = arith.constant 0 : i32
        %dma_wait3A_573 = tpu.memref_slice %arg5[%dma_wait3A_572] : memref<320000xi32, #tpu.memory_space<hbm>> -> memref<40xi32, #tpu.memory_space<hbm>>
        %dma_wait3A_574 = arith.constant 0 : i32
        %dma_wait3A_575 = tpu.memref_slice %arg5[%dma_wait3A_574] : memref<320000xi32, #tpu.memory_space<hbm>> -> memref<40xi32, #tpu.memory_space<hbm>>
        tpu.wait_dma2 semaphore(%arg28 : memref<!tpu.dma_semaphore, #tpu.memory_space<semaphore_mem>>) src(%dma_wait3A_575 : memref<40xi32, #tpu.memory_space<hbm>>) dst(%arg9 : memref<40xi32, #tpu.memory_space<vmem>>)
        %dma_wait3A_576 = arith.constant 0 : i32
        %dma_wait3A_577 = tpu.memref_slice %arg6[%dma_wait3A_576] : memref<320000xi32, #tpu.memory_space<hbm>> -> memref<40xi32, #tpu.memory_space<hbm>>
        %dma_wait3A_578 = arith.constant 0 : i32
        %dma_wait3A_579 = tpu.memref_slice %arg6[%dma_wait3A_578] : memref<320000xi32, #tpu.memory_space<hbm>> -> memref<40xi32, #tpu.memory_space<hbm>>
        tpu.wait_dma2 semaphore(%arg28 : memref<!tpu.dma_semaphore, #tpu.memory_space<semaphore_mem>>) src(%dma_wait3A_579 : memref<40xi32, #tpu.memory_space<hbm>>) dst(%arg10 : memref<40xi32, #tpu.memory_space<vmem>>)
        %add3A_580 = arith.constant 1 : i32
        %add3A_581 = arith.addi %add3A_521, %add3A_580 : i32
        %mul3A_582 = arith.constant 40 : i32
        %mul3A_583 = arith.muli %add3A_581, %mul3A_582 : i32
        %add3A_584 = arith.addi %mul3A_2, %mul3A_583 : i32
        %multiple_of3A_585 = tpu.assume_multiple %add3A_584, 40 : i32
        %mul3A_586 = arith.constant 20 : i32
        %mul3A_587 = arith.muli %add3A_581, %mul3A_586 : i32
        %add3A_588 = arith.addi %mul3A_4, %mul3A_587 : i32
        %multiple_of3A_589 = tpu.assume_multiple %add3A_588, 20 : i32
        %dma_start3A_590 = arith.constant 0 : i32
        %dma_start3A_591 = tpu.memref_slice %arg4[%multiple_of3A_589, %dma_start3A_590] : memref<160000x128xi32, #tpu.memory_space<hbm>> -> memref<20x128xi32, #tpu.memory_space<hbm>>
        %dma_start3A_592 = arith.constant 0 : i32
        %dma_start3A_593 = tpu.memref_slice %arg4[%multiple_of3A_589, %dma_start3A_592] : memref<160000x128xi32, #tpu.memory_space<hbm>> -> memref<20x128xi32, #tpu.memory_space<hbm>>
        tpu.enqueue_dma source(%dma_start3A_593 : memref<20x128xi32, #tpu.memory_space<hbm>>) target(%arg13 : memref<20x128xi32, #tpu.memory_space<vmem>>) target_semaphore(%arg27 : memref<!tpu.dma_semaphore, #tpu.memory_space<semaphore_mem>>)
        %dma_start3A_594 = arith.constant 0 : i32
        %dma_start3A_595 = arith.constant 0 : i32
        %dma_start3A_596 = tpu.memref_slice %arg2[%dma_start3A_594, %dma_start3A_595] : memref<10000x128xf32, #tpu.memory_space<hbm>> -> memref<10000x128xf32, #tpu.memory_space<hbm>>
        tpu.enqueue_indirect_dma source(%dma_start3A_596 : memref<10000x128xf32, #tpu.memory_space<hbm>>) target(%arg11 : memref<40x128xf32, #tpu.memory_space<vmem>>) offsets(%arg9 : memref<40xi32, #tpu.memory_space<vmem>>) semaphore(%arg27 : memref<!tpu.dma_semaphore, #tpu.memory_space<semaphore_mem>>)
        %dma_start3A_597 = arith.constant 0 : i32
        %dma_start3A_598 = arith.constant 0 : i32
        %dma_start3A_599 = tpu.memref_slice %arg3[%dma_start3A_597, %dma_start3A_598] : memref<10000x128xf32, #tpu.memory_space<hbm>> -> memref<10000x128xf32, #tpu.memory_space<hbm>>
        tpu.enqueue_indirect_dma source(%dma_start3A_599 : memref<10000x128xf32, #tpu.memory_space<hbm>>) target(%arg12 : memref<40x128xf32, #tpu.memory_space<vmem>>) offsets(%arg10 : memref<40xi32, #tpu.memory_space<vmem>>) semaphore(%arg27 : memref<!tpu.dma_semaphore, #tpu.memory_space<semaphore_mem>>)
      } else {
      }
      %dma_wait3A_535 = arith.constant 0 : i32
      %dma_wait3A_536 = arith.constant 0 : i32
      %dma_wait3A_537 = tpu.memref_slice %arg4[%dma_wait3A_535, %dma_wait3A_536] : memref<160000x128xi32, #tpu.memory_space<hbm>> -> memref<20x128xi32, #tpu.memory_space<hbm>>
      %dma_wait3A_538 = arith.constant 0 : i32
      %dma_wait3A_539 = arith.constant 0 : i32
      %dma_wait3A_540 = tpu.memref_slice %arg4[%dma_wait3A_538, %dma_wait3A_539] : memref<160000x128xi32, #tpu.memory_space<hbm>> -> memref<20x128xi32, #tpu.memory_space<hbm>>
      tpu.wait_dma2 semaphore(%arg29 : memref<!tpu.dma_semaphore, #tpu.memory_space<semaphore_mem>>) src(%dma_wait3A_540 : memref<20x128xi32, #tpu.memory_space<hbm>>) dst(%arg19 : memref<20x128xi32, #tpu.memory_space<vmem>>)
      %dma_wait3A_541 = arith.constant 0 : i32
      %dma_wait3A_542 = arith.constant 0 : i32
      %dma_wait3A_543 = tpu.memref_slice %arg2[%dma_wait3A_541, %dma_wait3A_542] : memref<10000x128xf32, #tpu.memory_space<hbm>> -> memref<10000x128xf32, #tpu.memory_space<hbm>>
      tpu.wait_indirect_dma semaphore(%arg29 : memref<!tpu.dma_semaphore, #tpu.memory_space<semaphore_mem>>) src(%dma_wait3A_543 : memref<10000x128xf32, #tpu.memory_space<hbm>>) dst(%arg17 : memref<40x128xf32, #tpu.memory_space<vmem>>)
      %dma_wait3A_544 = arith.constant 0 : i32
      %dma_wait3A_545 = arith.constant 0 : i32
      %dma_wait3A_546 = tpu.memref_slice %arg3[%dma_wait3A_544, %dma_wait3A_545] : memref<10000x128xf32, #tpu.memory_space<hbm>> -> memref<10000x128xf32, #tpu.memory_space<hbm>>
      tpu.wait_indirect_dma semaphore(%arg29 : memref<!tpu.dma_semaphore, #tpu.memory_space<semaphore_mem>>) src(%dma_wait3A_546 : memref<10000x128xf32, #tpu.memory_space<hbm>>) dst(%arg18 : memref<40x128xf32, #tpu.memory_space<vmem>>)
      %ge3A_547 = arith.constant 1 : i32
      %ge3A_548 = arith.cmpi sge, %add3A_521, %ge3A_547 : i32
      %convert_element_type3A_549 = arith.extui %ge3A_548 : i1 to i32
      %cond3A_550 = arith.constant 0 : i32
      %cond3A_551 = arith.cmpi ne, %convert_element_type3A_549, %cond3A_550 : i32
      scf.if %cond3A_551 {
        %dma_wait3A_572 = arith.constant 0 : i32
        %dma_wait3A_573 = arith.constant 0 : i32
        %dma_wait3A_574 = tpu.memref_slice %arg25[%dma_wait3A_572, %dma_wait3A_573] : memref<10240x128xf32, #tpu.memory_space<vmem_shared>> -> memref<10240x128xf32, #tpu.memory_space<vmem_shared>>
        tpu.wait_indirect_dma semaphore(%arg31 : memref<!tpu.dma_semaphore, #tpu.memory_space<semaphore_mem>>) src(%arg14 : memref<40x128xf32, #tpu.memory_space<vmem>>) dst(%dma_wait3A_574 : memref<10240x128xf32, #tpu.memory_space<vmem_shared>>)
        %dma_wait3A_575 = arith.constant 0 : i32
        %dma_wait3A_576 = arith.constant 0 : i32
        %dma_wait3A_577 = tpu.memref_slice %arg26[%dma_wait3A_575, %dma_wait3A_576] : memref<10240x16xf32, #tpu.memory_space<vmem_shared>> -> memref<10240x16xf32, #tpu.memory_space<vmem_shared>>
        tpu.wait_indirect_dma semaphore(%arg31 : memref<!tpu.dma_semaphore, #tpu.memory_space<semaphore_mem>>) src(%arg23 : memref<40x16xf32, #tpu.memory_space<vmem>>) dst(%dma_wait3A_577 : memref<10240x16xf32, #tpu.memory_space<vmem_shared>>)
      } else {
      }
      %parallel_loop3A_552 = arith.constant 0 : i32
      %parallel_loop3A_553 = arith.constant 20 : i32
      %parallel_loop3A_554 = arith.constant 1 : i32
      scf.for %parallel_loop3A_572 = %parallel_loop3A_552 to %parallel_loop3A_553 step %parallel_loop3A_554  : i32 {
        %parallel_loop3A_573 = arith.constant 2 : i32
        %parallel_loop3A_574 = arith.muli %parallel_loop3A_573, %parallel_loop3A_572 : i32
        %parallel_loop3A_575 = arith.constant 1 : i32
        %parallel_loop3A_576 = arith.addi %parallel_loop3A_574, %parallel_loop3A_575 : i32
        %parallel_loop3A_577 = arith.index_cast %parallel_loop3A_572 : i32 to index
        %parallel_loop3A_578 = arith.constant 0 : index
        %parallel_loop3A_579 = tpu.vector_load %arg19[%parallel_loop3A_577, %parallel_loop3A_578] {strides = array<i32>} : memref<20x128xi32, #tpu.memory_space<vmem>>, vector<16xi32>,
        %parallel_loop3A_580 = vector.bitcast %parallel_loop3A_579 : vector<16xi32> to vector<32xbf16>
        %parallel_loop3A_581 = tpu.unpack_subelements %parallel_loop3A_580, 0 {pack_format = #tpu.pack_format<interleaved>} : vector<32xbf16> -> vector<16xf32>
        %parallel_loop3A_582 = tpu.unpack_subelements %parallel_loop3A_580, 1 {pack_format = #tpu.pack_format<interleaved>} : vector<32xbf16> -> vector<16xf32>
        %parallel_loop3A_583 = arith.index_cast %parallel_loop3A_574 : i32 to index
        %parallel_loop3A_584 = arith.constant 0 : index
        %parallel_loop3A_585 = tpu.vector_load %arg17[%parallel_loop3A_583, %parallel_loop3A_584] {strides = array<i32>} : memref<40x128xf32, #tpu.memory_space<vmem>>, vector<16xf32>,
        %parallel_loop3A_586 = arith.index_cast %parallel_loop3A_574 : i32 to index
        %parallel_loop3A_587 = arith.constant 0 : index
        %parallel_loop3A_588 = tpu.vector_load %arg18[%parallel_loop3A_586, %parallel_loop3A_587] {strides = array<i32>} : memref<40x128xf32, #tpu.memory_space<vmem>>, vector<16xf32>,
        %parallel_loop3A_589 = arith.addf %parallel_loop3A_585, %parallel_loop3A_588 : vector<16xf32>
        %parallel_loop3A_590 = arith.addf %parallel_loop3A_589, %parallel_loop3A_581 : vector<16xf32>
        %parallel_loop3A_591 = arith.constant 0.000000e+00 : f32
        %parallel_loop3A_592 = vector.broadcast %parallel_loop3A_591 : f32 to vector<16xf32>
        %parallel_loop3A_593 = arith.maximumf %parallel_loop3A_590, %parallel_loop3A_592 : vector<16xf32>
        %parallel_loop3A_594 = arith.index_cast %parallel_loop3A_574 : i32 to index
        %parallel_loop3A_595 = arith.constant 0 : index
        %parallel_loop3A_596 = tpu.vector_load %arg20[%parallel_loop3A_594, %parallel_loop3A_595] {strides = array<i32>} : memref<40x128xf32, #tpu.memory_space<vmem>>, vector<16xf32>,
        tpu.vector_store %arg20[%parallel_loop3A_594, %parallel_loop3A_595], %parallel_loop3A_593 {strides = array<i32>} : memref<40x128xf32, #tpu.memory_space<vmem>>, vector<16xf32>,
        %parallel_loop3A_597 = arith.index_cast %parallel_loop3A_576 : i32 to index
        %parallel_loop3A_598 = arith.constant 0 : index
        %parallel_loop3A_599 = tpu.vector_load %arg17[%parallel_loop3A_597, %parallel_loop3A_598] {strides = array<i32>} : memref<40x128xf32, #tpu.memory_space<vmem>>, vector<16xf32>,
        %parallel_loop3A_600 = arith.index_cast %parallel_loop3A_576 : i32 to index
        %parallel_loop3A_601 = arith.constant 0 : index
        %parallel_loop3A_602 = tpu.vector_load %arg18[%parallel_loop3A_600, %parallel_loop3A_601] {strides = array<i32>} : memref<40x128xf32, #tpu.memory_space<vmem>>, vector<16xf32>,
        %parallel_loop3A_603 = arith.addf %parallel_loop3A_599, %parallel_loop3A_602 : vector<16xf32>
        %parallel_loop3A_604 = arith.addf %parallel_loop3A_603, %parallel_loop3A_582 : vector<16xf32>
        %parallel_loop3A_605 = arith.constant 0.000000e+00 : f32
        %parallel_loop3A_606 = vector.broadcast %parallel_loop3A_605 : f32 to vector<16xf32>
        %parallel_loop3A_607 = arith.maximumf %parallel_loop3A_604, %parallel_loop3A_606 : vector<16xf32>
        %parallel_loop3A_608 = arith.index_cast %parallel_loop3A_576 : i32 to index
        %parallel_loop3A_609 = arith.constant 0 : index
        %parallel_loop3A_610 = tpu.vector_load %arg20[%parallel_loop3A_608, %parallel_loop3A_609] {strides = array<i32>} : memref<40x128xf32, #tpu.memory_space<vmem>>, vector<16xf32>,
        tpu.vector_store %arg20[%parallel_loop3A_608, %parallel_loop3A_609], %parallel_loop3A_607 {strides = array<i32>} : memref<40x128xf32, #tpu.memory_space<vmem>>, vector<16xf32>,
        %parallel_loop3A_611 = arith.index_cast %parallel_loop3A_572 : i32 to index
        %parallel_loop3A_612 = arith.constant 16 : index
        %parallel_loop3A_613 = tpu.vector_load %arg19[%parallel_loop3A_611, %parallel_loop3A_612] {strides = array<i32>} : memref<20x128xi32, #tpu.memory_space<vmem>>, vector<16xi32>,
        %parallel_loop3A_614 = vector.bitcast %parallel_loop3A_613 : vector<16xi32> to vector<32xbf16>
        %parallel_loop3A_615 = tpu.unpack_subelements %parallel_loop3A_614, 0 {pack_format = #tpu.pack_format<interleaved>} : vector<32xbf16> -> vector<16xf32>
        %parallel_loop3A_616 = tpu.unpack_subelements %parallel_loop3A_614, 1 {pack_format = #tpu.pack_format<interleaved>} : vector<32xbf16> -> vector<16xf32>
        %parallel_loop3A_617 = arith.index_cast %parallel_loop3A_574 : i32 to index
        %parallel_loop3A_618 = arith.constant 16 : index
        %parallel_loop3A_619 = tpu.vector_load %arg17[%parallel_loop3A_617, %parallel_loop3A_618] {strides = array<i32>} : memref<40x128xf32, #tpu.memory_space<vmem>>, vector<16xf32>,
        %parallel_loop3A_620 = arith.index_cast %parallel_loop3A_574 : i32 to index
        %parallel_loop3A_621 = arith.constant 16 : index
        %parallel_loop3A_622 = tpu.vector_load %arg18[%parallel_loop3A_620, %parallel_loop3A_621] {strides = array<i32>} : memref<40x128xf32, #tpu.memory_space<vmem>>, vector<16xf32>,
        %parallel_loop3A_623 = arith.addf %parallel_loop3A_619, %parallel_loop3A_622 : vector<16xf32>
        %parallel_loop3A_624 = arith.addf %parallel_loop3A_623, %parallel_loop3A_615 : vector<16xf32>
        %parallel_loop3A_625 = arith.constant 0.000000e+00 : f32
        %parallel_loop3A_626 = vector.broadcast %parallel_loop3A_625 : f32 to vector<16xf32>
        %parallel_loop3A_627 = arith.maximumf %parallel_loop3A_624, %parallel_loop3A_626 : vector<16xf32>
        %parallel_loop3A_628 = arith.index_cast %parallel_loop3A_574 : i32 to index
        %parallel_loop3A_629 = arith.constant 16 : index
        %parallel_loop3A_630 = tpu.vector_load %arg20[%parallel_loop3A_628, %parallel_loop3A_629] {strides = array<i32>} : memref<40x128xf32, #tpu.memory_space<vmem>>, vector<16xf32>,
        tpu.vector_store %arg20[%parallel_loop3A_628, %parallel_loop3A_629], %parallel_loop3A_627 {strides = array<i32>} : memref<40x128xf32, #tpu.memory_space<vmem>>, vector<16xf32>,
        %parallel_loop3A_631 = arith.index_cast %parallel_loop3A_576 : i32 to index
        %parallel_loop3A_632 = arith.constant 16 : index
        %parallel_loop3A_633 = tpu.vector_load %arg17[%parallel_loop3A_631, %parallel_loop3A_632] {strides = array<i32>} : memref<40x128xf32, #tpu.memory_space<vmem>>, vector<16xf32>,
        %parallel_loop3A_634 = arith.index_cast %parallel_loop3A_576 : i32 to index
        %parallel_loop3A_635 = arith.constant 16 : index
        %parallel_loop3A_636 = tpu.vector_load %arg18[%parallel_loop3A_634, %parallel_loop3A_635] {strides = array<i32>} : memref<40x128xf32, #tpu.memory_space<vmem>>, vector<16xf32>,
        %parallel_loop3A_637 = arith.addf %parallel_loop3A_633, %parallel_loop3A_636 : vector<16xf32>
        %parallel_loop3A_638 = arith.addf %parallel_loop3A_637, %parallel_loop3A_616 : vector<16xf32>
        %parallel_loop3A_639 = arith.constant 0.000000e+00 : f32
        %parallel_loop3A_640 = vector.broadcast %parallel_loop3A_639 : f32 to vector<16xf32>
        %parallel_loop3A_641 = arith.maximumf %parallel_loop3A_638, %parallel_loop3A_640 : vector<16xf32>
        %parallel_loop3A_642 = arith.index_cast %parallel_loop3A_576 : i32 to index
        %parallel_loop3A_643 = arith.constant 16 : index
        %parallel_loop3A_644 = tpu.vector_load %arg20[%parallel_loop3A_642, %parallel_loop3A_643] {strides = array<i32>} : memref<40x128xf32, #tpu.memory_space<vmem>>, vector<16xf32>,
        tpu.vector_store %arg20[%parallel_loop3A_642, %parallel_loop3A_643], %parallel_loop3A_641 {strides = array<i32>} : memref<40x128xf32, #tpu.memory_space<vmem>>, vector<16xf32>,
        %parallel_loop3A_645 = arith.index_cast %parallel_loop3A_572 : i32 to index
        %parallel_loop3A_646 = arith.constant 32 : index
        %parallel_loop3A_647 = tpu.vector_load %arg19[%parallel_loop3A_645, %parallel_loop3A_646] {strides = array<i32>} : memref<20x128xi32, #tpu.memory_space<vmem>>, vector<16xi32>,
        %parallel_loop3A_648 = vector.bitcast %parallel_loop3A_647 : vector<16xi32> to vector<32xbf16>
        %parallel_loop3A_649 = tpu.unpack_subelements %parallel_loop3A_648, 0 {pack_format = #tpu.pack_format<interleaved>} : vector<32xbf16> -> vector<16xf32>
        %parallel_loop3A_650 = tpu.unpack_subelements %parallel_loop3A_648, 1 {pack_format = #tpu.pack_format<interleaved>} : vector<32xbf16> -> vector<16xf32>
        %parallel_loop3A_651 = arith.index_cast %parallel_loop3A_574 : i32 to index
        %parallel_loop3A_652 = arith.constant 32 : index
        %parallel_loop3A_653 = tpu.vector_load %arg17[%parallel_loop3A_651, %parallel_loop3A_652] {strides = array<i32>} : memref<40x128xf32, #tpu.memory_space<vmem>>, vector<16xf32>,
        %parallel_loop3A_654 = arith.index_cast %parallel_loop3A_574 : i32 to index
        %parallel_loop3A_655 = arith.constant 32 : index
        %parallel_loop3A_656 = tpu.vector_load %arg18[%parallel_loop3A_654, %parallel_loop3A_655] {strides = array<i32>} : memref<40x128xf32, #tpu.memory_space<vmem>>, vector<16xf32>,
        %parallel_loop3A_657 = arith.addf %parallel_loop3A_653, %parallel_loop3A_656 : vector<16xf32>
        %parallel_loop3A_658 = arith.addf %parallel_loop3A_657, %parallel_loop3A_649 : vector<16xf32>
        %parallel_loop3A_659 = arith.constant 0.000000e+00 : f32
        %parallel_loop3A_660 = vector.broadcast %parallel_loop3A_659 : f32 to vector<16xf32>
        %parallel_loop3A_661 = arith.maximumf %parallel_loop3A_658, %parallel_loop3A_660 : vector<16xf32>
        %parallel_loop3A_662 = arith.index_cast %parallel_loop3A_574 : i32 to index
        %parallel_loop3A_663 = arith.constant 32 : index
        %parallel_loop3A_664 = tpu.vector_load %arg20[%parallel_loop3A_662, %parallel_loop3A_663] {strides = array<i32>} : memref<40x128xf32, #tpu.memory_space<vmem>>, vector<16xf32>,
        tpu.vector_store %arg20[%parallel_loop3A_662, %parallel_loop3A_663], %parallel_loop3A_661 {strides = array<i32>} : memref<40x128xf32, #tpu.memory_space<vmem>>, vector<16xf32>,
        %parallel_loop3A_665 = arith.index_cast %parallel_loop3A_576 : i32 to index
        %parallel_loop3A_666 = arith.constant 32 : index
        %parallel_loop3A_667 = tpu.vector_load %arg17[%parallel_loop3A_665, %parallel_loop3A_666] {strides = array<i32>} : memref<40x128xf32, #tpu.memory_space<vmem>>, vector<16xf32>,
        %parallel_loop3A_668 = arith.index_cast %parallel_loop3A_576 : i32 to index
        %parallel_loop3A_669 = arith.constant 32 : index
        %parallel_loop3A_670 = tpu.vector_load %arg18[%parallel_loop3A_668, %parallel_loop3A_669] {strides = array<i32>} : memref<40x128xf32, #tpu.memory_space<vmem>>, vector<16xf32>,
        %parallel_loop3A_671 = arith.addf %parallel_loop3A_667, %parallel_loop3A_670 : vector<16xf32>
        %parallel_loop3A_672 = arith.addf %parallel_loop3A_671, %parallel_loop3A_650 : vector<16xf32>
        %parallel_loop3A_673 = arith.constant 0.000000e+00 : f32
        %parallel_loop3A_674 = vector.broadcast %parallel_loop3A_673 : f32 to vector<16xf32>
        %parallel_loop3A_675 = arith.maximumf %parallel_loop3A_672, %parallel_loop3A_674 : vector<16xf32>
        %parallel_loop3A_676 = arith.index_cast %parallel_loop3A_576 : i32 to index
        %parallel_loop3A_677 = arith.constant 32 : index
        %parallel_loop3A_678 = tpu.vector_load %arg20[%parallel_loop3A_676, %parallel_loop3A_677] {strides = array<i32>} : memref<40x128xf32, #tpu.memory_space<vmem>>, vector<16xf32>,
        tpu.vector_store %arg20[%parallel_loop3A_676, %parallel_loop3A_677], %parallel_loop3A_675 {strides = array<i32>} : memref<40x128xf32, #tpu.memory_space<vmem>>, vector<16xf32>,
        %parallel_loop3A_679 = arith.index_cast %parallel_loop3A_572 : i32 to index
        %parallel_loop3A_680 = arith.constant 48 : index
        %parallel_loop3A_681 = tpu.vector_load %arg19[%parallel_loop3A_679, %parallel_loop3A_680] {strides = array<i32>} : memref<20x128xi32, #tpu.memory_space<vmem>>, vector<16xi32>,
        %parallel_loop3A_682 = vector.bitcast %parallel_loop3A_681 : vector<16xi32> to vector<32xbf16>
        %parallel_loop3A_683 = tpu.unpack_subelements %parallel_loop3A_682, 0 {pack_format = #tpu.pack_format<interleaved>} : vector<32xbf16> -> vector<16xf32>
        %parallel_loop3A_684 = tpu.unpack_subelements %parallel_loop3A_682, 1 {pack_format = #tpu.pack_format<interleaved>} : vector<32xbf16> -> vector<16xf32>
        %parallel_loop3A_685 = arith.index_cast %parallel_loop3A_574 : i32 to index
        %parallel_loop3A_686 = arith.constant 48 : index
        %parallel_loop3A_687 = tpu.vector_load %arg17[%parallel_loop3A_685, %parallel_loop3A_686] {strides = array<i32>} : memref<40x128xf32, #tpu.memory_space<vmem>>, vector<16xf32>,
        %parallel_loop3A_688 = arith.index_cast %parallel_loop3A_574 : i32 to index
        %parallel_loop3A_689 = arith.constant 48 : index
        %parallel_loop3A_690 = tpu.vector_load %arg18[%parallel_loop3A_688, %parallel_loop3A_689] {strides = array<i32>} : memref<40x128xf32, #tpu.memory_space<vmem>>, vector<16xf32>,
        %parallel_loop3A_691 = arith.addf %parallel_loop3A_687, %parallel_loop3A_690 : vector<16xf32>
        %parallel_loop3A_692 = arith.addf %parallel_loop3A_691, %parallel_loop3A_683 : vector<16xf32>
        %parallel_loop3A_693 = arith.constant 0.000000e+00 : f32
        %parallel_loop3A_694 = vector.broadcast %parallel_loop3A_693 : f32 to vector<16xf32>
        %parallel_loop3A_695 = arith.maximumf %parallel_loop3A_692, %parallel_loop3A_694 : vector<16xf32>
        %parallel_loop3A_696 = arith.index_cast %parallel_loop3A_574 : i32 to index
        %parallel_loop3A_697 = arith.constant 48 : index
        %parallel_loop3A_698 = tpu.vector_load %arg20[%parallel_loop3A_696, %parallel_loop3A_697] {strides = array<i32>} : memref<40x128xf32, #tpu.memory_space<vmem>>, vector<16xf32>,
        tpu.vector_store %arg20[%parallel_loop3A_696, %parallel_loop3A_697], %parallel_loop3A_695 {strides = array<i32>} : memref<40x128xf32, #tpu.memory_space<vmem>>, vector<16xf32>,
        %parallel_loop3A_699 = arith.index_cast %parallel_loop3A_576 : i32 to index
        %parallel_loop3A_700 = arith.constant 48 : index
        %parallel_loop3A_701 = tpu.vector_load %arg17[%parallel_loop3A_699, %parallel_loop3A_700] {strides = array<i32>} : memref<40x128xf32, #tpu.memory_space<vmem>>, vector<16xf32>,
        %parallel_loop3A_702 = arith.index_cast %parallel_loop3A_576 : i32 to index
        %parallel_loop3A_703 = arith.constant 48 : index
        %parallel_loop3A_704 = tpu.vector_load %arg18[%parallel_loop3A_702, %parallel_loop3A_703] {strides = array<i32>} : memref<40x128xf32, #tpu.memory_space<vmem>>, vector<16xf32>,
        %parallel_loop3A_705 = arith.addf %parallel_loop3A_701, %parallel_loop3A_704 : vector<16xf32>
        %parallel_loop3A_706 = arith.addf %parallel_loop3A_705, %parallel_loop3A_684 : vector<16xf32>
        %parallel_loop3A_707 = arith.constant 0.000000e+00 : f32
        %parallel_loop3A_708 = vector.broadcast %parallel_loop3A_707 : f32 to vector<16xf32>
        %parallel_loop3A_709 = arith.maximumf %parallel_loop3A_706, %parallel_loop3A_708 : vector<16xf32>
        %parallel_loop3A_710 = arith.index_cast %parallel_loop3A_576 : i32 to index
        %parallel_loop3A_711 = arith.constant 48 : index
        %parallel_loop3A_712 = tpu.vector_load %arg20[%parallel_loop3A_710, %parallel_loop3A_711] {strides = array<i32>} : memref<40x128xf32, #tpu.memory_space<vmem>>, vector<16xf32>,
        tpu.vector_store %arg20[%parallel_loop3A_710, %parallel_loop3A_711], %parallel_loop3A_709 {strides = array<i32>} : memref<40x128xf32, #tpu.memory_space<vmem>>, vector<16xf32>,
        %parallel_loop3A_713 = arith.index_cast %parallel_loop3A_572 : i32 to index
        %parallel_loop3A_714 = arith.constant 64 : index
        %parallel_loop3A_715 = tpu.vector_load %arg19[%parallel_loop3A_713, %parallel_loop3A_714] {strides = array<i32>} : memref<20x128xi32, #tpu.memory_space<vmem>>, vector<16xi32>,
        %parallel_loop3A_716 = vector.bitcast %parallel_loop3A_715 : vector<16xi32> to vector<32xbf16>
        %parallel_loop3A_717 = tpu.unpack_subelements %parallel_loop3A_716, 0 {pack_format = #tpu.pack_format<interleaved>} : vector<32xbf16> -> vector<16xf32>
        %parallel_loop3A_718 = tpu.unpack_subelements %parallel_loop3A_716, 1 {pack_format = #tpu.pack_format<interleaved>} : vector<32xbf16> -> vector<16xf32>
        %parallel_loop3A_719 = arith.index_cast %parallel_loop3A_574 : i32 to index
        %parallel_loop3A_720 = arith.constant 64 : index
        %parallel_loop3A_721 = tpu.vector_load %arg17[%parallel_loop3A_719, %parallel_loop3A_720] {strides = array<i32>} : memref<40x128xf32, #tpu.memory_space<vmem>>, vector<16xf32>,
        %parallel_loop3A_722 = arith.index_cast %parallel_loop3A_574 : i32 to index
        %parallel_loop3A_723 = arith.constant 64 : index
        %parallel_loop3A_724 = tpu.vector_load %arg18[%parallel_loop3A_722, %parallel_loop3A_723] {strides = array<i32>} : memref<40x128xf32, #tpu.memory_space<vmem>>, vector<16xf32>,
        %parallel_loop3A_725 = arith.addf %parallel_loop3A_721, %parallel_loop3A_724 : vector<16xf32>
        %parallel_loop3A_726 = arith.addf %parallel_loop3A_725, %parallel_loop3A_717 : vector<16xf32>
        %parallel_loop3A_727 = arith.constant 0.000000e+00 : f32
        %parallel_loop3A_728 = vector.broadcast %parallel_loop3A_727 : f32 to vector<16xf32>
        %parallel_loop3A_729 = arith.maximumf %parallel_loop3A_726, %parallel_loop3A_728 : vector<16xf32>
        %parallel_loop3A_730 = arith.index_cast %parallel_loop3A_574 : i32 to index
        %parallel_loop3A_731 = arith.constant 64 : index
        %parallel_loop3A_732 = tpu.vector_load %arg20[%parallel_loop3A_730, %parallel_loop3A_731] {strides = array<i32>} : memref<40x128xf32, #tpu.memory_space<vmem>>, vector<16xf32>,
        tpu.vector_store %arg20[%parallel_loop3A_730, %parallel_loop3A_731], %parallel_loop3A_729 {strides = array<i32>} : memref<40x128xf32, #tpu.memory_space<vmem>>, vector<16xf32>,
        %parallel_loop3A_733 = arith.index_cast %parallel_loop3A_576 : i32 to index
        %parallel_loop3A_734 = arith.constant 64 : index
        %parallel_loop3A_735 = tpu.vector_load %arg17[%parallel_loop3A_733, %parallel_loop3A_734] {strides = array<i32>} : memref<40x128xf32, #tpu.memory_space<vmem>>, vector<16xf32>,
        %parallel_loop3A_736 = arith.index_cast %parallel_loop3A_576 : i32 to index
        %parallel_loop3A_737 = arith.constant 64 : index
        %parallel_loop3A_738 = tpu.vector_load %arg18[%parallel_loop3A_736, %parallel_loop3A_737] {strides = array<i32>} : memref<40x128xf32, #tpu.memory_space<vmem>>, vector<16xf32>,
        %parallel_loop3A_739 = arith.addf %parallel_loop3A_735, %parallel_loop3A_738 : vector<16xf32>
        %parallel_loop3A_740 = arith.addf %parallel_loop3A_739, %parallel_loop3A_718 : vector<16xf32>
        %parallel_loop3A_741 = arith.constant 0.000000e+00 : f32
        %parallel_loop3A_742 = vector.broadcast %parallel_loop3A_741 : f32 to vector<16xf32>
        %parallel_loop3A_743 = arith.maximumf %parallel_loop3A_740, %parallel_loop3A_742 : vector<16xf32>
        %parallel_loop3A_744 = arith.index_cast %parallel_loop3A_576 : i32 to index
        %parallel_loop3A_745 = arith.constant 64 : index
        %parallel_loop3A_746 = tpu.vector_load %arg20[%parallel_loop3A_744, %parallel_loop3A_745] {strides = array<i32>} : memref<40x128xf32, #tpu.memory_space<vmem>>, vector<16xf32>,
        tpu.vector_store %arg20[%parallel_loop3A_744, %parallel_loop3A_745], %parallel_loop3A_743 {strides = array<i32>} : memref<40x128xf32, #tpu.memory_space<vmem>>, vector<16xf32>,
        %parallel_loop3A_747 = arith.index_cast %parallel_loop3A_572 : i32 to index
        %parallel_loop3A_748 = arith.constant 80 : index
        %parallel_loop3A_749 = tpu.vector_load %arg19[%parallel_loop3A_747, %parallel_loop3A_748] {strides = array<i32>} : memref<20x128xi32, #tpu.memory_space<vmem>>, vector<16xi32>,
        %parallel_loop3A_750 = vector.bitcast %parallel_loop3A_749 : vector<16xi32> to vector<32xbf16>
        %parallel_loop3A_751 = tpu.unpack_subelements %parallel_loop3A_750, 0 {pack_format = #tpu.pack_format<interleaved>} : vector<32xbf16> -> vector<16xf32>
        %parallel_loop3A_752 = tpu.unpack_subelements %parallel_loop3A_750, 1 {pack_format = #tpu.pack_format<interleaved>} : vector<32xbf16> -> vector<16xf32>
        %parallel_loop3A_753 = arith.index_cast %parallel_loop3A_574 : i32 to index
        %parallel_loop3A_754 = arith.constant 80 : index
        %parallel_loop3A_755 = tpu.vector_load %arg17[%parallel_loop3A_753, %parallel_loop3A_754] {strides = array<i32>} : memref<40x128xf32, #tpu.memory_space<vmem>>, vector<16xf32>,
        %parallel_loop3A_756 = arith.index_cast %parallel_loop3A_574 : i32 to index
        %parallel_loop3A_757 = arith.constant 80 : index
        %parallel_loop3A_758 = tpu.vector_load %arg18[%parallel_loop3A_756, %parallel_loop3A_757] {strides = array<i32>} : memref<40x128xf32, #tpu.memory_space<vmem>>, vector<16xf32>,
        %parallel_loop3A_759 = arith.addf %parallel_loop3A_755, %parallel_loop3A_758 : vector<16xf32>
        %parallel_loop3A_760 = arith.addf %parallel_loop3A_759, %parallel_loop3A_751 : vector<16xf32>
        %parallel_loop3A_761 = arith.constant 0.000000e+00 : f32
        %parallel_loop3A_762 = vector.broadcast %parallel_loop3A_761 : f32 to vector<16xf32>
        %parallel_loop3A_763 = arith.maximumf %parallel_loop3A_760, %parallel_loop3A_762 : vector<16xf32>
        %parallel_loop3A_764 = arith.index_cast %parallel_loop3A_574 : i32 to index
        %parallel_loop3A_765 = arith.constant 80 : index
        %parallel_loop3A_766 = tpu.vector_load %arg20[%parallel_loop3A_764, %parallel_loop3A_765] {strides = array<i32>} : memref<40x128xf32, #tpu.memory_space<vmem>>, vector<16xf32>,
        tpu.vector_store %arg20[%parallel_loop3A_764, %parallel_loop3A_765], %parallel_loop3A_763 {strides = array<i32>} : memref<40x128xf32, #tpu.memory_space<vmem>>, vector<16xf32>,
        %parallel_loop3A_767 = arith.index_cast %parallel_loop3A_576 : i32 to index
        %parallel_loop3A_768 = arith.constant 80 : index
        %parallel_loop3A_769 = tpu.vector_load %arg17[%parallel_loop3A_767, %parallel_loop3A_768] {strides = array<i32>} : memref<40x128xf32, #tpu.memory_space<vmem>>, vector<16xf32>,
        %parallel_loop3A_770 = arith.index_cast %parallel_loop3A_576 : i32 to index
        %parallel_loop3A_771 = arith.constant 80 : index
        %parallel_loop3A_772 = tpu.vector_load %arg18[%parallel_loop3A_770, %parallel_loop3A_771] {strides = array<i32>} : memref<40x128xf32, #tpu.memory_space<vmem>>, vector<16xf32>,
        %parallel_loop3A_773 = arith.addf %parallel_loop3A_769, %parallel_loop3A_772 : vector<16xf32>
        %parallel_loop3A_774 = arith.addf %parallel_loop3A_773, %parallel_loop3A_752 : vector<16xf32>
        %parallel_loop3A_775 = arith.constant 0.000000e+00 : f32
        %parallel_loop3A_776 = vector.broadcast %parallel_loop3A_775 : f32 to vector<16xf32>
        %parallel_loop3A_777 = arith.maximumf %parallel_loop3A_774, %parallel_loop3A_776 : vector<16xf32>
        %parallel_loop3A_778 = arith.index_cast %parallel_loop3A_576 : i32 to index
        %parallel_loop3A_779 = arith.constant 80 : index
        %parallel_loop3A_780 = tpu.vector_load %arg20[%parallel_loop3A_778, %parallel_loop3A_779] {strides = array<i32>} : memref<40x128xf32, #tpu.memory_space<vmem>>, vector<16xf32>,
        tpu.vector_store %arg20[%parallel_loop3A_778, %parallel_loop3A_779], %parallel_loop3A_777 {strides = array<i32>} : memref<40x128xf32, #tpu.memory_space<vmem>>, vector<16xf32>,
        %parallel_loop3A_781 = arith.index_cast %parallel_loop3A_572 : i32 to index
        %parallel_loop3A_782 = arith.constant 96 : index
        %parallel_loop3A_783 = tpu.vector_load %arg19[%parallel_loop3A_781, %parallel_loop3A_782] {strides = array<i32>} : memref<20x128xi32, #tpu.memory_space<vmem>>, vector<16xi32>,
        %parallel_loop3A_784 = vector.bitcast %parallel_loop3A_783 : vector<16xi32> to vector<32xbf16>
        %parallel_loop3A_785 = tpu.unpack_subelements %parallel_loop3A_784, 0 {pack_format = #tpu.pack_format<interleaved>} : vector<32xbf16> -> vector<16xf32>
        %parallel_loop3A_786 = tpu.unpack_subelements %parallel_loop3A_784, 1 {pack_format = #tpu.pack_format<interleaved>} : vector<32xbf16> -> vector<16xf32>
        %parallel_loop3A_787 = arith.index_cast %parallel_loop3A_574 : i32 to index
        %parallel_loop3A_788 = arith.constant 96 : index
        %parallel_loop3A_789 = tpu.vector_load %arg17[%parallel_loop3A_787, %parallel_loop3A_788] {strides = array<i32>} : memref<40x128xf32, #tpu.memory_space<vmem>>, vector<16xf32>,
        %parallel_loop3A_790 = arith.index_cast %parallel_loop3A_574 : i32 to index
        %parallel_loop3A_791 = arith.constant 96 : index
        %parallel_loop3A_792 = tpu.vector_load %arg18[%parallel_loop3A_790, %parallel_loop3A_791] {strides = array<i32>} : memref<40x128xf32, #tpu.memory_space<vmem>>, vector<16xf32>,
        %parallel_loop3A_793 = arith.addf %parallel_loop3A_789, %parallel_loop3A_792 : vector<16xf32>
        %parallel_loop3A_794 = arith.addf %parallel_loop3A_793, %parallel_loop3A_785 : vector<16xf32>
        %parallel_loop3A_795 = arith.constant 0.000000e+00 : f32
        %parallel_loop3A_796 = vector.broadcast %parallel_loop3A_795 : f32 to vector<16xf32>
        %parallel_loop3A_797 = arith.maximumf %parallel_loop3A_794, %parallel_loop3A_796 : vector<16xf32>
        %parallel_loop3A_798 = arith.index_cast %parallel_loop3A_574 : i32 to index
        %parallel_loop3A_799 = arith.constant 96 : index
        %parallel_loop3A_800 = tpu.vector_load %arg20[%parallel_loop3A_798, %parallel_loop3A_799] {strides = array<i32>} : memref<40x128xf32, #tpu.memory_space<vmem>>, vector<16xf32>,
        tpu.vector_store %arg20[%parallel_loop3A_798, %parallel_loop3A_799], %parallel_loop3A_797 {strides = array<i32>} : memref<40x128xf32, #tpu.memory_space<vmem>>, vector<16xf32>,
        %parallel_loop3A_801 = arith.index_cast %parallel_loop3A_576 : i32 to index
        %parallel_loop3A_802 = arith.constant 96 : index
        %parallel_loop3A_803 = tpu.vector_load %arg17[%parallel_loop3A_801, %parallel_loop3A_802] {strides = array<i32>} : memref<40x128xf32, #tpu.memory_space<vmem>>, vector<16xf32>,
        %parallel_loop3A_804 = arith.index_cast %parallel_loop3A_576 : i32 to index
        %parallel_loop3A_805 = arith.constant 96 : index
        %parallel_loop3A_806 = tpu.vector_load %arg18[%parallel_loop3A_804, %parallel_loop3A_805] {strides = array<i32>} : memref<40x128xf32, #tpu.memory_space<vmem>>, vector<16xf32>,
        %parallel_loop3A_807 = arith.addf %parallel_loop3A_803, %parallel_loop3A_806 : vector<16xf32>
        %parallel_loop3A_808 = arith.addf %parallel_loop3A_807, %parallel_loop3A_786 : vector<16xf32>
        %parallel_loop3A_809 = arith.constant 0.000000e+00 : f32
        %parallel_loop3A_810 = vector.broadcast %parallel_loop3A_809 : f32 to vector<16xf32>
        %parallel_loop3A_811 = arith.maximumf %parallel_loop3A_808, %parallel_loop3A_810 : vector<16xf32>
        %parallel_loop3A_812 = arith.index_cast %parallel_loop3A_576 : i32 to index
        %parallel_loop3A_813 = arith.constant 96 : index
        %parallel_loop3A_814 = tpu.vector_load %arg20[%parallel_loop3A_812, %parallel_loop3A_813] {strides = array<i32>} : memref<40x128xf32, #tpu.memory_space<vmem>>, vector<16xf32>,
        tpu.vector_store %arg20[%parallel_loop3A_812, %parallel_loop3A_813], %parallel_loop3A_811 {strides = array<i32>} : memref<40x128xf32, #tpu.memory_space<vmem>>, vector<16xf32>,
        %parallel_loop3A_815 = arith.index_cast %parallel_loop3A_572 : i32 to index
        %parallel_loop3A_816 = arith.constant 112 : index
        %parallel_loop3A_817 = tpu.vector_load %arg19[%parallel_loop3A_815, %parallel_loop3A_816] {strides = array<i32>} : memref<20x128xi32, #tpu.memory_space<vmem>>, vector<16xi32>,
        %parallel_loop3A_818 = vector.bitcast %parallel_loop3A_817 : vector<16xi32> to vector<32xbf16>
        %parallel_loop3A_819 = tpu.unpack_subelements %parallel_loop3A_818, 0 {pack_format = #tpu.pack_format<interleaved>} : vector<32xbf16> -> vector<16xf32>
        %parallel_loop3A_820 = tpu.unpack_subelements %parallel_loop3A_818, 1 {pack_format = #tpu.pack_format<interleaved>} : vector<32xbf16> -> vector<16xf32>
        %parallel_loop3A_821 = arith.index_cast %parallel_loop3A_574 : i32 to index
        %parallel_loop3A_822 = arith.constant 112 : index
        %parallel_loop3A_823 = tpu.vector_load %arg17[%parallel_loop3A_821, %parallel_loop3A_822] {strides = array<i32>} : memref<40x128xf32, #tpu.memory_space<vmem>>, vector<16xf32>,
        %parallel_loop3A_824 = arith.index_cast %parallel_loop3A_574 : i32 to index
        %parallel_loop3A_825 = arith.constant 112 : index
        %parallel_loop3A_826 = tpu.vector_load %arg18[%parallel_loop3A_824, %parallel_loop3A_825] {strides = array<i32>} : memref<40x128xf32, #tpu.memory_space<vmem>>, vector<16xf32>,
        %parallel_loop3A_827 = arith.addf %parallel_loop3A_823, %parallel_loop3A_826 : vector<16xf32>
        %parallel_loop3A_828 = arith.addf %parallel_loop3A_827, %parallel_loop3A_819 : vector<16xf32>
        %parallel_loop3A_829 = arith.constant 0.000000e+00 : f32
        %parallel_loop3A_830 = vector.broadcast %parallel_loop3A_829 : f32 to vector<16xf32>
        %parallel_loop3A_831 = arith.maximumf %parallel_loop3A_828, %parallel_loop3A_830 : vector<16xf32>
        %parallel_loop3A_832 = arith.index_cast %parallel_loop3A_574 : i32 to index
        %parallel_loop3A_833 = arith.constant 112 : index
        %parallel_loop3A_834 = tpu.vector_load %arg20[%parallel_loop3A_832, %parallel_loop3A_833] {strides = array<i32>} : memref<40x128xf32, #tpu.memory_space<vmem>>, vector<16xf32>,
        tpu.vector_store %arg20[%parallel_loop3A_832, %parallel_loop3A_833], %parallel_loop3A_831 {strides = array<i32>} : memref<40x128xf32, #tpu.memory_space<vmem>>, vector<16xf32>,
        %parallel_loop3A_835 = arith.index_cast %parallel_loop3A_576 : i32 to index
        %parallel_loop3A_836 = arith.constant 112 : index
        %parallel_loop3A_837 = tpu.vector_load %arg17[%parallel_loop3A_835, %parallel_loop3A_836] {strides = array<i32>} : memref<40x128xf32, #tpu.memory_space<vmem>>, vector<16xf32>,
        %parallel_loop3A_838 = arith.index_cast %parallel_loop3A_576 : i32 to index
        %parallel_loop3A_839 = arith.constant 112 : index
        %parallel_loop3A_840 = tpu.vector_load %arg18[%parallel_loop3A_838, %parallel_loop3A_839] {strides = array<i32>} : memref<40x128xf32, #tpu.memory_space<vmem>>, vector<16xf32>,
        %parallel_loop3A_841 = arith.addf %parallel_loop3A_837, %parallel_loop3A_840 : vector<16xf32>
        %parallel_loop3A_842 = arith.addf %parallel_loop3A_841, %parallel_loop3A_820 : vector<16xf32>
        %parallel_loop3A_843 = arith.constant 0.000000e+00 : f32
        %parallel_loop3A_844 = vector.broadcast %parallel_loop3A_843 : f32 to vector<16xf32>
        %parallel_loop3A_845 = arith.maximumf %parallel_loop3A_842, %parallel_loop3A_844 : vector<16xf32>
        %parallel_loop3A_846 = arith.index_cast %parallel_loop3A_576 : i32 to index
        %parallel_loop3A_847 = arith.constant 112 : index
        %parallel_loop3A_848 = tpu.vector_load %arg20[%parallel_loop3A_846, %parallel_loop3A_847] {strides = array<i32>} : memref<40x128xf32, #tpu.memory_space<vmem>>, vector<16xf32>,
        tpu.vector_store %arg20[%parallel_loop3A_846, %parallel_loop3A_847], %parallel_loop3A_845 {strides = array<i32>} : memref<40x128xf32, #tpu.memory_space<vmem>>, vector<16xf32>,
      } {sc.loop_unroll_factor = 2 : i64, sc.parallel_access}
      %dma_wait3A_555 = arith.constant 0 : i32
      %dma_wait3A_556 = tpu.memref_slice %arg6[%dma_wait3A_555] : memref<320000xi32, #tpu.memory_space<hbm>> -> memref<40xi32, #tpu.memory_space<hbm>>
      %dma_wait3A_557 = arith.constant 0 : i32
      %dma_wait3A_558 = tpu.memref_slice %arg6[%dma_wait3A_557] : memref<320000xi32, #tpu.memory_space<hbm>> -> memref<40xi32, #tpu.memory_space<hbm>>
      tpu.wait_dma2 semaphore(%arg34 : memref<!tpu.dma_semaphore, #tpu.memory_space<semaphore_mem>>) src(%dma_wait3A_558 : memref<40xi32, #tpu.memory_space<hbm>>) dst(%arg22 : memref<40xi32, #tpu.memory_space<vmem>>)
      %dma_start3A_559 = arith.constant 0 : i32
      %dma_start3A_560 = arith.constant 0 : i32
      %dma_start3A_561 = tpu.memref_slice %arg25[%dma_start3A_559, %dma_start3A_560] : memref<10240x128xf32, #tpu.memory_space<vmem_shared>> -> memref<10240x128xf32, #tpu.memory_space<vmem_shared>>
      tpu.enqueue_indirect_dma source(%arg20 : memref<40x128xf32, #tpu.memory_space<vmem>>) target(%dma_start3A_561 : memref<10240x128xf32, #tpu.memory_space<vmem_shared>>) offsets(%arg22 : memref<40xi32, #tpu.memory_space<vmem>>) semaphore(%arg33 : memref<!tpu.dma_semaphore, #tpu.memory_space<semaphore_mem>>) {add = true}
      %dma_start3A_562 = arith.constant 0 : i32
      %dma_start3A_563 = arith.constant 0 : i32
      %dma_start3A_564 = tpu.memref_slice %arg26[%dma_start3A_562, %dma_start3A_563] : memref<10240x16xf32, #tpu.memory_space<vmem_shared>> -> memref<10240x16xf32, #tpu.memory_space<vmem_shared>>
      tpu.enqueue_indirect_dma source(%arg23 : memref<40x16xf32, #tpu.memory_space<vmem>>) target(%dma_start3A_564 : memref<10240x16xf32, #tpu.memory_space<vmem_shared>>) offsets(%arg22 : memref<40xi32, #tpu.memory_space<vmem>>) semaphore(%arg33 : memref<!tpu.dma_semaphore, #tpu.memory_space<semaphore_mem>>) {add = true}
      %add3A_565 = arith.constant 2 : i32
      %add3A_566 = arith.addi %add3A_521, %add3A_565 : i32
      %lt3A_567 = arith.constant 250 : i32
      %lt3A_568 = arith.cmpi slt, %add3A_566, %lt3A_567 : i32
      %convert_element_type3A_569 = arith.extui %lt3A_568 : i1 to i32
      %cond3A_570 = arith.constant 0 : i32
      %cond3A_571 = arith.cmpi ne, %convert_element_type3A_569, %cond3A_570 : i32
      scf.if %cond3A_571 {
        %add3A_572 = arith.constant 2 : i32
        %add3A_573 = arith.addi %add3A_521, %add3A_572 : i32
        %mul3A_574 = arith.constant 40 : i32
        %mul3A_575 = arith.muli %add3A_573, %mul3A_574 : i32
        %add3A_576 = arith.addi %mul3A_2, %mul3A_575 : i32
        %multiple_of3A_577 = tpu.assume_multiple %add3A_576, 40 : i32
        %dma_start3A_578 = tpu.memref_slice %arg5[%multiple_of3A_577] : memref<320000xi32, #tpu.memory_space<hbm>> -> memref<40xi32, #tpu.memory_space<hbm>>
        %dma_start3A_579 = tpu.memref_slice %arg5[%multiple_of3A_577] : memref<320000xi32, #tpu.memory_space<hbm>> -> memref<40xi32, #tpu.memory_space<hbm>>
        tpu.enqueue_dma source(%dma_start3A_579 : memref<40xi32, #tpu.memory_space<hbm>>) target(%arg15 : memref<40xi32, #tpu.memory_space<vmem>>) target_semaphore(%arg30 : memref<!tpu.dma_semaphore, #tpu.memory_space<semaphore_mem>>)
        %dma_start3A_580 = tpu.memref_slice %arg6[%multiple_of3A_577] : memref<320000xi32, #tpu.memory_space<hbm>> -> memref<40xi32, #tpu.memory_space<hbm>>
        %dma_start3A_581 = tpu.memref_slice %arg6[%multiple_of3A_577] : memref<320000xi32, #tpu.memory_space<hbm>> -> memref<40xi32, #tpu.memory_space<hbm>>
        tpu.enqueue_dma source(%dma_start3A_581 : memref<40xi32, #tpu.memory_space<hbm>>) target(%arg16 : memref<40xi32, #tpu.memory_space<vmem>>) target_semaphore(%arg30 : memref<!tpu.dma_semaphore, #tpu.memory_space<semaphore_mem>>)
      } else {
      }
    }
    %scan3A_440 = arith.constant 125 : i32
    %dma_wait3A_441 = arith.constant 0 : i32
    %dma_wait3A_442 = arith.constant 0 : i32
    %dma_wait3A_443 = tpu.memref_slice %arg25[%dma_wait3A_441, %dma_wait3A_442] : memref<10240x128xf32, #tpu.memory_space<vmem_shared>> -> memref<10240x128xf32, #tpu.memory_space<vmem_shared>>
    tpu.wait_indirect_dma semaphore(%arg33 : memref<!tpu.dma_semaphore, #tpu.memory_space<semaphore_mem>>) src(%arg20 : memref<40x128xf32, #tpu.memory_space<vmem>>) dst(%dma_wait3A_443 : memref<10240x128xf32, #tpu.memory_space<vmem_shared>>)
    %dma_wait3A_444 = arith.constant 0 : i32
    %dma_wait3A_445 = arith.constant 0 : i32
    %dma_wait3A_446 = tpu.memref_slice %arg26[%dma_wait3A_444, %dma_wait3A_445] : memref<10240x16xf32, #tpu.memory_space<vmem_shared>> -> memref<10240x16xf32, #tpu.memory_space<vmem_shared>>
    tpu.wait_indirect_dma semaphore(%arg33 : memref<!tpu.dma_semaphore, #tpu.memory_space<semaphore_mem>>) src(%arg23 : memref<40x16xf32, #tpu.memory_space<vmem>>) dst(%dma_wait3A_446 : memref<10240x16xf32, #tpu.memory_space<vmem_shared>>)
    %barrier3A_447 = arith.constant 0 : index
    tpu.barrier barrier_id(%barrier3A_447)
    %dma_start3A_448 = arith.constant 0 : i32
    %dma_start3A_449 = tpu.memref_slice %arg7[%arg0, %multiple_of3A, %dma_start3A_448] : memref<2x10240x128xf32, #tpu.memory_space<hbm>> -> memref<1x640x128xf32, #tpu.memory_space<hbm>>
    %dma_start3A_450 = tpu.memref_squeeze %dma_start3A_449 : memref<1x640x128xf32, #tpu.memory_space<hbm>> -> memref<640x128xf32, #tpu.memory_space<hbm>>
    %dma_start3A_451 = arith.constant 0 : i32
    %dma_start3A_452 = tpu.memref_slice %arg25[%multiple_of3A, %dma_start3A_451] : memref<10240x128xf32, #tpu.memory_space<vmem_shared>> -> memref<640x128xf32, #tpu.memory_space<vmem_shared>>
    tpu.enqueue_dma source(%dma_start3A_452 : memref<640x128xf32, #tpu.memory_space<vmem_shared>>) target(%dma_start3A_450 : memref<640x128xf32, #tpu.memory_space<hbm>>) target_semaphore(%arg27 : memref<!tpu.dma_semaphore, #tpu.memory_space<semaphore_mem>>)
    %dma_start3A_453 = arith.constant 0 : i32
    %dma_start3A_454 = tpu.memref_slice %arg8[%arg0, %multiple_of3A, %dma_start3A_453] : memref<2x10240x16xf32, #tpu.memory_space<hbm>> -> memref<1x640x16xf32, #tpu.memory_space<hbm>>
    %dma_start3A_455 = tpu.memref_squeeze %dma_start3A_454 : memref<1x640x16xf32, #tpu.memory_space<hbm>> -> memref<640x16xf32, #tpu.memory_space<hbm>>
    %dma_start3A_456 = arith.constant 0 : i32
    %dma_start3A_457 = tpu.memref_slice %arg26[%multiple_of3A, %dma_start3A_456] : memref<10240x16xf32, #tpu.memory_space<vmem_shared>> -> memref<640x16xf32, #tpu.memory_space<vmem_shared>>
    tpu.enqueue_dma source(%dma_start3A_457 : memref<640x16xf32, #tpu.memory_space<vmem_shared>>) target(%dma_start3A_455 : memref<640x16xf32, #tpu.memory_space<hbm>>) target_semaphore(%arg28 : memref<!tpu.dma_semaphore, #tpu.memory_space<semaphore_mem>>)
    %dma_wait3A_458 = arith.constant 0 : i32
    %dma_wait3A_459 = tpu.memref_slice %arg7[%arg0, %multiple_of3A, %dma_wait3A_458] : memref<2x10240x128xf32, #tpu.memory_space<hbm>> -> memref<1x640x128xf32, #tpu.memory_space<hbm>>
    %dma_wait3A_460 = tpu.memref_squeeze %dma_wait3A_459 : memref<1x640x128xf32, #tpu.memory_space<hbm>> -> memref<640x128xf32, #tpu.memory_space<hbm>>
    %dma_wait3A_461 = arith.constant 0 : i32
    %dma_wait3A_462 = tpu.memref_slice %arg25[%multiple_of3A, %dma_wait3A_461] : memref<10240x128xf32, #tpu.memory_space<vmem_shared>> -> memref<640x128xf32, #tpu.memory_space<vmem_shared>>
    tpu.wait_dma2 semaphore(%arg27 : memref<!tpu.dma_semaphore, #tpu.memory_space<semaphore_mem>>) src(%dma_wait3A_462 : memref<640x128xf32, #tpu.memory_space<vmem_shared>>) dst(%dma_wait3A_460 : memref<640x128xf32, #tpu.memory_space<hbm>>)
    %dma_wait3A_463 = arith.constant 0 : i32
    %dma_wait3A_464 = tpu.memref_slice %arg8[%arg0, %multiple_of3A, %dma_wait3A_463] : memref<2x10240x16xf32, #tpu.memory_space<hbm>> -> memref<1x640x16xf32, #tpu.memory_space<hbm>>
    %dma_wait3A_465 = tpu.memref_squeeze %dma_wait3A_464 : memref<1x640x16xf32, #tpu.memory_space<hbm>> -> memref<640x16xf32, #tpu.memory_space<hbm>>
    %dma_wait3A_466 = arith.constant 0 : i32
    %dma_wait3A_467 = tpu.memref_slice %arg26[%multiple_of3A, %dma_wait3A_466] : memref<10240x16xf32, #tpu.memory_space<vmem_shared>> -> memref<640x16xf32, #tpu.memory_space<vmem_shared>>
    tpu.wait_dma2 semaphore(%arg28 : memref<!tpu.dma_semaphore, #tpu.memory_space<semaphore_mem>>) src(%dma_wait3A_467 : memref<640x16xf32, #tpu.memory_space<vmem_shared>>) dst(%dma_wait3A_465 : memref<640x16xf32, #tpu.memory_space<hbm>>)
    return
  }
}

module attributes {stable_mosaic.version = 14 : i64} {
  func.func @_e1_body(%arg0: i32, %arg1: memref<8000x32xf32, #tpu.memory_space<vmem>>, %arg2: memref<16x128xf32, #tpu.memory_space<vmem>>, %arg3: memref<1x128xf32, #tpu.memory_space<vmem>>, %arg4: memref<8000x128xi32, #tpu.memory_space<vmem>>) attributes {dimension_semantics = [#tpu.dimension_semantics<arbitrary>], iteration_bounds = array<i64: 20>, scalar_prefetch = 0 : i64, scratch_operands = 0 : i64, tpu.core_type = #tpu.core_type<tc>, window_params = [{transform_indices = @transform_0, window_bounds = array<i64: 8000, 32>}, {pipeline_mode = #tpu.pipeline_mode<synchronous>, transform_indices = @transform_1, window_bounds = array<i64: 16, 128>}, {pipeline_mode = #tpu.pipeline_mode<synchronous>, transform_indices = @transform_2, window_bounds = array<i64: 1, 128>}, {transform_indices = @transform_3, window_bounds = array<i64: 8000, 128>}]} {
    %get3A = arith.constant 0 : index
    %get3A_0 = arith.constant 0 : index
    %get3A_1 = vector.load %arg1[%get3A, %get3A_0] : memref<8000x32xf32, #tpu.memory_space<vmem>>, vector<8000x32xf32>
    %get3A_2 = arith.constant 0 : index
    %get3A_3 = arith.constant 0 : index
    %get3A_4 = vector.load %arg3[%get3A_2, %get3A_3] : memref<1x128xf32, #tpu.memory_space<vmem>>, vector<1x128xf32>
    %slice3A = vector.extract_strided_slice %get3A_1 {offsets = [0, 0], sizes = [8000, 16], strides = [1, 1]} : vector<8000x32xf32> to vector<8000x16xf32>
    %get3A_5 = arith.constant 0 : index
    %get3A_6 = arith.constant 0 : index
    %get3A_7 = vector.load %arg2[%get3A_5, %get3A_6] : memref<16x128xf32, #tpu.memory_space<vmem>>, vector<16x128xf32>
    %dot_general3A = arith.constant dense<0.000000e+00> : vector<8000x128xf32>
    %dot_general3A_8 = tpu.matmul %slice3A, %get3A_7, %dot_general3A {dimension_numbers = #tpu.dot_dimension_numbers<[1], [0], [0], [1], [0, 0, 1, 1], [], []>, transpose_lhs_hint = false} : vector<8000x16xf32>, vector<16x128xf32>, vector<8000x128xf32> -> vector<8000x128xf32>
    %add3A = vector.broadcast %get3A_4 : vector<1x128xf32> to vector<8000x128xf32>
    %add3A_9 = arith.addf %dot_general3A_8, %add3A : vector<8000x128xf32>
    %slice3A_10 = vector.extract_strided_slice %get3A_1 {offsets = [0, 16], sizes = [8000, 16], strides = [1, 1]} : vector<8000x32xf32> to vector<8000x16xf32>
    %get3A_11 = arith.constant 0 : index
    %get3A_12 = arith.constant 0 : index
    %get3A_13 = vector.load %arg2[%get3A_11, %get3A_12] : memref<16x128xf32, #tpu.memory_space<vmem>>, vector<16x128xf32>
    %dot_general3A_14 = arith.constant dense<0.000000e+00> : vector<8000x128xf32>
    %dot_general3A_15 = tpu.matmul %slice3A_10, %get3A_13, %dot_general3A_14 {dimension_numbers = #tpu.dot_dimension_numbers<[1], [0], [0], [1], [0, 0, 1, 1], [], []>, transpose_lhs_hint = false} : vector<8000x16xf32>, vector<16x128xf32>, vector<8000x128xf32> -> vector<8000x128xf32>
    %add3A_16 = vector.broadcast %get3A_4 : vector<1x128xf32> to vector<8000x128xf32>
    %add3A_17 = arith.addf %dot_general3A_15, %add3A_16 : vector<8000x128xf32>
    %convert_element_type3A = arith.truncf %add3A_9 : vector<8000x128xf32> to vector<8000x128xbf16>
    %bitcast_convert_type3A = tpu.bitcast %convert_element_type3A : vector<8000x128xbf16> -> vector<8000x128xi16>
    %convert_element_type3A_18 = arith.extui %bitcast_convert_type3A : vector<8000x128xi16> to vector<8000x128xi32>
    %convert_element_type3A_19 = arith.truncf %add3A_17 : vector<8000x128xf32> to vector<8000x128xbf16>
    %bitcast_convert_type3A_20 = tpu.bitcast %convert_element_type3A_19 : vector<8000x128xbf16> -> vector<8000x128xi16>
    %convert_element_type3A_21 = arith.extui %bitcast_convert_type3A_20 : vector<8000x128xi16> to vector<8000x128xi32>
    %shift_left3A = arith.constant 16 : i32
    %shift_left3A_22 = vector.broadcast %shift_left3A : i32 to vector<8000x128xi32>
    %shift_left3A_23 = arith.shli %convert_element_type3A_21, %shift_left3A_22 : vector<8000x128xi32>
    %or3A = arith.ori %convert_element_type3A_18, %shift_left3A_23 : vector<8000x128xi32>
    %bitcast_convert_type3A_24 = tpu.bitcast %or3A : vector<8000x128xi32> -> vector<8000x128xi32>
    %swap3A = arith.constant 0 : index
    %swap3A_25 = arith.constant 0 : index
    %swap3A_26 = vector.load %arg4[%swap3A, %swap3A_25] : memref<8000x128xi32, #tpu.memory_space<vmem>>, vector<8000x128xi32>
    tpu.vector_store %arg4[%swap3A, %swap3A_25], %bitcast_convert_type3A_24 {strides = array<i32>} : memref<8000x128xi32, #tpu.memory_space<vmem>>, vector<8000x128xi32>,
    return
  }
  func.func @transform_0(%arg0: i32) -> (i32, i32) {
    %c0_i32 = arith.constant 0 : i32
    %c0_i32_0 = arith.constant 0 : i32
    return %arg0, %c0_i32 : i32, i32
  }
  func.func @transform_1(%arg0: i32) -> (i32, i32) {
    %c0_i32 = arith.constant 0 : i32
    %c0_i32_0 = arith.constant 0 : i32
    %c0_i32_1 = arith.constant 0 : i32
    return %c0_i32, %c0_i32_0 : i32, i32
  }
  func.func @transform_2(%arg0: i32) -> (i32, i32) {
    %c0_i32 = arith.constant 0 : i32
    %c0_i32_0 = arith.constant 0 : i32
    %c0_i32_1 = arith.constant 0 : i32
    return %c0_i32, %c0_i32_0 : i32, i32
  }
  func.func @transform_3(%arg0: i32) -> (i32, i32) {
    %c0_i32 = arith.constant 0 : i32
    %c0_i32_0 = arith.constant 0 : i32
    return %arg0, %c0_i32 : i32, i32
  }
}

module attributes {stable_mosaic.version = 14 : i64} {
  func.func @_pq_body(%arg0: i32, %arg1: memref<2000x128xf32, #tpu.memory_space<vmem>>, %arg2: memref<128x128xf32, #tpu.memory_space<vmem>>, %arg3: memref<128x128xf32, #tpu.memory_space<vmem>>, %arg4: memref<2000x128xf32, #tpu.memory_space<vmem>>, %arg5: memref<2000x128xf32, #tpu.memory_space<vmem>>) attributes {dimension_semantics = [#tpu.dimension_semantics<arbitrary>], iteration_bounds = array<i64: 5>, scalar_prefetch = 0 : i64, scratch_operands = 0 : i64, tpu.core_type = #tpu.core_type<tc>, window_params = [{transform_indices = @transform_0, window_bounds = array<i64: 2000, 128>}, {pipeline_mode = #tpu.pipeline_mode<synchronous>, transform_indices = @transform_1, window_bounds = array<i64: 128, 128>}, {pipeline_mode = #tpu.pipeline_mode<synchronous>, transform_indices = @transform_2, window_bounds = array<i64: 128, 128>}, {transform_indices = @transform_3, window_bounds = array<i64: 2000, 128>}, {transform_indices = @transform_4, window_bounds = array<i64: 2000, 128>}]} {
    %get3A = arith.constant 0 : index
    %get3A_0 = arith.constant 0 : index
    %get3A_1 = vector.load %arg1[%get3A, %get3A_0] : memref<2000x128xf32, #tpu.memory_space<vmem>>, vector<2000x128xf32>
    %get3A_2 = arith.constant 0 : index
    %get3A_3 = arith.constant 0 : index
    %get3A_4 = vector.load %arg2[%get3A_2, %get3A_3] : memref<128x128xf32, #tpu.memory_space<vmem>>, vector<128x128xf32>
    %dot_general3A = arith.constant dense<0.000000e+00> : vector<2000x128xf32>
    %dot_general3A_5 = tpu.matmul %get3A_1, %get3A_4, %dot_general3A {dimension_numbers = #tpu.dot_dimension_numbers<[1], [0], [0], [1], [0, 0, 1, 1], [], []>, transpose_lhs_hint = false} : vector<2000x128xf32>, vector<128x128xf32>, vector<2000x128xf32> -> vector<2000x128xf32>
    %swap3A = arith.constant 0 : index
    %swap3A_6 = arith.constant 0 : index
    %swap3A_7 = vector.load %arg4[%swap3A, %swap3A_6] : memref<2000x128xf32, #tpu.memory_space<vmem>>, vector<2000x128xf32>
    tpu.vector_store %arg4[%swap3A, %swap3A_6], %dot_general3A_5 {strides = array<i32>} : memref<2000x128xf32, #tpu.memory_space<vmem>>, vector<2000x128xf32>,
    %get3A_8 = arith.constant 0 : index
    %get3A_9 = arith.constant 0 : index
    %get3A_10 = vector.load %arg3[%get3A_8, %get3A_9] : memref<128x128xf32, #tpu.memory_space<vmem>>, vector<128x128xf32>
    %dot_general3A_11 = arith.constant dense<0.000000e+00> : vector<2000x128xf32>
    %dot_general3A_12 = tpu.matmul %get3A_1, %get3A_10, %dot_general3A_11 {dimension_numbers = #tpu.dot_dimension_numbers<[1], [0], [0], [1], [0, 0, 1, 1], [], []>, transpose_lhs_hint = false} : vector<2000x128xf32>, vector<128x128xf32>, vector<2000x128xf32> -> vector<2000x128xf32>
    %swap3A_13 = arith.constant 0 : index
    %swap3A_14 = arith.constant 0 : index
    %swap3A_15 = vector.load %arg5[%swap3A_13, %swap3A_14] : memref<2000x128xf32, #tpu.memory_space<vmem>>, vector<2000x128xf32>
    tpu.vector_store %arg5[%swap3A_13, %swap3A_14], %dot_general3A_12 {strides = array<i32>} : memref<2000x128xf32, #tpu.memory_space<vmem>>, vector<2000x128xf32>,
    return
  }
  func.func @transform_0(%arg0: i32) -> (i32, i32) {
    %c0_i32 = arith.constant 0 : i32
    %c0_i32_0 = arith.constant 0 : i32
    return %arg0, %c0_i32 : i32, i32
  }
  func.func @transform_1(%arg0: i32) -> (i32, i32) {
    %c0_i32 = arith.constant 0 : i32
    %c0_i32_0 = arith.constant 0 : i32
    %c0_i32_1 = arith.constant 0 : i32
    return %c0_i32, %c0_i32_0 : i32, i32
  }
  func.func @transform_2(%arg0: i32) -> (i32, i32) {
    %c0_i32 = arith.constant 0 : i32
    %c0_i32_0 = arith.constant 0 : i32
    %c0_i32_1 = arith.constant 0 : i32
    return %c0_i32, %c0_i32_0 : i32, i32
  }
  func.func @transform_3(%arg0: i32) -> (i32, i32) {
    %c0_i32 = arith.constant 0 : i32
    %c0_i32_0 = arith.constant 0 : i32
    return %arg0, %c0_i32 : i32, i32
  }
  func.func @transform_4(%arg0: i32) -> (i32, i32) {
    %c0_i32 = arith.constant 0 : i32
    %c0_i32_0 = arith.constant 0 : i32
    return %arg0, %c0_i32 : i32, i32
  }
}

module attributes {stable_mosaic.version = 14 : i64} {
  func.func @_out_body(%arg0: i32, %arg1: memref<1000x128xf32, #tpu.memory_space<vmem>>, %arg2: memref<1000x128xf32, #tpu.memory_space<vmem>>, %arg3: memref<1000x16xf32, #tpu.memory_space<vmem>>, %arg4: memref<1000x16xf32, #tpu.memory_space<vmem>>, %arg5: memref<128x128xf32, #tpu.memory_space<vmem>>, %arg6: memref<1x128xf32, #tpu.memory_space<vmem>>, %arg7: memref<1000x128xf32, #tpu.memory_space<vmem>>) attributes {dimension_semantics = [#tpu.dimension_semantics<arbitrary>], iteration_bounds = array<i64: 10>, scalar_prefetch = 0 : i64, scratch_operands = 0 : i64, tpu.core_type = #tpu.core_type<tc>, window_params = [{transform_indices = @transform_0, window_bounds = array<i64: 1000, 128>}, {transform_indices = @transform_1, window_bounds = array<i64: 1000, 128>}, {transform_indices = @transform_2, window_bounds = array<i64: 1000, 16>}, {transform_indices = @transform_3, window_bounds = array<i64: 1000, 16>}, {pipeline_mode = #tpu.pipeline_mode<synchronous>, transform_indices = @transform_4, window_bounds = array<i64: 128, 128>}, {pipeline_mode = #tpu.pipeline_mode<synchronous>, transform_indices = @transform_5, window_bounds = array<i64: 1, 128>}, {transform_indices = @transform_6, window_bounds = array<i64: 1000, 128>}]} {
    %get3A = arith.constant 0 : index
    %get3A_0 = arith.constant 0 : index
    %get3A_1 = vector.load %arg1[%get3A, %get3A_0] : memref<1000x128xf32, #tpu.memory_space<vmem>>, vector<1000x128xf32>
    %get3A_2 = arith.constant 0 : index
    %get3A_3 = arith.constant 0 : index
    %get3A_4 = vector.load %arg2[%get3A_2, %get3A_3] : memref<1000x128xf32, #tpu.memory_space<vmem>>, vector<1000x128xf32>
    %add3A = arith.addf %get3A_1, %get3A_4 : vector<1000x128xf32>
    %get3A_5 = arith.constant 0 : index
    %get3A_6 = arith.constant 0 : index
    %get3A_7 = vector.load %arg3[%get3A_5, %get3A_6] : memref<1000x16xf32, #tpu.memory_space<vmem>>, vector<1000x16xf32>
    %slice3A = vector.extract_strided_slice %get3A_7 {offsets = [0, 0], sizes = [1000, 1], strides = [1, 1]} : vector<1000x16xf32> to vector<1000x1xf32>
    %get3A_8 = arith.constant 0 : index
    %get3A_9 = arith.constant 0 : index
    %get3A_10 = vector.load %arg4[%get3A_8, %get3A_9] : memref<1000x16xf32, #tpu.memory_space<vmem>>, vector<1000x16xf32>
    %slice3A_11 = vector.extract_strided_slice %get3A_10 {offsets = [0, 0], sizes = [1000, 1], strides = [1, 1]} : vector<1000x16xf32> to vector<1000x1xf32>
    %add3A_12 = arith.addf %slice3A, %slice3A_11 : vector<1000x1xf32>
    %get3A_13 = arith.constant 0 : index
    %get3A_14 = arith.constant 0 : index
    %get3A_15 = vector.load %arg5[%get3A_13, %get3A_14] : memref<128x128xf32, #tpu.memory_space<vmem>>, vector<128x128xf32>
    %dot_general3A = arith.constant dense<0.000000e+00> : vector<1000x128xf32>
    %dot_general3A_16 = tpu.matmul %add3A, %get3A_15, %dot_general3A {dimension_numbers = #tpu.dot_dimension_numbers<[1], [0], [0], [1], [0, 0, 1, 1], [], []>, precision = #tpu.contract_precision<fp32>, transpose_lhs_hint = false} : vector<1000x128xf32>, vector<128x128xf32>, vector<1000x128xf32> -> vector<1000x128xf32>
    %get3A_17 = arith.constant 0 : index
    %get3A_18 = arith.constant 0 : index
    %get3A_19 = vector.load %arg6[%get3A_17, %get3A_18] : memref<1x128xf32, #tpu.memory_space<vmem>>, vector<1x128xf32>
    %mul3A = vector.broadcast %add3A_12 : vector<1000x1xf32> to vector<1000x128xf32>
    %mul3A_20 = vector.broadcast %get3A_19 : vector<1x128xf32> to vector<1000x128xf32>
    %mul3A_21 = arith.mulf %mul3A, %mul3A_20 : vector<1000x128xf32>
    %add3A_22 = arith.addf %dot_general3A_16, %mul3A_21 : vector<1000x128xf32>
    %swap3A = arith.constant 0 : index
    %swap3A_23 = arith.constant 0 : index
    %swap3A_24 = vector.load %arg7[%swap3A, %swap3A_23] : memref<1000x128xf32, #tpu.memory_space<vmem>>, vector<1000x128xf32>
    tpu.vector_store %arg7[%swap3A, %swap3A_23], %add3A_22 {strides = array<i32>} : memref<1000x128xf32, #tpu.memory_space<vmem>>, vector<1000x128xf32>,
    return
  }
  func.func @transform_0(%arg0: i32) -> (i32, i32) {
    %c0_i32 = arith.constant 0 : i32
    %c0_i32_0 = arith.constant 0 : i32
    return %arg0, %c0_i32 : i32, i32
  }
  func.func @transform_1(%arg0: i32) -> (i32, i32) {
    %c0_i32 = arith.constant 0 : i32
    %c0_i32_0 = arith.constant 0 : i32
    return %arg0, %c0_i32 : i32, i32
  }
  func.func @transform_2(%arg0: i32) -> (i32, i32) {
    %c0_i32 = arith.constant 0 : i32
    %c0_i32_0 = arith.constant 0 : i32
    return %arg0, %c0_i32 : i32, i32
  }
  func.func @transform_3(%arg0: i32) -> (i32, i32) {
    %c0_i32 = arith.constant 0 : i32
    %c0_i32_0 = arith.constant 0 : i32
    return %arg0, %c0_i32 : i32, i32
  }
  func.func @transform_4(%arg0: i32) -> (i32, i32) {
    %c0_i32 = arith.constant 0 : i32
    %c0_i32_0 = arith.constant 0 : i32
    %c0_i32_1 = arith.constant 0 : i32
    return %c0_i32, %c0_i32_0 : i32, i32
  }
  func.func @transform_5(%arg0: i32) -> (i32, i32) {
    %c0_i32 = arith.constant 0 : i32
    %c0_i32_0 = arith.constant 0 : i32
    %c0_i32_1 = arith.constant 0 : i32
    return %c0_i32, %c0_i32_0 : i32, i32
  }
  func.func @transform_6(%arg0: i32) -> (i32, i32) {
    %c0_i32 = arith.constant 0 : i32
    %c0_i32_0 = arith.constant 0 : i32
    return %arg0, %c0_i32 : i32, i32
  }
}

</mosaic_0001>

<sc_bundles>
// kernel: kernel.6.cloned.1.call-start
scs
__scs_entry_jumppad:
0x0: {  	(pc) =	sbr.rel $0x88, $3  }
0x1: {  	(tag) =	ssettag $0x0;
	lr =	simm.s32 $0x1  }
0x2: {  	[smem:$0x3F9A] =	sst lr;
	_ =	strace $0xD0000000  }
0x3: {  	_ = 	snop  }
0x4: {  	_ = 	snop  }
0x5: {  	_ = 	snop  }
0x6: {  	_ = 	snop  }
0x7: {  	_ = 	snop  }
__scs_overlays_trampoline_lowered:
0x8: {  	[smem:$0x3FA9] =	sst s0  }
0x9: {  	[smem:$0x3FAA] =	sst s1  }
0xa: {  	[smem:$0x3FAB] =	sst s2  }
0xb: {  	[smem:$0x3FAC] =	sst s3  }
0xc: {  	[smem:$0x3FAD] =	sst s4  }
0xd: {  	[smem:$0x3FAE] =	sst s5  }
0xe: {  	[smem:$0x3FAF] =	sst s6  }
0xf: {  	[smem:$0x3FB0] =	sst s7  }
0x10: {  	[smem:$0x3FB1] =	sst s8  }
0x11: {  	[smem:$0x3FB2] =	sst s9;
	s0 =	simm.s32 @!p0 $0x0  }
0x12: {  	s1 =	sld [smem:$0x3F98];
	s0 =	simm.s32 @p0 $0x1  }
0x13: {  	[smem:$0x3FB3] =	sst s0;
	s0 =	simm.s32 @!p1 $0x0  }
0x14: {  	s2 =	sld [smem:$0x3F97];
	s0 =	simm.s32 @p1 $0x1  }
0x15: {  	[smem:$0x3FB4] =	sst s0;
	s0 =	simm.s32 @!p2 $0x0  }
0x16: {  	s3 =	sld [smem:$0x3FDB];
	s0 =	simm.s32 @p2 $0x1  }
0x17: {  	s4 =	simm.s32 $0x1BF5;
	[smem:$0x3FB6] =	sst s0  }
0x18: {  	s0 =	sld [smem:$0x3F99];
	_ =	swait.ge [sflag:s4], $0x0  }
0x19: {  	s7 =	sld [smem:$0x3F9A]  }
0x1a: {  	s8 =	sadd.s32 $0xFFFFE003, lr  }
0x1b: {  	s9 =	sadd.s32 $0xFFFFFEF7, lr;
	s5 =	simm.s32 $0xFFFFFFFF;
	p2 =	slt.u32 s8, $0xFFFFF086  }
0x1c: {  	p1 =	slt.u32 s9, $0xF7A;
	s5 =	simm.s32 @!p2 $0x0  }
0x1d: {  	s5 =	simm.s32 @p1 $0x1;
	p0 =	seq.s32 s7, s2  }
0x1e: {  	s7 =	smul.u32 @!p0 $0xF7A, s2;
	p2 =	seq.s32 @!p0 s5, $0x0  }
0x1f: {  	s9 =	smul.u32 $0xF7A, s1;
	s8 =	simm.s32 @!p0 $0x1BF5;
	p2 =	por !p2, p0  }
0x20: {  	[sflag:s8] =	ssyncset.s32 @!p0 $0xFFFFF086;
	s6 =	sadd.s32 @!p0 s3, s7;
	s7 =	simm.s32 @!p0 $0x108  }
0x21: {  	s3 =	sadd.s32 s3, s9;
	s6 =	sadd.s32 @!p0 $0x88, s6;
	s7 =	simm.s32 @p2 $0x1082  }
0x22: {  	[simem:s7], [sflag:s8] =	dma.local @!p0 [hbm:s6], $0xF7A  }
0x23: {  	s9 =	sor.u32 $0xD0000000, s2;
	s6 =	simm.s32 $0x108;
	_ =	swait.ge @!p0 [sflag:s8], $0x0  }
0x24: {  	s3 =	sadd.s32 $0x88, s3;
	s6 =	simm.s32 @!p1 $0x1082;
	[sflag:s4] =	ssyncset.s32 $0xFFFFF086  }
0x25: {  	[simem:s6], [sflag:s4] =	dma.local [hbm:s3], $0xF7A  }
0x26: {  	[smem:$0x3F9A] =	sst s1;
	(tag) =	ssettag s2;
	_ =	strace s9  }
0x27: {  	s1 =	sld [smem:$0x3FAA]  }
0x28: {  	s2 =	sld [smem:$0x3FAB]  }
0x29: {  	s4 =	sld [smem:$0x3FAD]  }
0x2a: {  	p0 =	seq.s32 s5, $0x0;
	s5 =	sld [smem:$0x3FAE]  }
0x2b: {  	s6 =	sld [smem:$0x3FAF]  }
0x2c: {  	s7 =	sld [smem:$0x3FB0]  }
0x2d: {  	s3 =	simm.s32 $0x108;
	s8 =	sld [smem:$0x3FB1]  }
0x2e: {  	s3 =	simm.s32 @!p0 $0x1082;
	s9 =	sld [smem:$0x3FB2]  }
0x2f: {  	lr =	sadd.s32 s0, s3;
	s0 =	sld [smem:$0x3FA9]  }
0x30: {  	s3 =	sld [smem:$0x3FAC]  }
0x31: {  	[smem:$0x3FB5] =	sst s10  }
0x32: {  	s10 =	sld [smem:$0x3FB3];
	_ =	sdelay $0x3  }
0x33: {  	p0 =	seq.s32 s10, $0x1;
	s10 =	sld [smem:$0x3FB5];
	_ =	sdelay $0x3  }
0x34: {  	[smem:$0x3FB5] =	sst s10  }
0x35: {  	s10 =	sld [smem:$0x3FB4];
	_ =	sdelay $0x3  }
0x36: {  	p1 =	seq.s32 s10, $0x1;
	s10 =	sld [smem:$0x3FB5];
	_ =	sdelay $0x3  }
0x37: {  	[smem:$0x3FB5] =	sst s10  }
0x38: {  	s10 =	sld [smem:$0x3FB6]  }
0x39: {  	_ = 	snop;
	(pc) =	sbr.ind lr, $3  }
0x3a: {  	_ = 	snop  }
0x3b: {  	_ = 	snop  }
0x3c: {  	p2 =	seq.s32 s10, $0x1;
	s10 =	sld [smem:$0x3FB5]  }
0x3d: {  	_ =	shalt  }
0x3e: {  	_ =	shalt  }
0x3f: {  	_ =	shalt  }
0x40: {  	_ =	shalt  }
0x41: {  	_ =	shalt  }
0x42: {  	_ =	shalt  }
0x43: {  	_ =	shalt  }
0x44: {  	_ =	shalt  }
0x45: {  	_ =	shalt  }
0x46: {  	_ =	shalt  }
0x47: {  	_ =	shalt  }
0x48: {  	_ =	shalt  }
0x49: {  	_ =	shalt  }
0x4a: {  	_ =	shalt  }
0x4b: {  	_ =	shalt  }
0x4c: {  	_ =	shalt  }
0x4d: {  	_ =	shalt  }
0x4e: {  	_ =	shalt  }
0x4f: {  	_ =	shalt  }
0x50: {  	_ =	shalt  }
0x51: {  	_ =	shalt  }
0x52: {  	_ =	shalt  }
0x53: {  	_ =	shalt  }
0x54: {  	_ =	shalt  }
0x55: {  	_ =	shalt  }
0x56: {  	_ =	shalt  }
0x57: {  	_ =	shalt  }
0x58: {  	_ =	shalt  }
0x59: {  	_ =	shalt  }
0x5a: {  	_ =	shalt  }
0x5b: {  	_ =	shalt  }
0x5c: {  	_ =	shalt  }
0x5d: {  	_ =	shalt  }
0x5e: {  	_ =	shalt  }
0x5f: {  	_ =	shalt  }
0x60: {  	_ =	shalt  }
0x61: {  	_ =	shalt  }
0x62: {  	_ =	shalt  }
0x63: {  	_ =	shalt  }
0x64: {  	_ =	shalt  }
0x65: {  	_ =	shalt  }
0x66: {  	_ =	shalt  }
0x67: {  	_ =	shalt  }
0x68: {  	_ =	shalt  }
0x69: {  	_ =	shalt  }
0x6a: {  	_ =	shalt  }
0x6b: {  	_ =	shalt  }
0x6c: {  	_ =	shalt  }
0x6d: {  	_ =	shalt  }
0x6e: {  	_ =	shalt  }
0x6f: {  	_ =	shalt  }
0x70: {  	_ =	shalt  }
0x71: {  	_ =	shalt  }
0x72: {  	_ =	shalt  }
0x73: {  	_ =	shalt  }
0x74: {  	_ =	shalt  }
0x75: {  	_ =	shalt  }
0x76: {  	_ =	shalt  }
0x77: {  	_ =	shalt  }
0x78: {  	_ =	shalt  }
0x79: {  	_ =	shalt  }
0x7a: {  	_ =	shalt  }
0x7b: {  	_ =	shalt  }
0x7c: {  	_ =	shalt  }
0x7d: {  	_ =	shalt  }
0x7e: {  	_ =	shalt  }
0x7f: {  	_ =	shalt  }
0x80: {  	_ =	shalt  }
0x81: {  	_ =	shalt  }
0x82: {  	_ =	shalt  }
0x83: {  	_ =	shalt  }
0x84: {  	_ =	shalt  }
0x85: {  	_ =	shalt  }
0x86: {  	_ =	shalt  }
0x87: {  	_ =	shalt  }
.Lfunc_end0:
.L_simem_size_0:
called_computation_lowered:
.L_overlay_start_0:
0x88: {  	s2 =	sld [smem:$0x3FD9]  }
0x89: {  	s3 =	sld [smem:$0x3FFE];
	_ =	sdelay $0x1  }
0x8a: {  	s1 =	srdreg.scid  }
0x8b: {  	s0 =	sand.u32 $0x1, s1  }
0x8c: {  	s17 =	sshll.u32 s0, $0xA;
	s2 =	sadd.s32 s3, s2  }
0x8d: {  	s2 =	sadd.s32 s2, s17  }
0x8e: {  	[smem:$0x3FC1] =	sst s2  }
0x8f: {  	_ = 	snop  }
0x90: {  	s2 =	sld [smem:$0x3FD0];
	(tm) =	ssettm $0x1  }
0x91: {  	s18 =	sld [smem:$0x3FFB];
	_ =	sdelay $0x3  }
0x92: {  	_ =	strace s18  }
0x93: {  	s3 =	sld [smem:$0x3FFC];
	_ =	sdelay $0x3  }
0x94: {  	_ =	strace s3  }
0x95: {  	s3 =	sld [smem:$0x3FFD];
	_ =	sdelay $0x3  }
0x96: {  	_ =	strace s3  }
0x97: {  	_ =	strace $0x8FFFFFFF  }
0x98: {  	s19 =	sld [smem:$0x3FDB];
	_ =	sdelay $0x1  }
0x99: {  	s4 =	simm.s32 $_scs_section_size  }
0x9a: {  	s5 =	simm.s32 $_size__tile_overlayer_lowered;
	s6 =	simm.s32 $_tile_overlayer_lowered  }
0x9b: {  	s22 =	simm.s32 $0x1BFF;
	s21 =	sshll.u32 s6, $0x1;
	s3 =	sadd.s32 s4, s19  }
0x9c: {  	s7 =	simm.s32 $0x0;
	s20 =	sshll.u32 s5, $0x1;
	s5 =	sadd.s32 s21, s3  }
0x9d: {  	[timem:s7], [sflag:s22] =	dma.local [hbm:s5], s20  }
0x9e: {  	_ =	swait.ge [sflag:s22], s20  }
0x9f: {  	s4 =	ssub.s32 $0x0, s20;
	[sflag:s22] =	ssyncset.done $0x0  }
0xa0: {  	[sflag:s22] =	ssyncadd.s32 s4;
	_ =	sdelay $0x1  }
0xa1: {  	s23 =	simm.s32 $0x1B8B  }
0xa2: {  	_ =	swait.ge [sflag:s23], $0x1  }
0xa3: {  	[sflag:s23] =	ssyncset.done $0x0  }
0xa4: {  	s25 =	simm.s32 $0x1B8E;
	s24 =	sld [smem:$0x3FFE];
	[sflag:s23] =	ssyncadd.s32 $0xFFFFFFFF  }
0xa5: {  	s26 =	simm.s32 $execute0_lowered;
	[smem:$0x3FD2] =	sst s25  }
0xa6: {  	s5 =	sshll.u32 s26, $0x1;
	_ =	strace $0x80000046;
	[dreg:$0x1] =	wrdreg $0xFFFFFFFF  }
0xa7: {  	s28 =	simm.s32 $_size_execute0_lowered;
	s3 =	sadd.s32 s3, s5;
	[dreg:$0x0] =	wrdreg $0x0  }
0xa8: {  	s5 =	sshll.u32 s28, $0x1;
	[dreg:$0x2] =	wrdreg s3  }
0xa9: {  	[dreg:$0x3] =	wrdreg s5  }
0xaa: {  	[dreg:$0x4] =	wrdreg $0xC0  }
0xab: {  	_ =	task [dreg:s7], $0x5FFFF  }
0xac: {  	[dreg:$0x1] =	wrdreg $0xFFFFFFFF  }
0xad: {  	[dreg:$0x0] =	wrdreg $0x60  }
0xae: {  	[dreg:$0x2] =	wrdreg s2  }
0xaf: {  	[dreg:$0x3] =	wrdreg s24  }
0xb0: {  	[dreg:$0x4] =	wrdreg $0x91F00  }
0xb1: {  	[dreg:$0x5] =	wrdreg $0x1D1F00  }
0xb2: {  	[dreg:$0x6] =	wrdreg $0x9  }
0xb3: {  	_ =	task.clear_ibuf [dreg:s7], $0x7FFFF;
	_ =	strace $0x90000046  }
0xb4: {  	s29 =	simm.s32 $0x9;
	_ =	strace $0x80000048  }
0xb5: {  	_ =	swait.ge [sflag:s29], $0x1  }
0xb6: {  	[sflag:s29] =	ssyncadd.s32 $0xFFFFFFFF  }
0xb7: {  	_ =	strace $0x90000048  }
0xb8: {  	_ =	sfence  }
0xb9: {  	s30 =	sld [smem:$0x0];
	_ =	sdelay $0x2  }
0xba: {  	s31 =	sshll.u32 s1, $0xD;
	s1 =	sshrl.u32 s1, $0x2  }
0xbb: {  	s3 =	sand.u32 $0x4000, s31;
	s1 =	sadd.s32 s1, s30  }
0xbc: {  	s0 =	sor.u32 s3, s0;
	s1 =	sshll.u32 s1, $0x11  }
0xbd: {  	s0 =	sor.u32 s1, s0  }
0xbe: {  	s0 =	sadd.s32 $0x8F2B, s0  }
0xbf: {  	[sflag:s0] =	ssyncadd.remote.s32 $0x1  }
0xc0: {  	_ =	sfence.sel $0xFFFF  }
0xc1: {  	[dreg:$0x0] =	wrdreg $0xFFFFFFFF;
	(pc) =	sbr.abs _section_cstart, $3  }
0xc2: {  	[dreg:$0x1] =	wrdreg $0xFFFFFFFF  }
0xc3: {  	_ =	task.clear_ibuf [dreg:s7], $0x2FFFF;
	_ =	strace $0x9FFFFFFF  }
0xc4: {  	(tm) =	ssettm $0x7FFFFFFF  }
0xc5: {  	_ =	shalt  }
tec
execute0_lowered:
.L_overlay_start_1:
0x0: {  	(tag) =	ssettag $0x1  }
0x1: {  	s31 =	rddreg [dreg:$0x0]  }
0x2: {  	s1 =	rddreg [dreg:$0x1]  }
0x3: {  	s12 =	rddreg [dreg:$0x2]  }
0x4: {  	s13 =	rddreg [dreg:$0x3];
	s0 =	srdreg.scid  }
0x5: {  	s7 =	stileid.u32;
	s15 =	simm.s32 $0x0;
	s29 =	simm.s32 $0x3  }
0x6: {  	s30 =	simm.s32 $0x5;
	s3 =	sand.u32 $0x1, s0;
	s5 =	smul.u32 $0x14000, s7  }
0x7: {  	[smem:$0x7FF] =	sst s15;
	s2 =	sadd.s32 $0x15A00, s1;
	s8 =	smul.u32 $0x2800, s7  }
0x8: {  	s14 =	sadd.s32 $0x3CC00, s1;
	s16 =	sadd.s32 $0xBC00, s1;
	s4 =	smul.u32 $0x280, s7  }
0x9: {  	s9 =	sadd.s32 $0x1E00, s1;
	s26 =	sshll.u32 s7, $0x1;
	s0 =	smul.u32 $0x140000, s3  }
0xa: {  	_ =	strace $0x80000047;
	[dreg:$0x5] =	wrdreg s2;
	s25 =	smul.u32 $0x28000, s3  }
0xb: {  	s10 =	ssub.s32 $0x2, s3;
	s3 =	sor.u32 s3, s26;
	[dreg:$0x6] =	wrdreg s16  }
0xc: {  	s11 =	sshrl.u32 s10, $0x1;
	s7 =	sadd.s32 s5, s12;
	s28 =	sor.u32 $0x28, s4  }
0xd: {  	s17 =	sor.u32 $0x78, s4;
	s21 =	sadd.s32 $0xA0, s4;
	s24 =	sadd.s32 $0xC8, s4  }
0xe: {  	s26 =	sadd.s32 $0xF0, s4;
	s0 =	sadd.s32 s5, s0;
	s2 =	sadd.s32 s8, s25  }
0xf: {  	s6 =	sshll.u32 s28, $0x7;
	s5 =	sshll.u32 s28, $0x4;
	s19 =	sshll.u32 s17, $0x7  }
0x10: {  	s20 =	sshll.u32 s17, $0x4;
	s22 =	sshll.u32 s21, $0x7;
	s25 =	sshll.u32 s24, $0x7  }
0x11: {  	s17 =	sshll.u32 s26, $0x4;
	[dreg:$0x7] =	wrdreg s7;
	s0 =	sshrl.u32 s0, $0x3  }
0x12: {  	s2 =	sshrl.u32 s2, $0x3;
	s6 =	sadd.s32 s6, s12;
	s5 =	sadd.s32 s5, s13  }
0x13: {  	s28 =	sadd.s32 s25, s12;
	s0 =	sadd.s32 s0, s1;
	[dreg:$0x9] =	wrdreg s6  }
0x14: {  	s2 =	sadd.s32 s2, s1;
	s1 =	ssub.s32 s10, s11;
	[dreg:$0xa] =	wrdreg s5  }
0x15: {  	s11 =	sadd.s32 s8, s13;
	s8 =	sor.u32 $0x50, s4;
	[dreg:$0x11] =	wrdreg s28  }
0x16: {  	s28 =	sadd.s32 $0x190, s4;
	s10 =	sshll.u32 s8, $0x7;
	s5 =	sshll.u32 s8, $0x4  }
0x17: {  	s8 =	sshll.u32 s21, $0x4;
	s0 =	sadd.s32 $0x2ADC00, s0;
	[dreg:$0x8] =	wrdreg s11  }
0x18: {  	s21 =	sadd.s32 $0x140, s4;
	s1 =	smax.u32 s1, $0x1;
	[smem:$0x7F9] =	sst s0  }
0x19: {  	s6 =	sshll.u32 s28, $0x7;
	s18 =	sadd.s32 s10, s12;
	[smem:$0x7FB] =	sst s1  }
0x1a: {  	s5 =	sadd.s32 s5, s13;
	s23 =	sadd.s32 s8, s13;
	[dreg:$0xb] =	wrdreg s18  }
0x1b: {  	s8 =	sshll.u32 s26, $0x7;
	s1 =	simm.s32 $0x0;
	[dreg:$0xc] =	wrdreg s5  }
0x1c: {  	s5 =	sadd.s32 s19, s12;
	[dreg:$0x10] =	wrdreg s23;
	s18 =	sadd.s32 $0x118, s4  }
0x1d: {  	s23 =	sadd.s32 $0x168, s4;
	[dreg:$0xd] =	wrdreg s5;
	s5 =	sadd.s32 s20, s13  }
0x1e: {  	s19 =	sshll.u32 s18, $0x7;
	s25 =	sshll.u32 s23, $0x7;
	s26 =	sshll.u32 s23, $0x4  }
0x1f: {  	[dreg:$0xe] =	wrdreg s5;
	s5 =	sadd.s32 s22, s12;
	s22 =	sshll.u32 s21, $0x7  }
0x20: {  	[dreg:$0xf] =	wrdreg s5;
	s5 =	sshll.u32 s24, $0x4;
	s24 =	sadd.s32 s22, s12  }
0x21: {  	s23 =	sadd.s32 $0x208, s4;
	s5 =	sadd.s32 s5, s13;
	[dreg:$0x17] =	wrdreg s24  }
0x22: {  	[dreg:$0x12] =	wrdreg s5;
	s5 =	sadd.s32 s8, s12;
	s8 =	sshll.u32 s18, $0x4  }
0x23: {  	[dreg:$0x13] =	wrdreg s5;
	s5 =	sadd.s32 s17, s13;
	s20 =	sadd.s32 s8, s13  }
0x24: {  	s8 =	sshll.u32 s28, $0x4;
	s17 =	sadd.s32 $0x1B8, s4;
	[dreg:$0x14] =	wrdreg s5  }
0x25: {  	s5 =	sadd.s32 s19, s12;
	[dreg:$0x16] =	wrdreg s20;
	s10 =	sadd.s32 s8, s13  }
0x26: {  	s18 =	sshll.u32 s17, $0x7;
	s19 =	sadd.s32 $0x1E0, s4;
	[dreg:$0x15] =	wrdreg s5  }
0x27: {  	s5 =	sshll.u32 s21, $0x4;
	[dreg:$0x1c] =	wrdreg s10;
	s20 =	sadd.s32 s18, s12  }
0x28: {  	s21 =	sshll.u32 s19, $0x7;
	s22 =	sshll.u32 s19, $0x4;
	s18 =	smul.u32 $0x2710, s3  }
0x29: {  	s19 =	smul.u32 $0x1388, s3;
	s5 =	sadd.s32 s5, s13;
	[dreg:$0x1d] =	wrdreg s20  }
0x2a: {  	s24 =	sshll.u32 s23, $0x7;
	s3 =	smul.u32 $0x13880, s3;
	[dreg:$0x18] =	wrdreg s5  }
0x2b: {  	s5 =	sadd.s32 s25, s12;
	s25 =	sadd.s32 $0x230, s4;
	[smem:$0x7F2] =	sst s19  }
0x2c: {  	s4 =	sadd.s32 $0x258, s4;
	s3 =	sadd.s32 s14, s3;
	[dreg:$0x19] =	wrdreg s5  }
0x2d: {  	s5 =	sadd.s32 s26, s13;
	s28 =	sshll.u32 s25, $0x7;
	[smem:$0x7F6] =	sst s3  }
0x2e: {  	s8 =	sshll.u32 s25, $0x4;
	s25 =	sadd.s32 $0x2FDC00, s2;
	[dreg:$0x1a] =	wrdreg s5  }
0x2f: {  	s10 =	sshll.u32 s4, $0x7;
	s5 =	sadd.s32 s6, s12;
	[smem:$0x7FA] =	sst s25  }
0x30: {  	s4 =	sshll.u32 s4, $0x4;
	s6 =	sadd.s32 s28, s12;
	[dreg:$0x1b] =	wrdreg s5  }
0x31: {  	s20 =	sshrl.u32 s18, $0x3;
	s4 =	sadd.s32 s4, s13;
	[smem:$0x7EF] =	sst s6  }
0x32: {  	s26 =	sshll.u32 s23, $0x4;
	s28 =	sadd.s32 $0x78, s18;
	[smem:$0x7F3] =	sst s4  }
0x33: {  	s5 =	sshll.u32 s17, $0x4;
	s17 =	sadd.s32 s10, s12;
	[smem:$0x7FD] =	sst s28  }
0x34: {  	s6 =	smov.u32 s14;
	s5 =	sadd.s32 s5, s13;
	[smem:$0x7F1] =	sst s17  }
0x35: {  	s14 =	simm.s32 $0x1;
	[dreg:$0x1e] =	wrdreg s5;
	s5 =	sadd.s32 s21, s12  }
0x36: {  	s21 =	sadd.s32 s16, s20;
	[dreg:$0x1f] =	wrdreg s5;
	s5 =	sadd.s32 s22, s13  }
0x37: {  	[smem:$0x7F4] =	sst s21;
	s22 =	sadd.s32 $0x28, s18;
	s21 =	simm.s32 $0x8CA0  }
0x38: {  	[smem:$0x7EC] =	sst s5;
	s5 =	sadd.s32 s24, s12;
	s23 =	sshrl.u32 s22, $0x3  }
0x39: {  	s24 =	sadd.s32 $0x26E8, s18;
	[smem:$0x7ED] =	sst s5;
	s5 =	sadd.s32 s26, s13  }
0x3a: {  	s22 =	simm.s32 $0x4;
	s4 =	sadd.s32 s16, s23;
	[smem:$0x7EE] =	sst s5  }
.Ltmp0:
0x3b: {  	s3 =	sadd.s32 s9, s23;
	[smem:$0x7F7] =	sst s4;
	(pc) =	sbr.rel .LBB2_1-.Ltmp0, $4  }
0x3c: {  	s26 =	sshrl.u32 s24, $0x3;
	s5 =	sadd.s32 s8, s13;
	[smem:$0x7F8] =	sst s3  }
0x3d: {  	s16 =	simm.s32 $0x28;
	s0 =	sadd.s32 s9, s26;
	[smem:$0x7F0] =	sst s5  }
0x3e: {  	s3 =	simm.s32 $0x2;
	s5 =	sadd.s32 s9, s20;
	[smem:$0x7FC] =	sst s0  }
0x3f: {  	v0 =	vimm.f32 $0.0e+00;
	v1 =	vimm.f32 $1.000000000e+00;
	s4 =	simm.s32 $0x4650;
	[smem:$0x7F5] =	sst s5;
	s5 =	simm.s32 $0x4678  }
.LBB2_10:
0x40: {  	s0 =	simm.s32 $0x7  }
0x41: {  	_ =	swait.ge [sflag:s0], $0x1400  }
0x42: {  	[sflag:s0] =	ssyncset.done $0x0  }
0x43: {  	[sflag:s0] =	ssyncadd.s32 $0xFFFFEC00  }
0x44: {  	_ =	swait.ge [sflag:s0], $0x280  }
0x45: {  	[sflag:s0] =	ssyncset.done $0x0  }
0x46: {  	[sflag:s0] =	ssyncadd.s32 $0xFFFFFD80  }
0x47: {  	[bflag:$0x0] =	sbarrier.arrive $0xFFFF  }
0x48: {  	s24 =	stileid.u32;
	s3 =	sld [smem:$0x7F9]  }
0x49: {  	s0 =	sshll.u32 s24, $0x6;
	s7 =	rddreg [dreg:$0x7]  }
0x4a: {  	s1 =	sor.u32 $0x1C01, s0;
	s2 =	sshrl.u32 s7, $0x3  }
0x4b: {  	[hbm:s3], [sflag:s1] =	dma.local [spmem:s2], $0x2800  }
0x4c: {  	s2 =	sld [smem:$0x7FA]  }
0x4d: {  	s11 =	rddreg [dreg:$0x8]  }
0x4e: {  	s0 =	sor.u32 $0x1C02, s0;
	s25 =	sshrl.u32 s11, $0x3  }
0x4f: {  	[hbm:s2], [sflag:s0] =	dma.local [spmem:s25], $0x500  }
0x50: {  	_ =	swait.ge [sflag:s14], $0x2800  }
0x51: {  	[sflag:s14] =	ssyncset.done $0x0  }
0x52: {  	s3 =	simm.s32 $0x2;
	[sflag:s14] =	ssyncadd.s32 $0xFFFFD800  }
0x53: {  	_ =	swait.ge [sflag:s3], $0x500  }
0x54: {  	s26 =	sld [smem:$0x7EB]  }
0x55: {  	s28 =	sld [smem:$0x7FB];
	_ =	sdelay $0x1  }
0x56: {  	s1 =	sadd.s32 $0x1, s26  }
0x57: {  	p0 =	sne.s32 s1, s28  }
.Ltmp1:
0x58: {  	_ = 	snop;
	(pc) =	sbr.rel @!p0 .LBB2_11-.Ltmp1, $3  }
0x59: {  	_ =	sdelay $0x1  }
0x5a: {  	s15 =	simm.s32 $0x0;
	[sflag:s3] =	ssyncset.done $0x0  }
0x5b: {  	s4 =	simm.s32 $0x4650;
	s5 =	simm.s32 $0x4678;
	[sflag:s3] =	ssyncadd.s32 $0xFFFFFB00  }
.LBB2_1:
0x5c: {  	s0 =	simm.s32 $0x3290  }
0x5d: {  	[tilespmem:s0+$0x20] =	vst v0  }
0x5e: {  	[tilespmem:s0+$0x10] =	vst v0  }
0x5f: {  	[tilespmem:s0+$0x0] =	vst v0  }
0x60: {  	[tilespmem:s0+$0xFFFFFFF0] =	vst v0  }
0x61: {  	[tilespmem:s0+$0xFFFFFFE0] =	vst v0  }
0x62: {  	[tilespmem:s0+$0xFFFFFFD0] =	vst v0  }
0x63: {  	[tilespmem:s0+$0xFFFFFFC0] =	vst v0  }
0x64: {  	[smem:$0x7EB] =	sst s1;
	s2 =	simm.s32 $0x0;
	s1 =	simm.s32 $0x40;
	[tilespmem:s0+$0x30] =	vst v0  }
.LBB2_2:
0x65: {  	p0 =	sne.s32 s1, $0x9C0;
	[tilespmem:s2+$0x8CF0] =	vst v1  }
0x66: {  	s0 =	sadd.s32 $0x80, s0;
	[tilespmem:s2+$0x8F70] =	vst v0  }
0x67: {  	[tilespmem:s0+$0x20] =	vst v0  }
0x68: {  	[tilespmem:s0+$0x10] =	vst v0  }
0x69: {  	[tilespmem:s0+$0x0] =	vst v0  }
.Ltmp2:
0x6a: {  	[tilespmem:s0+$0xFFFFFFF0] =	vst v0;
	(pc) =	sbr.rel @p0 .LBB2_2-.Ltmp2, $4  }
0x6b: {  	[tilespmem:s0+$0xFFFFFFE0] =	vst v0  }
0x6c: {  	[tilespmem:s0+$0xFFFFFFD0] =	vst v0  }
0x6d: {  	[tilespmem:s0+$0xFFFFFFC0] =	vst v0  }
0x6e: {  	s2 =	sshra.s32 s1, $0x2;
	s1 =	sadd.s32 $0x40, s1;
	[tilespmem:s0+$0x30] =	vst v0  }
0x6f: {  	[tilespmem:s2+$0x8CF0] =	vst v1  }
0x70: {  	[tilespmem:s2+$0x8F70] =	vst v0;
	s1 =	simm.s32 $0x3250  }
0x71: {  	[spmem:s7] =	stream.linear.scatter [tilespmem:s1], [sflag:$0x1], $0x1400, $0x38;
	[tilespmem:$0x1F9F0] =	vst v63  }
0x72: {  	s2 =	simm.s32 $0x8F70;
	s0 =	rddreg [dreg:$0x9]  }
0x73: {  	[spmem:s11] =	stream.linear.scatter [tilespmem:s2], [sflag:$0x2], $0x280, $0x38;
	[tilespmem:$0x1F9F0] =	vst v63  }
0x74: {  	s12 =	rddreg [dreg:$0xb]  }
0x75: {  	[spmem:s0] =	stream.linear.scatter [tilespmem:s1], [sflag:$0x1], $0x1400, $0x38;
	[tilespmem:$0x1F9F0] =	vst v63  }
0x76: {  	s11 =	rddreg [dreg:$0xa]  }
0x77: {  	[spmem:s11] =	stream.linear.scatter [tilespmem:s2], [sflag:$0x2], $0x280, $0x38;
	[tilespmem:$0x1F9F0] =	vst v63  }
0x78: {  	s13 =	rddreg [dreg:$0xc]  }
0x79: {  	[spmem:s12] =	stream.linear.scatter [tilespmem:s1], [sflag:$0x1], $0x1400, $0x38;
	[tilespmem:$0x1F9F0] =	vst v63  }
0x7a: {  	s17 =	rddreg [dreg:$0xd]  }
0x7b: {  	[spmem:s13] =	stream.linear.scatter [tilespmem:s2], [sflag:$0x2], $0x280, $0x38;
	[tilespmem:$0x1F9F0] =	vst v63  }
0x7c: {  	s19 =	rddreg [dreg:$0xe]  }
0x7d: {  	[spmem:s17] =	stream.linear.scatter [tilespmem:s1], [sflag:$0x1], $0x1400, $0x38;
	[tilespmem:$0x1F9F0] =	vst v63  }
0x7e: {  	s20 =	rddreg [dreg:$0xf]  }
0x7f: {  	[spmem:s19] =	stream.linear.scatter [tilespmem:s2], [sflag:$0x2], $0x280, $0x38;
	[tilespmem:$0x1F9F0] =	vst v63  }
0x80: {  	s23 =	rddreg [dreg:$0x10]  }
0x81: {  	[spmem:s20] =	stream.linear.scatter [tilespmem:s1], [sflag:$0x1], $0x1400, $0x38;
	[tilespmem:$0x1F9F0] =	vst v63  }
0x82: {  	s24 =	rddreg [dreg:$0x11]  }
0x83: {  	[spmem:s23] =	stream.linear.scatter [tilespmem:s2], [sflag:$0x2], $0x280, $0x38;
	[tilespmem:$0x1F9F0] =	vst v63  }
0x84: {  	s25 =	rddreg [dreg:$0x12]  }
0x85: {  	[spmem:s24] =	stream.linear.scatter [tilespmem:s1], [sflag:$0x1], $0x1400, $0x38;
	[tilespmem:$0x1F9F0] =	vst v63  }
0x86: {  	s26 =	rddreg [dreg:$0x13]  }
0x87: {  	[spmem:s25] =	stream.linear.scatter [tilespmem:s2], [sflag:$0x2], $0x280, $0x38;
	[tilespmem:$0x1F9F0] =	vst v63  }
0x88: {  	s28 =	rddreg [dreg:$0x14]  }
0x89: {  	[spmem:s26] =	stream.linear.scatter [tilespmem:s1], [sflag:$0x1], $0x1400, $0x38;
	[tilespmem:$0x1F9F0] =	vst v63  }
0x8a: {  	s8 =	rddreg [dreg:$0x16]  }
0x8b: {  	[spmem:s28] =	stream.linear.scatter [tilespmem:s2], [sflag:$0x2], $0x280, $0x38;
	[tilespmem:$0x1F9F0] =	vst v63  }
0x8c: {  	s7 =	rddreg [dreg:$0x15]  }
0x8d: {  	[spmem:s7] =	stream.linear.scatter [tilespmem:s1], [sflag:$0x1], $0x1400, $0x38;
	[tilespmem:$0x1F9F0] =	vst v63  }
0x8e: {  	s10 =	rddreg [dreg:$0x17]  }
0x8f: {  	[spmem:s8] =	stream.linear.scatter [tilespmem:s2], [sflag:$0x2], $0x280, $0x38;
	[tilespmem:$0x1F9F0] =	vst v63  }
0x90: {  	s11 =	rddreg [dreg:$0x18]  }
0x91: {  	[spmem:s10] =	stream.linear.scatter [tilespmem:s1], [sflag:$0x1], $0x1400, $0x38;
	[tilespmem:$0x1F9F0] =	vst v63  }
0x92: {  	s12 =	rddreg [dreg:$0x19]  }
0x93: {  	[spmem:s11] =	stream.linear.scatter [tilespmem:s2], [sflag:$0x2], $0x280, $0x38;
	[tilespmem:$0x1F9F0] =	vst v63  }
0x94: {  	s13 =	rddreg [dreg:$0x1a]  }
0x95: {  	[spmem:s12] =	stream.linear.scatter [tilespmem:s1], [sflag:$0x1], $0x1400, $0x38;
	[tilespmem:$0x1F9F0] =	vst v63  }
0x96: {  	s17 =	rddreg [dreg:$0x1b]  }
0x97: {  	[spmem:s13] =	stream.linear.scatter [tilespmem:s2], [sflag:$0x2], $0x280, $0x38;
	[tilespmem:$0x1F9F0] =	vst v63  }
0x98: {  	s19 =	rddreg [dreg:$0x1c]  }
0x99: {  	[spmem:s17] =	stream.linear.scatter [tilespmem:s1], [sflag:$0x1], $0x1400, $0x38;
	[tilespmem:$0x1F9F0] =	vst v63  }
0x9a: {  	s20 =	rddreg [dreg:$0x1d]  }
0x9b: {  	[spmem:s19] =	stream.linear.scatter [tilespmem:s2], [sflag:$0x2], $0x280, $0x38;
	[tilespmem:$0x1F9F0] =	vst v63  }
0x9c: {  	s23 =	rddreg [dreg:$0x1e]  }
0x9d: {  	[spmem:s20] =	stream.linear.scatter [tilespmem:s1], [sflag:$0x1], $0x1400, $0x38;
	[tilespmem:$0x1F9F0] =	vst v63  }
0x9e: {  	s24 =	rddreg [dreg:$0x1f]  }
0x9f: {  	[spmem:s23] =	stream.linear.scatter [tilespmem:s2], [sflag:$0x2], $0x280, $0x38;
	[tilespmem:$0x1F9F0] =	vst v63  }
0xa0: {  	s25 =	sld [smem:$0x7EC]  }
0xa1: {  	[spmem:s24] =	stream.linear.scatter [tilespmem:s1], [sflag:$0x1], $0x1400, $0x38;
	[tilespmem:$0x1F9F0] =	vst v63  }
0xa2: {  	s26 =	sld [smem:$0x7ED]  }
0xa3: {  	[spmem:s25] =	stream.linear.scatter [tilespmem:s2], [sflag:$0x2], $0x280, $0x38;
	[tilespmem:$0x1F9F0] =	vst v63  }
0xa4: {  	s28 =	sld [smem:$0x7EE]  }
0xa5: {  	[spmem:s26] =	stream.linear.scatter [tilespmem:s1], [sflag:$0x1], $0x1400, $0x38;
	[tilespmem:$0x1F9F0] =	vst v63  }
0xa6: {  	s7 =	sld [smem:$0x7EF]  }
0xa7: {  	[spmem:s28] =	stream.linear.scatter [tilespmem:s2], [sflag:$0x2], $0x280, $0x38;
	[tilespmem:$0x1F9F0] =	vst v63  }
0xa8: {  	s8 =	sld [smem:$0x7F0]  }
0xa9: {  	[spmem:s7] =	stream.linear.scatter [tilespmem:s1], [sflag:$0x1], $0x1400, $0x38;
	[tilespmem:$0x1F9F0] =	vst v63  }
0xaa: {  	s10 =	sld [smem:$0x7F1]  }
0xab: {  	[spmem:s8] =	stream.linear.scatter [tilespmem:s2], [sflag:$0x2], $0x280, $0x38;
	[tilespmem:$0x1F9F0] =	vst v63  }
0xac: {  	s11 =	sld [smem:$0x7F3]  }
0xad: {  	[spmem:s10] =	stream.linear.scatter [tilespmem:s1], [sflag:$0x1], $0x1400, $0x38;
	[tilespmem:$0x1F9F0] =	vst v63  }
0xae: {  	_ = 	snop  }
0xaf: {  	[spmem:s11] =	stream.linear.scatter [tilespmem:s2], [sflag:$0x2], $0x280, $0x38;
	[tilespmem:$0x1F9F0] =	vst v63  }
0xb0: {  	_ =	swait.ge [sflag:s14], $0x1400  }
0xb1: {  	[sflag:s14] =	ssyncset.done $0x0  }
0xb2: {  	[sflag:s14] =	ssyncadd.s32 $0xFFFFEC00  }
0xb3: {  	_ =	swait.ge [sflag:s3], $0x280  }
0xb4: {  	[sflag:s3] =	ssyncset.done $0x0  }
0xb5: {  	[sflag:s3] =	ssyncadd.s32 $0xFFFFFD80  }
0xb6: {  	_ =	swait.ge [sflag:s14], $0x1400  }
0xb7: {  	[sflag:s14] =	ssyncset.done $0x0  }
0xb8: {  	[sflag:s14] =	ssyncadd.s32 $0xFFFFEC00  }
0xb9: {  	_ =	swait.ge [sflag:s3], $0x280  }
0xba: {  	[sflag:s3] =	ssyncset.done $0x0  }
0xbb: {  	[sflag:s3] =	ssyncadd.s32 $0xFFFFFD80  }
0xbc: {  	_ =	swait.ge [sflag:s14], $0x1400  }
0xbd: {  	[sflag:s14] =	ssyncset.done $0x0  }
0xbe: {  	[sflag:s14] =	ssyncadd.s32 $0xFFFFEC00  }
0xbf: {  	_ =	swait.ge [sflag:s3], $0x280  }
0xc0: {  	[sflag:s3] =	ssyncset.done $0x0  }
0xc1: {  	[sflag:s3] =	ssyncadd.s32 $0xFFFFFD80  }
0xc2: {  	_ =	swait.ge [sflag:s14], $0x1400  }
0xc3: {  	[sflag:s14] =	ssyncset.done $0x0  }
0xc4: {  	[sflag:s14] =	ssyncadd.s32 $0xFFFFEC00  }
0xc5: {  	_ =	swait.ge [sflag:s3], $0x280  }
0xc6: {  	[sflag:s3] =	ssyncset.done $0x0  }
0xc7: {  	[sflag:s3] =	ssyncadd.s32 $0xFFFFFD80  }
0xc8: {  	_ =	swait.ge [sflag:s14], $0x1400  }
0xc9: {  	[sflag:s14] =	ssyncset.done $0x0  }
0xca: {  	[sflag:s14] =	ssyncadd.s32 $0xFFFFEC00  }
0xcb: {  	_ =	swait.ge [sflag:s3], $0x280  }
0xcc: {  	[sflag:s3] =	ssyncset.done $0x0  }
0xcd: {  	[sflag:s3] =	ssyncadd.s32 $0xFFFFFD80  }
0xce: {  	_ =	swait.ge [sflag:s14], $0x1400  }
0xcf: {  	[sflag:s14] =	ssyncset.done $0x0  }
0xd0: {  	[sflag:s14] =	ssyncadd.s32 $0xFFFFEC00  }
0xd1: {  	_ =	swait.ge [sflag:s3], $0x280  }
0xd2: {  	[sflag:s3] =	ssyncset.done $0x0  }
0xd3: {  	[sflag:s3] =	ssyncadd.s32 $0xFFFFFD80  }
0xd4: {  	_ =	swait.ge [sflag:s14], $0x1400  }
0xd5: {  	[sflag:s14] =	ssyncset.done $0x0  }
0xd6: {  	[sflag:s14] =	ssyncadd.s32 $0xFFFFEC00  }
0xd7: {  	_ =	swait.ge [sflag:s3], $0x280  }
0xd8: {  	[sflag:s3] =	ssyncset.done $0x0  }
0xd9: {  	[sflag:s3] =	ssyncadd.s32 $0xFFFFFD80  }
0xda: {  	_ =	swait.ge [sflag:s14], $0x1400  }
0xdb: {  	[sflag:s14] =	ssyncset.done $0x0  }
0xdc: {  	[sflag:s14] =	ssyncadd.s32 $0xFFFFEC00  }
0xdd: {  	_ =	swait.ge [sflag:s3], $0x280  }
0xde: {  	[sflag:s3] =	ssyncset.done $0x0  }
0xdf: {  	[sflag:s3] =	ssyncadd.s32 $0xFFFFFD80  }
0xe0: {  	_ =	swait.ge [sflag:s14], $0x1400  }
0xe1: {  	[sflag:s14] =	ssyncset.done $0x0  }
0xe2: {  	[sflag:s14] =	ssyncadd.s32 $0xFFFFEC00  }
0xe3: {  	_ =	swait.ge [sflag:s3], $0x280  }
0xe4: {  	[sflag:s3] =	ssyncset.done $0x0  }
0xe5: {  	[sflag:s3] =	ssyncadd.s32 $0xFFFFFD80  }
0xe6: {  	_ =	swait.ge [sflag:s14], $0x1400  }
0xe7: {  	[sflag:s14] =	ssyncset.done $0x0  }
0xe8: {  	[sflag:s14] =	ssyncadd.s32 $0xFFFFEC00  }
0xe9: {  	_ =	swait.ge [sflag:s3], $0x280  }
0xea: {  	[sflag:s3] =	ssyncset.done $0x0  }
0xeb: {  	[sflag:s3] =	ssyncadd.s32 $0xFFFFFD80  }
0xec: {  	_ =	swait.ge [sflag:s14], $0x1400  }
0xed: {  	[sflag:s14] =	ssyncset.done $0x0  }
0xee: {  	[sflag:s14] =	ssyncadd.s32 $0xFFFFEC00  }
0xef: {  	_ =	swait.ge [sflag:s3], $0x280  }
0xf0: {  	[sflag:s3] =	ssyncset.done $0x0  }
0xf1: {  	[sflag:s3] =	ssyncadd.s32 $0xFFFFFD80  }
0xf2: {  	_ =	swait.ge [sflag:s14], $0x1400  }
0xf3: {  	[sflag:s14] =	ssyncset.done $0x0  }
0xf4: {  	[sflag:s14] =	ssyncadd.s32 $0xFFFFEC00  }
0xf5: {  	_ =	swait.ge [sflag:s3], $0x280  }
0xf6: {  	[sflag:s3] =	ssyncset.done $0x0  }
0xf7: {  	[sflag:s3] =	ssyncadd.s32 $0xFFFFFD80  }
0xf8: {  	_ =	swait.ge [sflag:s14], $0x1400  }
0xf9: {  	[sflag:s14] =	ssyncset.done $0x0  }
0xfa: {  	[sflag:s14] =	ssyncadd.s32 $0xFFFFEC00  }
0xfb: {  	_ =	swait.ge [sflag:s3], $0x280  }
0xfc: {  	[sflag:s3] =	ssyncset.done $0x0  }
0xfd: {  	[sflag:s3] =	ssyncadd.s32 $0xFFFFFD80  }
0xfe: {  	_ =	swait.ge [sflag:s14], $0x1400  }
0xff: {  	[sflag:s14] =	ssyncset.done $0x0  }
0x100: {  	[sflag:s14] =	ssyncadd.s32 $0xFFFFEC00  }
0x101: {  	_ =	swait.ge [sflag:s3], $0x280  }
0x102: {  	[sflag:s3] =	ssyncset.done $0x0  }
0x103: {  	[sflag:s3] =	ssyncadd.s32 $0xFFFFFD80  }
0x104: {  	_ =	swait.ge [sflag:s14], $0x1400  }
0x105: {  	[sflag:s14] =	ssyncset.done $0x0  }
0x106: {  	[sflag:s14] =	ssyncadd.s32 $0xFFFFEC00  }
0x107: {  	_ =	swait.ge [sflag:s3], $0x280  }
0x108: {  	[sflag:s3] =	ssyncset.done $0x0  }
0x109: {  	[sflag:s3] =	ssyncadd.s32 $0xFFFFFD80  }
0x10a: {  	_ =	swait.ge [sflag:s14], $0x1400  }
0x10b: {  	[sflag:s14] =	ssyncset.done $0x0  }
0x10c: {  	[sflag:s14] =	ssyncadd.s32 $0xFFFFEC00  }
0x10d: {  	_ =	swait.ge [sflag:s3], $0x280  }
0x10e: {  	[sflag:s3] =	ssyncset.done $0x0  }
0x10f: {  	[sflag:s3] =	ssyncadd.s32 $0xFFFFFD80  }
0x110: {  	[bflag:$0x0] =	sbarrier.arrive $0xFFFF  }
0x111: {  	s12 =	sld [smem:$0x7F4];
	_ =	sdelay $0x1  }
0x112: {  	s13 =	simm.s32 $0x0;
	s17 =	sld [smem:$0x7F5]  }
0x113: {  	[tilespmem:s13], [sflag:$0x2] =	stream.linear.gather [hbm4b:s12+s13], $0x28, $0x38;
	[tilespmem:$0x1F9F0] =	vst v63  }
0x114: {  	_ = 	snop  }
0x115: {  	[tilespmem:s16], [sflag:$0x2] =	stream.linear.gather [hbm4b:s17+s13], $0x28, $0x38;
	[tilespmem:$0x1F9F0] =	vst v63  }
0x116: {  	_ =	swait.ge [sflag:s3], $0x28  }
0x117: {  	[sflag:s3] =	ssyncset.done $0x0  }
0x118: {  	[sflag:s3] =	ssyncadd.s32 $0xFFFFFFD8  }
0x119: {  	_ =	swait.ge [sflag:s3], $0x28  }
0x11a: {  	s19 =	sld [smem:$0x7F6]  }
0x11b: {  	[sflag:s3] =	ssyncset.done $0x0  }
0x11c: {  	s20 =	simm.s32 $0x2850;
	[sflag:s3] =	ssyncadd.s32 $0xFFFFFFD8  }
0x11d: {  	[tilespmem:s20], [sflag:$0x1] =	stream.linear.gather [hbm4b:s19+s13], $0xA00, $0x38;
	[tilespmem:$0x1F9F0] =	vst v63  }
0x11e: {  	s23 =	simm.s32 $0x50;
	s24 =	rddreg [dreg:$0x5]  }
0x11f: {  	[tilespmem:s23], [sflag:$0x1] =	stream.indirect.gather [hbm4b:s31+s16], $0x80, s13, s16, $0xb8;
	[tilespmem:$0x1F9F0] =	vst v63  }
0x120: {  	s25 =	simm.s32 $0x1450;
	s26 =	sld [smem:$0x7F7]  }
0x121: {  	[tilespmem:s25], [sflag:$0x1] =	stream.indirect.gather [hbm4b:s24+s16], $0x80, s16, s16, $0xb8;
	[tilespmem:$0x1F9F0] =	vst v63  }
0x122: {  	s28 =	sld [smem:$0x7F8]  }
0x123: {  	[tilespmem:s4], [sflag:$0x4] =	stream.linear.gather [hbm4b:s26+s13], $0x28, $0x38;
	[tilespmem:$0x1F9F0] =	vst v63  }
0x124: {  	_ = 	snop  }
0x125: {  	[tilespmem:s5], [sflag:$0x4] =	stream.linear.gather [hbm4b:s28+s13], $0x28, $0x38;
	[tilespmem:$0x1F9F0] =	vst v63  }
.LBB2_4:
0x126: {  	s23 =	smul.u32 $0x50, s13;
	_ =	sdelay $0x1  }
0x127: {  	s0 =	sadd.s32 s18, s23  }
0x128: {  	s0 =	sshrl.u32 s0, $0x3  }
0x129: {  	s0 =	sadd.s32 s9, s0  }
0x12a: {  	[tilespmem:s21], [sflag:$0x6] =	stream.linear.gather [hbm4b:s0+s15], $0x28, $0x38;
	[tilespmem:$0x1F9F0] =	vst v63  }
0x12b: {  	_ =	swait.ge [sflag:s22], $0x28  }
0x12c: {  	s24 =	sshllo.u32 s13, $0x1;
	s1 =	sld [smem:$0x7F2]  }
0x12d: {  	s19 =	smul.u32 $0x14, s24  }
0x12e: {  	[sflag:s22] =	ssyncset.done $0x0  }
0x12f: {  	[sflag:s22] =	ssyncadd.s32 $0xFFFFFFD8;
	s0 =	sadd.s32 s1, s19  }
0x130: {  	_ =	swait.ge [sflag:s22], $0x28;
	s0 =	sshll.u32 s0, $0x4  }
0x131: {  	[sflag:s22] =	ssyncset.done $0x0;
	s0 =	sand.u32 $0x1FFFFFC0, s0  }
0x132: {  	s20 =	simm.s32 $0x6EA0;
	[sflag:s22] =	ssyncadd.s32 $0xFFFFFFD8;
	s0 =	sadd.s32 s6, s0  }
0x133: {  	[tilespmem:s20], [sflag:$0x3] =	stream.linear.gather [hbm4b:s0+s15], $0xA00, $0x38;
	[tilespmem:$0x1F9F0] =	vst v63  }
0x134: {  	s21 =	simm.s32 $0x46A0  }
0x135: {  	[tilespmem:s21], [sflag:$0x3] =	stream.indirect.gather [hbm4b:s31+s16], $0x80, s4, s16, $0xb8;
	[tilespmem:$0x1F9F0] =	vst v63  }
0x136: {  	s26 =	simm.s32 $0x5AA0;
	s25 =	rddreg [dreg:$0x5]  }
0x137: {  	[tilespmem:s26], [sflag:$0x3] =	stream.indirect.gather [hbm4b:s25+s16], $0x80, s5, s16, $0xb8;
	[tilespmem:$0x1F9F0] =	vst v63  }
0x138: {  	_ =	swait.ge [sflag:s14], $0xA00  }
0x139: {  	[sflag:s14] =	ssyncset.done $0x0  }
0x13a: {  	[sflag:s14] =	ssyncadd.s32 $0xFFFFF600  }
0x13b: {  	_ =	swait.ge [sflag:s14], $0x1400  }
0x13c: {  	[sflag:s14] =	ssyncset.done $0x0  }
0x13d: {  	[sflag:s14] =	ssyncadd.s32 $0xFFFFEC00  }
0x13e: {  	_ =	swait.ge [sflag:s14], $0x1400  }
0x13f: {  	p0 =	seq.s32 s13, $0x0;
	[sflag:s14] =	ssyncset.done $0x0  }
0x140: {  	s0 =	simm.s32 @!p0 $0x7;
	[sflag:s14] =	ssyncadd.s32 $0xFFFFEC00  }
0x141: {  	_ =	swait.ge @!p0 [sflag:s0], $0x1400  }
0x142: {  	[sflag:s0] =	ssyncset.done @!p0 $0x0  }
0x143: {  	[sflag:s0] =	ssyncadd.s32 @!p0 $0xFFFFEC00  }
0x144: {  	_ =	swait.ge @!p0 [sflag:s0], $0x280  }
0x145: {  	[sflag:s0] =	ssyncset.done @!p0 $0x0  }
0x146: {  	s10 =	simm.s32 $0x150;
	[sflag:s0] =	ssyncadd.s32 @!p0 $0xFFFFFD80  }
0x147: {  	s28 =	simm.s32 $0x1550;
	v2 =	vld [tilespmem:s10+$0x0]  }
0x148: {  	s20 =	simm.s32 $0x28D0;
	v3 =	vld [tilespmem:s28+$0x0]  }
0x149: {  	v4 =	vld [tilespmem:s20+$0x0];
	_ =	sdelay $0x3  }
0x14a: {  	v2 =	vadd.f32 v3, v2  }
0x14b: {  	v3 =	vunpack.i.l.bf16.f32 v4  }
0x14c: {  	v2 =	vadd.f32 v2, v3;
	_ =	sdelay $0x1  }
0x14d: {  	s25 =	simm.s32 $0x3350;
	v2 =	vmax.f32 v2, $0.0e+00  }
0x14e: {  	[tilespmem:s25+$0x0] =	vst v2  }
0x14f: {  	v2 =	vld [tilespmem:s10+$0x80]  }
0x150: {  	v3 =	vld [tilespmem:s28+$0x80];
	_ =	sdelay $0x4  }
0x151: {  	v2 =	vadd.f32 v3, v2  }
0x152: {  	v3 =	vunpack.i.u.bf16.f32 v4  }
0x153: {  	v2 =	vadd.f32 v2, v3  }
0x154: {  	v4 =	vld [tilespmem:s28+$0xFFFFFF00]  }
0x155: {  	v3 =	vld [tilespmem:s10+$0xFFFFFF00];
	v2 =	vmax.f32 v2, $0.0e+00  }
0x156: {  	v5 =	vld [tilespmem:s20+$0xFFFFFF80];
	[tilespmem:s25+$0x80] =	vst v2  }
0x157: {  	v2 =	vld [tilespmem:s10+$0x10]  }
0x158: {  	v6 =	vld [tilespmem:s28+$0x10]  }
0x159: {  	v7 =	vld [tilespmem:s20+$0x10]  }
0x15a: {  	v3 =	vadd.f32 v4, v3  }
0x15b: {  	v4 =	vunpack.i.l.bf16.f32 v5  }
0x15c: {  	v3 =	vadd.f32 v3, v4  }
0x15d: {  	v2 =	vadd.f32 v6, v2  }
0x15e: {  	v3 =	vmax.f32 v3, $0.0e+00;
	v4 =	vunpack.i.l.bf16.f32 v7  }
0x15f: {  	[tilespmem:s25+$0xFFFFFF00] =	vst v3;
	v2 =	vadd.f32 v2, v4  }
0x160: {  	v3 =	vld [tilespmem:s10+$0xFFFFFF80]  }
0x161: {  	v4 =	vld [tilespmem:s28+$0xFFFFFF80];
	v2 =	vmax.f32 v2, $0.0e+00  }
0x162: {  	[tilespmem:s25+$0x10] =	vst v2  }
0x163: {  	v2 =	vld [tilespmem:s10+$0x90]  }
0x164: {  	v6 =	vld [tilespmem:s28+$0x90];
	_ =	sdelay $0x1  }
0x165: {  	v3 =	vadd.f32 v4, v3  }
0x166: {  	v4 =	vunpack.i.u.bf16.f32 v5  }
0x167: {  	v3 =	vadd.f32 v3, v4  }
0x168: {  	v2 =	vadd.f32 v6, v2  }
0x169: {  	v4 =	vunpack.i.u.bf16.f32 v7;
	v3 =	vmax.f32 v3, $0.0e+00  }
0x16a: {  	[tilespmem:s25+$0xFFFFFF80] =	vst v3;
	v2 =	vadd.f32 v2, v4  }
0x16b: {  	v3 =	vld [tilespmem:s10+$0xFFFFFF10]  }
0x16c: {  	v4 =	vld [tilespmem:s28+$0xFFFFFF10];
	v2 =	vmax.f32 v2, $0.0e+00  }
0x16d: {  	v5 =	vld [tilespmem:s20+$0xFFFFFF90];
	[tilespmem:s25+$0x90] =	vst v2  }
0x16e: {  	v2 =	vld [tilespmem:s10+$0x20]  }
0x16f: {  	v6 =	vld [tilespmem:s28+$0x20]  }
0x170: {  	v7 =	vld [tilespmem:s20+$0x20];
	_ =	sdelay $0x1  }
0x171: {  	v3 =	vadd.f32 v4, v3  }
0x172: {  	v4 =	vunpack.i.l.bf16.f32 v5  }
0x173: {  	v3 =	vadd.f32 v3, v4;
	v2 =	vadd.f32 v6, v2  }
0x174: {  	v4 =	vunpack.i.l.bf16.f32 v7  }
0x175: {  	v3 =	vmax.f32 v3, $0.0e+00;
	v2 =	vadd.f32 v2, v4  }
0x176: {  	[tilespmem:s25+$0xFFFFFF10] =	vst v3  }
0x177: {  	v3 =	vld [tilespmem:s10+$0xFFFFFF90];
	v2 =	vmax.f32 v2, $0.0e+00  }
0x178: {  	v4 =	vld [tilespmem:s28+$0xFFFFFF90];
	[tilespmem:s25+$0x20] =	vst v2  }
0x179: {  	v2 =	vld [tilespmem:s10+$0xA0]  }
0x17a: {  	v6 =	vld [tilespmem:s28+$0xA0];
	_ =	sdelay $0x3  }
0x17b: {  	v3 =	vadd.f32 v4, v3  }
0x17c: {  	v4 =	vunpack.i.u.bf16.f32 v5;
	v2 =	vadd.f32 v6, v2  }
0x17d: {  	v3 =	vadd.f32 v3, v4;
	v4 =	vunpack.i.u.bf16.f32 v7  }
0x17e: {  	v2 =	vadd.f32 v2, v4;
	_ =	sdelay $0x1  }
0x17f: {  	s15 =	simm.s32 $0x350;
	v2 =	vmax.f32 v2, $0.0e+00  }
0x180: {  	v8 =	vld [tilespmem:s15+$0x0];
	[tilespmem:s25+$0xA0] =	vst v2  }
0x181: {  	v2 =	vld [tilespmem:s10+$0x30]  }
0x182: {  	v3 =	vmax.f32 v3, $0.0e+00;
	v4 =	vld [tilespmem:s28+$0x30]  }
0x183: {  	[tilespmem:s25+$0xFFFFFF90] =	vst v3;
	v5 =	vld [tilespmem:s20+$0x30]  }
0x184: {  	v3 =	vld [tilespmem:s10+$0xFFFFFF20]  }
0x185: {  	v6 =	vld [tilespmem:s28+$0xFFFFFF20]  }
0x186: {  	s12 =	simm.s32 $0x1750;
	v7 =	vld [tilespmem:s20+$0xFFFFFFA0]  }
0x187: {  	s3 =	simm.s32 $0x29D0;
	v2 =	vadd.f32 v4, v2;
	v4 =	vld [tilespmem:s12+$0x0]  }
0x188: {  	v10 =	vld [tilespmem:s3+$0x0];
	v9 =	vunpack.i.l.bf16.f32 v5  }
0x189: {  	v2 =	vadd.f32 v2, v9  }
0x18a: {  	v3 =	vadd.f32 v6, v3  }
0x18b: {  	v6 =	vunpack.i.l.bf16.f32 v7;
	v2 =	vmax.f32 v2, $0.0e+00  }
0x18c: {  	v3 =	vadd.f32 v3, v6;
	[tilespmem:s25+$0x30] =	vst v2;
	v2 =	vadd.f32 v4, v8  }
0x18d: {  	v6 =	vunpack.i.l.bf16.f32 v10;
	v4 =	vld [tilespmem:s10+$0xB0]  }
0x18e: {  	v3 =	vmax.f32 v3, $0.0e+00;
	v8 =	vld [tilespmem:s28+$0xB0];
	v2 =	vadd.f32 v2, v6  }
0x18f: {  	[tilespmem:s25+$0xFFFFFF20] =	vst v3  }
0x190: {  	s11 =	simm.s32 $0x3550;
	v3 =	vld [tilespmem:s10+$0xFFFFFFA0];
	v2 =	vmax.f32 v2, $0.0e+00  }
0x191: {  	v6 =	vld [tilespmem:s28+$0xFFFFFFA0];
	[tilespmem:s11+$0x0] =	vst v2  }
0x192: {  	v2 =	vld [tilespmem:s15+$0x80]  }
0x193: {  	v4 =	vadd.f32 v8, v4;
	v8 =	vld [tilespmem:s12+$0x80]  }
0x194: {  	v5 =	vunpack.i.u.bf16.f32 v5  }
0x195: {  	v4 =	vadd.f32 v4, v5  }
0x196: {  	v3 =	vadd.f32 v6, v3;
	v6 =	vunpack.i.u.bf16.f32 v7;
	v7 =	vld [tilespmem:s12+$0xFFFFFF00]  }
0x197: {  	v5 =	vld [tilespmem:s15+$0xFFFFFF00];
	v4 =	vmax.f32 v4, $0.0e+00  }
0x198: {  	v3 =	vadd.f32 v3, v6;
	v6 =	vld [tilespmem:s3+$0xFFFFFF80];
	[tilespmem:s25+$0xB0] =	vst v4;
	v2 =	vadd.f32 v8, v2  }
0x199: {  	v8 =	vunpack.i.u.bf16.f32 v10;
	v4 =	vld [tilespmem:s10+$0x40]  }
0x19a: {  	v3 =	vmax.f32 v3, $0.0e+00;
	v9 =	vld [tilespmem:s28+$0x40];
	v2 =	vadd.f32 v2, v8  }
0x19b: {  	[tilespmem:s25+$0xFFFFFFA0] =	vst v3;
	v3 =	vld [tilespmem:s20+$0x40]  }
0x19c: {  	v5 =	vadd.f32 v7, v5;
	v7 =	vld [tilespmem:s10+$0xFFFFFF30];
	v2 =	vmax.f32 v2, $0.0e+00  }
0x19d: {  	v10 =	vld [tilespmem:s28+$0xFFFFFF30];
	v8 =	vunpack.i.l.bf16.f32 v6;
	[tilespmem:s11+$0x80] =	vst v2  }
0x19e: {  	v2 =	vadd.f32 v5, v8;
	v5 =	vld [tilespmem:s15+$0x10]  }
0x19f: {  	v4 =	vadd.f32 v9, v4;
	v8 =	vld [tilespmem:s12+$0x10]  }
0x1a0: {  	v9 =	vunpack.i.l.bf16.f32 v3;
	v11 =	vld [tilespmem:s3+$0x10];
	v2 =	vmax.f32 v2, $0.0e+00  }
0x1a1: {  	v12 =	vld [tilespmem:s20+$0xFFFFFFB0];
	[tilespmem:s11+$0xFFFFFF00] =	vst v2;
	v2 =	vadd.f32 v4, v9  }
0x1a2: {  	v4 =	vld [tilespmem:s15+$0xFFFFFF80]  }
0x1a3: {  	v9 =	vld [tilespmem:s12+$0xFFFFFF80];
	v2 =	vmax.f32 v2, $0.0e+00  }
0x1a4: {  	[tilespmem:s25+$0x40] =	vst v2;
	v2 =	vadd.f32 v8, v5  }
0x1a5: {  	v8 =	vunpack.i.l.bf16.f32 v11;
	v5 =	vld [tilespmem:s10+$0xC0]  }
0x1a6: {  	v13 =	vld [tilespmem:s28+$0xC0];
	v2 =	vadd.f32 v2, v8  }
0x1a7: {  	v7 =	vadd.f32 v10, v7  }
0x1a8: {  	v8 =	vunpack.i.l.bf16.f32 v12;
	v4 =	vadd.f32 v9, v4;
	v2 =	vmax.f32 v2, $0.0e+00  }
0x1a9: {  	v6 =	vunpack.i.u.bf16.f32 v6;
	v7 =	vadd.f32 v7, v8;
	[tilespmem:s11+$0x10] =	vst v2  }
0x1aa: {  	v2 =	vadd.f32 v4, v6;
	v4 =	vld [tilespmem:s15+$0x90]  }
0x1ab: {  	v6 =	vmax.f32 v7, $0.0e+00;
	v5 =	vadd.f32 v13, v5;
	v7 =	vld [tilespmem:s12+$0x90]  }
0x1ac: {  	v3 =	vunpack.i.u.bf16.f32 v3;
	[tilespmem:s25+$0xFFFFFF30] =	vst v6;
	v2 =	vmax.f32 v2, $0.0e+00  }
0x1ad: {  	v6 =	vld [tilespmem:s10+$0xFFFFFFB0];
	[tilespmem:s11+$0xFFFFFF80] =	vst v2;
	v2 =	vadd.f32 v5, v3  }
0x1ae: {  	v3 =	vld [tilespmem:s15+$0xFFFFFF10]  }
0x1af: {  	v5 =	vld [tilespmem:s12+$0xFFFFFF10];
	v2 =	vmax.f32 v2, $0.0e+00  }
0x1b0: {  	v8 =	vld [tilespmem:s3+$0xFFFFFF90];
	[tilespmem:s25+$0xC0] =	vst v2;
	v2 =	vadd.f32 v7, v4  }
0x1b1: {  	v7 =	vunpack.i.u.bf16.f32 v11;
	v4 =	vld [tilespmem:s10+$0x50]  }
0x1b2: {  	v9 =	vld [tilespmem:s28+$0x50];
	v2 =	vadd.f32 v2, v7  }
0x1b3: {  	v7 =	vld [tilespmem:s20+$0x50]  }
0x1b4: {  	v10 =	vld [tilespmem:s28+$0xFFFFFFB0];
	v3 =	vadd.f32 v5, v3;
	v2 =	vmax.f32 v2, $0.0e+00  }
0x1b5: {  	v5 =	vunpack.i.l.bf16.f32 v8;
	[tilespmem:s11+$0x90] =	vst v2  }
0x1b6: {  	v2 =	vadd.f32 v3, v5;
	v3 =	vld [tilespmem:s15+$0x20]  }
0x1b7: {  	v4 =	vadd.f32 v9, v4;
	v5 =	vld [tilespmem:s12+$0x20]  }
0x1b8: {  	v11 =	vld [tilespmem:s3+$0x20];
	v2 =	vmax.f32 v2, $0.0e+00;
	v9 =	vunpack.i.l.bf16.f32 v7  }
0x1b9: {  	v6 =	vadd.f32 v10, v6;
	[tilespmem:s11+$0xFFFFFF10] =	vst v2;
	v2 =	vadd.f32 v4, v9  }
0x1ba: {  	v4 =	vunpack.i.u.bf16.f32 v12;
	v9 =	vld [tilespmem:s15+$0xFFFFFF90]  }
0x1bb: {  	v4 =	vadd.f32 v6, v4;
	v6 =	vld [tilespmem:s12+$0xFFFFFF90];
	v2 =	vmax.f32 v2, $0.0e+00  }
0x1bc: {  	[tilespmem:s25+$0x50] =	vst v2;
	v2 =	vadd.f32 v5, v3  }
0x1bd: {  	v3 =	vmax.f32 v4, $0.0e+00;
	v5 =	vunpack.i.l.bf16.f32 v11;
	v4 =	vld [tilespmem:s10+$0xD0]  }
0x1be: {  	[tilespmem:s25+$0xFFFFFFB0] =	vst v3;
	v3 =	vld [tilespmem:s28+$0xD0];
	v2 =	vadd.f32 v2, v5  }
0x1bf: {  	v5 =	vld [tilespmem:s10+$0xFFFFFF40]  }
0x1c0: {  	v10 =	vld [tilespmem:s28+$0xFFFFFF40];
	v6 =	vadd.f32 v6, v9;
	v2 =	vmax.f32 v2, $0.0e+00  }
0x1c1: {  	v8 =	vunpack.i.u.bf16.f32 v8;
	v9 =	vld [tilespmem:s20+$0xFFFFFFC0];
	[tilespmem:s11+$0x20] =	vst v2  }
0x1c2: {  	v2 =	vadd.f32 v6, v8;
	v6 =	vld [tilespmem:s15+$0xA0]  }
0x1c3: {  	v3 =	vadd.f32 v3, v4;
	v4 =	vld [tilespmem:s12+$0xA0]  }
0x1c4: {  	v7 =	vunpack.i.u.bf16.f32 v7;
	v2 =	vmax.f32 v2, $0.0e+00  }
0x1c5: {  	[tilespmem:s11+$0xFFFFFF90] =	vst v2;
	v2 =	vadd.f32 v3, v7  }
0x1c6: {  	v5 =	vadd.f32 v10, v5;
	v3 =	vld [tilespmem:s15+$0xFFFFFF20]  }
0x1c7: {  	v8 =	vunpack.i.l.bf16.f32 v9;
	v7 =	vld [tilespmem:s12+$0xFFFFFF20];
	v2 =	vmax.f32 v2, $0.0e+00  }
0x1c8: {  	v10 =	vld [tilespmem:s3+$0xFFFFFFA0];
	[tilespmem:s25+$0xD0] =	vst v2;
	v2 =	vadd.f32 v4, v6;
	v4 =	vadd.f32 v5, v8  }
0x1c9: {  	v6 =	vunpack.i.u.bf16.f32 v11;
	v5 =	vld [tilespmem:s10+$0x60]  }
0x1ca: {  	v8 =	vld [tilespmem:s28+$0x60];
	v2 =	vadd.f32 v2, v6;
	v4 =	vmax.f32 v4, $0.0e+00  }
0x1cb: {  	v6 =	vld [tilespmem:s20+$0x60];
	[tilespmem:s25+$0xFFFFFF40] =	vst v4  }
0x1cc: {  	v2 =	vmax.f32 v2, $0.0e+00;
	v4 =	vld [tilespmem:s10+$0xFFFFFFC0]  }
0x1cd: {  	v3 =	vadd.f32 v7, v3;
	v12 =	vld [tilespmem:s28+$0xFFFFFFC0];
	[tilespmem:s11+$0xA0] =	vst v2  }
0x1ce: {  	v2 =	vunpack.i.l.bf16.f32 v10;
	v7 =	vld [tilespmem:s15+$0x30]  }
0x1cf: {  	v2 =	vadd.f32 v3, v2;
	v3 =	vadd.f32 v8, v5;
	v5 =	vld [tilespmem:s12+$0x30]  }
0x1d0: {  	v11 =	vld [tilespmem:s3+$0x30];
	v8 =	vunpack.i.l.bf16.f32 v6  }
0x1d1: {  	v3 =	vadd.f32 v3, v8  }
0x1d2: {  	s4 =	simm.s32 $0x550;
	v2 =	vmax.f32 v2, $0.0e+00  }
0x1d3: {  	[tilespmem:s11+$0xFFFFFF20] =	vst v2;
	v4 =	vadd.f32 v12, v4;
	v12 =	vld [tilespmem:s4+$0x0];
	v3 =	vmax.f32 v3, $0.0e+00  }
0x1d4: {  	v2 =	vld [tilespmem:s15+$0xFFFFFFA0];
	[tilespmem:s25+$0x60] =	vst v3;
	v3 =	vadd.f32 v5, v7  }
0x1d5: {  	v8 =	vld [tilespmem:s12+$0xFFFFFFA0];
	v7 =	vunpack.i.l.bf16.f32 v11  }
0x1d6: {  	s2 =	simm.s32 $0x1950;
	v5 =	vld [tilespmem:s10+$0xE0];
	v3 =	vadd.f32 v3, v7  }
0x1d7: {  	s0 =	simm.s32 $0x2AD0;
	v7 =	vunpack.i.u.bf16.f32 v9;
	v9 =	vld [tilespmem:s2+$0x0]  }
0x1d8: {  	v4 =	vadd.f32 v4, v7;
	v7 =	vld [tilespmem:s0+$0x0];
	v3 =	vmax.f32 v3, $0.0e+00  }
0x1d9: {  	v13 =	vld [tilespmem:s28+$0xE0];
	[tilespmem:s11+$0x30] =	vst v3  }
0x1da: {  	v3 =	vmax.f32 v4, $0.0e+00;
	v4 =	vld [tilespmem:s15+$0xB0]  }
0x1db: {  	[tilespmem:s25+$0xFFFFFFC0] =	vst v3;
	v3 =	vld [tilespmem:s12+$0xB0]  }
0x1dc: {  	v2 =	vadd.f32 v8, v2;
	v8 =	vld [tilespmem:s4+$0xFFFFFF00];
	v9 =	vadd.f32 v9, v12  }
0x1dd: {  	v14 =	vld [tilespmem:s10+$0xFFFFFF50];
	v15 =	vunpack.i.l.bf16.f32 v7  }
0x1de: {  	v10 =	vunpack.i.u.bf16.f32 v10;
	v5 =	vadd.f32 v13, v5;
	v12 =	vld [tilespmem:s28+$0xFFFFFF50];
	v9 =	vadd.f32 v9, v15  }
0x1df: {  	v6 =	vunpack.i.u.bf16.f32 v6;
	v2 =	vadd.f32 v2, v10;
	v16 =	vld [tilespmem:s20+$0xFFFFFFD0]  }
0x1e0: {  	s1 =	simm.s32 $0x3750;
	v5 =	vadd.f32 v5, v6;
	v6 =	vld [tilespmem:s2+$0xFFFFFF00];
	v9 =	vmax.f32 v9, $0.0e+00;
	v3 =	vadd.f32 v3, v4  }
0x1e1: {  	v2 =	vmax.f32 v2, $0.0e+00;
	v4 =	vld [tilespmem:s0+$0xFFFFFF80];
	[tilespmem:s1+$0x0] =	vst v9;
	v9 =	vunpack.i.u.bf16.f32 v11  }
0x1e2: {  	[tilespmem:s11+$0xFFFFFFA0] =	vst v2;
	v5 =	vmax.f32 v5, $0.0e+00;
	v10 =	vld [tilespmem:s4+$0x80];
	v3 =	vadd.f32 v3, v9  }
0x1e3: {  	[tilespmem:s25+$0xE0] =	vst v5;
	v5 =	vld [tilespmem:s2+$0x80]  }
0x1e4: {  	v13 =	vld [tilespmem:s3+$0xFFFFFFB0];
	v2 =	vmax.f32 v3, $0.0e+00  }
0x1e5: {  	v11 =	vld [tilespmem:s12+$0xFFFFFF30];
	v3 =	vadd.f32 v6, v8;
	[tilespmem:s11+$0xB0] =	vst v2  }
0x1e6: {  	v2 =	vunpack.i.l.bf16.f32 v4;
	v8 =	vld [tilespmem:s15+$0x40]  }
0x1e7: {  	v2 =	vadd.f32 v3, v2;
	v3 =	vld [tilespmem:s12+$0x40]  }
0x1e8: {  	v5 =	vadd.f32 v5, v10;
	v10 =	vld [tilespmem:s3+$0x40]  }
0x1e9: {  	v7 =	vunpack.i.u.bf16.f32 v7;
	v9 =	vld [tilespmem:s10+$0x70];
	v2 =	vmax.f32 v2, $0.0e+00  }
0x1ea: {  	v6 =	vld [tilespmem:s15+$0xFFFFFF30];
	[tilespmem:s1+$0xFFFFFF00] =	vst v2;
	v2 =	vadd.f32 v5, v7  }
0x1eb: {  	v5 =	vld [tilespmem:s4+$0xFFFFFF80]  }
0x1ec: {  	v7 =	vld [tilespmem:s2+$0xFFFFFF80];
	v2 =	vmax.f32 v2, $0.0e+00;
	v3 =	vadd.f32 v3, v8  }
0x1ed: {  	v8 =	vld [tilespmem:s28+$0x70];
	[tilespmem:s1+$0x80] =	vst v2;
	v2 =	vunpack.i.l.bf16.f32 v10  }
0x1ee: {  	v15 =	vld [tilespmem:s4+$0x10];
	v2 =	vadd.f32 v3, v2  }
0x1ef: {  	v3 =	vadd.f32 v11, v6;
	v6 =	vld [tilespmem:s2+$0x10]  }
0x1f0: {  	v11 =	vunpack.i.l.bf16.f32 v13;
	v17 =	vld [tilespmem:s0+$0x10];
	v18 =	vmax.f32 v2, $0.0e+00  }
0x1f1: {  	v2 =	vld [tilespmem:s20+$0x70];
	v3 =	vadd.f32 v3, v11;
	v5 =	vadd.f32 v7, v5;
	[tilespmem:s11+$0x40] =	vst v18  }
0x1f2: {  	v4 =	vunpack.i.u.bf16.f32 v4;
	v7 =	vld [tilespmem:s15+$0xC0]  }
0x1f3: {  	v3 =	vmax.f32 v3, $0.0e+00;
	v4 =	vadd.f32 v5, v4;
	v5 =	vld [tilespmem:s12+$0xC0]  }
0x1f4: {  	[tilespmem:s11+$0xFFFFFF30] =	vst v3;
	v3 =	vadd.f32 v6, v15  }
0x1f5: {  	v11 =	vunpack.i.l.bf16.f32 v17;
	v6 =	vld [tilespmem:s15+$0xFFFFFFB0];
	v4 =	vmax.f32 v4, $0.0e+00  }
0x1f6: {  	v8 =	vadd.f32 v8, v9;
	v9 =	vld [tilespmem:s12+$0xFFFFFFB0];
	[tilespmem:s1+$0xFFFFFF80] =	vst v4;
	v3 =	vadd.f32 v3, v11  }
0x1f7: {  	v4 =	vadd.f32 v12, v14;
	v11 =	vunpack.i.l.bf16.f32 v16;
	v12 =	vunpack.i.l.bf16.f32 v2;
	v14 =	vld [tilespmem:s4+$0xFFFFFF10]  }
0x1f8: {  	v8 =	vadd.f32 v8, v12;
	v12 =	vld [tilespmem:s2+$0xFFFFFF10];
	v3 =	vmax.f32 v3, $0.0e+00;
	v5 =	vadd.f32 v5, v7  }
0x1f9: {  	v4 =	vadd.f32 v4, v11;
	v7 =	vld [tilespmem:s0+$0xFFFFFF90];
	[tilespmem:s1+$0x10] =	vst v3;
	v3 =	vunpack.i.u.bf16.f32 v10  }
0x1fa: {  	v8 =	vmax.f32 v8, $0.0e+00;
	v10 =	vld [tilespmem:s4+$0x90];
	v5 =	vadd.f32 v5, v3  }
0x1fb: {  	s17 =	simm.s32 $0x750;
	v3 =	vmax.f32 v4, $0.0e+00;
	[tilespmem:s25+$0x70] =	vst v8;
	v4 =	vld [tilespmem:s2+$0x90]  }
0x1fc: {  	v20 =	vld [tilespmem:s17+$0x0];
	v6 =	vadd.f32 v9, v6;
	[tilespmem:s25+$0xFFFFFF50] =	vst v3;
	v5 =	vmax.f32 v5, $0.0e+00  }
0x1fd: {  	v8 =	vunpack.i.u.bf16.f32 v13;
	v9 =	vld [tilespmem:s10+$0xFFFFFFD0];
	v11 =	vadd.f32 v12, v14;
	[tilespmem:s11+$0xC0] =	vst v5  }
0x1fe: {  	v5 =	vadd.f32 v6, v8;
	v6 =	vunpack.i.l.bf16.f32 v7;
	v8 =	vld [tilespmem:s15+$0x50]  }
0x1ff: {  	v6 =	vadd.f32 v11, v6;
	v11 =	vld [tilespmem:s12+$0x50]  }
0x200: {  	v5 =	vmax.f32 v5, $0.0e+00;
	v4 =	vadd.f32 v4, v10;
	v10 =	vld [tilespmem:s3+$0x50]  }
0x201: {  	v12 =	vld [tilespmem:s28+$0xFFFFFFD0];
	[tilespmem:s11+$0xFFFFFFB0] =	vst v5;
	v5 =	vmax.f32 v6, $0.0e+00;
	v6 =	vunpack.i.u.bf16.f32 v17  }
0x202: {  	v13 =	vld [tilespmem:s15+$0xFFFFFF40];
	[tilespmem:s1+$0xFFFFFF10] =	vst v5;
	v4 =	vadd.f32 v4, v6  }
0x203: {  	v5 =	vld [tilespmem:s4+$0xFFFFFF90]  }
0x204: {  	v6 =	vld [tilespmem:s2+$0xFFFFFF90];
	v4 =	vmax.f32 v4, $0.0e+00;
	v8 =	vadd.f32 v11, v8  }
0x205: {  	v15 =	vld [tilespmem:s3+$0xFFFFFFC0];
	[tilespmem:s1+$0x90] =	vst v4;
	v4 =	vunpack.i.l.bf16.f32 v10  }
0x206: {  	v9 =	vadd.f32 v12, v9;
	v12 =	vld [tilespmem:s4+$0x20];
	v4 =	vadd.f32 v8, v4  }
0x207: {  	v8 =	vunpack.i.u.bf16.f32 v16;
	v14 =	vld [tilespmem:s2+$0x20]  }
0x208: {  	v8 =	vadd.f32 v9, v8;
	v9 =	vld [tilespmem:s0+$0x20];
	v4 =	vmax.f32 v4, $0.0e+00  }
0x209: {  	v11 =	vld [tilespmem:s12+$0xFFFFFF40];
	v5 =	vadd.f32 v6, v5;
	[tilespmem:s11+$0x50] =	vst v4  }
0x20a: {  	v4 =	vunpack.i.u.bf16.f32 v7;
	v6 =	vmax.f32 v8, $0.0e+00;
	v7 =	vld [tilespmem:s15+$0xD0]  }
0x20b: {  	[tilespmem:s25+$0xFFFFFFD0] =	vst v6;
	v4 =	vadd.f32 v5, v4;
	v5 =	vld [tilespmem:s12+$0xD0]  }
0x20c: {  	v6 =	vld [tilespmem:s10+$0xFFFFFF60];
	v8 =	vadd.f32 v14, v12  }
0x20d: {  	v12 =	vld [tilespmem:s28+$0xFFFFFF60];
	v14 =	vmax.f32 v4, $0.0e+00;
	v51 =	vunpack.i.l.bf16.f32 v9  }
0x20e: {  	v11 =	vadd.f32 v11, v13;
	v4 =	vld [tilespmem:s20+$0xFFFFFFE0];
	[tilespmem:s1+$0xFFFFFF90] =	vst v14;
	v8 =	vadd.f32 v8, v51  }
0x20f: {  	v13 =	vunpack.i.l.bf16.f32 v15;
	v14 =	vld [tilespmem:s4+$0xFFFFFF20]  }
0x210: {  	v11 =	vadd.f32 v11, v13;
	v13 =	vld [tilespmem:s2+$0xFFFFFF20];
	v8 =	vmax.f32 v8, $0.0e+00;
	v5 =	vadd.f32 v5, v7  }
0x211: {  	v7 =	vld [tilespmem:s0+$0xFFFFFFA0];
	[tilespmem:s1+$0x20] =	vst v8;
	v8 =	vunpack.i.u.bf16.f32 v10  }
0x212: {  	v10 =	vmax.f32 v11, $0.0e+00;
	v11 =	vld [tilespmem:s4+$0xA0];
	v5 =	vadd.f32 v5, v8  }
0x213: {  	[tilespmem:s11+$0xFFFFFF40] =	vst v10;
	v8 =	vld [tilespmem:s2+$0xA0]  }
0x214: {  	v6 =	vadd.f32 v12, v6;
	v10 =	vld [tilespmem:s15+$0xFFFFFFC0];
	v5 =	vmax.f32 v5, $0.0e+00  }
0x215: {  	v12 =	vunpack.i.l.bf16.f32 v4;
	v52 =	vld [tilespmem:s12+$0xFFFFFFC0];
	[tilespmem:s11+$0xD0] =	vst v5  }
0x216: {  	v5 =	vadd.f32 v6, v12;
	v6 =	vadd.f32 v13, v14;
	v12 =	vld [tilespmem:s15+$0x60]  }
0x217: {  	v13 =	vunpack.i.l.bf16.f32 v7;
	v14 =	vld [tilespmem:s12+$0x60]  }
0x218: {  	s26 =	simm.s32 $0x1B50;
	v6 =	vadd.f32 v6, v13;
	v8 =	vadd.f32 v8, v11;
	v11 =	vld [tilespmem:s3+$0x60]  }
0x219: {  	s7 =	smov.u32 s31;
	s31 =	simm.s32 $0x2BD0;
	v57 =	vld [tilespmem:s26+$0x0];
	v9 =	vunpack.i.u.bf16.f32 v9  }
0x21a: {  	v21 =	vld [tilespmem:s31+$0x0];
	v6 =	vmax.f32 v6, $0.0e+00;
	v8 =	vadd.f32 v8, v9  }
0x21b: {  	v58 =	vld [tilespmem:s17+$0xFFFFFF00];
	[tilespmem:s1+$0xFFFFFF20] =	vst v6;
	v6 =	vadd.f32 v52, v10  }
0x21c: {  	v3 =	vld [tilespmem:s10+$0xF0];
	v9 =	vunpack.i.u.bf16.f32 v15;
	v8 =	vmax.f32 v8, $0.0e+00;
	v12 =	vadd.f32 v14, v12  }
0x21d: {  	v53 =	vmax.f32 v5, $0.0e+00;
	v5 =	vld [tilespmem:s28+$0xF0];
	v6 =	vadd.f32 v6, v9;
	[tilespmem:s1+$0xA0] =	vst v8;
	v8 =	vunpack.i.l.bf16.f32 v11  }
0x21e: {  	v9 =	vld [tilespmem:s4+$0x30];
	v8 =	vadd.f32 v12, v8  }
0x21f: {  	[tilespmem:s25+$0xFFFFFF60] =	vst v53;
	v12 =	vld [tilespmem:s2+$0x30];
	v6 =	vmax.f32 v6, $0.0e+00  }
0x220: {  	v54 =	vld [tilespmem:s0+$0x30];
	[tilespmem:s11+$0xFFFFFFC0] =	vst v6;
	v6 =	vmax.f32 v8, $0.0e+00  }
0x221: {  	v13 =	vld [tilespmem:s10+$0xFFFFFFE0];
	[tilespmem:s11+$0x60] =	vst v6  }
0x222: {  	v6 =	vld [tilespmem:s15+$0xE0]  }
0x223: {  	v55 =	vld [tilespmem:s12+$0xE0]  }
0x224: {  	v10 =	vld [tilespmem:s28+$0xFFFFFFE0];
	v12 =	vadd.f32 v12, v9  }
0x225: {  	v15 =	vld [tilespmem:s4+$0xFFFFFFA0];
	v19 =	vunpack.i.l.bf16.f32 v54  }
0x226: {  	v14 =	vld [tilespmem:s2+$0xFFFFFFA0];
	v12 =	vadd.f32 v12, v19  }
0x227: {  	v8 =	vld [tilespmem:s15+$0xFFFFFF50]  }
0x228: {  	v56 =	vld [tilespmem:s12+$0xFFFFFF50];
	v12 =	vmax.f32 v12, $0.0e+00;
	v6 =	vadd.f32 v55, v6  }
0x229: {  	v11 =	vunpack.i.u.bf16.f32 v11;
	v9 =	vld [tilespmem:s3+$0xFFFFFFD0];
	[tilespmem:s1+$0x30] =	vst v12  }
0x22a: {  	v12 =	vld [tilespmem:s4+$0xB0];
	v6 =	vadd.f32 v6, v11  }
0x22b: {  	v11 =	vadd.f32 v14, v15;
	v14 =	vld [tilespmem:s2+$0xB0]  }
0x22c: {  	v7 =	vunpack.i.u.bf16.f32 v7;
	v19 =	vadd.f32 v57, v20;
	v15 =	vld [tilespmem:s26+$0xFFFFFF00];
	v6 =	vmax.f32 v6, $0.0e+00  }
0x22d: {  	v59 =	vunpack.i.l.bf16.f32 v21;
	v7 =	vadd.f32 v11, v7;
	v11 =	vld [tilespmem:s31+$0xFFFFFF80];
	[tilespmem:s11+$0xE0] =	vst v6  }
0x22e: {  	v6 =	vadd.f32 v19, v59;
	v60 =	vld [tilespmem:s15+$0x70]  }
0x22f: {  	v7 =	vmax.f32 v7, $0.0e+00;
	v61 =	vld [tilespmem:s12+$0x70]  }
0x230: {  	s19 =	simm.s32 $0x3950;
	[tilespmem:s1+$0xFFFFFFA0] =	vst v7;
	v7 =	vmax.f32 v6, $0.0e+00;
	v12 =	vadd.f32 v14, v12;
	v6 =	vld [tilespmem:s3+$0x70]  }
0x231: {  	[tilespmem:s19+$0x0] =	vst v7;
	v14 =	vld [tilespmem:s4+$0xFFFFFF30];
	v7 =	vunpack.i.u.bf16.f32 v54  }
0x232: {  	v62 =	vld [tilespmem:s17+$0x80];
	v7 =	vadd.f32 v12, v7  }
0x233: {  	v10 =	vadd.f32 v10, v13;
	v12 =	vadd.f32 v15, v58;
	v15 =	vld [tilespmem:s26+$0x80]  }
0x234: {  	v4 =	vunpack.i.u.bf16.f32 v4;
	v24 =	vld [tilespmem:s2+$0xFFFFFF30];
	v7 =	vmax.f32 v7, $0.0e+00  }
0x235: {  	v4 =	vadd.f32 v10, v4;
	v25 =	vld [tilespmem:s0+$0xFFFFFFB0];
	v63 =	vunpack.i.l.bf16.f32 v11;
	[tilespmem:s1+$0xB0] =	vst v7  }
0x236: {  	v19 =	vadd.f32 v61, v60;
	v12 =	vadd.f32 v12, v63;
	v26 =	vld [tilespmem:s4+$0x40]  }
0x237: {  	v4 =	vmax.f32 v4, $0.0e+00;
	v8 =	vadd.f32 v56, v8;
	v7 =	vunpack.i.l.bf16.f32 v6;
	v27 =	vld [tilespmem:s2+$0x40]  }
0x238: {  	[tilespmem:s25+$0xFFFFFFE0] =	vst v4;
	v7 =	vadd.f32 v19, v7;
	v12 =	vmax.f32 v12, $0.0e+00;
	v28 =	vld [tilespmem:s0+$0x40];
	v15 =	vadd.f32 v15, v62  }
0x239: {  	v21 =	vunpack.i.u.bf16.f32 v21;
	v39 =	vld [tilespmem:s28+$0xFFFFFF70];
	[tilespmem:s19+$0xFFFFFF00] =	vst v12;
	v12 =	vunpack.i.l.bf16.f32 v9  }
0x23a: {  	v7 =	vmax.f32 v7, $0.0e+00;
	v8 =	vadd.f32 v8, v12;
	v12 =	vld [tilespmem:s17+$0xFFFFFF80];
	v15 =	vadd.f32 v15, v21  }
0x23b: {  	v14 =	vadd.f32 v24, v14;
	v31 =	vld [tilespmem:s26+$0xFFFFFF80];
	[tilespmem:s11+$0x70] =	vst v7  }
0x23c: {  	v30 =	vunpack.i.l.bf16.f32 v25;
	v7 =	vld [tilespmem:s15+$0xF0];
	v15 =	vmax.f32 v15, $0.0e+00;
	v18 =	vadd.f32 v27, v26  }
0x23d: {  	v14 =	vadd.f32 v14, v30;
	v29 =	vmax.f32 v8, $0.0e+00;
	v8 =	vld [tilespmem:s12+$0xF0];
	[tilespmem:s19+$0x80] =	vst v15;
	v15 =	vunpack.i.l.bf16.f32 v28  }
0x23e: {  	v33 =	vld [tilespmem:s17+$0x10];
	v15 =	vadd.f32 v18, v15  }
0x23f: {  	v14 =	vmax.f32 v14, $0.0e+00;
	[tilespmem:s11+$0xFFFFFF50] =	vst v29;
	v34 =	vld [tilespmem:s26+$0x10]  }
0x240: {  	[tilespmem:s1+$0xFFFFFF30] =	vst v14;
	v13 =	vld [tilespmem:s31+$0x10];
	v14 =	vmax.f32 v15, $0.0e+00  }
0x241: {  	v32 =	vld [tilespmem:s15+$0xFFFFFFD0];
	v12 =	vadd.f32 v31, v12;
	[tilespmem:s1+$0x40] =	vst v14  }
0x242: {  	v10 =	vunpack.i.u.bf16.f32 v11;
	v11 =	vld [tilespmem:s4+$0xC0]  }
0x243: {  	v10 =	vadd.f32 v12, v10;
	v12 =	vld [tilespmem:s2+$0xC0]  }
0x244: {  	v35 =	vld [tilespmem:s2+$0xFFFFFFB0];
	v14 =	vadd.f32 v34, v33  }
0x245: {  	v36 =	vld [tilespmem:s12+$0xFFFFFFD0];
	v4 =	vmax.f32 v10, $0.0e+00;
	v10 =	vunpack.i.l.bf16.f32 v13  }
0x246: {  	v15 =	vld [tilespmem:s4+$0xFFFFFFB0];
	[tilespmem:s19+$0xFFFFFF80] =	vst v4;
	v4 =	vadd.f32 v14, v10  }
0x247: {  	v37 =	vld [tilespmem:s26+$0xFFFFFF10]  }
0x248: {  	v10 =	vld [tilespmem:s17+$0xFFFFFF10];
	v4 =	vmax.f32 v4, $0.0e+00;
	v11 =	vadd.f32 v12, v11  }
0x249: {  	v12 =	vld [tilespmem:s31+$0xFFFFFF90];
	[tilespmem:s19+$0x10] =	vst v4;
	v4 =	vunpack.i.u.bf16.f32 v28  }
0x24a: {  	v38 =	vld [tilespmem:s17+$0x90];
	v4 =	vadd.f32 v11, v4  }
0x24b: {  	v11 =	vadd.f32 v35, v15;
	v15 =	vld [tilespmem:s26+$0x90]  }
0x24c: {  	v17 =	vunpack.i.u.bf16.f32 v25;
	v14 =	vld [tilespmem:s10+$0xFFFFFF70];
	v4 =	vmax.f32 v4, $0.0e+00  }
0x24d: {  	v40 =	vadd.f32 v37, v10;
	v10 =	vld [tilespmem:s20+$0xFFFFFFF0];
	v11 =	vadd.f32 v11, v17;
	[tilespmem:s1+$0xC0] =	vst v4  }
0x24e: {  	v4 =	vunpack.i.l.bf16.f32 v12;
	v41 =	vld [tilespmem:s4+$0x50]  }
0x24f: {  	v11 =	vmax.f32 v11, $0.0e+00;
	v4 =	vadd.f32 v40, v4;
	v42 =	vld [tilespmem:s2+$0x50]  }
0x250: {  	[tilespmem:s1+$0xFFFFFFB0] =	vst v11;
	v11 =	vadd.f32 v15, v38;
	v15 =	vld [tilespmem:s0+$0x50]  }
0x251: {  	v13 =	vunpack.i.u.bf16.f32 v13;
	v4 =	vmax.f32 v4, $0.0e+00;
	v43 =	vld [tilespmem:s4+$0xFFFFFF40]  }
0x252: {  	[tilespmem:s19+$0xFFFFFF10] =	vst v4;
	v4 =	vadd.f32 v11, v13;
	v11 =	vld [tilespmem:s2+$0xFFFFFF40]  }
0x253: {  	v13 =	vadd.f32 v36, v32;
	v44 =	vld [tilespmem:s17+$0xFFFFFF90]  }
0x254: {  	v9 =	vunpack.i.u.bf16.f32 v9;
	v45 =	vld [tilespmem:s26+$0xFFFFFF90];
	v4 =	vmax.f32 v4, $0.0e+00;
	v17 =	vadd.f32 v42, v41  }
0x255: {  	v9 =	vadd.f32 v13, v9;
	v13 =	vld [tilespmem:s0+$0xFFFFFFC0];
	[tilespmem:s19+$0x90] =	vst v4;
	v4 =	vunpack.i.l.bf16.f32 v15  }
0x256: {  	v46 =	vld [tilespmem:s17+$0x20];
	v4 =	vadd.f32 v17, v4  }
0x257: {  	v9 =	vmax.f32 v9, $0.0e+00;
	v47 =	vld [tilespmem:s26+$0x20]  }
0x258: {  	[tilespmem:s11+$0xFFFFFFD0] =	vst v9;
	v9 =	vadd.f32 v39, v14;
	v14 =	vld [tilespmem:s31+$0x20];
	v4 =	vmax.f32 v4, $0.0e+00  }
0x259: {  	v48 =	vunpack.i.l.bf16.f32 v10;
	v19 =	vadd.f32 v45, v44;
	v51 =	vld [tilespmem:s12+$0xFFFFFF60];
	[tilespmem:s1+$0x50] =	vst v4  }
0x25a: {  	v12 =	vunpack.i.u.bf16.f32 v12;
	v9 =	vadd.f32 v9, v48;
	v49 =	vld [tilespmem:s4+$0xD0]  }
0x25b: {  	v12 =	vadd.f32 v19, v12;
	v50 =	vld [tilespmem:s2+$0xD0]  }
0x25c: {  	v52 =	vld [tilespmem:s3+$0xFFFFFFE0];
	v9 =	vmax.f32 v9, $0.0e+00;
	v17 =	vadd.f32 v47, v46  }
0x25d: {  	v4 =	vld [tilespmem:s15+$0xFFFFFF60];
	[tilespmem:s25+$0xFFFFFF70] =	vst v9;
	v9 =	vmax.f32 v12, $0.0e+00;
	v12 =	vunpack.i.l.bf16.f32 v14  }
0x25e: {  	v11 =	vadd.f32 v11, v43;
	[tilespmem:s19+$0xFFFFFF90] =	vst v9;
	v9 =	vadd.f32 v17, v12;
	v12 =	vld [tilespmem:s10+$0xFFFFFFF0]  }
0x25f: {  	v53 =	vunpack.i.l.bf16.f32 v13;
	v54 =	vld [tilespmem:s17+$0xFFFFFF20]  }
0x260: {  	v11 =	vadd.f32 v11, v53;
	v55 =	vld [tilespmem:s26+$0xFFFFFF20];
	v9 =	vmax.f32 v9, $0.0e+00;
	v18 =	vadd.f32 v50, v49  }
0x261: {  	v56 =	vld [tilespmem:s31+$0xFFFFFFA0];
	[tilespmem:s19+$0x20] =	vst v9;
	v9 =	vunpack.i.u.bf16.f32 v15  }
0x262: {  	v11 =	vmax.f32 v11, $0.0e+00;
	v15 =	vld [tilespmem:s17+$0xA0];
	v9 =	vadd.f32 v18, v9  }
0x263: {  	[tilespmem:s1+$0xFFFFFF40] =	vst v11;
	v4 =	vadd.f32 v51, v4;
	v11 =	vld [tilespmem:s26+$0xA0]  }
0x264: {  	v57 =	vunpack.i.l.bf16.f32 v52;
	v58 =	vld [tilespmem:s4+$0xFFFFFFC0];
	v9 =	vmax.f32 v9, $0.0e+00  }
0x265: {  	v59 =	vld [tilespmem:s2+$0xFFFFFFC0];
	v4 =	vadd.f32 v4, v57;
	v16 =	vadd.f32 v55, v54;
	[tilespmem:s1+$0xD0] =	vst v9  }
0x266: {  	v9 =	vunpack.i.l.bf16.f32 v56;
	v60 =	vld [tilespmem:s4+$0x60]  }
0x267: {  	v4 =	vmax.f32 v4, $0.0e+00;
	v9 =	vadd.f32 v16, v9;
	v61 =	vld [tilespmem:s2+$0x60]  }
0x268: {  	[tilespmem:s11+$0xFFFFFF60] =	vst v4;
	v4 =	vld [tilespmem:s0+$0x60];
	v11 =	vadd.f32 v11, v15  }
0x269: {  	v14 =	vunpack.i.u.bf16.f32 v14;
	v15 =	vld [tilespmem:s15+$0xFFFFFFE0];
	v9 =	vmax.f32 v9, $0.0e+00  }
0x26a: {  	[tilespmem:s19+$0xFFFFFF20] =	vst v9;
	v9 =	vadd.f32 v11, v14;
	v11 =	vld [tilespmem:s12+$0xFFFFFFE0];
	v14 =	vadd.f32 v59, v58  }
0x26b: {  	v2 =	vunpack.i.u.bf16.f32 v2;
	v3 =	vadd.f32 v5, v3;
	v13 =	vunpack.i.u.bf16.f32 v13;
	v62 =	vld [tilespmem:s17+$0xFFFFFFA0]  }
0x26c: {  	v63 =	vld [tilespmem:s26+$0xFFFFFFA0];
	v16 =	vadd.f32 v61, v60;
	v9 =	vmax.f32 v9, $0.0e+00;
	v5 =	vadd.f32 v14, v13  }
0x26d: {  	v2 =	vadd.f32 v3, v2;
	v13 =	vld [tilespmem:s28+$0xFFFFFFF0];
	[tilespmem:s19+$0xA0] =	vst v9;
	v9 =	vunpack.i.l.bf16.f32 v4  }
0x26e: {  	v3 =	vadd.f32 v8, v7;
	v9 =	vadd.f32 v16, v9;
	v14 =	vld [tilespmem:s17+$0x30];
	v5 =	vmax.f32 v5, $0.0e+00  }
0x26f: {  	v2 =	vmax.f32 v2, $0.0e+00;
	v8 =	vld [tilespmem:s26+$0x30];
	[tilespmem:s1+$0xFFFFFFC0] =	vst v5;
	v5 =	vunpack.i.u.bf16.f32 v6  }
0x270: {  	v7 =	vld [tilespmem:s31+$0x30];
	v11 =	vadd.f32 v11, v15;
	v6 =	vmax.f32 v9, $0.0e+00;
	v5 =	vadd.f32 v3, v5  }
0x271: {  	v15 =	vunpack.i.u.bf16.f32 v56;
	v9 =	vadd.f32 v63, v62;
	v3 =	vunpack.i.u.bf16.f32 v52;
	[tilespmem:s1+$0x60] =	vst v6;
	v6 =	vld [tilespmem:s4+$0xFFFFFF50]  }
0x272: {  	[tilespmem:s25+$0xF0] =	vst v2;
	v11 =	vadd.f32 v11, v3;
	v12 =	vadd.f32 v13, v12;
	v3 =	vld [tilespmem:s4+$0xE0];
	v2 =	vmax.f32 v5, $0.0e+00  }
0x273: {  	v13 =	vadd.f32 v9, v15;
	v5 =	vld [tilespmem:s2+$0xE0];
	[tilespmem:s11+$0xF0] =	vst v2;
	v2 =	vunpack.i.u.bf16.f32 v10  }
0x274: {  	s8 =	simm.s32 $0x950;
	s5 =	simm.s32 $0x6;
	v9 =	vld [tilespmem:s2+$0xFFFFFF50];
	v11 =	vmax.f32 v11, $0.0e+00;
	v10 =	vadd.f32 v8, v14;
	v2 =	vadd.f32 v12, v2  }
0x275: {  	s20 =	simm.s32 $0x1B50;
	s10 =	sshll.u32 s13, $0x1;
	s28 =	simm.s32 $0x2BD0;
	v8 =	vld [tilespmem:s0+$0xFFFFFFD0];
	[tilespmem:s11+$0xFFFFFFE0] =	vst v11;
	v12 =	vmax.f32 v13, $0.0e+00;
	v11 =	vunpack.i.l.bf16.f32 v7  }
.LBB2_5:
0x276: {  	v13 =	vld [tilespmem:s8+$0x0];
	[tilespmem:s19+$0xFFFFFFA0] =	vst v12;
	v10 =	vadd.f32 v10, v11;
	s26 =	sadd.s32 $0x200, s26;
	v2 =	vmax.f32 v2, $0.0e+00  }
0x277: {  	s31 =	sadd.s32 $0x100, s31;
	v11 =	vld [tilespmem:s26+$0x0];
	[tilespmem:s25+$0xFFFFFFF0] =	vst v2;
	s25 =	smov.u32 s11;
	s11 =	smov.u32 s1  }
0x278: {  	s1 =	smov.u32 s19;
	v12 =	vld [tilespmem:s31+$0x0];
	v2 =	vmax.f32 v10, $0.0e+00;
	v3 =	vadd.f32 v5, v3  }
0x279: {  	v4 =	vunpack.i.u.bf16.f32 v4;
	v5 =	vld [tilespmem:s8+$0xFFFFFF00];
	[tilespmem:s19+$0x30] =	vst v2;
	v6 =	vadd.f32 v9, v6  }
0x27a: {  	v9 =	vld [tilespmem:s17+$0xB0];
	v2 =	vunpack.i.u.bf16.f32 v8;
	v8 =	vunpack.i.l.bf16.f32 v8;
	v3 =	vadd.f32 v3, v4  }
0x27b: {  	v4 =	vld [tilespmem:s20+$0xB0];
	v6 =	vadd.f32 v6, v8  }
0x27c: {  	v8 =	vld [tilespmem:s26+$0xFFFFFF00];
	v10 =	vadd.f32 v11, v13;
	v3 =	vmax.f32 v3, $0.0e+00  }
0x27d: {  	v11 =	vld [tilespmem:s31+$0xFFFFFF80];
	v13 =	vunpack.i.l.bf16.f32 v12;
	v6 =	vmax.f32 v6, $0.0e+00;
	[tilespmem:s11+$0xE0] =	vst v3  }
0x27e: {  	v3 =	vadd.f32 v10, v13;
	[tilespmem:s11+$0xFFFFFF50] =	vst v6;
	v6 =	vld [tilespmem:s4+$0x70]  }
0x27f: {  	v10 =	vld [tilespmem:s2+$0x70]  }
0x280: {  	s19 =	sadd.s32 $0x200, s19;
	v3 =	vmax.f32 v3, $0.0e+00;
	v4 =	vadd.f32 v4, v9;
	v9 =	vld [tilespmem:s0+$0x70]  }
0x281: {  	v7 =	vunpack.i.u.bf16.f32 v7;
	v5 =	vadd.f32 v8, v5;
	[tilespmem:s19+$0x0] =	vst v3;
	v3 =	vld [tilespmem:s17+$0xFFFFFF30]  }
0x282: {  	v8 =	vunpack.i.u.bf16.f32 v11;
	v11 =	vunpack.i.l.bf16.f32 v11;
	v13 =	vld [tilespmem:s8+$0x80];
	v4 =	vadd.f32 v4, v7  }
0x283: {  	v5 =	vadd.f32 v5, v11;
	v7 =	vld [tilespmem:s26+$0x80]  }
0x284: {  	v11 =	vld [tilespmem:s20+$0xFFFFFF30];
	v4 =	vmax.f32 v4, $0.0e+00;
	v6 =	vadd.f32 v10, v6  }
0x285: {  	v5 =	vmax.f32 v5, $0.0e+00;
	v10 =	vld [tilespmem:s28+$0xFFFFFFB0];
	[tilespmem:s1+$0xB0] =	vst v4;
	v4 =	vunpack.i.l.bf16.f32 v9  }
0x286: {  	s5 =	sadd.s32 $0x2, s5;
	[tilespmem:s19+$0xFFFFFF00] =	vst v5;
	v5 =	vld [tilespmem:s17+$0x40];
	v4 =	vadd.f32 v6, v4  }
0x287: {  	p0 =	slt.u32 s5, $0x12;
	v6 =	vld [tilespmem:s20+$0x40]  }
0x288: {  	v7 =	vadd.f32 v7, v13;
	v13 =	vld [tilespmem:s28+$0x40];
	v4 =	vmax.f32 v4, $0.0e+00  }
0x289: {  	v12 =	vunpack.i.u.bf16.f32 v12;
	v14 =	vld [tilespmem:s8+$0xFFFFFF80];
	v3 =	vadd.f32 v11, v3;
	[tilespmem:s11+$0x70] =	vst v4  }
0x28a: {  	v4 =	vadd.f32 v7, v12;
	v7 =	vunpack.i.u.bf16.f32 v10;
	v10 =	vunpack.i.l.bf16.f32 v10;
	v11 =	vld [tilespmem:s4+$0xF0]  }
0x28b: {  	v3 =	vadd.f32 v3, v10;
	v10 =	vld [tilespmem:s2+$0xF0]  }
0x28c: {  	v12 =	vld [tilespmem:s26+$0xFFFFFF80];
	v4 =	vmax.f32 v4, $0.0e+00;
	v5 =	vadd.f32 v6, v5  }
0x28d: {  	[tilespmem:s19+$0x80] =	vst v4;
	v3 =	vmax.f32 v3, $0.0e+00;
	v4 =	vunpack.i.l.bf16.f32 v13;
	v6 =	vld [tilespmem:s4+$0xFFFFFFD0]  }
0x28e: {  	v15 =	vld [tilespmem:s8+$0x10];
	[tilespmem:s1+$0xFFFFFF30] =	vst v3;
	v3 =	vadd.f32 v5, v4  }
0x28f: {  	v4 =	vld [tilespmem:s26+$0x10]  }
0x290: {  	v5 =	vld [tilespmem:s31+$0x10];
	v3 =	vmax.f32 v3, $0.0e+00;
	v10 =	vadd.f32 v10, v11  }
0x291: {  	v11 =	vadd.f32 v12, v14;
	v12 =	vld [tilespmem:s17+$0xFFFFFFB0];
	[tilespmem:s1+$0x40] =	vst v3;
	v3 =	vunpack.i.u.bf16.f32 v9  }
0x292: {  	v9 =	vld [tilespmem:s17+$0xC0];
	v3 =	vadd.f32 v10, v3  }
0x293: {  	v8 =	vadd.f32 v11, v8;
	v10 =	vld [tilespmem:s20+$0xC0]  }
0x294: {  	v4 =	vadd.f32 v4, v15;
	v11 =	vld [tilespmem:s20+$0xFFFFFFB0];
	v3 =	vmax.f32 v3, $0.0e+00  }
0x295: {  	v8 =	vmax.f32 v8, $0.0e+00;
	v14 =	vunpack.i.l.bf16.f32 v5;
	v15 =	vld [tilespmem:s2+$0xFFFFFFD0];
	[tilespmem:s11+$0xF0] =	vst v3  }
0x296: {  	[tilespmem:s19+$0xFFFFFF80] =	vst v8;
	v3 =	vadd.f32 v4, v14;
	v4 =	vld [tilespmem:s15+$0xFFFFFF70]  }
0x297: {  	v8 =	vld [tilespmem:s8+$0xFFFFFF10]  }
0x298: {  	v14 =	vld [tilespmem:s26+$0xFFFFFF10];
	v3 =	vmax.f32 v3, $0.0e+00;
	v9 =	vadd.f32 v10, v9  }
0x299: {  	v10 =	vld [tilespmem:s31+$0xFFFFFF90];
	[tilespmem:s19+$0x10] =	vst v3;
	v3 =	vadd.f32 v11, v12;
	v11 =	vunpack.i.u.bf16.f32 v13  }
0x29a: {  	v12 =	vld [tilespmem:s8+$0x90];
	v9 =	vadd.f32 v9, v11;
	v6 =	vadd.f32 v15, v6  }
0x29b: {  	v11 =	vld [tilespmem:s26+$0x90];
	v3 =	vadd.f32 v3, v7  }
0x29c: {  	v7 =	vmax.f32 v9, $0.0e+00;
	v2 =	vadd.f32 v6, v2;
	v6 =	vld [tilespmem:s12+$0xFFFFFF70]  }
0x29d: {  	v8 =	vadd.f32 v14, v8;
	v3 =	vmax.f32 v3, $0.0e+00;
	[tilespmem:s1+$0xC0] =	vst v7;
	v7 =	vld [tilespmem:s3+$0xFFFFFFF0];
	s3 =	smov.u32 s0;
	s0 =	smov.u32 s28;
	s28 =	smov.u32 s31  }
0x29e: {  	v9 =	vunpack.i.u.bf16.f32 v10;
	v10 =	vunpack.i.l.bf16.f32 v10;
	[tilespmem:s1+$0xFFFFFFB0] =	vst v3;
	v3 =	vld [tilespmem:s17+$0x50];
	v2 =	vmax.f32 v2, $0.0e+00  }
0x29f: {  	v8 =	vadd.f32 v8, v10;
	v10 =	vld [tilespmem:s20+$0x50];
	[tilespmem:s11+$0xFFFFFFD0] =	vst v2  }
0x2a0: {  	v2 =	vadd.f32 v11, v12;
	v11 =	vld [tilespmem:s0+$0x50]  }
0x2a1: {  	v5 =	vunpack.i.u.bf16.f32 v5;
	v8 =	vmax.f32 v8, $0.0e+00;
	v12 =	vld [tilespmem:s17+$0xFFFFFF40];
	v4 =	vadd.f32 v6, v4  }
0x2a2: {  	[tilespmem:s19+$0xFFFFFF10] =	vst v8;
	v5 =	vadd.f32 v2, v5;
	v6 =	vld [tilespmem:s20+$0xFFFFFF40];
	v2 =	vunpack.i.u.bf16.f32 v7;
	v7 =	vunpack.i.l.bf16.f32 v7  }
0x2a3: {  	v8 =	vld [tilespmem:s8+$0xFFFFFF90];
	v4 =	vadd.f32 v4, v7  }
0x2a4: {  	v7 =	vld [tilespmem:s26+$0xFFFFFF90];
	v5 =	vmax.f32 v5, $0.0e+00;
	v3 =	vadd.f32 v10, v3  }
0x2a5: {  	[tilespmem:s19+$0x90] =	vst v5;
	v5 =	vld [tilespmem:s0+$0xFFFFFFC0];
	v10 =	vunpack.i.l.bf16.f32 v11;
	v4 =	vmax.f32 v4, $0.0e+00  }
0x2a6: {  	v13 =	vld [tilespmem:s8+$0x20];
	v3 =	vadd.f32 v3, v10;
	[tilespmem:s25+$0xFFFFFF70] =	vst v4  }
0x2a7: {  	v4 =	vld [tilespmem:s26+$0x20];
	v6 =	vadd.f32 v6, v12  }
0x2a8: {  	v10 =	vld [tilespmem:s31+$0x20];
	v3 =	vmax.f32 v3, $0.0e+00  }
0x2a9: {  	v7 =	vadd.f32 v7, v8;
	[tilespmem:s1+$0x50] =	vst v3;
	v3 =	vld [tilespmem:s4+$0xFFFFFF60]  }
0x2aa: {  	v8 =	vunpack.i.u.bf16.f32 v5;
	v5 =	vunpack.i.l.bf16.f32 v5;
	v12 =	vld [tilespmem:s17+$0xD0]  }
0x2ab: {  	v7 =	vadd.f32 v7, v9;
	v5 =	vadd.f32 v6, v5;
	v6 =	vld [tilespmem:s20+$0xD0]  }
0x2ac: {  	v4 =	vadd.f32 v4, v13;
	v9 =	vld [tilespmem:s2+$0xFFFFFF60]  }
0x2ad: {  	v7 =	vmax.f32 v7, $0.0e+00;
	v13 =	vunpack.i.l.bf16.f32 v10;
	v5 =	vmax.f32 v5, $0.0e+00;
	v14 =	vld [tilespmem:s3+$0xFFFFFFE0]  }
0x2ae: {  	[tilespmem:s19+$0xFFFFFF90] =	vst v7;
	v4 =	vadd.f32 v4, v13;
	v13 =	vld [tilespmem:s15+$0xFFFFFFF0];
	s15 =	smov.u32 s4;
	s4 =	smov.u32 s17;
	s17 =	smov.u32 s8  }
0x2af: {  	v7 =	vld [tilespmem:s8+$0xFFFFFF20];
	[tilespmem:s1+$0xFFFFFF40] =	vst v5  }
0x2b0: {  	v5 =	vld [tilespmem:s26+$0xFFFFFF20];
	v4 =	vmax.f32 v4, $0.0e+00;
	v6 =	vadd.f32 v6, v12  }
0x2b1: {  	v12 =	vld [tilespmem:s31+$0xFFFFFFA0];
	[tilespmem:s19+$0x20] =	vst v4;
	v4 =	vunpack.i.u.bf16.f32 v11;
	v3 =	vadd.f32 v9, v3  }
0x2b2: {  	v9 =	vld [tilespmem:s8+$0xA0];
	v4 =	vadd.f32 v6, v4;
	v11 =	vunpack.i.u.bf16.f32 v14;
	v6 =	vunpack.i.l.bf16.f32 v14  }
0x2b3: {  	v14 =	vld [tilespmem:s26+$0xA0];
	v3 =	vadd.f32 v3, v6  }
0x2b4: {  	v6 =	vld [tilespmem:s4+$0xFFFFFFC0];
	v4 =	vmax.f32 v4, $0.0e+00  }
0x2b5: {  	v5 =	vadd.f32 v5, v7;
	v7 =	vld [tilespmem:s20+$0xFFFFFFC0];
	[tilespmem:s1+$0xD0] =	vst v4;
	v3 =	vmax.f32 v3, $0.0e+00  }
0x2b6: {  	v15 =	vunpack.i.u.bf16.f32 v12;
	v4 =	vunpack.i.l.bf16.f32 v12;
	v12 =	vld [tilespmem:s4+$0x60];
	[tilespmem:s11+$0xFFFFFF60] =	vst v3  }
0x2b7: {  	v3 =	vadd.f32 v5, v4;
	v5 =	vld [tilespmem:s20+$0x60]  }
0x2b8: {  	v9 =	vadd.f32 v14, v9;
	v4 =	vld [tilespmem:s0+$0x60]  }
0x2b9: {  	v10 =	vunpack.i.u.bf16.f32 v10;
	v3 =	vmax.f32 v3, $0.0e+00;
	v14 =	vld [tilespmem:s15+$0xFFFFFFE0]  }
0x2ba: {  	[tilespmem:s19+$0xFFFFFF20] =	vst v3;
	v3 =	vadd.f32 v9, v10;
	v6 =	vadd.f32 v7, v6;
	v7 =	vld [tilespmem:s2+$0xFFFFFFE0]  }
0x2bb: {  	v9 =	vld [tilespmem:s8+$0xFFFFFFA0]  }
0x2bc: {  	v10 =	vld [tilespmem:s26+$0xFFFFFFA0];
	v3 =	vmax.f32 v3, $0.0e+00;
	v6 =	vadd.f32 v6, v8;
	v5 =	vadd.f32 v5, v12  }
0x2bd: {  	[tilespmem:s19+$0xA0] =	vst v3;
	v3 =	vunpack.i.l.bf16.f32 v4;
	v8 =	vld [tilespmem:s12+$0xFFFFFFF0];
	s12 =	smov.u32 s2;
	s2 =	smov.u32 s20;
	s20 =	smov.u32 s26  }
0x2be: {  	v12 =	vld [tilespmem:s8+$0x30];
	v6 =	vmax.f32 v6, $0.0e+00;
	v3 =	vadd.f32 v5, v3  }
0x2bf: {  	v16 =	vld [tilespmem:s26+$0x30];
	[tilespmem:s1+$0xFFFFFFC0] =	vst v6;
	v5 =	vadd.f32 v7, v14  }
0x2c0: {  	v7 =	vld [tilespmem:s31+$0x30];
	v3 =	vmax.f32 v3, $0.0e+00  }
.Ltmp3:
0x2c1: {  	v9 =	vadd.f32 v10, v9;
	v6 =	vld [tilespmem:s4+$0xFFFFFF50];
	[tilespmem:s1+$0x60] =	vst v3;
	v10 =	vadd.f32 v5, v11;
	(pc) =	sbr.rel @p0 .LBB2_5-.Ltmp3, $4  }
0x2c2: {  	v3 =	vld [tilespmem:s4+$0xE0];
	v8 =	vadd.f32 v8, v13  }
0x2c3: {  	v11 =	vadd.f32 v9, v15;
	v5 =	vld [tilespmem:s2+$0xE0];
	v13 =	vmax.f32 v10, $0.0e+00  }
0x2c4: {  	v10 =	vadd.f32 v16, v12;
	v9 =	vld [tilespmem:s2+$0xFFFFFF50];
	[tilespmem:s11+$0xFFFFFFE0] =	vst v13;
	v2 =	vadd.f32 v8, v2  }
0x2c5: {  	s8 =	sadd.s32 $0x200, s8;
	v12 =	vmax.f32 v11, $0.0e+00;
	v11 =	vunpack.i.l.bf16.f32 v7;
	v8 =	vld [tilespmem:s0+$0xFFFFFFD0]  }
0x2c6: {  	[tilespmem:s19+$0xFFFFFFA0] =	vst v12  }
0x2c7: {  	v12 =	vld [tilespmem:s17+$0xFFFFFF30]  }
0x2c8: {  	v13 =	vld [tilespmem:s20+$0xFFFFFF30]  }
0x2c9: {  	v10 =	vadd.f32 v10, v11;
	v11 =	vld [tilespmem:s28+$0xFFFFFFB0];
	_ =	sdelay $0x1  }
0x2ca: {  	v10 =	vmax.f32 v10, $0.0e+00  }
0x2cb: {  	[tilespmem:s19+$0x30] =	vst v10  }
0x2cc: {  	v10 =	vld [tilespmem:s17+$0xB0];
	v12 =	vadd.f32 v13, v12  }
0x2cd: {  	v13 =	vld [tilespmem:s20+$0xB0];
	v14 =	vunpack.i.l.bf16.f32 v11  }
0x2ce: {  	v12 =	vadd.f32 v12, v14;
	_ =	sdelay $0x1  }
0x2cf: {  	v12 =	vmax.f32 v12, $0.0e+00  }
0x2d0: {  	[tilespmem:s19+$0xFFFFFF30] =	vst v12  }
0x2d1: {  	v10 =	vadd.f32 v13, v10;
	v12 =	vld [tilespmem:s17+$0xFFFFFFB0]  }
0x2d2: {  	v7 =	vunpack.i.u.bf16.f32 v7;
	v13 =	vld [tilespmem:s20+$0xFFFFFFB0]  }
0x2d3: {  	v7 =	vadd.f32 v10, v7;
	_ =	sdelay $0x1  }
0x2d4: {  	v7 =	vmax.f32 v7, $0.0e+00  }
0x2d5: {  	[tilespmem:s19+$0xB0] =	vst v7  }
0x2d6: {  	v7 =	vld [tilespmem:s17+$0x40];
	v10 =	vadd.f32 v13, v12  }
0x2d7: {  	v11 =	vunpack.i.u.bf16.f32 v11;
	v12 =	vld [tilespmem:s20+$0x40]  }
0x2d8: {  	v13 =	vld [tilespmem:s28+$0x40];
	v10 =	vadd.f32 v10, v11;
	_ =	sdelay $0x1  }
0x2d9: {  	v10 =	vmax.f32 v10, $0.0e+00  }
0x2da: {  	[tilespmem:s19+$0xFFFFFFB0] =	vst v10  }
0x2db: {  	v7 =	vadd.f32 v12, v7;
	v10 =	vld [tilespmem:s17+$0xFFFFFF40]  }
0x2dc: {  	v11 =	vunpack.i.l.bf16.f32 v13;
	v12 =	vld [tilespmem:s20+$0xFFFFFF40]  }
0x2dd: {  	v7 =	vadd.f32 v7, v11;
	v11 =	vld [tilespmem:s28+$0xFFFFFFC0];
	_ =	sdelay $0x1  }
0x2de: {  	v7 =	vmax.f32 v7, $0.0e+00  }
0x2df: {  	[tilespmem:s19+$0x40] =	vst v7  }
0x2e0: {  	v7 =	vld [tilespmem:s17+$0xC0];
	v10 =	vadd.f32 v12, v10  }
0x2e1: {  	v12 =	vld [tilespmem:s20+$0xC0];
	v14 =	vunpack.i.l.bf16.f32 v11  }
0x2e2: {  	v10 =	vadd.f32 v10, v14;
	_ =	sdelay $0x1  }
0x2e3: {  	v10 =	vmax.f32 v10, $0.0e+00  }
0x2e4: {  	[tilespmem:s19+$0xFFFFFF40] =	vst v10  }
0x2e5: {  	v7 =	vadd.f32 v12, v7;
	v10 =	vld [tilespmem:s17+$0xFFFFFFC0]  }
0x2e6: {  	v12 =	vunpack.i.u.bf16.f32 v13;
	v13 =	vld [tilespmem:s20+$0xFFFFFFC0]  }
0x2e7: {  	v7 =	vadd.f32 v7, v12;
	_ =	sdelay $0x1  }
0x2e8: {  	v7 =	vmax.f32 v7, $0.0e+00  }
0x2e9: {  	[tilespmem:s19+$0xC0] =	vst v7  }
0x2ea: {  	v7 =	vld [tilespmem:s17+$0x50];
	v10 =	vadd.f32 v13, v10  }
0x2eb: {  	v11 =	vunpack.i.u.bf16.f32 v11;
	v12 =	vld [tilespmem:s20+$0x50]  }
0x2ec: {  	v13 =	vld [tilespmem:s28+$0x50];
	v10 =	vadd.f32 v10, v11;
	_ =	sdelay $0x1  }
0x2ed: {  	v10 =	vmax.f32 v10, $0.0e+00  }
0x2ee: {  	[tilespmem:s19+$0xFFFFFFC0] =	vst v10  }
0x2ef: {  	v7 =	vadd.f32 v12, v7;
	v10 =	vld [tilespmem:s17+$0xFFFFFF50]  }
0x2f0: {  	v11 =	vunpack.i.l.bf16.f32 v13;
	v12 =	vld [tilespmem:s20+$0xFFFFFF50]  }
0x2f1: {  	v7 =	vadd.f32 v7, v11;
	v11 =	vld [tilespmem:s28+$0xFFFFFFD0]  }
0x2f2: {  	v6 =	vadd.f32 v9, v6  }
0x2f3: {  	v9 =	vunpack.i.l.bf16.f32 v8;
	v7 =	vmax.f32 v7, $0.0e+00  }
0x2f4: {  	v6 =	vadd.f32 v6, v9;
	[tilespmem:s19+$0x50] =	vst v7  }
0x2f5: {  	v7 =	vld [tilespmem:s17+$0xD0];
	v9 =	vadd.f32 v12, v10  }
0x2f6: {  	v6 =	vmax.f32 v6, $0.0e+00;
	v10 =	vld [tilespmem:s20+$0xD0];
	v12 =	vunpack.i.l.bf16.f32 v11  }
0x2f7: {  	[tilespmem:s1+$0xFFFFFF50] =	vst v6;
	v6 =	vadd.f32 v9, v12  }
0x2f8: {  	v9 =	vld [tilespmem:s4+$0xFFFFFFD0]  }
0x2f9: {  	v12 =	vld [tilespmem:s2+$0xFFFFFFD0];
	v6 =	vmax.f32 v6, $0.0e+00  }
0x2fa: {  	[tilespmem:s19+$0xFFFFFF50] =	vst v6  }
0x2fb: {  	v6 =	vadd.f32 v10, v7;
	v7 =	vld [tilespmem:s17+$0xFFFFFFD0]  }
0x2fc: {  	v10 =	vunpack.i.u.bf16.f32 v13;
	v13 =	vld [tilespmem:s20+$0xFFFFFFD0]  }
0x2fd: {  	v6 =	vadd.f32 v6, v10  }
0x2fe: {  	v9 =	vadd.f32 v12, v9  }
0x2ff: {  	v8 =	vunpack.i.u.bf16.f32 v8;
	v6 =	vmax.f32 v6, $0.0e+00  }
0x300: {  	v8 =	vadd.f32 v9, v8;
	[tilespmem:s19+$0xD0] =	vst v6  }
0x301: {  	v6 =	vld [tilespmem:s17+$0x60];
	v7 =	vadd.f32 v13, v7  }
0x302: {  	v10 =	vunpack.i.u.bf16.f32 v11;
	v8 =	vmax.f32 v8, $0.0e+00;
	v9 =	vld [tilespmem:s20+$0x60]  }
0x303: {  	[tilespmem:s1+$0xFFFFFFD0] =	vst v8;
	v8 =	vld [tilespmem:s28+$0x60];
	v7 =	vadd.f32 v7, v10  }
0x304: {  	v10 =	vld [tilespmem:s4+$0xFFFFFF60]  }
0x305: {  	v11 =	vld [tilespmem:s2+$0xFFFFFF60];
	v7 =	vmax.f32 v7, $0.0e+00  }
0x306: {  	v12 =	vld [tilespmem:s0+$0xFFFFFFE0];
	[tilespmem:s19+$0xFFFFFFD0] =	vst v7  }
0x307: {  	v6 =	vadd.f32 v9, v6;
	v7 =	vld [tilespmem:s17+$0xFFFFFF60]  }
0x308: {  	v9 =	vunpack.i.l.bf16.f32 v8;
	v13 =	vld [tilespmem:s20+$0xFFFFFF60]  }
0x309: {  	v3 =	vadd.f32 v5, v3;
	v5 =	vadd.f32 v6, v9;
	v6 =	vld [tilespmem:s28+$0xFFFFFFE0]  }
0x30a: {  	v4 =	vunpack.i.u.bf16.f32 v4;
	v9 =	vadd.f32 v11, v10  }
0x30b: {  	v3 =	vadd.f32 v3, v4;
	v4 =	vunpack.i.l.bf16.f32 v12;
	v5 =	vmax.f32 v5, $0.0e+00  }
0x30c: {  	v4 =	vadd.f32 v9, v4;
	[tilespmem:s19+$0x60] =	vst v5  }
0x30d: {  	v3 =	vmax.f32 v3, $0.0e+00;
	v5 =	vld [tilespmem:s17+$0xE0];
	v7 =	vadd.f32 v13, v7  }
0x30e: {  	[tilespmem:s1+$0xE0] =	vst v3;
	v3 =	vmax.f32 v4, $0.0e+00;
	v4 =	vld [tilespmem:s20+$0xE0];
	v9 =	vunpack.i.l.bf16.f32 v6  }
0x30f: {  	v14 =	vld [tilespmem:s3+$0xFFFFFFF0];
	[tilespmem:s1+$0xFFFFFF60] =	vst v3;
	v3 =	vadd.f32 v7, v9  }
0x310: {  	v7 =	vld [tilespmem:s4+$0xFFFFFFE0]  }
0x311: {  	v9 =	vld [tilespmem:s2+$0xFFFFFFE0];
	v3 =	vmax.f32 v3, $0.0e+00  }
0x312: {  	v10 =	vld [tilespmem:s4+$0x70];
	[tilespmem:s19+$0xFFFFFF60] =	vst v3  }
0x313: {  	v3 =	vadd.f32 v4, v5;
	v4 =	vld [tilespmem:s17+$0xFFFFFFE0]  }
0x314: {  	v5 =	vunpack.i.u.bf16.f32 v8;
	v8 =	vld [tilespmem:s20+$0xFFFFFFE0]  }
0x315: {  	v11 =	vld [tilespmem:s2+$0x70];
	v3 =	vadd.f32 v3, v5  }
0x316: {  	v13 =	vld [tilespmem:s0+$0x70];
	v7 =	vadd.f32 v9, v7  }
0x317: {  	v12 =	vunpack.i.u.bf16.f32 v12;
	v5 =	vld [tilespmem:s15+$0xFFFFFF70];
	v3 =	vmax.f32 v3, $0.0e+00  }
0x318: {  	v9 =	vld [tilespmem:s12+$0xFFFFFF70];
	v7 =	vadd.f32 v7, v12;
	[tilespmem:s19+$0xE0] =	vst v3  }
0x319: {  	v3 =	vld [tilespmem:s17+$0x70];
	v4 =	vadd.f32 v8, v4  }
0x31a: {  	v6 =	vunpack.i.u.bf16.f32 v6;
	v7 =	vmax.f32 v7, $0.0e+00;
	v8 =	vld [tilespmem:s20+$0x70]  }
0x31b: {  	[tilespmem:s1+$0xFFFFFFE0] =	vst v7;
	v7 =	vld [tilespmem:s28+$0x70];
	v4 =	vadd.f32 v4, v6  }
0x31c: {  	v6 =	vld [tilespmem:s4+$0xFFFFFF70]  }
0x31d: {  	v10 =	vadd.f32 v11, v10;
	v11 =	vld [tilespmem:s2+$0xFFFFFF70];
	v4 =	vmax.f32 v4, $0.0e+00  }
0x31e: {  	v12 =	vunpack.i.l.bf16.f32 v13;
	v15 =	vld [tilespmem:s0+$0xFFFFFFF0];
	[tilespmem:s19+$0xFFFFFFE0] =	vst v4  }
0x31f: {  	v5 =	vadd.f32 v9, v5;
	v4 =	vadd.f32 v10, v12;
	v9 =	vld [tilespmem:s17+$0xFFFFFF70]  }
0x320: {  	v10 =	vunpack.i.l.bf16.f32 v14;
	v12 =	vld [tilespmem:s20+$0xFFFFFF70]  }
0x321: {  	v3 =	vadd.f32 v8, v3;
	v5 =	vadd.f32 v5, v10;
	v8 =	vld [tilespmem:s28+$0xFFFFFFF0];
	v4 =	vmax.f32 v4, $0.0e+00  }
0x322: {  	[tilespmem:s1+$0x70] =	vst v4;
	v4 =	vunpack.i.l.bf16.f32 v7  }
0x323: {  	v5 =	vmax.f32 v5, $0.0e+00;
	v10 =	vld [tilespmem:s4+$0xF0];
	v3 =	vadd.f32 v3, v4;
	v4 =	vadd.f32 v11, v6  }
0x324: {  	v6 =	vld [tilespmem:s2+$0xF0];
	[tilespmem:s11+$0xFFFFFF70] =	vst v5;
	v5 =	vunpack.i.l.bf16.f32 v15  }
0x325: {  	v11 =	vld [tilespmem:s15+$0xFFFFFFF0];
	v3 =	vmax.f32 v3, $0.0e+00;
	v4 =	vadd.f32 v4, v5;
	v5 =	vadd.f32 v12, v9  }
0x326: {  	v9 =	vld [tilespmem:s12+$0xFFFFFFF0];
	[tilespmem:s19+$0x70] =	vst v3;
	v3 =	vunpack.i.l.bf16.f32 v8  }
0x327: {  	v12 =	vld [tilespmem:s17+$0xF0];
	v4 =	vmax.f32 v4, $0.0e+00;
	v3 =	vadd.f32 v5, v3  }
0x328: {  	v5 =	vld [tilespmem:s20+$0xF0];
	[tilespmem:s1+$0xFFFFFF70] =	vst v4  }
0x329: {  	v4 =	vld [tilespmem:s4+$0xFFFFFFF0];
	v3 =	vmax.f32 v3, $0.0e+00  }
0x32a: {  	v16 =	vld [tilespmem:s2+$0xFFFFFFF0];
	[tilespmem:s19+$0xFFFFFF70] =	vst v3  }
0x32b: {  	v3 =	vadd.f32 v6, v10;
	v6 =	vld [tilespmem:s17+$0xFFFFFFF0]  }
0x32c: {  	v10 =	vunpack.i.u.bf16.f32 v13;
	v13 =	vld [tilespmem:s20+$0xFFFFFFF0];
	_ =	sdelay $0x1  }
0x32d: {  	v2 =	vmax.f32 v2, $0.0e+00;
	v9 =	vadd.f32 v9, v11;
	v3 =	vadd.f32 v3, v10  }
0x32e: {  	v7 =	vunpack.i.u.bf16.f32 v7;
	v10 =	vunpack.i.u.bf16.f32 v14;
	v5 =	vadd.f32 v5, v12  }
0x32f: {  	v9 =	vadd.f32 v9, v10;
	v3 =	vmax.f32 v3, $0.0e+00;
	v4 =	vadd.f32 v16, v4  }
0x330: {  	[tilespmem:s25+$0xFFFFFFF0] =	vst v2;
	v2 =	vadd.f32 v5, v7;
	v5 =	vunpack.i.u.bf16.f32 v15;
	v6 =	vadd.f32 v13, v6  }
0x331: {  	[tilespmem:s1+$0xF0] =	vst v3;
	v3 =	vmax.f32 v9, $0.0e+00;
	v4 =	vadd.f32 v4, v5;
	v5 =	vunpack.i.u.bf16.f32 v8  }
0x332: {  	[tilespmem:s11+$0xFFFFFFF0] =	vst v3;
	v2 =	vmax.f32 v2, $0.0e+00;
	v3 =	vadd.f32 v6, v5  }
0x333: {  	[tilespmem:s19+$0xF0] =	vst v2;
	v2 =	vmax.f32 v4, $0.0e+00  }
0x334: {  	[tilespmem:s1+$0xFFFFFFF0] =	vst v2;
	v2 =	vmax.f32 v3, $0.0e+00  }
0x335: {  	s21 =	simm.s32 $0x6;
	[tilespmem:s19+$0xFFFFFFF0] =	vst v2  }
0x336: {  	_ =	swait.ge [sflag:s21], $0x28  }
0x337: {  	[sflag:s21] =	ssyncset.done $0x0  }
0x338: {  	[sflag:s21] =	ssyncadd.s32 $0xFFFFFFD8  }
0x339: {  	s26 =	simm.s32 $0x8CA0;
	s25 =	simm.s32 $0x3250;
	s0 =	rddreg [dreg:$0x2]  }
0x33a: {  	[spmem:s0] =	stream.indirect.scatter.add.f32 [tilespmem:s25], [sflag:$0x5], $0x80, s26, s16, $0xb8;
	[tilespmem:$0x1F9F0] =	vst v63  }
0x33b: {  	s4 =	simm.s32 $0x8CF0;
	s3 =	rddreg [dreg:$0x3]  }
0x33c: {  	[spmem:s3] =	stream.indirect.scatter.add.f32 [tilespmem:s4], [sflag:$0x5], $0x10, s26, s16, $0xb8;
	[tilespmem:$0x1F9F0] =	vst v63  }
0x33d: {  	p0 =	seq.s32 s13, $0x7C;
	s4 =	sld [smem:$0x7FC]  }
0x33e: {  	s0 =	sadd.s32 @!p0 $0x2, s10  }
0x33f: {  	s2 =	simm.s32 @p0 $0x8CC8;
	s1 =	simm.s32 @p0 $0x0;
	s3 =	smul.u32 @!p0 $0x28, s0  }
0x340: {  	[tilespmem:s2], [sflag:$0x8] =	stream.linear.gather @p0 [hbm4b:s4+s1], $0x28, $0x38;
	[tilespmem:$0x1F9F0] =	vst v63  }
0x341: {  	s1 =	sadd.s32 @!p0 s18, s3  }
0x342: {  	s2 =	rddreg [dreg:$0x6];
	s1 =	sshrl.u32 @!p0 s1, $0x3  }
0x343: {  	s3 =	simm.s32 @!p0 $0x0;
	s2 =	sadd.s32 @!p0 s2, s1  }
0x344: {  	[tilespmem:s3], [sflag:$0x2] =	stream.linear.gather @!p0 [hbm4b:s2+s3], $0x28, $0x38;
	[tilespmem:$0x1F9F0] =	vst v63  }
0x345: {  	s4 =	smul.u32 @!p0 $0x28, s24;
	s1 =	sadd.s32 @!p0 s9, s1;
	s2 =	simm.s32 @!p0 $0x28  }
0x346: {  	[tilespmem:s2], [sflag:$0x2] =	stream.linear.gather @!p0 [hbm4b:s1+s3], $0x28, $0x38;
	[tilespmem:$0x1F9F0] =	vst v63  }
0x347: {  	s1 =	sadd.s32 @!p0 s18, s4  }
0x348: {  	s1 =	sshrl.u32 @!p0 s1, $0x3  }
0x349: {  	s4 =	simm.s32 @!p0 $0x8CC8;
	s1 =	sadd.s32 @!p0 s9, s1  }
0x34a: {  	[tilespmem:s4], [sflag:$0x8] =	stream.linear.gather @!p0 [hbm4b:s1+s3], $0x28, $0x38;
	[tilespmem:$0x1F9F0] =	vst v63  }
0x34b: {  	s1 =	simm.s32 @!p0 $0x2  }
0x34c: {  	_ =	swait.ge @!p0 [sflag:s1], $0x28  }
0x34d: {  	s4 =	sld [smem:$0x7F2]  }
0x34e: {  	s0 =	smul.u32 @!p0 $0x14, s0  }
0x34f: {  	[sflag:s1] =	ssyncset.done @!p0 $0x0  }
0x350: {  	[sflag:s1] =	ssyncadd.s32 @!p0 $0xFFFFFFD8;
	s0 =	sadd.s32 @!p0 s4, s0  }
0x351: {  	_ =	swait.ge @!p0 [sflag:s1], $0x28;
	s0 =	sshll.u32 @!p0 s0, $0x4  }
0x352: {  	[sflag:s1] =	ssyncset.done @!p0 $0x0;
	s0 =	sand.u32 @!p0 $0x1FFFFF80, s0  }
0x353: {  	[sflag:s1] =	ssyncadd.s32 @!p0 $0xFFFFFFD8;
	s1 =	simm.s32 @!p0 $0x2850;
	s0 =	sadd.s32 @!p0 s6, s0  }
0x354: {  	[tilespmem:s1], [sflag:$0x1] =	stream.linear.gather @!p0 [hbm4b:s0+s3], $0xA00, $0x38;
	[tilespmem:$0x1F9F0] =	vst v63  }
0x355: {  	s0 =	simm.s32 @!p0 $0x50  }
0x356: {  	[tilespmem:s0], [sflag:$0x1] =	stream.indirect.gather @!p0 [hbm4b:s7+s2], $0x80, s3, s2, $0xb8;
	[tilespmem:$0x1F9F0] =	vst v63  }
0x357: {  	s1 =	rddreg [dreg:$0x5];
	s0 =	simm.s32 @!p0 $0x1450  }
0x358: {  	[tilespmem:s0], [sflag:$0x1] =	stream.indirect.gather @!p0 [hbm4b:s1+s2], $0x80, s2, s2, $0xb8;
	[tilespmem:$0x1F9F0] =	vst v63  }
0x359: {  	_ =	swait.ge [sflag:s29], $0xA00  }
0x35a: {  	[sflag:s29] =	ssyncset.done $0x0  }
0x35b: {  	[sflag:s29] =	ssyncadd.s32 $0xFFFFF600  }
0x35c: {  	_ =	swait.ge [sflag:s29], $0x1400  }
0x35d: {  	[sflag:s29] =	ssyncset.done $0x0  }
0x35e: {  	[sflag:s29] =	ssyncadd.s32 $0xFFFFEC00  }
0x35f: {  	_ =	swait.ge [sflag:s29], $0x1400  }
0x360: {  	[sflag:s29] =	ssyncset.done $0x0  }
0x361: {  	[sflag:s29] =	ssyncadd.s32 $0xFFFFEC00  }
0x362: {  	_ =	swait.ge [sflag:s30], $0x1400  }
0x363: {  	[sflag:s30] =	ssyncset.done $0x0  }
0x364: {  	[sflag:s30] =	ssyncadd.s32 $0xFFFFEC00  }
0x365: {  	_ =	swait.ge [sflag:s30], $0x280  }
0x366: {  	[sflag:s30] =	ssyncset.done $0x0  }
0x367: {  	s5 =	simm.s32 $0x47A0;
	[sflag:s30] =	ssyncadd.s32 $0xFFFFFD80  }
0x368: {  	s31 =	smov.u32 s7;
	s7 =	simm.s32 $0x5BA0;
	v2 =	vld [tilespmem:s5+$0x0]  }
0x369: {  	s8 =	simm.s32 $0x6F20;
	v3 =	vld [tilespmem:s7+$0x0]  }
0x36a: {  	v4 =	vld [tilespmem:s8+$0x0];
	_ =	sdelay $0x3  }
0x36b: {  	v2 =	vadd.f32 v3, v2  }
0x36c: {  	v3 =	vunpack.i.l.bf16.f32 v4  }
0x36d: {  	v2 =	vadd.f32 v2, v3;
	_ =	sdelay $0x1  }
0x36e: {  	s24 =	simm.s32 $0x79A0;
	v2 =	vmax.f32 v2, $0.0e+00  }
0x36f: {  	[tilespmem:s24+$0x0] =	vst v2  }
0x370: {  	v2 =	vld [tilespmem:s5+$0x80]  }
0x371: {  	v3 =	vld [tilespmem:s7+$0x80];
	_ =	sdelay $0x4  }
0x372: {  	v2 =	vadd.f32 v3, v2  }
0x373: {  	v3 =	vunpack.i.u.bf16.f32 v4  }
0x374: {  	v2 =	vadd.f32 v2, v3  }
0x375: {  	v4 =	vld [tilespmem:s7+$0xFFFFFF00]  }
0x376: {  	v3 =	vld [tilespmem:s5+$0xFFFFFF00];
	v2 =	vmax.f32 v2, $0.0e+00  }
0x377: {  	v5 =	vld [tilespmem:s8+$0xFFFFFF80];
	[tilespmem:s24+$0x80] =	vst v2  }
0x378: {  	v2 =	vld [tilespmem:s5+$0x10]  }
0x379: {  	v6 =	vld [tilespmem:s7+$0x10]  }
0x37a: {  	v7 =	vld [tilespmem:s8+$0x10]  }
0x37b: {  	v3 =	vadd.f32 v4, v3  }
0x37c: {  	v4 =	vunpack.i.l.bf16.f32 v5  }
0x37d: {  	v3 =	vadd.f32 v3, v4  }
0x37e: {  	v2 =	vadd.f32 v6, v2  }
0x37f: {  	v3 =	vmax.f32 v3, $0.0e+00;
	v4 =	vunpack.i.l.bf16.f32 v7  }
0x380: {  	[tilespmem:s24+$0xFFFFFF00] =	vst v3;
	v2 =	vadd.f32 v2, v4  }
0x381: {  	v3 =	vld [tilespmem:s5+$0xFFFFFF80]  }
0x382: {  	v4 =	vld [tilespmem:s7+$0xFFFFFF80];
	v2 =	vmax.f32 v2, $0.0e+00  }
0x383: {  	[tilespmem:s24+$0x10] =	vst v2  }
0x384: {  	v2 =	vld [tilespmem:s5+$0x90]  }
0x385: {  	v6 =	vld [tilespmem:s7+$0x90];
	_ =	sdelay $0x1  }
0x386: {  	v3 =	vadd.f32 v4, v3  }
0x387: {  	v4 =	vunpack.i.u.bf16.f32 v5  }
0x388: {  	v3 =	vadd.f32 v3, v4  }
0x389: {  	v2 =	vadd.f32 v6, v2  }
0x38a: {  	v4 =	vunpack.i.u.bf16.f32 v7;
	v3 =	vmax.f32 v3, $0.0e+00  }
0x38b: {  	[tilespmem:s24+$0xFFFFFF80] =	vst v3;
	v2 =	vadd.f32 v2, v4  }
0x38c: {  	v3 =	vld [tilespmem:s5+$0xFFFFFF10]  }
0x38d: {  	v4 =	vld [tilespmem:s7+$0xFFFFFF10];
	v2 =	vmax.f32 v2, $0.0e+00  }
0x38e: {  	v5 =	vld [tilespmem:s8+$0xFFFFFF90];
	[tilespmem:s24+$0x90] =	vst v2  }
0x38f: {  	v2 =	vld [tilespmem:s5+$0x20]  }
0x390: {  	v6 =	vld [tilespmem:s7+$0x20]  }
0x391: {  	v7 =	vld [tilespmem:s8+$0x20];
	_ =	sdelay $0x1  }
0x392: {  	v3 =	vadd.f32 v4, v3  }
0x393: {  	v4 =	vunpack.i.l.bf16.f32 v5  }
0x394: {  	v3 =	vadd.f32 v3, v4;
	v2 =	vadd.f32 v6, v2  }
0x395: {  	v4 =	vunpack.i.l.bf16.f32 v7  }
0x396: {  	v3 =	vmax.f32 v3, $0.0e+00;
	v2 =	vadd.f32 v2, v4  }
0x397: {  	[tilespmem:s24+$0xFFFFFF10] =	vst v3  }
0x398: {  	v3 =	vld [tilespmem:s5+$0xFFFFFF90];
	v2 =	vmax.f32 v2, $0.0e+00  }
0x399: {  	v4 =	vld [tilespmem:s7+$0xFFFFFF90];
	[tilespmem:s24+$0x20] =	vst v2  }
0x39a: {  	v2 =	vld [tilespmem:s5+$0xA0]  }
0x39b: {  	v6 =	vld [tilespmem:s7+$0xA0];
	_ =	sdelay $0x3  }
0x39c: {  	v3 =	vadd.f32 v4, v3  }
0x39d: {  	v4 =	vunpack.i.u.bf16.f32 v5;
	v2 =	vadd.f32 v6, v2  }
0x39e: {  	v3 =	vadd.f32 v3, v4;
	v4 =	vunpack.i.u.bf16.f32 v7  }
0x39f: {  	v2 =	vadd.f32 v2, v4;
	_ =	sdelay $0x1  }
0x3a0: {  	s15 =	simm.s32 $0x49A0;
	v2 =	vmax.f32 v2, $0.0e+00  }
0x3a1: {  	v8 =	vld [tilespmem:s15+$0x0];
	[tilespmem:s24+$0xA0] =	vst v2  }
0x3a2: {  	v2 =	vld [tilespmem:s5+$0x30]  }
0x3a3: {  	v3 =	vmax.f32 v3, $0.0e+00;
	v4 =	vld [tilespmem:s7+$0x30]  }
0x3a4: {  	[tilespmem:s24+$0xFFFFFF90] =	vst v3;
	v5 =	vld [tilespmem:s8+$0x30]  }
0x3a5: {  	v3 =	vld [tilespmem:s5+$0xFFFFFF20]  }
0x3a6: {  	v6 =	vld [tilespmem:s7+$0xFFFFFF20]  }
0x3a7: {  	s12 =	simm.s32 $0x5DA0;
	v7 =	vld [tilespmem:s8+$0xFFFFFFA0]  }
0x3a8: {  	s3 =	simm.s32 $0x7020;
	v2 =	vadd.f32 v4, v2;
	v4 =	vld [tilespmem:s12+$0x0]  }
0x3a9: {  	v10 =	vld [tilespmem:s3+$0x0];
	v9 =	vunpack.i.l.bf16.f32 v5  }
0x3aa: {  	v2 =	vadd.f32 v2, v9  }
0x3ab: {  	v3 =	vadd.f32 v6, v3  }
0x3ac: {  	v6 =	vunpack.i.l.bf16.f32 v7;
	v2 =	vmax.f32 v2, $0.0e+00  }
0x3ad: {  	v3 =	vadd.f32 v3, v6;
	[tilespmem:s24+$0x30] =	vst v2;
	v2 =	vadd.f32 v4, v8  }
0x3ae: {  	v6 =	vunpack.i.l.bf16.f32 v10;
	v4 =	vld [tilespmem:s5+$0xB0]  }
0x3af: {  	v3 =	vmax.f32 v3, $0.0e+00;
	v8 =	vld [tilespmem:s7+$0xB0];
	v2 =	vadd.f32 v2, v6  }
0x3b0: {  	[tilespmem:s24+$0xFFFFFF20] =	vst v3  }
0x3b1: {  	s11 =	simm.s32 $0x7BA0;
	v3 =	vld [tilespmem:s5+$0xFFFFFFA0];
	v2 =	vmax.f32 v2, $0.0e+00  }
0x3b2: {  	v6 =	vld [tilespmem:s7+$0xFFFFFFA0];
	[tilespmem:s11+$0x0] =	vst v2  }
0x3b3: {  	v2 =	vld [tilespmem:s15+$0x80]  }
0x3b4: {  	v4 =	vadd.f32 v8, v4;
	v8 =	vld [tilespmem:s12+$0x80]  }
0x3b5: {  	v5 =	vunpack.i.u.bf16.f32 v5  }
0x3b6: {  	v4 =	vadd.f32 v4, v5  }
0x3b7: {  	v3 =	vadd.f32 v6, v3;
	v6 =	vunpack.i.u.bf16.f32 v7;
	v7 =	vld [tilespmem:s12+$0xFFFFFF00]  }
0x3b8: {  	v5 =	vld [tilespmem:s15+$0xFFFFFF00];
	v4 =	vmax.f32 v4, $0.0e+00  }
0x3b9: {  	v3 =	vadd.f32 v3, v6;
	v6 =	vld [tilespmem:s3+$0xFFFFFF80];
	[tilespmem:s24+$0xB0] =	vst v4;
	v2 =	vadd.f32 v8, v2  }
0x3ba: {  	v8 =	vunpack.i.u.bf16.f32 v10;
	v4 =	vld [tilespmem:s5+$0x40]  }
0x3bb: {  	v3 =	vmax.f32 v3, $0.0e+00;
	v9 =	vld [tilespmem:s7+$0x40];
	v2 =	vadd.f32 v2, v8  }
0x3bc: {  	[tilespmem:s24+$0xFFFFFFA0] =	vst v3;
	v3 =	vld [tilespmem:s8+$0x40]  }
0x3bd: {  	v5 =	vadd.f32 v7, v5;
	v7 =	vld [tilespmem:s5+$0xFFFFFF30];
	v2 =	vmax.f32 v2, $0.0e+00  }
0x3be: {  	v10 =	vld [tilespmem:s7+$0xFFFFFF30];
	v8 =	vunpack.i.l.bf16.f32 v6;
	[tilespmem:s11+$0x80] =	vst v2  }
0x3bf: {  	v2 =	vadd.f32 v5, v8;
	v5 =	vld [tilespmem:s15+$0x10]  }
0x3c0: {  	v4 =	vadd.f32 v9, v4;
	v8 =	vld [tilespmem:s12+$0x10]  }
0x3c1: {  	v9 =	vunpack.i.l.bf16.f32 v3;
	v11 =	vld [tilespmem:s3+$0x10];
	v2 =	vmax.f32 v2, $0.0e+00  }
0x3c2: {  	v12 =	vld [tilespmem:s8+$0xFFFFFFB0];
	[tilespmem:s11+$0xFFFFFF00] =	vst v2;
	v2 =	vadd.f32 v4, v9  }
0x3c3: {  	v4 =	vld [tilespmem:s15+$0xFFFFFF80]  }
0x3c4: {  	v9 =	vld [tilespmem:s12+$0xFFFFFF80];
	v2 =	vmax.f32 v2, $0.0e+00  }
0x3c5: {  	[tilespmem:s24+$0x40] =	vst v2;
	v2 =	vadd.f32 v8, v5  }
0x3c6: {  	v8 =	vunpack.i.l.bf16.f32 v11;
	v5 =	vld [tilespmem:s5+$0xC0]  }
0x3c7: {  	v13 =	vld [tilespmem:s7+$0xC0];
	v2 =	vadd.f32 v2, v8  }
0x3c8: {  	v7 =	vadd.f32 v10, v7  }
0x3c9: {  	v8 =	vunpack.i.l.bf16.f32 v12;
	v4 =	vadd.f32 v9, v4;
	v2 =	vmax.f32 v2, $0.0e+00  }
0x3ca: {  	v6 =	vunpack.i.u.bf16.f32 v6;
	v7 =	vadd.f32 v7, v8;
	[tilespmem:s11+$0x10] =	vst v2  }
0x3cb: {  	v2 =	vadd.f32 v4, v6;
	v4 =	vld [tilespmem:s15+$0x90]  }
0x3cc: {  	v6 =	vmax.f32 v7, $0.0e+00;
	v5 =	vadd.f32 v13, v5;
	v7 =	vld [tilespmem:s12+$0x90]  }
0x3cd: {  	v3 =	vunpack.i.u.bf16.f32 v3;
	[tilespmem:s24+$0xFFFFFF30] =	vst v6;
	v2 =	vmax.f32 v2, $0.0e+00  }
0x3ce: {  	v6 =	vld [tilespmem:s5+$0xFFFFFFB0];
	[tilespmem:s11+$0xFFFFFF80] =	vst v2;
	v2 =	vadd.f32 v5, v3  }
0x3cf: {  	v3 =	vld [tilespmem:s15+$0xFFFFFF10]  }
0x3d0: {  	v5 =	vld [tilespmem:s12+$0xFFFFFF10];
	v2 =	vmax.f32 v2, $0.0e+00  }
0x3d1: {  	v8 =	vld [tilespmem:s3+$0xFFFFFF90];
	[tilespmem:s24+$0xC0] =	vst v2;
	v2 =	vadd.f32 v7, v4  }
0x3d2: {  	v7 =	vunpack.i.u.bf16.f32 v11;
	v4 =	vld [tilespmem:s5+$0x50]  }
0x3d3: {  	v9 =	vld [tilespmem:s7+$0x50];
	v2 =	vadd.f32 v2, v7  }
0x3d4: {  	v7 =	vld [tilespmem:s8+$0x50]  }
0x3d5: {  	v10 =	vld [tilespmem:s7+$0xFFFFFFB0];
	v3 =	vadd.f32 v5, v3;
	v2 =	vmax.f32 v2, $0.0e+00  }
0x3d6: {  	v5 =	vunpack.i.l.bf16.f32 v8;
	[tilespmem:s11+$0x90] =	vst v2  }
0x3d7: {  	v2 =	vadd.f32 v3, v5;
	v3 =	vld [tilespmem:s15+$0x20]  }
0x3d8: {  	v4 =	vadd.f32 v9, v4;
	v5 =	vld [tilespmem:s12+$0x20]  }
0x3d9: {  	v11 =	vld [tilespmem:s3+$0x20];
	v2 =	vmax.f32 v2, $0.0e+00;
	v9 =	vunpack.i.l.bf16.f32 v7  }
0x3da: {  	v6 =	vadd.f32 v10, v6;
	[tilespmem:s11+$0xFFFFFF10] =	vst v2;
	v2 =	vadd.f32 v4, v9  }
0x3db: {  	v4 =	vunpack.i.u.bf16.f32 v12;
	v9 =	vld [tilespmem:s15+$0xFFFFFF90]  }
0x3dc: {  	v4 =	vadd.f32 v6, v4;
	v6 =	vld [tilespmem:s12+$0xFFFFFF90];
	v2 =	vmax.f32 v2, $0.0e+00  }
0x3dd: {  	[tilespmem:s24+$0x50] =	vst v2;
	v2 =	vadd.f32 v5, v3  }
0x3de: {  	v3 =	vmax.f32 v4, $0.0e+00;
	v5 =	vunpack.i.l.bf16.f32 v11;
	v4 =	vld [tilespmem:s5+$0xD0]  }
0x3df: {  	[tilespmem:s24+$0xFFFFFFB0] =	vst v3;
	v3 =	vld [tilespmem:s7+$0xD0];
	v2 =	vadd.f32 v2, v5  }
0x3e0: {  	v5 =	vld [tilespmem:s5+$0xFFFFFF40]  }
0x3e1: {  	v10 =	vld [tilespmem:s7+$0xFFFFFF40];
	v6 =	vadd.f32 v6, v9;
	v2 =	vmax.f32 v2, $0.0e+00  }
0x3e2: {  	v8 =	vunpack.i.u.bf16.f32 v8;
	v9 =	vld [tilespmem:s8+$0xFFFFFFC0];
	[tilespmem:s11+$0x20] =	vst v2  }
0x3e3: {  	v2 =	vadd.f32 v6, v8;
	v6 =	vld [tilespmem:s15+$0xA0]  }
0x3e4: {  	v3 =	vadd.f32 v3, v4;
	v4 =	vld [tilespmem:s12+$0xA0]  }
0x3e5: {  	v7 =	vunpack.i.u.bf16.f32 v7;
	v2 =	vmax.f32 v2, $0.0e+00  }
0x3e6: {  	[tilespmem:s11+$0xFFFFFF90] =	vst v2;
	v2 =	vadd.f32 v3, v7  }
0x3e7: {  	v5 =	vadd.f32 v10, v5;
	v3 =	vld [tilespmem:s15+$0xFFFFFF20]  }
0x3e8: {  	v8 =	vunpack.i.l.bf16.f32 v9;
	v7 =	vld [tilespmem:s12+$0xFFFFFF20];
	v2 =	vmax.f32 v2, $0.0e+00  }
0x3e9: {  	v10 =	vld [tilespmem:s3+$0xFFFFFFA0];
	[tilespmem:s24+$0xD0] =	vst v2;
	v2 =	vadd.f32 v4, v6;
	v4 =	vadd.f32 v5, v8  }
0x3ea: {  	v6 =	vunpack.i.u.bf16.f32 v11;
	v5 =	vld [tilespmem:s5+$0x60]  }
0x3eb: {  	v8 =	vld [tilespmem:s7+$0x60];
	v2 =	vadd.f32 v2, v6;
	v4 =	vmax.f32 v4, $0.0e+00  }
0x3ec: {  	v6 =	vld [tilespmem:s8+$0x60];
	[tilespmem:s24+$0xFFFFFF40] =	vst v4  }
0x3ed: {  	v2 =	vmax.f32 v2, $0.0e+00;
	v4 =	vld [tilespmem:s5+$0xFFFFFFC0]  }
0x3ee: {  	v3 =	vadd.f32 v7, v3;
	v12 =	vld [tilespmem:s7+$0xFFFFFFC0];
	[tilespmem:s11+$0xA0] =	vst v2  }
0x3ef: {  	v2 =	vunpack.i.l.bf16.f32 v10;
	v7 =	vld [tilespmem:s15+$0x30]  }
0x3f0: {  	v2 =	vadd.f32 v3, v2;
	v3 =	vadd.f32 v8, v5;
	v5 =	vld [tilespmem:s12+$0x30]  }
0x3f1: {  	v11 =	vld [tilespmem:s3+$0x30];
	v8 =	vunpack.i.l.bf16.f32 v6  }
0x3f2: {  	v3 =	vadd.f32 v3, v8  }
0x3f3: {  	s4 =	simm.s32 $0x4BA0;
	v2 =	vmax.f32 v2, $0.0e+00  }
0x3f4: {  	[tilespmem:s11+$0xFFFFFF20] =	vst v2;
	v4 =	vadd.f32 v12, v4;
	v12 =	vld [tilespmem:s4+$0x0];
	v3 =	vmax.f32 v3, $0.0e+00  }
0x3f5: {  	v2 =	vld [tilespmem:s15+$0xFFFFFFA0];
	[tilespmem:s24+$0x60] =	vst v3;
	v3 =	vadd.f32 v5, v7  }
0x3f6: {  	v8 =	vld [tilespmem:s12+$0xFFFFFFA0];
	v7 =	vunpack.i.l.bf16.f32 v11  }
0x3f7: {  	s2 =	simm.s32 $0x5FA0;
	v5 =	vld [tilespmem:s5+$0xE0];
	v3 =	vadd.f32 v3, v7  }
0x3f8: {  	s0 =	simm.s32 $0x7120;
	v7 =	vunpack.i.u.bf16.f32 v9;
	v9 =	vld [tilespmem:s2+$0x0]  }
0x3f9: {  	v4 =	vadd.f32 v4, v7;
	v7 =	vld [tilespmem:s0+$0x0];
	v3 =	vmax.f32 v3, $0.0e+00  }
0x3fa: {  	v13 =	vld [tilespmem:s7+$0xE0];
	[tilespmem:s11+$0x30] =	vst v3  }
0x3fb: {  	v3 =	vmax.f32 v4, $0.0e+00;
	v4 =	vld [tilespmem:s15+$0xB0]  }
0x3fc: {  	[tilespmem:s24+$0xFFFFFFC0] =	vst v3;
	v3 =	vld [tilespmem:s12+$0xB0]  }
0x3fd: {  	v2 =	vadd.f32 v8, v2;
	v8 =	vld [tilespmem:s4+$0xFFFFFF00];
	v9 =	vadd.f32 v9, v12  }
0x3fe: {  	v14 =	vld [tilespmem:s5+$0xFFFFFF50];
	v15 =	vunpack.i.l.bf16.f32 v7  }
0x3ff: {  	v10 =	vunpack.i.u.bf16.f32 v10;
	v5 =	vadd.f32 v13, v5;
	v12 =	vld [tilespmem:s7+$0xFFFFFF50];
	v9 =	vadd.f32 v9, v15  }
0x400: {  	v6 =	vunpack.i.u.bf16.f32 v6;
	v2 =	vadd.f32 v2, v10;
	v55 =	vld [tilespmem:s8+$0xFFFFFFD0]  }
0x401: {  	s1 =	simm.s32 $0x7DA0;
	v5 =	vadd.f32 v5, v6;
	v6 =	vld [tilespmem:s2+$0xFFFFFF00];
	v9 =	vmax.f32 v9, $0.0e+00;
	v3 =	vadd.f32 v3, v4  }
0x402: {  	v2 =	vmax.f32 v2, $0.0e+00;
	v4 =	vld [tilespmem:s0+$0xFFFFFF80];
	[tilespmem:s1+$0x0] =	vst v9;
	v9 =	vunpack.i.u.bf16.f32 v11  }
0x403: {  	[tilespmem:s11+$0xFFFFFFA0] =	vst v2;
	v5 =	vmax.f32 v5, $0.0e+00;
	v10 =	vld [tilespmem:s4+$0x80];
	v3 =	vadd.f32 v3, v9  }
0x404: {  	[tilespmem:s24+$0xE0] =	vst v5;
	v5 =	vld [tilespmem:s2+$0x80]  }
0x405: {  	v13 =	vld [tilespmem:s3+$0xFFFFFFB0];
	v2 =	vmax.f32 v3, $0.0e+00  }
0x406: {  	v11 =	vld [tilespmem:s12+$0xFFFFFF30];
	v3 =	vadd.f32 v6, v8;
	[tilespmem:s11+$0xB0] =	vst v2  }
0x407: {  	v2 =	vunpack.i.l.bf16.f32 v4;
	v8 =	vld [tilespmem:s15+$0x40]  }
0x408: {  	v2 =	vadd.f32 v3, v2;
	v3 =	vld [tilespmem:s12+$0x40]  }
0x409: {  	v5 =	vadd.f32 v5, v10;
	v10 =	vld [tilespmem:s3+$0x40]  }
0x40a: {  	v7 =	vunpack.i.u.bf16.f32 v7;
	v9 =	vld [tilespmem:s5+$0x70];
	v2 =	vmax.f32 v2, $0.0e+00  }
0x40b: {  	v6 =	vld [tilespmem:s15+$0xFFFFFF30];
	[tilespmem:s1+$0xFFFFFF00] =	vst v2;
	v2 =	vadd.f32 v5, v7  }
0x40c: {  	v5 =	vld [tilespmem:s4+$0xFFFFFF80]  }
0x40d: {  	v7 =	vld [tilespmem:s2+$0xFFFFFF80];
	v2 =	vmax.f32 v2, $0.0e+00;
	v3 =	vadd.f32 v3, v8  }
0x40e: {  	v8 =	vld [tilespmem:s7+$0x70];
	[tilespmem:s1+$0x80] =	vst v2;
	v2 =	vunpack.i.l.bf16.f32 v10  }
0x40f: {  	v15 =	vld [tilespmem:s4+$0x10];
	v2 =	vadd.f32 v3, v2  }
0x410: {  	v3 =	vadd.f32 v11, v6;
	v6 =	vld [tilespmem:s2+$0x10]  }
0x411: {  	v11 =	vunpack.i.l.bf16.f32 v13;
	v17 =	vld [tilespmem:s0+$0x10];
	v18 =	vmax.f32 v2, $0.0e+00  }
0x412: {  	v2 =	vld [tilespmem:s8+$0x70];
	v3 =	vadd.f32 v3, v11;
	v5 =	vadd.f32 v7, v5;
	[tilespmem:s11+$0x40] =	vst v18  }
0x413: {  	v4 =	vunpack.i.u.bf16.f32 v4;
	v7 =	vld [tilespmem:s15+$0xC0]  }
0x414: {  	v3 =	vmax.f32 v3, $0.0e+00;
	v4 =	vadd.f32 v5, v4;
	v5 =	vld [tilespmem:s12+$0xC0]  }
0x415: {  	[tilespmem:s11+$0xFFFFFF30] =	vst v3;
	v3 =	vadd.f32 v6, v15  }
0x416: {  	v11 =	vunpack.i.l.bf16.f32 v17;
	v6 =	vld [tilespmem:s15+$0xFFFFFFB0];
	v4 =	vmax.f32 v4, $0.0e+00  }
0x417: {  	v8 =	vadd.f32 v8, v9;
	v9 =	vld [tilespmem:s12+$0xFFFFFFB0];
	[tilespmem:s1+$0xFFFFFF80] =	vst v4;
	v3 =	vadd.f32 v3, v11  }
0x418: {  	v4 =	vadd.f32 v12, v14;
	v11 =	vunpack.i.l.bf16.f32 v55;
	v12 =	vunpack.i.l.bf16.f32 v2;
	v14 =	vld [tilespmem:s4+$0xFFFFFF10]  }
0x419: {  	v8 =	vadd.f32 v8, v12;
	v12 =	vld [tilespmem:s2+$0xFFFFFF10];
	v3 =	vmax.f32 v3, $0.0e+00;
	v5 =	vadd.f32 v5, v7  }
0x41a: {  	v4 =	vadd.f32 v4, v11;
	v7 =	vld [tilespmem:s0+$0xFFFFFF90];
	[tilespmem:s1+$0x10] =	vst v3;
	v3 =	vunpack.i.u.bf16.f32 v10  }
0x41b: {  	v8 =	vmax.f32 v8, $0.0e+00;
	v10 =	vld [tilespmem:s4+$0x90];
	v5 =	vadd.f32 v5, v3  }
0x41c: {  	s17 =	simm.s32 $0x4DA0;
	v3 =	vmax.f32 v4, $0.0e+00;
	[tilespmem:s24+$0x70] =	vst v8;
	v4 =	vld [tilespmem:s2+$0x90]  }
0x41d: {  	v20 =	vld [tilespmem:s17+$0x0];
	v6 =	vadd.f32 v9, v6;
	[tilespmem:s24+$0xFFFFFF50] =	vst v3;
	v5 =	vmax.f32 v5, $0.0e+00  }
0x41e: {  	v8 =	vunpack.i.u.bf16.f32 v13;
	v9 =	vld [tilespmem:s5+$0xFFFFFFD0];
	v11 =	vadd.f32 v12, v14;
	[tilespmem:s11+$0xC0] =	vst v5  }
0x41f: {  	v5 =	vadd.f32 v6, v8;
	v6 =	vunpack.i.l.bf16.f32 v7;
	v8 =	vld [tilespmem:s15+$0x50]  }
0x420: {  	v6 =	vadd.f32 v11, v6;
	v11 =	vld [tilespmem:s12+$0x50]  }
0x421: {  	v5 =	vmax.f32 v5, $0.0e+00;
	v4 =	vadd.f32 v4, v10;
	v10 =	vld [tilespmem:s3+$0x50]  }
0x422: {  	v12 =	vld [tilespmem:s7+$0xFFFFFFD0];
	[tilespmem:s11+$0xFFFFFFB0] =	vst v5;
	v5 =	vmax.f32 v6, $0.0e+00;
	v6 =	vunpack.i.u.bf16.f32 v17  }
0x423: {  	v13 =	vld [tilespmem:s15+$0xFFFFFF40];
	[tilespmem:s1+$0xFFFFFF10] =	vst v5;
	v4 =	vadd.f32 v4, v6  }
0x424: {  	v5 =	vld [tilespmem:s4+$0xFFFFFF90]  }
0x425: {  	v6 =	vld [tilespmem:s2+$0xFFFFFF90];
	v4 =	vmax.f32 v4, $0.0e+00;
	v8 =	vadd.f32 v11, v8  }
0x426: {  	v15 =	vld [tilespmem:s3+$0xFFFFFFC0];
	[tilespmem:s1+$0x90] =	vst v4;
	v4 =	vunpack.i.l.bf16.f32 v10  }
0x427: {  	v9 =	vadd.f32 v12, v9;
	v12 =	vld [tilespmem:s4+$0x20];
	v4 =	vadd.f32 v8, v4  }
0x428: {  	v8 =	vunpack.i.u.bf16.f32 v55;
	v14 =	vld [tilespmem:s2+$0x20]  }
0x429: {  	v8 =	vadd.f32 v9, v8;
	v9 =	vld [tilespmem:s0+$0x20];
	v4 =	vmax.f32 v4, $0.0e+00  }
0x42a: {  	v11 =	vld [tilespmem:s12+$0xFFFFFF40];
	v5 =	vadd.f32 v6, v5;
	[tilespmem:s11+$0x50] =	vst v4  }
0x42b: {  	v4 =	vunpack.i.u.bf16.f32 v7;
	v6 =	vmax.f32 v8, $0.0e+00;
	v7 =	vld [tilespmem:s15+$0xD0]  }
0x42c: {  	[tilespmem:s24+$0xFFFFFFD0] =	vst v6;
	v4 =	vadd.f32 v5, v4;
	v5 =	vld [tilespmem:s12+$0xD0]  }
0x42d: {  	v6 =	vld [tilespmem:s5+$0xFFFFFF60];
	v8 =	vadd.f32 v14, v12  }
0x42e: {  	v12 =	vld [tilespmem:s7+$0xFFFFFF60];
	v14 =	vmax.f32 v4, $0.0e+00;
	v56 =	vunpack.i.l.bf16.f32 v9  }
0x42f: {  	v11 =	vadd.f32 v11, v13;
	v4 =	vld [tilespmem:s8+$0xFFFFFFE0];
	[tilespmem:s1+$0xFFFFFF90] =	vst v14;
	v8 =	vadd.f32 v8, v56  }
0x430: {  	v13 =	vunpack.i.l.bf16.f32 v15;
	v14 =	vld [tilespmem:s4+$0xFFFFFF20]  }
0x431: {  	v11 =	vadd.f32 v11, v13;
	v13 =	vld [tilespmem:s2+$0xFFFFFF20];
	v8 =	vmax.f32 v8, $0.0e+00;
	v5 =	vadd.f32 v5, v7  }
0x432: {  	v7 =	vld [tilespmem:s0+$0xFFFFFFA0];
	[tilespmem:s1+$0x20] =	vst v8;
	v8 =	vunpack.i.u.bf16.f32 v10  }
0x433: {  	v10 =	vmax.f32 v11, $0.0e+00;
	v11 =	vld [tilespmem:s4+$0xA0];
	v5 =	vadd.f32 v5, v8  }
0x434: {  	[tilespmem:s11+$0xFFFFFF40] =	vst v10;
	v8 =	vld [tilespmem:s2+$0xA0]  }
0x435: {  	v6 =	vadd.f32 v12, v6;
	v10 =	vld [tilespmem:s15+$0xFFFFFFC0];
	v5 =	vmax.f32 v5, $0.0e+00  }
0x436: {  	v12 =	vunpack.i.l.bf16.f32 v4;
	v57 =	vld [tilespmem:s12+$0xFFFFFFC0];
	[tilespmem:s11+$0xD0] =	vst v5  }
0x437: {  	v5 =	vadd.f32 v6, v12;
	v6 =	vadd.f32 v13, v14;
	v12 =	vld [tilespmem:s15+$0x60]  }
0x438: {  	v13 =	vunpack.i.l.bf16.f32 v7;
	v14 =	vld [tilespmem:s12+$0x60]  }
0x439: {  	s26 =	simm.s32 $0x61A0;
	v6 =	vadd.f32 v6, v13;
	v8 =	vadd.f32 v8, v11;
	v11 =	vld [tilespmem:s3+$0x60]  }
0x43a: {  	s28 =	simm.s32 $0x7220;
	v62 =	vld [tilespmem:s26+$0x0];
	v9 =	vunpack.i.u.bf16.f32 v9  }
0x43b: {  	v21 =	vld [tilespmem:s28+$0x0];
	v6 =	vmax.f32 v6, $0.0e+00;
	v8 =	vadd.f32 v8, v9  }
0x43c: {  	v63 =	vld [tilespmem:s17+$0xFFFFFF00];
	[tilespmem:s1+$0xFFFFFF20] =	vst v6;
	v6 =	vadd.f32 v57, v10  }
0x43d: {  	v3 =	vld [tilespmem:s5+$0xF0];
	v9 =	vunpack.i.u.bf16.f32 v15;
	v8 =	vmax.f32 v8, $0.0e+00;
	v12 =	vadd.f32 v14, v12  }
0x43e: {  	v58 =	vmax.f32 v5, $0.0e+00;
	v5 =	vld [tilespmem:s7+$0xF0];
	v6 =	vadd.f32 v6, v9;
	[tilespmem:s1+$0xA0] =	vst v8;
	v8 =	vunpack.i.l.bf16.f32 v11  }
0x43f: {  	v9 =	vld [tilespmem:s4+$0x30];
	v8 =	vadd.f32 v12, v8  }
0x440: {  	[tilespmem:s24+$0xFFFFFF60] =	vst v58;
	v12 =	vld [tilespmem:s2+$0x30];
	v6 =	vmax.f32 v6, $0.0e+00  }
0x441: {  	v59 =	vld [tilespmem:s0+$0x30];
	[tilespmem:s11+$0xFFFFFFC0] =	vst v6;
	v6 =	vmax.f32 v8, $0.0e+00  }
0x442: {  	v13 =	vld [tilespmem:s5+$0xFFFFFFE0];
	[tilespmem:s11+$0x60] =	vst v6  }
0x443: {  	v6 =	vld [tilespmem:s15+$0xE0]  }
0x444: {  	v60 =	vld [tilespmem:s12+$0xE0]  }
0x445: {  	v10 =	vld [tilespmem:s7+$0xFFFFFFE0];
	v12 =	vadd.f32 v12, v9  }
0x446: {  	v15 =	vld [tilespmem:s4+$0xFFFFFFA0];
	v19 =	vunpack.i.l.bf16.f32 v59  }
0x447: {  	v14 =	vld [tilespmem:s2+$0xFFFFFFA0];
	v12 =	vadd.f32 v12, v19  }
0x448: {  	v8 =	vld [tilespmem:s15+$0xFFFFFF50]  }
0x449: {  	v61 =	vld [tilespmem:s12+$0xFFFFFF50];
	v12 =	vmax.f32 v12, $0.0e+00;
	v6 =	vadd.f32 v60, v6  }
0x44a: {  	v11 =	vunpack.i.u.bf16.f32 v11;
	v9 =	vld [tilespmem:s3+$0xFFFFFFD0];
	[tilespmem:s1+$0x30] =	vst v12  }
0x44b: {  	v12 =	vld [tilespmem:s4+$0xB0];
	v6 =	vadd.f32 v6, v11  }
0x44c: {  	v11 =	vadd.f32 v14, v15;
	v14 =	vld [tilespmem:s2+$0xB0]  }
0x44d: {  	v7 =	vunpack.i.u.bf16.f32 v7;
	v19 =	vadd.f32 v62, v20;
	v15 =	vld [tilespmem:s26+$0xFFFFFF00];
	v6 =	vmax.f32 v6, $0.0e+00  }
0x44e: {  	v24 =	vunpack.i.l.bf16.f32 v21;
	v7 =	vadd.f32 v11, v7;
	v11 =	vld [tilespmem:s28+$0xFFFFFF80];
	[tilespmem:s11+$0xE0] =	vst v6  }
0x44f: {  	v6 =	vadd.f32 v19, v24;
	v25 =	vld [tilespmem:s15+$0x70]  }
0x450: {  	v7 =	vmax.f32 v7, $0.0e+00;
	v26 =	vld [tilespmem:s12+$0x70]  }
0x451: {  	s19 =	simm.s32 $0x7FA0;
	[tilespmem:s1+$0xFFFFFFA0] =	vst v7;
	v7 =	vmax.f32 v6, $0.0e+00;
	v12 =	vadd.f32 v14, v12;
	v6 =	vld [tilespmem:s3+$0x70]  }
0x452: {  	[tilespmem:s19+$0x0] =	vst v7;
	v14 =	vld [tilespmem:s4+$0xFFFFFF30];
	v7 =	vunpack.i.u.bf16.f32 v59  }
0x453: {  	v27 =	vld [tilespmem:s17+$0x80];
	v7 =	vadd.f32 v12, v7  }
0x454: {  	v10 =	vadd.f32 v10, v13;
	v12 =	vadd.f32 v15, v63;
	v15 =	vld [tilespmem:s26+$0x80]  }
0x455: {  	v4 =	vunpack.i.u.bf16.f32 v4;
	v29 =	vld [tilespmem:s2+$0xFFFFFF30];
	v7 =	vmax.f32 v7, $0.0e+00  }
0x456: {  	v4 =	vadd.f32 v10, v4;
	v30 =	vld [tilespmem:s0+$0xFFFFFFB0];
	[tilespmem:s1+$0xB0] =	vst v7  }
0x457: {  	v28 =	vunpack.i.l.bf16.f32 v11;
	v31 =	vld [tilespmem:s4+$0x40]  }
0x458: {  	v4 =	vmax.f32 v4, $0.0e+00;
	v19 =	vadd.f32 v26, v25;
	v12 =	vadd.f32 v12, v28;
	v32 =	vld [tilespmem:s2+$0x40]  }
0x459: {  	v21 =	vunpack.i.u.bf16.f32 v21;
	[tilespmem:s24+$0xFFFFFFE0] =	vst v4;
	v7 =	vunpack.i.l.bf16.f32 v6;
	v33 =	vld [tilespmem:s0+$0x40];
	v15 =	vadd.f32 v15, v27  }
0x45a: {  	v8 =	vadd.f32 v61, v8;
	v44 =	vld [tilespmem:s7+$0xFFFFFF70];
	v7 =	vadd.f32 v19, v7;
	v12 =	vmax.f32 v12, $0.0e+00  }
0x45b: {  	v45 =	vld [tilespmem:s8+$0xFFFFFFF0];
	[tilespmem:s19+$0xFFFFFF00] =	vst v12;
	v12 =	vunpack.i.l.bf16.f32 v9;
	v15 =	vadd.f32 v15, v21  }
0x45c: {  	v14 =	vadd.f32 v29, v14;
	v7 =	vmax.f32 v7, $0.0e+00;
	v8 =	vadd.f32 v8, v12;
	v12 =	vld [tilespmem:s17+$0xFFFFFF80]  }
0x45d: {  	v35 =	vunpack.i.l.bf16.f32 v30;
	v36 =	vld [tilespmem:s26+$0xFFFFFF80];
	[tilespmem:s11+$0x70] =	vst v7;
	v15 =	vmax.f32 v15, $0.0e+00;
	v18 =	vadd.f32 v32, v31  }
0x45e: {  	v14 =	vadd.f32 v14, v35;
	v7 =	vld [tilespmem:s15+$0xF0];
	[tilespmem:s19+$0x80] =	vst v15;
	v15 =	vunpack.i.l.bf16.f32 v33  }
0x45f: {  	v38 =	vld [tilespmem:s17+$0x10];
	v15 =	vadd.f32 v18, v15  }
0x460: {  	v14 =	vmax.f32 v14, $0.0e+00;
	v39 =	vld [tilespmem:s26+$0x10]  }
0x461: {  	[tilespmem:s1+$0xFFFFFF30] =	vst v14;
	v13 =	vld [tilespmem:s28+$0x10];
	v14 =	vmax.f32 v15, $0.0e+00  }
0x462: {  	v34 =	vmax.f32 v8, $0.0e+00;
	v8 =	vld [tilespmem:s12+$0xF0];
	v12 =	vadd.f32 v36, v12;
	[tilespmem:s1+$0x40] =	vst v14  }
0x463: {  	v10 =	vunpack.i.u.bf16.f32 v11;
	v11 =	vld [tilespmem:s4+$0xC0]  }
0x464: {  	[tilespmem:s11+$0xFFFFFF50] =	vst v34;
	v10 =	vadd.f32 v12, v10;
	v12 =	vld [tilespmem:s2+$0xC0]  }
0x465: {  	v37 =	vld [tilespmem:s15+$0xFFFFFFD0];
	v14 =	vadd.f32 v39, v38  }
0x466: {  	v40 =	vld [tilespmem:s2+$0xFFFFFFB0];
	v4 =	vmax.f32 v10, $0.0e+00;
	v10 =	vunpack.i.l.bf16.f32 v13  }
0x467: {  	v15 =	vld [tilespmem:s4+$0xFFFFFFB0];
	[tilespmem:s19+$0xFFFFFF80] =	vst v4;
	v4 =	vadd.f32 v14, v10  }
0x468: {  	v42 =	vld [tilespmem:s26+$0xFFFFFF10]  }
0x469: {  	v14 =	vld [tilespmem:s17+$0xFFFFFF10];
	v4 =	vmax.f32 v4, $0.0e+00;
	v11 =	vadd.f32 v12, v11  }
0x46a: {  	v12 =	vld [tilespmem:s28+$0xFFFFFF90];
	[tilespmem:s19+$0x10] =	vst v4;
	v4 =	vunpack.i.u.bf16.f32 v33  }
0x46b: {  	v43 =	vld [tilespmem:s17+$0x90];
	v4 =	vadd.f32 v11, v4  }
0x46c: {  	v11 =	vadd.f32 v40, v15;
	v15 =	vld [tilespmem:s26+$0x90]  }
0x46d: {  	v17 =	vunpack.i.u.bf16.f32 v30;
	v41 =	vld [tilespmem:s12+$0xFFFFFFD0];
	v4 =	vmax.f32 v4, $0.0e+00  }
0x46e: {  	v10 =	vld [tilespmem:s5+$0xFFFFFF70];
	v14 =	vadd.f32 v42, v14;
	v11 =	vadd.f32 v11, v17;
	[tilespmem:s1+$0xC0] =	vst v4  }
0x46f: {  	v4 =	vunpack.i.l.bf16.f32 v12;
	v46 =	vld [tilespmem:s4+$0x50]  }
0x470: {  	v11 =	vmax.f32 v11, $0.0e+00;
	v4 =	vadd.f32 v14, v4;
	v14 =	vld [tilespmem:s2+$0x50]  }
0x471: {  	[tilespmem:s1+$0xFFFFFFB0] =	vst v11;
	v11 =	vadd.f32 v15, v43;
	v15 =	vld [tilespmem:s0+$0x50]  }
0x472: {  	v13 =	vunpack.i.u.bf16.f32 v13;
	v4 =	vmax.f32 v4, $0.0e+00;
	v47 =	vld [tilespmem:s4+$0xFFFFFF40]  }
0x473: {  	[tilespmem:s19+$0xFFFFFF10] =	vst v4;
	v4 =	vadd.f32 v11, v13;
	v11 =	vld [tilespmem:s2+$0xFFFFFF40]  }
0x474: {  	v13 =	vadd.f32 v41, v37;
	v48 =	vld [tilespmem:s17+$0xFFFFFF90]  }
0x475: {  	v9 =	vunpack.i.u.bf16.f32 v9;
	v49 =	vld [tilespmem:s26+$0xFFFFFF90];
	v4 =	vmax.f32 v4, $0.0e+00;
	v14 =	vadd.f32 v14, v46  }
0x476: {  	v9 =	vadd.f32 v13, v9;
	v13 =	vld [tilespmem:s0+$0xFFFFFFC0];
	[tilespmem:s19+$0x90] =	vst v4;
	v4 =	vunpack.i.l.bf16.f32 v15  }
0x477: {  	v50 =	vld [tilespmem:s17+$0x20];
	v4 =	vadd.f32 v14, v4  }
0x478: {  	v9 =	vmax.f32 v9, $0.0e+00;
	v14 =	vld [tilespmem:s26+$0x20]  }
0x479: {  	[tilespmem:s11+$0xFFFFFFD0] =	vst v9;
	v9 =	vadd.f32 v44, v10;
	v10 =	vld [tilespmem:s28+$0x20];
	v4 =	vmax.f32 v4, $0.0e+00  }
0x47a: {  	v51 =	vunpack.i.l.bf16.f32 v45;
	v19 =	vadd.f32 v49, v48;
	v54 =	vld [tilespmem:s12+$0xFFFFFF60];
	[tilespmem:s1+$0x50] =	vst v4  }
0x47b: {  	v12 =	vunpack.i.u.bf16.f32 v12;
	v9 =	vadd.f32 v9, v51;
	v52 =	vld [tilespmem:s4+$0xD0]  }
0x47c: {  	v12 =	vadd.f32 v19, v12;
	v53 =	vld [tilespmem:s2+$0xD0]  }
0x47d: {  	v55 =	vld [tilespmem:s3+$0xFFFFFFE0];
	v9 =	vmax.f32 v9, $0.0e+00;
	v14 =	vadd.f32 v14, v50  }
0x47e: {  	v4 =	vld [tilespmem:s15+$0xFFFFFF60];
	[tilespmem:s24+$0xFFFFFF70] =	vst v9;
	v9 =	vmax.f32 v12, $0.0e+00;
	v12 =	vunpack.i.l.bf16.f32 v10  }
0x47f: {  	v11 =	vadd.f32 v11, v47;
	[tilespmem:s19+$0xFFFFFF90] =	vst v9;
	v9 =	vadd.f32 v14, v12;
	v12 =	vld [tilespmem:s5+$0xFFFFFFF0]  }
0x480: {  	v14 =	vunpack.i.l.bf16.f32 v13;
	v56 =	vld [tilespmem:s17+$0xFFFFFF20]  }
0x481: {  	v11 =	vadd.f32 v11, v14;
	v14 =	vld [tilespmem:s26+$0xFFFFFF20];
	v9 =	vmax.f32 v9, $0.0e+00;
	v18 =	vadd.f32 v53, v52  }
0x482: {  	v57 =	vld [tilespmem:s28+$0xFFFFFFA0];
	[tilespmem:s19+$0x20] =	vst v9;
	v9 =	vunpack.i.u.bf16.f32 v15  }
0x483: {  	v11 =	vmax.f32 v11, $0.0e+00;
	v15 =	vld [tilespmem:s17+$0xA0];
	v9 =	vadd.f32 v18, v9  }
0x484: {  	v4 =	vadd.f32 v54, v4;
	[tilespmem:s1+$0xFFFFFF40] =	vst v11;
	v11 =	vld [tilespmem:s26+$0xA0]  }
0x485: {  	v58 =	vunpack.i.l.bf16.f32 v55;
	v59 =	vld [tilespmem:s4+$0xFFFFFFC0];
	v9 =	vmax.f32 v9, $0.0e+00  }
0x486: {  	v4 =	vadd.f32 v4, v58;
	v60 =	vld [tilespmem:s2+$0xFFFFFFC0];
	v14 =	vadd.f32 v14, v56;
	[tilespmem:s1+$0xD0] =	vst v9  }
0x487: {  	v9 =	vunpack.i.l.bf16.f32 v57;
	v61 =	vld [tilespmem:s4+$0x60]  }
0x488: {  	v4 =	vmax.f32 v4, $0.0e+00;
	v9 =	vadd.f32 v14, v9;
	v14 =	vld [tilespmem:s2+$0x60]  }
0x489: {  	[tilespmem:s11+$0xFFFFFF60] =	vst v4;
	v4 =	vld [tilespmem:s0+$0x60];
	v11 =	vadd.f32 v11, v15  }
0x48a: {  	v10 =	vunpack.i.u.bf16.f32 v10;
	v15 =	vld [tilespmem:s15+$0xFFFFFFE0];
	v9 =	vmax.f32 v9, $0.0e+00  }
0x48b: {  	[tilespmem:s19+$0xFFFFFF20] =	vst v9;
	v9 =	vadd.f32 v11, v10;
	v10 =	vld [tilespmem:s12+$0xFFFFFFE0];
	v11 =	vadd.f32 v60, v59  }
0x48c: {  	v2 =	vunpack.i.u.bf16.f32 v2;
	v3 =	vadd.f32 v5, v3;
	v13 =	vunpack.i.u.bf16.f32 v13;
	v62 =	vld [tilespmem:s17+$0xFFFFFFA0]  }
0x48d: {  	v63 =	vld [tilespmem:s26+$0xFFFFFFA0];
	v14 =	vadd.f32 v14, v61;
	v9 =	vmax.f32 v9, $0.0e+00;
	v5 =	vadd.f32 v11, v13  }
0x48e: {  	v2 =	vadd.f32 v3, v2;
	v11 =	vld [tilespmem:s7+$0xFFFFFFF0];
	[tilespmem:s19+$0xA0] =	vst v9;
	v9 =	vunpack.i.l.bf16.f32 v4  }
0x48f: {  	v3 =	vadd.f32 v8, v7;
	v9 =	vadd.f32 v14, v9;
	v13 =	vld [tilespmem:s17+$0x30];
	v5 =	vmax.f32 v5, $0.0e+00  }
0x490: {  	v2 =	vmax.f32 v2, $0.0e+00;
	v8 =	vld [tilespmem:s26+$0x30];
	[tilespmem:s1+$0xFFFFFFC0] =	vst v5;
	v5 =	vunpack.i.u.bf16.f32 v6  }
0x491: {  	v7 =	vld [tilespmem:s28+$0x30];
	v10 =	vadd.f32 v10, v15;
	v6 =	vmax.f32 v9, $0.0e+00;
	v5 =	vadd.f32 v3, v5  }
0x492: {  	v14 =	vunpack.i.u.bf16.f32 v57;
	v9 =	vadd.f32 v63, v62;
	v3 =	vunpack.i.u.bf16.f32 v55;
	[tilespmem:s1+$0x60] =	vst v6;
	v6 =	vld [tilespmem:s4+$0xFFFFFF50]  }
0x493: {  	[tilespmem:s24+$0xF0] =	vst v2;
	v10 =	vadd.f32 v10, v3;
	v11 =	vadd.f32 v11, v12;
	v3 =	vld [tilespmem:s4+$0xE0];
	v2 =	vmax.f32 v5, $0.0e+00  }
0x494: {  	v12 =	vadd.f32 v9, v14;
	v5 =	vld [tilespmem:s2+$0xE0];
	[tilespmem:s11+$0xF0] =	vst v2;
	v2 =	vunpack.i.u.bf16.f32 v45  }
0x495: {  	s20 =	simm.s32 $0x7220;
	s21 =	simm.s32 $0x8CA0;
	v9 =	vld [tilespmem:s2+$0xFFFFFF50];
	v14 =	vmax.f32 v10, $0.0e+00;
	v10 =	vadd.f32 v8, v13;
	v2 =	vadd.f32 v11, v2  }
0x496: {  	s10 =	simm.s32 $0x61A0;
	s8 =	simm.s32 $0x4FA0;
	s5 =	simm.s32 $0x6;
	v8 =	vld [tilespmem:s0+$0xFFFFFFD0];
	[tilespmem:s11+$0xFFFFFFE0] =	vst v14;
	v12 =	vmax.f32 v12, $0.0e+00;
	v11 =	vunpack.i.l.bf16.f32 v7  }
.LBB2_7:
0x497: {  	v13 =	vld [tilespmem:s8+$0x0];
	[tilespmem:s19+$0xFFFFFFA0] =	vst v12;
	v10 =	vadd.f32 v10, v11;
	s26 =	sadd.s32 $0x200, s26;
	v2 =	vmax.f32 v2, $0.0e+00  }
0x498: {  	s28 =	sadd.s32 $0x100, s28;
	v11 =	vld [tilespmem:s26+$0x0];
	[tilespmem:s24+$0xFFFFFFF0] =	vst v2;
	s24 =	smov.u32 s11;
	s11 =	smov.u32 s1  }
0x499: {  	s1 =	smov.u32 s19;
	v12 =	vld [tilespmem:s28+$0x0];
	v2 =	vmax.f32 v10, $0.0e+00;
	v3 =	vadd.f32 v5, v3  }
0x49a: {  	v4 =	vunpack.i.u.bf16.f32 v4;
	v5 =	vld [tilespmem:s8+$0xFFFFFF00];
	[tilespmem:s19+$0x30] =	vst v2;
	v6 =	vadd.f32 v9, v6  }
0x49b: {  	v9 =	vld [tilespmem:s17+$0xB0];
	v2 =	vunpack.i.u.bf16.f32 v8;
	v8 =	vunpack.i.l.bf16.f32 v8;
	v3 =	vadd.f32 v3, v4  }
0x49c: {  	v4 =	vld [tilespmem:s10+$0xB0];
	v6 =	vadd.f32 v6, v8  }
0x49d: {  	v8 =	vld [tilespmem:s26+$0xFFFFFF00];
	v10 =	vadd.f32 v11, v13;
	v3 =	vmax.f32 v3, $0.0e+00  }
0x49e: {  	v11 =	vld [tilespmem:s28+$0xFFFFFF80];
	v13 =	vunpack.i.l.bf16.f32 v12;
	v6 =	vmax.f32 v6, $0.0e+00;
	[tilespmem:s11+$0xE0] =	vst v3  }
0x49f: {  	v3 =	vadd.f32 v10, v13;
	[tilespmem:s11+$0xFFFFFF50] =	vst v6;
	v6 =	vld [tilespmem:s4+$0x70]  }
0x4a0: {  	v10 =	vld [tilespmem:s2+$0x70]  }
0x4a1: {  	s19 =	sadd.s32 $0x200, s19;
	v3 =	vmax.f32 v3, $0.0e+00;
	v4 =	vadd.f32 v4, v9;
	v9 =	vld [tilespmem:s0+$0x70]  }
0x4a2: {  	v7 =	vunpack.i.u.bf16.f32 v7;
	v5 =	vadd.f32 v8, v5;
	[tilespmem:s19+$0x0] =	vst v3;
	v3 =	vld [tilespmem:s17+$0xFFFFFF30]  }
0x4a3: {  	v8 =	vunpack.i.u.bf16.f32 v11;
	v11 =	vunpack.i.l.bf16.f32 v11;
	v13 =	vld [tilespmem:s8+$0x80];
	v4 =	vadd.f32 v4, v7  }
0x4a4: {  	v5 =	vadd.f32 v5, v11;
	v7 =	vld [tilespmem:s26+$0x80]  }
0x4a5: {  	v11 =	vld [tilespmem:s10+$0xFFFFFF30];
	v4 =	vmax.f32 v4, $0.0e+00;
	v6 =	vadd.f32 v10, v6  }
0x4a6: {  	v5 =	vmax.f32 v5, $0.0e+00;
	v10 =	vld [tilespmem:s20+$0xFFFFFFB0];
	[tilespmem:s1+$0xB0] =	vst v4;
	v4 =	vunpack.i.l.bf16.f32 v9  }
0x4a7: {  	s5 =	sadd.s32 $0x2, s5;
	[tilespmem:s19+$0xFFFFFF00] =	vst v5;
	v5 =	vld [tilespmem:s17+$0x40];
	v4 =	vadd.f32 v6, v4  }
0x4a8: {  	p1 =	slt.u32 s5, $0x12;
	v6 =	vld [tilespmem:s10+$0x40]  }
0x4a9: {  	v7 =	vadd.f32 v7, v13;
	v13 =	vld [tilespmem:s20+$0x40];
	v4 =	vmax.f32 v4, $0.0e+00  }
0x4aa: {  	v12 =	vunpack.i.u.bf16.f32 v12;
	v14 =	vld [tilespmem:s8+$0xFFFFFF80];
	v3 =	vadd.f32 v11, v3;
	[tilespmem:s11+$0x70] =	vst v4  }
0x4ab: {  	v4 =	vadd.f32 v7, v12;
	v7 =	vunpack.i.u.bf16.f32 v10;
	v10 =	vunpack.i.l.bf16.f32 v10;
	v11 =	vld [tilespmem:s4+$0xF0]  }
0x4ac: {  	v3 =	vadd.f32 v3, v10;
	v10 =	vld [tilespmem:s2+$0xF0]  }
0x4ad: {  	v12 =	vld [tilespmem:s26+$0xFFFFFF80];
	v4 =	vmax.f32 v4, $0.0e+00;
	v5 =	vadd.f32 v6, v5  }
0x4ae: {  	[tilespmem:s19+$0x80] =	vst v4;
	v3 =	vmax.f32 v3, $0.0e+00;
	v4 =	vunpack.i.l.bf16.f32 v13;
	v6 =	vld [tilespmem:s4+$0xFFFFFFD0]  }
0x4af: {  	v15 =	vld [tilespmem:s8+$0x10];
	[tilespmem:s1+$0xFFFFFF30] =	vst v3;
	v3 =	vadd.f32 v5, v4  }
0x4b0: {  	v4 =	vld [tilespmem:s26+$0x10]  }
0x4b1: {  	v5 =	vld [tilespmem:s28+$0x10];
	v3 =	vmax.f32 v3, $0.0e+00;
	v10 =	vadd.f32 v10, v11  }
0x4b2: {  	v11 =	vadd.f32 v12, v14;
	v12 =	vld [tilespmem:s17+$0xFFFFFFB0];
	[tilespmem:s1+$0x40] =	vst v3;
	v3 =	vunpack.i.u.bf16.f32 v9  }
0x4b3: {  	v9 =	vld [tilespmem:s17+$0xC0];
	v3 =	vadd.f32 v10, v3  }
0x4b4: {  	v8 =	vadd.f32 v11, v8;
	v10 =	vld [tilespmem:s10+$0xC0]  }
0x4b5: {  	v4 =	vadd.f32 v4, v15;
	v11 =	vld [tilespmem:s10+$0xFFFFFFB0];
	v3 =	vmax.f32 v3, $0.0e+00  }
0x4b6: {  	v8 =	vmax.f32 v8, $0.0e+00;
	v14 =	vunpack.i.l.bf16.f32 v5;
	v15 =	vld [tilespmem:s2+$0xFFFFFFD0];
	[tilespmem:s11+$0xF0] =	vst v3  }
0x4b7: {  	[tilespmem:s19+$0xFFFFFF80] =	vst v8;
	v3 =	vadd.f32 v4, v14;
	v4 =	vld [tilespmem:s15+$0xFFFFFF70]  }
0x4b8: {  	v8 =	vld [tilespmem:s8+$0xFFFFFF10]  }
0x4b9: {  	v14 =	vld [tilespmem:s26+$0xFFFFFF10];
	v3 =	vmax.f32 v3, $0.0e+00;
	v9 =	vadd.f32 v10, v9  }
0x4ba: {  	v10 =	vld [tilespmem:s28+$0xFFFFFF90];
	[tilespmem:s19+$0x10] =	vst v3;
	v3 =	vadd.f32 v11, v12;
	v11 =	vunpack.i.u.bf16.f32 v13  }
0x4bb: {  	v12 =	vld [tilespmem:s8+$0x90];
	v9 =	vadd.f32 v9, v11;
	v6 =	vadd.f32 v15, v6  }
0x4bc: {  	v11 =	vld [tilespmem:s26+$0x90];
	v3 =	vadd.f32 v3, v7  }
0x4bd: {  	v7 =	vmax.f32 v9, $0.0e+00;
	v2 =	vadd.f32 v6, v2;
	v6 =	vld [tilespmem:s12+$0xFFFFFF70]  }
0x4be: {  	v8 =	vadd.f32 v14, v8;
	v3 =	vmax.f32 v3, $0.0e+00;
	[tilespmem:s1+$0xC0] =	vst v7;
	v7 =	vld [tilespmem:s3+$0xFFFFFFF0];
	s3 =	smov.u32 s0;
	s0 =	smov.u32 s20;
	s20 =	smov.u32 s28  }
0x4bf: {  	v9 =	vunpack.i.u.bf16.f32 v10;
	v10 =	vunpack.i.l.bf16.f32 v10;
	[tilespmem:s1+$0xFFFFFFB0] =	vst v3;
	v3 =	vld [tilespmem:s17+$0x50];
	v2 =	vmax.f32 v2, $0.0e+00  }
0x4c0: {  	v8 =	vadd.f32 v8, v10;
	v10 =	vld [tilespmem:s10+$0x50];
	[tilespmem:s11+$0xFFFFFFD0] =	vst v2  }
0x4c1: {  	v2 =	vadd.f32 v11, v12;
	v11 =	vld [tilespmem:s0+$0x50]  }
0x4c2: {  	v5 =	vunpack.i.u.bf16.f32 v5;
	v8 =	vmax.f32 v8, $0.0e+00;
	v12 =	vld [tilespmem:s17+$0xFFFFFF40];
	v4 =	vadd.f32 v6, v4  }
0x4c3: {  	[tilespmem:s19+$0xFFFFFF10] =	vst v8;
	v5 =	vadd.f32 v2, v5;
	v6 =	vld [tilespmem:s10+$0xFFFFFF40];
	v2 =	vunpack.i.u.bf16.f32 v7;
	v7 =	vunpack.i.l.bf16.f32 v7  }
0x4c4: {  	v8 =	vld [tilespmem:s8+$0xFFFFFF90];
	v4 =	vadd.f32 v4, v7  }
0x4c5: {  	v7 =	vld [tilespmem:s26+$0xFFFFFF90];
	v5 =	vmax.f32 v5, $0.0e+00;
	v3 =	vadd.f32 v10, v3  }
0x4c6: {  	[tilespmem:s19+$0x90] =	vst v5;
	v5 =	vld [tilespmem:s0+$0xFFFFFFC0];
	v10 =	vunpack.i.l.bf16.f32 v11;
	v4 =	vmax.f32 v4, $0.0e+00  }
0x4c7: {  	v13 =	vld [tilespmem:s8+$0x20];
	v3 =	vadd.f32 v3, v10;
	[tilespmem:s24+$0xFFFFFF70] =	vst v4  }
0x4c8: {  	v4 =	vld [tilespmem:s26+$0x20];
	v6 =	vadd.f32 v6, v12  }
0x4c9: {  	v10 =	vld [tilespmem:s28+$0x20];
	v3 =	vmax.f32 v3, $0.0e+00  }
0x4ca: {  	v7 =	vadd.f32 v7, v8;
	[tilespmem:s1+$0x50] =	vst v3;
	v3 =	vld [tilespmem:s4+$0xFFFFFF60]  }
0x4cb: {  	v8 =	vunpack.i.u.bf16.f32 v5;
	v5 =	vunpack.i.l.bf16.f32 v5;
	v12 =	vld [tilespmem:s17+$0xD0]  }
0x4cc: {  	v7 =	vadd.f32 v7, v9;
	v5 =	vadd.f32 v6, v5;
	v6 =	vld [tilespmem:s10+$0xD0]  }
0x4cd: {  	v4 =	vadd.f32 v4, v13;
	v9 =	vld [tilespmem:s2+$0xFFFFFF60]  }
0x4ce: {  	v7 =	vmax.f32 v7, $0.0e+00;
	v13 =	vunpack.i.l.bf16.f32 v10;
	v5 =	vmax.f32 v5, $0.0e+00;
	v14 =	vld [tilespmem:s3+$0xFFFFFFE0]  }
0x4cf: {  	[tilespmem:s19+$0xFFFFFF90] =	vst v7;
	v4 =	vadd.f32 v4, v13;
	v13 =	vld [tilespmem:s15+$0xFFFFFFF0];
	s15 =	smov.u32 s4;
	s4 =	smov.u32 s17;
	s17 =	smov.u32 s8  }
0x4d0: {  	v7 =	vld [tilespmem:s8+$0xFFFFFF20];
	[tilespmem:s1+$0xFFFFFF40] =	vst v5  }
0x4d1: {  	v5 =	vld [tilespmem:s26+$0xFFFFFF20];
	v4 =	vmax.f32 v4, $0.0e+00;
	v6 =	vadd.f32 v6, v12  }
0x4d2: {  	v12 =	vld [tilespmem:s28+$0xFFFFFFA0];
	[tilespmem:s19+$0x20] =	vst v4;
	v4 =	vunpack.i.u.bf16.f32 v11;
	v3 =	vadd.f32 v9, v3  }
0x4d3: {  	v9 =	vld [tilespmem:s8+$0xA0];
	v4 =	vadd.f32 v6, v4;
	v11 =	vunpack.i.u.bf16.f32 v14;
	v6 =	vunpack.i.l.bf16.f32 v14  }
0x4d4: {  	v14 =	vld [tilespmem:s26+$0xA0];
	v3 =	vadd.f32 v3, v6  }
0x4d5: {  	v6 =	vld [tilespmem:s4+$0xFFFFFFC0];
	v4 =	vmax.f32 v4, $0.0e+00  }
0x4d6: {  	v5 =	vadd.f32 v5, v7;
	v7 =	vld [tilespmem:s10+$0xFFFFFFC0];
	[tilespmem:s1+$0xD0] =	vst v4;
	v3 =	vmax.f32 v3, $0.0e+00  }
0x4d7: {  	v15 =	vunpack.i.u.bf16.f32 v12;
	v4 =	vunpack.i.l.bf16.f32 v12;
	v12 =	vld [tilespmem:s4+$0x60];
	[tilespmem:s11+$0xFFFFFF60] =	vst v3  }
0x4d8: {  	v3 =	vadd.f32 v5, v4;
	v5 =	vld [tilespmem:s10+$0x60]  }
0x4d9: {  	v9 =	vadd.f32 v14, v9;
	v4 =	vld [tilespmem:s0+$0x60]  }
0x4da: {  	v10 =	vunpack.i.u.bf16.f32 v10;
	v3 =	vmax.f32 v3, $0.0e+00;
	v14 =	vld [tilespmem:s15+$0xFFFFFFE0]  }
0x4db: {  	[tilespmem:s19+$0xFFFFFF20] =	vst v3;
	v3 =	vadd.f32 v9, v10;
	v6 =	vadd.f32 v7, v6;
	v7 =	vld [tilespmem:s2+$0xFFFFFFE0]  }
0x4dc: {  	v9 =	vld [tilespmem:s8+$0xFFFFFFA0]  }
0x4dd: {  	v10 =	vld [tilespmem:s26+$0xFFFFFFA0];
	v3 =	vmax.f32 v3, $0.0e+00;
	v6 =	vadd.f32 v6, v8;
	v5 =	vadd.f32 v5, v12  }
0x4de: {  	[tilespmem:s19+$0xA0] =	vst v3;
	v3 =	vunpack.i.l.bf16.f32 v4;
	v8 =	vld [tilespmem:s12+$0xFFFFFFF0];
	s12 =	smov.u32 s2;
	s2 =	smov.u32 s10;
	s10 =	smov.u32 s26  }
0x4df: {  	v12 =	vld [tilespmem:s8+$0x30];
	v6 =	vmax.f32 v6, $0.0e+00;
	v3 =	vadd.f32 v5, v3  }
0x4e0: {  	v16 =	vld [tilespmem:s26+$0x30];
	[tilespmem:s1+$0xFFFFFFC0] =	vst v6;
	v5 =	vadd.f32 v7, v14  }
0x4e1: {  	v7 =	vld [tilespmem:s28+$0x30];
	v3 =	vmax.f32 v3, $0.0e+00  }
.Ltmp4:
0x4e2: {  	v9 =	vadd.f32 v10, v9;
	v6 =	vld [tilespmem:s4+$0xFFFFFF50];
	[tilespmem:s1+$0x60] =	vst v3;
	v10 =	vadd.f32 v5, v11;
	(pc) =	sbr.rel @p1 .LBB2_7-.Ltmp4, $4  }
0x4e3: {  	v3 =	vld [tilespmem:s4+$0xE0];
	v8 =	vadd.f32 v8, v13  }
0x4e4: {  	v11 =	vadd.f32 v9, v15;
	v5 =	vld [tilespmem:s2+$0xE0];
	v13 =	vmax.f32 v10, $0.0e+00  }
0x4e5: {  	v10 =	vadd.f32 v16, v12;
	v9 =	vld [tilespmem:s2+$0xFFFFFF50];
	[tilespmem:s11+$0xFFFFFFE0] =	vst v13;
	v2 =	vadd.f32 v8, v2  }
0x4e6: {  	s8 =	sadd.s32 $0x200, s8;
	v12 =	vmax.f32 v11, $0.0e+00;
	v11 =	vunpack.i.l.bf16.f32 v7;
	v8 =	vld [tilespmem:s0+$0xFFFFFFD0]  }
0x4e7: {  	[tilespmem:s19+$0xFFFFFFA0] =	vst v12  }
0x4e8: {  	v12 =	vld [tilespmem:s17+$0xFFFFFF30]  }
0x4e9: {  	v13 =	vld [tilespmem:s10+$0xFFFFFF30]  }
0x4ea: {  	v31 =	vld [tilespmem:s20+$0xFFFFFFB0];
	_ =	sdelay $0x1  }
0x4eb: {  	v10 =	vadd.f32 v10, v11;
	_ =	sdelay $0x1  }
0x4ec: {  	v10 =	vmax.f32 v10, $0.0e+00;
	v12 =	vadd.f32 v13, v12  }
0x4ed: {  	[tilespmem:s19+$0x30] =	vst v10;
	v14 =	vunpack.i.l.bf16.f32 v31  }
0x4ee: {  	v10 =	vld [tilespmem:s17+$0xB0];
	v12 =	vadd.f32 v12, v14  }
0x4ef: {  	v32 =	vld [tilespmem:s10+$0xB0]  }
0x4f0: {  	v12 =	vmax.f32 v12, $0.0e+00  }
0x4f1: {  	[tilespmem:s19+$0xFFFFFF30] =	vst v12  }
0x4f2: {  	v12 =	vld [tilespmem:s17+$0xFFFFFFB0]  }
0x4f3: {  	v33 =	vld [tilespmem:s10+$0xFFFFFFB0]  }
0x4f4: {  	v10 =	vadd.f32 v32, v10  }
0x4f5: {  	v7 =	vunpack.i.u.bf16.f32 v7  }
0x4f6: {  	v7 =	vadd.f32 v10, v7;
	_ =	sdelay $0x1  }
0x4f7: {  	v7 =	vmax.f32 v7, $0.0e+00;
	v34 =	vadd.f32 v33, v12  }
0x4f8: {  	v11 =	vunpack.i.u.bf16.f32 v31;
	[tilespmem:s19+$0xB0] =	vst v7  }
0x4f9: {  	v7 =	vld [tilespmem:s17+$0x40];
	v10 =	vadd.f32 v34, v11  }
0x4fa: {  	v35 =	vld [tilespmem:s10+$0x40]  }
0x4fb: {  	v36 =	vld [tilespmem:s20+$0x40];
	v10 =	vmax.f32 v10, $0.0e+00  }
0x4fc: {  	[tilespmem:s19+$0xFFFFFFB0] =	vst v10  }
0x4fd: {  	v10 =	vld [tilespmem:s17+$0xFFFFFF40]  }
0x4fe: {  	v38 =	vld [tilespmem:s10+$0xFFFFFF40]  }
0x4ff: {  	v7 =	vadd.f32 v35, v7;
	v39 =	vld [tilespmem:s20+$0xFFFFFFC0]  }
0x500: {  	v37 =	vunpack.i.l.bf16.f32 v36  }
0x501: {  	v7 =	vadd.f32 v7, v37;
	_ =	sdelay $0x1  }
0x502: {  	v7 =	vmax.f32 v7, $0.0e+00;
	v10 =	vadd.f32 v38, v10  }
0x503: {  	[tilespmem:s19+$0x40] =	vst v7;
	v41 =	vunpack.i.l.bf16.f32 v39  }
0x504: {  	v7 =	vld [tilespmem:s17+$0xC0];
	v10 =	vadd.f32 v10, v41  }
0x505: {  	v40 =	vld [tilespmem:s10+$0xC0]  }
0x506: {  	v10 =	vmax.f32 v10, $0.0e+00  }
0x507: {  	[tilespmem:s19+$0xFFFFFF40] =	vst v10  }
0x508: {  	v10 =	vld [tilespmem:s17+$0xFFFFFFC0]  }
0x509: {  	v43 =	vld [tilespmem:s10+$0xFFFFFFC0]  }
0x50a: {  	v7 =	vadd.f32 v40, v7  }
0x50b: {  	v42 =	vunpack.i.u.bf16.f32 v36  }
0x50c: {  	v7 =	vadd.f32 v7, v42;
	_ =	sdelay $0x1  }
0x50d: {  	v7 =	vmax.f32 v7, $0.0e+00;
	v10 =	vadd.f32 v43, v10  }
0x50e: {  	v11 =	vunpack.i.u.bf16.f32 v39;
	[tilespmem:s19+$0xC0] =	vst v7  }
0x50f: {  	v7 =	vld [tilespmem:s17+$0x50];
	v10 =	vadd.f32 v10, v11  }
0x510: {  	v44 =	vld [tilespmem:s10+$0x50]  }
0x511: {  	v45 =	vld [tilespmem:s20+$0x50];
	v10 =	vmax.f32 v10, $0.0e+00  }
0x512: {  	v6 =	vadd.f32 v9, v6;
	[tilespmem:s19+$0xFFFFFFC0] =	vst v10  }
0x513: {  	v49 =	vunpack.i.l.bf16.f32 v8;
	v10 =	vld [tilespmem:s17+$0xFFFFFF50]  }
0x514: {  	v6 =	vadd.f32 v6, v49;
	v47 =	vld [tilespmem:s10+$0xFFFFFF50]  }
0x515: {  	v7 =	vadd.f32 v44, v7;
	v48 =	vld [tilespmem:s20+$0xFFFFFFD0]  }
0x516: {  	v6 =	vmax.f32 v6, $0.0e+00;
	v46 =	vunpack.i.l.bf16.f32 v45  }
0x517: {  	[tilespmem:s1+$0xFFFFFF50] =	vst v6;
	v7 =	vadd.f32 v7, v46  }
0x518: {  	v54 =	vld [tilespmem:s4+$0xFFFFFFD0]  }
0x519: {  	v55 =	vld [tilespmem:s2+$0xFFFFFFD0];
	v7 =	vmax.f32 v7, $0.0e+00;
	v50 =	vadd.f32 v47, v10  }
0x51a: {  	[tilespmem:s19+$0x50] =	vst v7;
	v52 =	vunpack.i.l.bf16.f32 v48  }
0x51b: {  	v7 =	vld [tilespmem:s17+$0xD0];
	v53 =	vadd.f32 v50, v52  }
0x51c: {  	v51 =	vld [tilespmem:s10+$0xD0]  }
0x51d: {  	v6 =	vmax.f32 v53, $0.0e+00  }
0x51e: {  	v9 =	vadd.f32 v55, v54;
	[tilespmem:s19+$0xFFFFFF50] =	vst v6  }
0x51f: {  	v60 =	vunpack.i.u.bf16.f32 v8;
	v57 =	vld [tilespmem:s17+$0xFFFFFFD0]  }
0x520: {  	v8 =	vadd.f32 v9, v60;
	v59 =	vld [tilespmem:s10+$0xFFFFFFD0]  }
0x521: {  	v56 =	vadd.f32 v51, v7  }
0x522: {  	v8 =	vmax.f32 v8, $0.0e+00;
	v58 =	vunpack.i.u.bf16.f32 v45  }
0x523: {  	[tilespmem:s1+$0xFFFFFFD0] =	vst v8;
	v6 =	vadd.f32 v56, v58  }
0x524: {  	v16 =	vld [tilespmem:s4+$0xFFFFFF60]  }
0x525: {  	v17 =	vld [tilespmem:s2+$0xFFFFFF60];
	v6 =	vmax.f32 v6, $0.0e+00;
	v7 =	vadd.f32 v59, v57  }
0x526: {  	v18 =	vld [tilespmem:s0+$0xFFFFFFE0];
	v62 =	vunpack.i.u.bf16.f32 v48;
	[tilespmem:s19+$0xD0] =	vst v6  }
0x527: {  	v6 =	vld [tilespmem:s17+$0x60];
	v7 =	vadd.f32 v7, v62  }
0x528: {  	v61 =	vld [tilespmem:s10+$0x60]  }
0x529: {  	v3 =	vadd.f32 v5, v3;
	v63 =	vld [tilespmem:s20+$0x60];
	v7 =	vmax.f32 v7, $0.0e+00  }
0x52a: {  	v4 =	vunpack.i.u.bf16.f32 v4;
	v23 =	vadd.f32 v17, v16;
	[tilespmem:s19+$0xFFFFFFD0] =	vst v7  }
0x52b: {  	v3 =	vadd.f32 v3, v4;
	v24 =	vunpack.i.l.bf16.f32 v18;
	v7 =	vld [tilespmem:s17+$0xFFFFFF60]  }
0x52c: {  	v4 =	vadd.f32 v23, v24;
	v20 =	vld [tilespmem:s10+$0xFFFFFF60]  }
0x52d: {  	v3 =	vmax.f32 v3, $0.0e+00;
	v6 =	vadd.f32 v61, v6;
	v22 =	vld [tilespmem:s20+$0xFFFFFFE0]  }
0x52e: {  	[tilespmem:s1+$0xE0] =	vst v3;
	v3 =	vmax.f32 v4, $0.0e+00;
	v19 =	vunpack.i.l.bf16.f32 v63  }
0x52f: {  	[tilespmem:s1+$0xFFFFFF60] =	vst v3;
	v21 =	vadd.f32 v6, v19  }
0x530: {  	v28 =	vld [tilespmem:s4+$0xFFFFFFE0]  }
0x531: {  	v29 =	vld [tilespmem:s2+$0xFFFFFFE0];
	v5 =	vmax.f32 v21, $0.0e+00;
	v7 =	vadd.f32 v20, v7  }
0x532: {  	v27 =	vld [tilespmem:s4+$0x70];
	[tilespmem:s19+$0x60] =	vst v5;
	v26 =	vunpack.i.l.bf16.f32 v22  }
0x533: {  	v5 =	vld [tilespmem:s17+$0xE0];
	v3 =	vadd.f32 v7, v26  }
0x534: {  	v25 =	vld [tilespmem:s10+$0xE0]  }
0x535: {  	v30 =	vld [tilespmem:s2+$0x70];
	v3 =	vmax.f32 v3, $0.0e+00  }
0x536: {  	v34 =	vld [tilespmem:s0+$0x70];
	v7 =	vadd.f32 v29, v28;
	[tilespmem:s19+$0xFFFFFF60] =	vst v3  }
0x537: {  	v12 =	vunpack.i.u.bf16.f32 v18;
	v31 =	vld [tilespmem:s17+$0xFFFFFFE0]  }
0x538: {  	v7 =	vadd.f32 v7, v12;
	v33 =	vld [tilespmem:s10+$0xFFFFFFE0]  }
0x539: {  	v35 =	vld [tilespmem:s15+$0xFFFFFF70];
	v3 =	vadd.f32 v25, v5  }
0x53a: {  	v36 =	vld [tilespmem:s12+$0xFFFFFF70];
	v32 =	vunpack.i.u.bf16.f32 v63;
	v7 =	vmax.f32 v7, $0.0e+00  }
0x53b: {  	v37 =	vld [tilespmem:s3+$0xFFFFFFF0];
	v3 =	vadd.f32 v3, v32;
	[tilespmem:s1+$0xFFFFFFE0] =	vst v7  }
0x53c: {  	v40 =	vld [tilespmem:s4+$0xFFFFFF70]  }
0x53d: {  	v41 =	vld [tilespmem:s2+$0xFFFFFF70];
	v3 =	vmax.f32 v3, $0.0e+00;
	v4 =	vadd.f32 v33, v31  }
0x53e: {  	v6 =	vunpack.i.u.bf16.f32 v22;
	v15 =	vld [tilespmem:s0+$0xFFFFFFF0];
	[tilespmem:s19+$0xE0] =	vst v3  }
0x53f: {  	v3 =	vld [tilespmem:s17+$0x70];
	v4 =	vadd.f32 v4, v6  }
0x540: {  	v5 =	vadd.f32 v36, v35;
	v38 =	vld [tilespmem:s10+$0x70]  }
0x541: {  	v45 =	vunpack.i.l.bf16.f32 v37;
	v10 =	vadd.f32 v30, v27;
	v39 =	vld [tilespmem:s20+$0x70];
	v4 =	vmax.f32 v4, $0.0e+00  }
0x542: {  	v42 =	vunpack.i.l.bf16.f32 v34;
	v5 =	vadd.f32 v5, v45;
	[tilespmem:s19+$0xFFFFFFE0] =	vst v4  }
0x543: {  	v43 =	vadd.f32 v10, v42;
	v44 =	vld [tilespmem:s17+$0xFFFFFF70]  }
0x544: {  	v5 =	vmax.f32 v5, $0.0e+00;
	v50 =	vadd.f32 v41, v40;
	v46 =	vld [tilespmem:s10+$0xFFFFFF70]  }
0x545: {  	[tilespmem:s11+$0xFFFFFF70] =	vst v5;
	v52 =	vunpack.i.l.bf16.f32 v15;
	v4 =	vmax.f32 v43, $0.0e+00;
	v3 =	vadd.f32 v38, v3;
	v47 =	vld [tilespmem:s20+$0xFFFFFFF0]  }
0x546: {  	v48 =	vunpack.i.l.bf16.f32 v39;
	[tilespmem:s1+$0x70] =	vst v4;
	v4 =	vadd.f32 v50, v52  }
0x547: {  	v53 =	vld [tilespmem:s15+$0xFFFFFFF0];
	v3 =	vadd.f32 v3, v48  }
0x548: {  	v55 =	vld [tilespmem:s12+$0xFFFFFFF0];
	v4 =	vmax.f32 v4, $0.0e+00  }
0x549: {  	v49 =	vld [tilespmem:s4+$0xF0];
	v3 =	vmax.f32 v3, $0.0e+00;
	[tilespmem:s1+$0xFFFFFF70] =	vst v4;
	v54 =	vadd.f32 v46, v44  }
0x54a: {  	v51 =	vld [tilespmem:s2+$0xF0];
	[tilespmem:s19+$0x70] =	vst v3;
	v3 =	vunpack.i.l.bf16.f32 v47  }
0x54b: {  	v4 =	vld [tilespmem:s4+$0xFFFFFFF0];
	v3 =	vadd.f32 v54, v3  }
0x54c: {  	v16 =	vld [tilespmem:s2+$0xFFFFFFF0]  }
0x54d: {  	v56 =	vld [tilespmem:s17+$0xF0];
	v3 =	vmax.f32 v3, $0.0e+00  }
0x54e: {  	v57 =	vld [tilespmem:s10+$0xF0];
	[tilespmem:s19+$0xFFFFFF70] =	vst v3  }
0x54f: {  	v3 =	vld [tilespmem:s17+$0xFFFFFFF0]  }
0x550: {  	v58 =	vld [tilespmem:s10+$0xFFFFFFF0]  }
0x551: {  	v2 =	vmax.f32 v2, $0.0e+00;
	v9 =	vadd.f32 v55, v53  }
0x552: {  	v60 =	vunpack.i.u.bf16.f32 v37;
	v59 =	vunpack.i.u.bf16.f32 v34;
	v6 =	vadd.f32 v51, v49  }
0x553: {  	v61 =	vunpack.i.u.bf16.f32 v15;
	v9 =	vadd.f32 v9, v60;
	v5 =	vadd.f32 v57, v56  }
0x554: {  	v7 =	vunpack.i.u.bf16.f32 v39;
	v6 =	vadd.f32 v6, v59;
	v4 =	vadd.f32 v16, v4  }
0x555: {  	[tilespmem:s24+$0xFFFFFFF0] =	vst v2;
	v62 =	vmax.f32 v9, $0.0e+00;
	v2 =	vadd.f32 v5, v7;
	v3 =	vadd.f32 v58, v3  }
0x556: {  	[tilespmem:s11+$0xFFFFFFF0] =	vst v62;
	v63 =	vunpack.i.u.bf16.f32 v47;
	v6 =	vmax.f32 v6, $0.0e+00;
	v4 =	vadd.f32 v4, v61  }
0x557: {  	[tilespmem:s1+$0xF0] =	vst v6;
	v2 =	vmax.f32 v2, $0.0e+00;
	v3 =	vadd.f32 v3, v63  }
0x558: {  	[tilespmem:s19+$0xF0] =	vst v2;
	v2 =	vmax.f32 v4, $0.0e+00  }
0x559: {  	[tilespmem:s1+$0xFFFFFFF0] =	vst v2;
	v2 =	vmax.f32 v3, $0.0e+00  }
0x55a: {  	s20 =	simm.s32 $0x8;
	[tilespmem:s19+$0xFFFFFFF0] =	vst v2  }
0x55b: {  	_ =	swait.ge [sflag:s20], $0x28  }
0x55c: {  	[sflag:s20] =	ssyncset.done $0x0  }
.Ltmp5:
0x55d: {  	[sflag:s20] =	ssyncadd.s32 $0xFFFFFFD8;
	(pc) =	sbr.rel @p0 .LBB2_10-.Ltmp5, $4  }
0x55e: {  	s25 =	simm.s32 $0x78A0;
	s24 =	simm.s32 $0x8CC8;
	s0 =	rddreg [dreg:$0x2]  }
0x55f: {  	[spmem:s0] =	stream.indirect.scatter.add.f32 [tilespmem:s25], [sflag:$0x7], $0x80, s24, s16, $0xb8;
	[tilespmem:$0x1F9F0] =	vst v63  }
0x560: {  	s28 =	simm.s32 $0x8CF0;
	s26 =	rddreg [dreg:$0x3]  }
0x561: {  	[spmem:s26] =	stream.indirect.scatter.add.f32 [tilespmem:s28], [sflag:$0x7], $0x10, s24, s16, $0xb8;
	[tilespmem:$0x1F9F0] =	vst v63  }
0x562: {  	s0 =	sld [smem:$0x7FD];
	_ =	sdelay $0x2  }
0x563: {  	s0 =	sadd.s32 s23, s0  }
.Ltmp6:
0x564: {  	s1 =	rddreg [dreg:$0x6];
	s0 =	sshrl.u32 s0, $0x3;
	(pc) =	sbr.rel .LBB2_4-.Ltmp6, $4  }
0x565: {  	s15 =	simm.s32 $0x0;
	s4 =	simm.s32 $0x4650;
	s1 =	sadd.s32 s1, s0  }
0x566: {  	[tilespmem:s4], [sflag:$0x4] =	stream.linear.gather [hbm4b:s1+s15], $0x28, $0x38;
	[tilespmem:$0x1F9F0] =	vst v63  }
0x567: {  	s5 =	simm.s32 $0x4678;
	s13 =	sadd.s32 $0x1, s13;
	s0 =	sadd.s32 s9, s0  }
0x568: {  	[tilespmem:s5], [sflag:$0x4] =	stream.linear.gather [hbm4b:s0+s15], $0x28, $0x38;
	[tilespmem:$0x1F9F0] =	vst v63  }
.LBB2_11:
0x569: {  	_ =	sfence.sel $0x180000  }
0x56a: {  	[bflag:$0x0] =	sbarrier.arrive $0xFFFF  }
0x56b: {  	_ =	strace $0x90000047  }
0x56c: {  	s0 =	stileid.u32;
	[bflag:$0x2] =	sbarrier.arrive $0xFFFF  }
0x56d: {  	p0 =	sne.s32 s0, $0x0;
	s0 =	rddreg [dreg:$0x4]  }
0x56e: {  	s0 =	sadd.s32 @!p0 $0x100000, s0  }
0x56f: {  	[sflag:s0] =	ssyncadd.tile.s32 @!p0 $0x1;
	_ =	shalt  }
.Lfunc_end2:
_tile_overlayer_lowered:
.L_overlay_start_2:
0x570: {  	(tag) =	ssettag $0x2  }
0x571: {  	s0 =	rddreg [dreg:$0x0];
	s2 =	stileid.u32  }
0x572: {  	s1 =	rddreg [dreg:$0x1];
	p0 =	sne.s32 s2, $0x0  }
0x573: {  	s3 =	rddreg [dreg:$0x2];
	[bflag:$0x3] =	sbarrier.arrive $0xFFFF;
	s2 =	simm.s32 @!p0 $0x1C09  }
0x574: {  	[timem:s3], [sflag:s2] =	dma.local @!p0 [hbm:s0], s1  }
0x575: {  	s0 =	simm.s32 @!p0 $0x9  }
0x576: {  	_ =	swait.ge @!p0 [sflag:s0], s1  }
0x577: {  	s1 =	ssub.s32 @!p0 $0x0, s1;
	[sflag:s0] =	ssyncset.done @!p0 $0x0  }
0x578: {  	[sflag:s0] =	ssyncadd.s32 @!p0 s1  }
0x579: {  	[bflag:$0x3] =	sbarrier.arrive $0xFFFF  }
0x57a: {  	_ =	shalt  }

</sc_bundles>
